<compile_context>
chip_gen: v7x
topology: tpu7x:2x2x1
jax: 0.10.2.dev20260603
libtpu: 0.0.44.dev20260713+nightly
codegen_flags: <defaults>
</compile_context>

<pallas_src>
import dataclasses
import functools

import jax
import jax.numpy as jnp
from jax import lax
from jax.experimental import pallas as pl
from jax.experimental.pallas import tpu as pltpu
from jax.experimental.pallas import tpu_sc as plsc

IN_F = 4096
OUT_F = 4096
RANK = 64
TOPK = 8
SCALE = 2.0

NCORES = 2
NSUB = 16
NTILES = NCORES * NSUB
LANES = 16

BT = 256
NCHUNK = 1


def _mm1_body(x_ref, at_ref, y_ref):
    y_ref[...] = jnp.dot(x_ref[...].astype(jnp.bfloat16),
                         at_ref[...].astype(jnp.bfloat16),
                         preferred_element_type=jnp.float32)


def _mm2_body(my_ref, bt_ref, o_ref):
    o_ref[...] = jnp.dot(my_ref[...].astype(jnp.bfloat16),
                         bt_ref[...].astype(jnp.bfloat16),
                         preferred_element_type=jnp.float32) * SCALE


def _make_sc_mask(n_tok):
    T = n_tok // NTILES
    G = T // LANES
    mesh = plsc.VectorSubcoreMesh(core_axis_name="c", subcore_axis_name="s")
    cp = pltpu.CompilerParams()
    if "needs_layout_passes" in pltpu.CompilerParams.__dataclass_fields__:
        cp = dataclasses.replace(cp, needs_layout_passes=False)

    @functools.partial(
        pl.kernel,
        mesh=mesh,
        compiler_params=cp,
        out_type=jax.ShapeDtypeStruct((n_tok, RANK), jnp.float32),
        scratch_types=[
            pltpu.VMEM((T, RANK), jnp.float32),
            pltpu.VMEM((RANK * T,), jnp.float32),
            pltpu.VMEM((RANK, LANES), jnp.float32),
            pltpu.SemaphoreType.DMA,
        ],
    )
    def sc_mask(y_hbm, d_hbm, o_hbm, y_v, a_t, d_v, sem):
        wid = lax.axis_index("s") * NCORES + lax.axis_index("c")
        base = wid * T
        pltpu.async_copy(y_hbm.at[pl.ds(base, T)], y_v, sem).wait()
        pltpu.async_copy(d_hbm, d_v, sem).wait()
        iota = lax.broadcasted_iota(jnp.int32, (LANES,), 0)
        neg1 = jnp.full((LANES,), -1.0, jnp.float32)

        @pl.loop(0, G)
        def _group(g):
            row0 = g * LANES
            rows = iota + row0

            mbs, abs_ = [], []
            for b in range(8):
                mb = None
                ab = None
                for j in range(8):
                    r = 8 * b + j
                    cols = jnp.full((LANES,), r, jnp.int32)
                    v = plsc.load_gather(y_v, [rows, cols])
                    a = jnp.abs(v + d_v[r, :])
                    a_t[pl.ds(r * T + row0, LANES)] = a
                    if mb is None:
                        mb, ab = a, jnp.full((LANES,), r, jnp.int32)
                    else:
                        gt = a > mb
                        mb = jnp.where(gt, a, mb)
                        ab = jnp.where(gt, jnp.full((LANES,), r, jnp.int32), ab)
                mbs.append(mb)
                abs_.append(ab)

            for it in range(TOPK):
                m, argm = mbs[0], abs_[0]
                for b in range(1, 8):
                    gt = mbs[b] > m
                    m = jnp.where(gt, mbs[b], m)
                    argm = jnp.where(gt, abs_[b], argm)
                pos = argm * T + rows
                plsc.store_scatter(a_t, [pos], neg1)
                if it == TOPK - 1:
                    break
                blk0 = argm & ~7
                bbase = blk0 * T + rows
                nb = plsc.load_gather(a_t, [bbase])
                nab = blk0
                for j in range(1, 8):
                    v = plsc.load_gather(a_t, [bbase + (j * T)])
                    gt = v > nb
                    nb = jnp.where(gt, v, nb)
                    nab = jnp.where(gt, blk0 + j, nab)
                for b in range(8):
                    upd = blk0 == (8 * b)
                    mbs[b] = jnp.where(upd, nb, mbs[b])
                    abs_[b] = jnp.where(upd, nab, abs_[b])

            for r in range(RANK):
                cols = jnp.full((LANES,), r, jnp.int32)
                keep = a_t[pl.ds(r * T + row0, LANES)] == -1.0
                v = plsc.load_gather(y_v, [rows, cols])
                plsc.store_scatter(y_v, [rows, cols],
                                   jnp.where(keep, v, 0.0))

        pltpu.sync_copy(y_v, o_hbm.at[pl.ds(base, T)])

    return sc_mask


def kernel(x, A, d, B):
    orig_shape = x.shape
    xt = x.reshape(-1, IN_F)
    n_tok = xt.shape[0]
    nt = n_tok // NCHUNK

    at = A.T
    bt = B.T
    d_splat = jnp.broadcast_to(d.reshape(RANK, 1), (RANK, LANES))

    sc_mask = _make_sc_mask(nt)

    masked = []
    for c in range(NCHUNK):
        y_c = pl.pallas_call(
            _mm1_body,
            grid=(nt // BT,),
            in_specs=[
                pl.BlockSpec((BT, IN_F), lambda i, c=c: (c * (nt // BT) + i, 0)),
                pl.BlockSpec((IN_F, RANK), lambda i: (0, 0)),
            ],
            out_specs=pl.BlockSpec((BT, RANK), lambda i: (i, 0)),
            out_shape=jax.ShapeDtypeStruct((nt, RANK), jnp.float32),
            compiler_params=pltpu.CompilerParams(
                dimension_semantics=("parallel",)),
        )(xt, at)
        masked.append(sc_mask(y_c, d_splat))

    my_full = jnp.concatenate(masked, axis=0) if NCHUNK > 1 else masked[0]

    out = pl.pallas_call(
        _mm2_body,
        grid=(n_tok // BT,),
        in_specs=[
            pl.BlockSpec((BT, RANK), lambda i: (i, 0)),
            pl.BlockSpec((RANK, OUT_F), lambda i: (0, 0)),
        ],
        out_specs=pl.BlockSpec((BT, OUT_F), lambda i: (i, 0)),
        out_shape=jax.ShapeDtypeStruct((n_tok, OUT_F), jnp.float32),
        compiler_params=pltpu.CompilerParams(
            dimension_semantics=("parallel",)),
    )(my_full, bt)

    return out.reshape(orig_shape[:-1] + (OUT_F,))

# --- scband reference (transcript-rebuilt; emitter-appended) ---
"""Pipeline reference for scband-fly-lo-ralinear-2379411882426 (READ-ONLY COPY).

The authoritative reference and input builder live on the scoring server;
editing this copy changes nothing except your own understanding.
"""

import jax, jax.numpy as jnp
import numpy as np

IN_FEATURES = 4096
OUT_FEATURES = 4096
R = 64
K = 8
ALPHA = 2.0 * R


def setup_inputs(seed: int = 0) -> dict:
    key = jax.random.key(seed)
    kx, kB = jax.random.split(key)
    x = jax.random.normal(kx, (4, 2048, IN_FEATURES), dtype=jnp.float32)
    # Frozen sparse random projection A: each row has p nonzeros, values ~ N(0,1)/r
    rng = np.random.RandomState(0)
    p = max(1, int(IN_FEATURES * (K / R)))
    A_np = np.zeros((R, IN_FEATURES), dtype=np.float32)
    for i in range(R):
        idx = rng.permutation(IN_FEATURES)[:p]
        A_np[i, idx] = rng.randn(p).astype(np.float32) * (1.0 / R)
    A = jnp.asarray(A_np)
    # B parameter (torch inits to zeros; small randn used for nontrivial numerics)
    B = jax.random.normal(kB, (OUT_FEATURES, R), dtype=jnp.float32) * 0.02
    d = jnp.zeros((R,), dtype=jnp.float32)
    return {"x": x, "A": A, "d": d, "B": B}


def reference(x, A, d, B):
    # 1. project through frozen sparse A: y = x @ A^T
    y = jnp.einsum('...i,ri->...r', x, A)
    # 2. add expert bias for routing
    y_biased = y + d
    # 3. top-k experts by |y'|
    _, selected = jax.lax.top_k(jnp.abs(y_biased), K)
    # scatter 1.0 at selected expert slots
    mask = jax.nn.one_hot(selected, R, dtype=y.dtype).sum(axis=-2)
    # 4. compute output using only activated experts in B
    activated_y = y * mask
    output = jnp.einsum('...r,or->...o', activated_y, B) * (ALPHA / R)
    return output

if __name__ == "__main__":
    import jax
    _d = setup_inputs()
    print(jax.jit(kernel)(*tuple(_d.values())))

</pallas_src>

<mosaic_0001>
#map = affine_map<(d0, d1) -> (0, 0)>
module attributes {stable_mosaic.version = 14 : i64} {
  func.func @sc_mask(%arg0: i32, %arg1: i32, %arg2: memref<8192x64xf32, #tpu.memory_space<hbm>>, %arg3: memref<64x16xf32, #tpu.memory_space<hbm>>, %arg4: memref<8192x64xf32, #tpu.memory_space<hbm>>, %arg5: memref<256x64xf32, #tpu.memory_space<vmem>>, %arg6: memref<16384xf32, #tpu.memory_space<vmem>>, %arg7: memref<64x16xf32, #tpu.memory_space<vmem>>, %arg8: memref<!tpu.dma_semaphore, #tpu.memory_space<semaphore_mem>>) attributes {dimension_semantics = [#tpu.dimension_semantics<core_parallel>, #tpu.dimension_semantics<subcore_parallel>], iteration_bounds = array<i64: 2, 16>, scalar_prefetch = 0 : i64, scratch_operands = 4 : i64, tpu.core_type = #tpu.core_type<sc_vector_subcore>, window_params = [{transform_indices = #map}, {transform_indices = #map}, {transform_indices = #map}]} {
    %mul3A = arith.constant 2 : i32
    %mul3A_0 = arith.muli %arg1, %mul3A : i32
    %add3A = arith.addi %mul3A_0, %arg0 : i32
    %mul3A_1 = arith.constant 256 : i32
    %mul3A_2 = arith.muli %add3A, %mul3A_1 : i32
    %dma_start3A = arith.constant 0 : i32
    %dma_start3A_3 = tpu.memref_slice %arg2[%mul3A_2, %dma_start3A] : memref<8192x64xf32, #tpu.memory_space<hbm>> -> memref<256x64xf32, #tpu.memory_space<hbm>>
    %dma_start3A_4 = arith.constant 0 : i32
    %dma_start3A_5 = tpu.memref_slice %arg2[%mul3A_2, %dma_start3A_4] : memref<8192x64xf32, #tpu.memory_space<hbm>> -> memref<256x64xf32, #tpu.memory_space<hbm>>
    tpu.enqueue_dma source(%dma_start3A_5 : memref<256x64xf32, #tpu.memory_space<hbm>>) target(%arg5 : memref<256x64xf32, #tpu.memory_space<vmem>>) target_semaphore(%arg8 : memref<!tpu.dma_semaphore, #tpu.memory_space<semaphore_mem>>)
    %dma_wait3A = arith.constant 0 : i32
    %dma_wait3A_6 = tpu.memref_slice %arg2[%mul3A_2, %dma_wait3A] : memref<8192x64xf32, #tpu.memory_space<hbm>> -> memref<256x64xf32, #tpu.memory_space<hbm>>
    %dma_wait3A_7 = arith.constant 0 : i32
    %dma_wait3A_8 = tpu.memref_slice %arg2[%mul3A_2, %dma_wait3A_7] : memref<8192x64xf32, #tpu.memory_space<hbm>> -> memref<256x64xf32, #tpu.memory_space<hbm>>
    tpu.wait_dma2 semaphore(%arg8 : memref<!tpu.dma_semaphore, #tpu.memory_space<semaphore_mem>>) src(%dma_wait3A_8 : memref<256x64xf32, #tpu.memory_space<hbm>>) dst(%arg5 : memref<256x64xf32, #tpu.memory_space<vmem>>)
    tpu.enqueue_dma source(%arg3 : memref<64x16xf32, #tpu.memory_space<hbm>>) target(%arg7 : memref<64x16xf32, #tpu.memory_space<vmem>>) target_semaphore(%arg8 : memref<!tpu.dma_semaphore, #tpu.memory_space<semaphore_mem>>)
    tpu.wait_dma2 semaphore(%arg8 : memref<!tpu.dma_semaphore, #tpu.memory_space<semaphore_mem>>) src(%arg3 : memref<64x16xf32, #tpu.memory_space<hbm>>) dst(%arg7 : memref<64x16xf32, #tpu.memory_space<vmem>>)
    %iota3A = tpu.iota {dimensions = array<i32: 0>} : vector<16xi32>
    %broadcast_in_dim3A = arith.constant -1.000000e+00 : f32
    %broadcast_in_dim3A_9 = vector.broadcast %broadcast_in_dim3A : f32 to vector<16xf32>
    %scan3A = arith.constant 0 : i32
    %scan3A_10 = arith.constant 16 : i32
    %scan3A_11 = arith.addi %scan3A, %scan3A_10 : i32
    %scan3A_12 = arith.constant 1 : i32
    scf.for %scan3A_14 = %scan3A to %scan3A_11 step %scan3A_12  : i32 {
      %mul3A_15 = arith.constant 1 : i32
      %mul3A_16 = arith.muli %scan3A_14, %mul3A_15 : i32
      %add3A_17 = arith.constant 0 : i32
      %add3A_18 = arith.addi %add3A_17, %mul3A_16 : i32
      %mul3A_19 = arith.constant 16 : i32
      %mul3A_20 = arith.muli %add3A_18, %mul3A_19 : i32
      %add3A_21 = vector.broadcast %mul3A_20 : i32 to vector<16xi32>
      %add3A_22 = arith.addi %iota3A, %add3A_21 : vector<16xi32>
      %broadcast_in_dim3A_23 = arith.constant 0 : i32
      %broadcast_in_dim3A_24 = vector.broadcast %broadcast_in_dim3A_23 : i32 to vector<16xi32>
      %gather3A = tpu.vector_load_idx %arg5[%add3A_22, %broadcast_in_dim3A_24] : memref<256x64xf32, #tpu.memory_space<vmem>>[vector<16xi32>, vector<16xi32>], vector<16xf32>,
      %get3A = arith.constant 0 : i32
      %get3A_25 = arith.index_cast %get3A : i32 to index
      %get3A_26 = arith.constant 0 : index
      %get3A_27 = tpu.vector_load %arg7[%get3A_25, %get3A_26] {strides = array<i32>} : memref<64x16xf32, #tpu.memory_space<vmem>>, vector<16xf32>,
      %add3A_28 = arith.addf %gather3A, %get3A_27 : vector<16xf32>
      %abs3A = math.absf %add3A_28 : vector<16xf32>
      %add3A_29 = arith.constant 0 : i32
      %add3A_30 = arith.addi %add3A_29, %mul3A_20 : i32
      %swap3A = arith.index_cast %add3A_30 : i32 to index
      %swap3A_31 = tpu.vector_load %arg6[%swap3A] {strides = array<i32>} : memref<16384xf32, #tpu.memory_space<vmem>>, vector<16xf32>,
      tpu.vector_store %arg6[%swap3A], %abs3A {strides = array<i32>} : memref<16384xf32, #tpu.memory_space<vmem>>, vector<16xf32>,
      %broadcast_in_dim3A_32 = arith.constant 0 : i32
      %broadcast_in_dim3A_33 = vector.broadcast %broadcast_in_dim3A_32 : i32 to vector<16xi32>
      %broadcast_in_dim3A_34 = arith.constant 1 : i32
      %broadcast_in_dim3A_35 = vector.broadcast %broadcast_in_dim3A_34 : i32 to vector<16xi32>
      %gather3A_36 = tpu.vector_load_idx %arg5[%add3A_22, %broadcast_in_dim3A_35] : memref<256x64xf32, #tpu.memory_space<vmem>>[vector<16xi32>, vector<16xi32>], vector<16xf32>,
      %get3A_37 = arith.constant 1 : i32
      %get3A_38 = arith.index_cast %get3A_37 : i32 to index
      %get3A_39 = arith.constant 0 : index
      %get3A_40 = tpu.vector_load %arg7[%get3A_38, %get3A_39] {strides = array<i32>} : memref<64x16xf32, #tpu.memory_space<vmem>>, vector<16xf32>,
      %add3A_41 = arith.addf %gather3A_36, %get3A_40 : vector<16xf32>
      %abs3A_42 = math.absf %add3A_41 : vector<16xf32>
      %add3A_43 = arith.constant 256 : i32
      %add3A_44 = arith.addi %add3A_43, %mul3A_20 : i32
      %swap3A_45 = arith.index_cast %add3A_44 : i32 to index
      %swap3A_46 = tpu.vector_load %arg6[%swap3A_45] {strides = array<i32>} : memref<16384xf32, #tpu.memory_space<vmem>>, vector<16xf32>,
      tpu.vector_store %arg6[%swap3A_45], %abs3A_42 {strides = array<i32>} : memref<16384xf32, #tpu.memory_space<vmem>>, vector<16xf32>,
      %gt3A = arith.cmpf ogt, %abs3A_42, %abs3A : vector<16xf32>
      %select_n3A = arith.select %gt3A, %abs3A_42, %abs3A : vector<16xi1>, vector<16xf32>
      %broadcast_in_dim3A_47 = arith.constant 1 : i32
      %broadcast_in_dim3A_48 = vector.broadcast %broadcast_in_dim3A_47 : i32 to vector<16xi32>
      %select_n3A_49 = arith.select %gt3A, %broadcast_in_dim3A_48, %broadcast_in_dim3A_33 : vector<16xi1>, vector<16xi32>
      %broadcast_in_dim3A_50 = arith.constant 2 : i32
      %broadcast_in_dim3A_51 = vector.broadcast %broadcast_in_dim3A_50 : i32 to vector<16xi32>
      %gather3A_52 = tpu.vector_load_idx %arg5[%add3A_22, %broadcast_in_dim3A_51] : memref<256x64xf32, #tpu.memory_space<vmem>>[vector<16xi32>, vector<16xi32>], vector<16xf32>,
      %get3A_53 = arith.constant 2 : i32
      %get3A_54 = arith.index_cast %get3A_53 : i32 to index
      %get3A_55 = arith.constant 0 : index
      %get3A_56 = tpu.vector_load %arg7[%get3A_54, %get3A_55] {strides = array<i32>} : memref<64x16xf32, #tpu.memory_space<vmem>>, vector<16xf32>,
      %add3A_57 = arith.addf %gather3A_52, %get3A_56 : vector<16xf32>
      %abs3A_58 = math.absf %add3A_57 : vector<16xf32>
      %add3A_59 = arith.constant 512 : i32
      %add3A_60 = arith.addi %add3A_59, %mul3A_20 : i32
      %swap3A_61 = arith.index_cast %add3A_60 : i32 to index
      %swap3A_62 = tpu.vector_load %arg6[%swap3A_61] {strides = array<i32>} : memref<16384xf32, #tpu.memory_space<vmem>>, vector<16xf32>,
      tpu.vector_store %arg6[%swap3A_61], %abs3A_58 {strides = array<i32>} : memref<16384xf32, #tpu.memory_space<vmem>>, vector<16xf32>,
      %gt3A_63 = arith.cmpf ogt, %abs3A_58, %select_n3A : vector<16xf32>
      %select_n3A_64 = arith.select %gt3A_63, %abs3A_58, %select_n3A : vector<16xi1>, vector<16xf32>
      %broadcast_in_dim3A_65 = arith.constant 2 : i32
      %broadcast_in_dim3A_66 = vector.broadcast %broadcast_in_dim3A_65 : i32 to vector<16xi32>
      %select_n3A_67 = arith.select %gt3A_63, %broadcast_in_dim3A_66, %select_n3A_49 : vector<16xi1>, vector<16xi32>
      %broadcast_in_dim3A_68 = arith.constant 3 : i32
      %broadcast_in_dim3A_69 = vector.broadcast %broadcast_in_dim3A_68 : i32 to vector<16xi32>
      %gather3A_70 = tpu.vector_load_idx %arg5[%add3A_22, %broadcast_in_dim3A_69] : memref<256x64xf32, #tpu.memory_space<vmem>>[vector<16xi32>, vector<16xi32>], vector<16xf32>,
      %get3A_71 = arith.constant 3 : i32
      %get3A_72 = arith.index_cast %get3A_71 : i32 to index
      %get3A_73 = arith.constant 0 : index
      %get3A_74 = tpu.vector_load %arg7[%get3A_72, %get3A_73] {strides = array<i32>} : memref<64x16xf32, #tpu.memory_space<vmem>>, vector<16xf32>,
      %add3A_75 = arith.addf %gather3A_70, %get3A_74 : vector<16xf32>
      %abs3A_76 = math.absf %add3A_75 : vector<16xf32>
      %add3A_77 = arith.constant 768 : i32
      %add3A_78 = arith.addi %add3A_77, %mul3A_20 : i32
      %swap3A_79 = arith.index_cast %add3A_78 : i32 to index
      %swap3A_80 = tpu.vector_load %arg6[%swap3A_79] {strides = array<i32>} : memref<16384xf32, #tpu.memory_space<vmem>>, vector<16xf32>,
      tpu.vector_store %arg6[%swap3A_79], %abs3A_76 {strides = array<i32>} : memref<16384xf32, #tpu.memory_space<vmem>>, vector<16xf32>,
      %gt3A_81 = arith.cmpf ogt, %abs3A_76, %select_n3A_64 : vector<16xf32>
      %select_n3A_82 = arith.select %gt3A_81, %abs3A_76, %select_n3A_64 : vector<16xi1>, vector<16xf32>
      %broadcast_in_dim3A_83 = arith.constant 3 : i32
      %broadcast_in_dim3A_84 = vector.broadcast %broadcast_in_dim3A_83 : i32 to vector<16xi32>
      %select_n3A_85 = arith.select %gt3A_81, %broadcast_in_dim3A_84, %select_n3A_67 : vector<16xi1>, vector<16xi32>
      %broadcast_in_dim3A_86 = arith.constant 4 : i32
      %broadcast_in_dim3A_87 = vector.broadcast %broadcast_in_dim3A_86 : i32 to vector<16xi32>
      %gather3A_88 = tpu.vector_load_idx %arg5[%add3A_22, %broadcast_in_dim3A_87] : memref<256x64xf32, #tpu.memory_space<vmem>>[vector<16xi32>, vector<16xi32>], vector<16xf32>,
      %get3A_89 = arith.constant 4 : i32
      %get3A_90 = arith.index_cast %get3A_89 : i32 to index
      %get3A_91 = arith.constant 0 : index
      %get3A_92 = tpu.vector_load %arg7[%get3A_90, %get3A_91] {strides = array<i32>} : memref<64x16xf32, #tpu.memory_space<vmem>>, vector<16xf32>,
      %add3A_93 = arith.addf %gather3A_88, %get3A_92 : vector<16xf32>
      %abs3A_94 = math.absf %add3A_93 : vector<16xf32>
      %add3A_95 = arith.constant 1024 : i32
      %add3A_96 = arith.addi %add3A_95, %mul3A_20 : i32
      %swap3A_97 = arith.index_cast %add3A_96 : i32 to index
      %swap3A_98 = tpu.vector_load %arg6[%swap3A_97] {strides = array<i32>} : memref<16384xf32, #tpu.memory_space<vmem>>, vector<16xf32>,
      tpu.vector_store %arg6[%swap3A_97], %abs3A_94 {strides = array<i32>} : memref<16384xf32, #tpu.memory_space<vmem>>, vector<16xf32>,
      %gt3A_99 = arith.cmpf ogt, %abs3A_94, %select_n3A_82 : vector<16xf32>
      %select_n3A_100 = arith.select %gt3A_99, %abs3A_94, %select_n3A_82 : vector<16xi1>, vector<16xf32>
      %broadcast_in_dim3A_101 = arith.constant 4 : i32
      %broadcast_in_dim3A_102 = vector.broadcast %broadcast_in_dim3A_101 : i32 to vector<16xi32>
      %select_n3A_103 = arith.select %gt3A_99, %broadcast_in_dim3A_102, %select_n3A_85 : vector<16xi1>, vector<16xi32>
      %broadcast_in_dim3A_104 = arith.constant 5 : i32
      %broadcast_in_dim3A_105 = vector.broadcast %broadcast_in_dim3A_104 : i32 to vector<16xi32>
      %gather3A_106 = tpu.vector_load_idx %arg5[%add3A_22, %broadcast_in_dim3A_105] : memref<256x64xf32, #tpu.memory_space<vmem>>[vector<16xi32>, vector<16xi32>], vector<16xf32>,
      %get3A_107 = arith.constant 5 : i32
      %get3A_108 = arith.index_cast %get3A_107 : i32 to index
      %get3A_109 = arith.constant 0 : index
      %get3A_110 = tpu.vector_load %arg7[%get3A_108, %get3A_109] {strides = array<i32>} : memref<64x16xf32, #tpu.memory_space<vmem>>, vector<16xf32>,
      %add3A_111 = arith.addf %gather3A_106, %get3A_110 : vector<16xf32>
      %abs3A_112 = math.absf %add3A_111 : vector<16xf32>
      %add3A_113 = arith.constant 1280 : i32
      %add3A_114 = arith.addi %add3A_113, %mul3A_20 : i32
      %swap3A_115 = arith.index_cast %add3A_114 : i32 to index
      %swap3A_116 = tpu.vector_load %arg6[%swap3A_115] {strides = array<i32>} : memref<16384xf32, #tpu.memory_space<vmem>>, vector<16xf32>,
      tpu.vector_store %arg6[%swap3A_115], %abs3A_112 {strides = array<i32>} : memref<16384xf32, #tpu.memory_space<vmem>>, vector<16xf32>,
      %gt3A_117 = arith.cmpf ogt, %abs3A_112, %select_n3A_100 : vector<16xf32>
      %select_n3A_118 = arith.select %gt3A_117, %abs3A_112, %select_n3A_100 : vector<16xi1>, vector<16xf32>
      %broadcast_in_dim3A_119 = arith.constant 5 : i32
      %broadcast_in_dim3A_120 = vector.broadcast %broadcast_in_dim3A_119 : i32 to vector<16xi32>
      %select_n3A_121 = arith.select %gt3A_117, %broadcast_in_dim3A_120, %select_n3A_103 : vector<16xi1>, vector<16xi32>
      %broadcast_in_dim3A_122 = arith.constant 6 : i32
      %broadcast_in_dim3A_123 = vector.broadcast %broadcast_in_dim3A_122 : i32 to vector<16xi32>
      %gather3A_124 = tpu.vector_load_idx %arg5[%add3A_22, %broadcast_in_dim3A_123] : memref<256x64xf32, #tpu.memory_space<vmem>>[vector<16xi32>, vector<16xi32>], vector<16xf32>,
      %get3A_125 = arith.constant 6 : i32
      %get3A_126 = arith.index_cast %get3A_125 : i32 to index
      %get3A_127 = arith.constant 0 : index
      %get3A_128 = tpu.vector_load %arg7[%get3A_126, %get3A_127] {strides = array<i32>} : memref<64x16xf32, #tpu.memory_space<vmem>>, vector<16xf32>,
      %add3A_129 = arith.addf %gather3A_124, %get3A_128 : vector<16xf32>
      %abs3A_130 = math.absf %add3A_129 : vector<16xf32>
      %add3A_131 = arith.constant 1536 : i32
      %add3A_132 = arith.addi %add3A_131, %mul3A_20 : i32
      %swap3A_133 = arith.index_cast %add3A_132 : i32 to index
      %swap3A_134 = tpu.vector_load %arg6[%swap3A_133] {strides = array<i32>} : memref<16384xf32, #tpu.memory_space<vmem>>, vector<16xf32>,
      tpu.vector_store %arg6[%swap3A_133], %abs3A_130 {strides = array<i32>} : memref<16384xf32, #tpu.memory_space<vmem>>, vector<16xf32>,
      %gt3A_135 = arith.cmpf ogt, %abs3A_130, %select_n3A_118 : vector<16xf32>
      %select_n3A_136 = arith.select %gt3A_135, %abs3A_130, %select_n3A_118 : vector<16xi1>, vector<16xf32>
      %broadcast_in_dim3A_137 = arith.constant 6 : i32
      %broadcast_in_dim3A_138 = vector.broadcast %broadcast_in_dim3A_137 : i32 to vector<16xi32>
      %select_n3A_139 = arith.select %gt3A_135, %broadcast_in_dim3A_138, %select_n3A_121 : vector<16xi1>, vector<16xi32>
      %broadcast_in_dim3A_140 = arith.constant 7 : i32
      %broadcast_in_dim3A_141 = vector.broadcast %broadcast_in_dim3A_140 : i32 to vector<16xi32>
      %gather3A_142 = tpu.vector_load_idx %arg5[%add3A_22, %broadcast_in_dim3A_141] : memref<256x64xf32, #tpu.memory_space<vmem>>[vector<16xi32>, vector<16xi32>], vector<16xf32>,
      %get3A_143 = arith.constant 7 : i32
      %get3A_144 = arith.index_cast %get3A_143 : i32 to index
      %get3A_145 = arith.constant 0 : index
      %get3A_146 = tpu.vector_load %arg7[%get3A_144, %get3A_145] {strides = array<i32>} : memref<64x16xf32, #tpu.memory_space<vmem>>, vector<16xf32>,
      %add3A_147 = arith.addf %gather3A_142, %get3A_146 : vector<16xf32>
      %abs3A_148 = math.absf %add3A_147 : vector<16xf32>
      %add3A_149 = arith.constant 1792 : i32
      %add3A_150 = arith.addi %add3A_149, %mul3A_20 : i32
      %swap3A_151 = arith.index_cast %add3A_150 : i32 to index
      %swap3A_152 = tpu.vector_load %arg6[%swap3A_151] {strides = array<i32>} : memref<16384xf32, #tpu.memory_space<vmem>>, vector<16xf32>,
      tpu.vector_store %arg6[%swap3A_151], %abs3A_148 {strides = array<i32>} : memref<16384xf32, #tpu.memory_space<vmem>>, vector<16xf32>,
      %gt3A_153 = arith.cmpf ogt, %abs3A_148, %select_n3A_136 : vector<16xf32>
      %select_n3A_154 = arith.select %gt3A_153, %abs3A_148, %select_n3A_136 : vector<16xi1>, vector<16xf32>
      %broadcast_in_dim3A_155 = arith.constant 7 : i32
      %broadcast_in_dim3A_156 = vector.broadcast %broadcast_in_dim3A_155 : i32 to vector<16xi32>
      %select_n3A_157 = arith.select %gt3A_153, %broadcast_in_dim3A_156, %select_n3A_139 : vector<16xi1>, vector<16xi32>
      %broadcast_in_dim3A_158 = arith.constant 8 : i32
      %broadcast_in_dim3A_159 = vector.broadcast %broadcast_in_dim3A_158 : i32 to vector<16xi32>
      %gather3A_160 = tpu.vector_load_idx %arg5[%add3A_22, %broadcast_in_dim3A_159] : memref<256x64xf32, #tpu.memory_space<vmem>>[vector<16xi32>, vector<16xi32>], vector<16xf32>,
      %get3A_161 = arith.constant 8 : i32
      %get3A_162 = arith.index_cast %get3A_161 : i32 to index
      %get3A_163 = arith.constant 0 : index
      %get3A_164 = tpu.vector_load %arg7[%get3A_162, %get3A_163] {strides = array<i32>} : memref<64x16xf32, #tpu.memory_space<vmem>>, vector<16xf32>,
      %add3A_165 = arith.addf %gather3A_160, %get3A_164 : vector<16xf32>
      %abs3A_166 = math.absf %add3A_165 : vector<16xf32>
      %add3A_167 = arith.constant 2048 : i32
      %add3A_168 = arith.addi %add3A_167, %mul3A_20 : i32
      %swap3A_169 = arith.index_cast %add3A_168 : i32 to index
      %swap3A_170 = tpu.vector_load %arg6[%swap3A_169] {strides = array<i32>} : memref<16384xf32, #tpu.memory_space<vmem>>, vector<16xf32>,
      tpu.vector_store %arg6[%swap3A_169], %abs3A_166 {strides = array<i32>} : memref<16384xf32, #tpu.memory_space<vmem>>, vector<16xf32>,
      %broadcast_in_dim3A_171 = arith.constant 8 : i32
      %broadcast_in_dim3A_172 = vector.broadcast %broadcast_in_dim3A_171 : i32 to vector<16xi32>
      %broadcast_in_dim3A_173 = arith.constant 9 : i32
      %broadcast_in_dim3A_174 = vector.broadcast %broadcast_in_dim3A_173 : i32 to vector<16xi32>
      %gather3A_175 = tpu.vector_load_idx %arg5[%add3A_22, %broadcast_in_dim3A_174] : memref<256x64xf32, #tpu.memory_space<vmem>>[vector<16xi32>, vector<16xi32>], vector<16xf32>,
      %get3A_176 = arith.constant 9 : i32
      %get3A_177 = arith.index_cast %get3A_176 : i32 to index
      %get3A_178 = arith.constant 0 : index
      %get3A_179 = tpu.vector_load %arg7[%get3A_177, %get3A_178] {strides = array<i32>} : memref<64x16xf32, #tpu.memory_space<vmem>>, vector<16xf32>,
      %add3A_180 = arith.addf %gather3A_175, %get3A_179 : vector<16xf32>
      %abs3A_181 = math.absf %add3A_180 : vector<16xf32>
      %add3A_182 = arith.constant 2304 : i32
      %add3A_183 = arith.addi %add3A_182, %mul3A_20 : i32
      %swap3A_184 = arith.index_cast %add3A_183 : i32 to index
      %swap3A_185 = tpu.vector_load %arg6[%swap3A_184] {strides = array<i32>} : memref<16384xf32, #tpu.memory_space<vmem>>, vector<16xf32>,
      tpu.vector_store %arg6[%swap3A_184], %abs3A_181 {strides = array<i32>} : memref<16384xf32, #tpu.memory_space<vmem>>, vector<16xf32>,
      %gt3A_186 = arith.cmpf ogt, %abs3A_181, %abs3A_166 : vector<16xf32>
      %select_n3A_187 = arith.select %gt3A_186, %abs3A_181, %abs3A_166 : vector<16xi1>, vector<16xf32>
      %broadcast_in_dim3A_188 = arith.constant 9 : i32
      %broadcast_in_dim3A_189 = vector.broadcast %broadcast_in_dim3A_188 : i32 to vector<16xi32>
      %select_n3A_190 = arith.select %gt3A_186, %broadcast_in_dim3A_189, %broadcast_in_dim3A_172 : vector<16xi1>, vector<16xi32>
      %broadcast_in_dim3A_191 = arith.constant 10 : i32
      %broadcast_in_dim3A_192 = vector.broadcast %broadcast_in_dim3A_191 : i32 to vector<16xi32>
      %gather3A_193 = tpu.vector_load_idx %arg5[%add3A_22, %broadcast_in_dim3A_192] : memref<256x64xf32, #tpu.memory_space<vmem>>[vector<16xi32>, vector<16xi32>], vector<16xf32>,
      %get3A_194 = arith.constant 10 : i32
      %get3A_195 = arith.index_cast %get3A_194 : i32 to index
      %get3A_196 = arith.constant 0 : index
      %get3A_197 = tpu.vector_load %arg7[%get3A_195, %get3A_196] {strides = array<i32>} : memref<64x16xf32, #tpu.memory_space<vmem>>, vector<16xf32>,
      %add3A_198 = arith.addf %gather3A_193, %get3A_197 : vector<16xf32>
      %abs3A_199 = math.absf %add3A_198 : vector<16xf32>
      %add3A_200 = arith.constant 2560 : i32
      %add3A_201 = arith.addi %add3A_200, %mul3A_20 : i32
      %swap3A_202 = arith.index_cast %add3A_201 : i32 to index
      %swap3A_203 = tpu.vector_load %arg6[%swap3A_202] {strides = array<i32>} : memref<16384xf32, #tpu.memory_space<vmem>>, vector<16xf32>,
      tpu.vector_store %arg6[%swap3A_202], %abs3A_199 {strides = array<i32>} : memref<16384xf32, #tpu.memory_space<vmem>>, vector<16xf32>,
      %gt3A_204 = arith.cmpf ogt, %abs3A_199, %select_n3A_187 : vector<16xf32>
      %select_n3A_205 = arith.select %gt3A_204, %abs3A_199, %select_n3A_187 : vector<16xi1>, vector<16xf32>
      %broadcast_in_dim3A_206 = arith.constant 10 : i32
      %broadcast_in_dim3A_207 = vector.broadcast %broadcast_in_dim3A_206 : i32 to vector<16xi32>
      %select_n3A_208 = arith.select %gt3A_204, %broadcast_in_dim3A_207, %select_n3A_190 : vector<16xi1>, vector<16xi32>
      %broadcast_in_dim3A_209 = arith.constant 11 : i32
      %broadcast_in_dim3A_210 = vector.broadcast %broadcast_in_dim3A_209 : i32 to vector<16xi32>
      %gather3A_211 = tpu.vector_load_idx %arg5[%add3A_22, %broadcast_in_dim3A_210] : memref<256x64xf32, #tpu.memory_space<vmem>>[vector<16xi32>, vector<16xi32>], vector<16xf32>,
      %get3A_212 = arith.constant 11 : i32
      %get3A_213 = arith.index_cast %get3A_212 : i32 to index
      %get3A_214 = arith.constant 0 : index
      %get3A_215 = tpu.vector_load %arg7[%get3A_213, %get3A_214] {strides = array<i32>} : memref<64x16xf32, #tpu.memory_space<vmem>>, vector<16xf32>,
      %add3A_216 = arith.addf %gather3A_211, %get3A_215 : vector<16xf32>
      %abs3A_217 = math.absf %add3A_216 : vector<16xf32>
      %add3A_218 = arith.constant 2816 : i32
      %add3A_219 = arith.addi %add3A_218, %mul3A_20 : i32
      %swap3A_220 = arith.index_cast %add3A_219 : i32 to index
      %swap3A_221 = tpu.vector_load %arg6[%swap3A_220] {strides = array<i32>} : memref<16384xf32, #tpu.memory_space<vmem>>, vector<16xf32>,
      tpu.vector_store %arg6[%swap3A_220], %abs3A_217 {strides = array<i32>} : memref<16384xf32, #tpu.memory_space<vmem>>, vector<16xf32>,
      %gt3A_222 = arith.cmpf ogt, %abs3A_217, %select_n3A_205 : vector<16xf32>
      %select_n3A_223 = arith.select %gt3A_222, %abs3A_217, %select_n3A_205 : vector<16xi1>, vector<16xf32>
      %broadcast_in_dim3A_224 = arith.constant 11 : i32
      %broadcast_in_dim3A_225 = vector.broadcast %broadcast_in_dim3A_224 : i32 to vector<16xi32>
      %select_n3A_226 = arith.select %gt3A_222, %broadcast_in_dim3A_225, %select_n3A_208 : vector<16xi1>, vector<16xi32>
      %broadcast_in_dim3A_227 = arith.constant 12 : i32
      %broadcast_in_dim3A_228 = vector.broadcast %broadcast_in_dim3A_227 : i32 to vector<16xi32>
      %gather3A_229 = tpu.vector_load_idx %arg5[%add3A_22, %broadcast_in_dim3A_228] : memref<256x64xf32, #tpu.memory_space<vmem>>[vector<16xi32>, vector<16xi32>], vector<16xf32>,
      %get3A_230 = arith.constant 12 : i32
      %get3A_231 = arith.index_cast %get3A_230 : i32 to index
      %get3A_232 = arith.constant 0 : index
      %get3A_233 = tpu.vector_load %arg7[%get3A_231, %get3A_232] {strides = array<i32>} : memref<64x16xf32, #tpu.memory_space<vmem>>, vector<16xf32>,
      %add3A_234 = arith.addf %gather3A_229, %get3A_233 : vector<16xf32>
      %abs3A_235 = math.absf %add3A_234 : vector<16xf32>
      %add3A_236 = arith.constant 3072 : i32
      %add3A_237 = arith.addi %add3A_236, %mul3A_20 : i32
      %swap3A_238 = arith.index_cast %add3A_237 : i32 to index
      %swap3A_239 = tpu.vector_load %arg6[%swap3A_238] {strides = array<i32>} : memref<16384xf32, #tpu.memory_space<vmem>>, vector<16xf32>,
      tpu.vector_store %arg6[%swap3A_238], %abs3A_235 {strides = array<i32>} : memref<16384xf32, #tpu.memory_space<vmem>>, vector<16xf32>,
      %gt3A_240 = arith.cmpf ogt, %abs3A_235, %select_n3A_223 : vector<16xf32>
      %select_n3A_241 = arith.select %gt3A_240, %abs3A_235, %select_n3A_223 : vector<16xi1>, vector<16xf32>
      %broadcast_in_dim3A_242 = arith.constant 12 : i32
      %broadcast_in_dim3A_243 = vector.broadcast %broadcast_in_dim3A_242 : i32 to vector<16xi32>
      %select_n3A_244 = arith.select %gt3A_240, %broadcast_in_dim3A_243, %select_n3A_226 : vector<16xi1>, vector<16xi32>
      %broadcast_in_dim3A_245 = arith.constant 13 : i32
      %broadcast_in_dim3A_246 = vector.broadcast %broadcast_in_dim3A_245 : i32 to vector<16xi32>
      %gather3A_247 = tpu.vector_load_idx %arg5[%add3A_22, %broadcast_in_dim3A_246] : memref<256x64xf32, #tpu.memory_space<vmem>>[vector<16xi32>, vector<16xi32>], vector<16xf32>,
      %get3A_248 = arith.constant 13 : i32
      %get3A_249 = arith.index_cast %get3A_248 : i32 to index
      %get3A_250 = arith.constant 0 : index
      %get3A_251 = tpu.vector_load %arg7[%get3A_249, %get3A_250] {strides = array<i32>} : memref<64x16xf32, #tpu.memory_space<vmem>>, vector<16xf32>,
      %add3A_252 = arith.addf %gather3A_247, %get3A_251 : vector<16xf32>
      %abs3A_253 = math.absf %add3A_252 : vector<16xf32>
      %add3A_254 = arith.constant 3328 : i32
      %add3A_255 = arith.addi %add3A_254, %mul3A_20 : i32
      %swap3A_256 = arith.index_cast %add3A_255 : i32 to index
      %swap3A_257 = tpu.vector_load %arg6[%swap3A_256] {strides = array<i32>} : memref<16384xf32, #tpu.memory_space<vmem>>, vector<16xf32>,
      tpu.vector_store %arg6[%swap3A_256], %abs3A_253 {strides = array<i32>} : memref<16384xf32, #tpu.memory_space<vmem>>, vector<16xf32>,
      %gt3A_258 = arith.cmpf ogt, %abs3A_253, %select_n3A_241 : vector<16xf32>
      %select_n3A_259 = arith.select %gt3A_258, %abs3A_253, %select_n3A_241 : vector<16xi1>, vector<16xf32>
      %broadcast_in_dim3A_260 = arith.constant 13 : i32
      %broadcast_in_dim3A_261 = vector.broadcast %broadcast_in_dim3A_260 : i32 to vector<16xi32>
      %select_n3A_262 = arith.select %gt3A_258, %broadcast_in_dim3A_261, %select_n3A_244 : vector<16xi1>, vector<16xi32>
      %broadcast_in_dim3A_263 = arith.constant 14 : i32
      %broadcast_in_dim3A_264 = vector.broadcast %broadcast_in_dim3A_263 : i32 to vector<16xi32>
      %gather3A_265 = tpu.vector_load_idx %arg5[%add3A_22, %broadcast_in_dim3A_264] : memref<256x64xf32, #tpu.memory_space<vmem>>[vector<16xi32>, vector<16xi32>], vector<16xf32>,
      %get3A_266 = arith.constant 14 : i32
      %get3A_267 = arith.index_cast %get3A_266 : i32 to index
      %get3A_268 = arith.constant 0 : index
      %get3A_269 = tpu.vector_load %arg7[%get3A_267, %get3A_268] {strides = array<i32>} : memref<64x16xf32, #tpu.memory_space<vmem>>, vector<16xf32>,
      %add3A_270 = arith.addf %gather3A_265, %get3A_269 : vector<16xf32>
      %abs3A_271 = math.absf %add3A_270 : vector<16xf32>
      %add3A_272 = arith.constant 3584 : i32
      %add3A_273 = arith.addi %add3A_272, %mul3A_20 : i32
      %swap3A_274 = arith.index_cast %add3A_273 : i32 to index
      %swap3A_275 = tpu.vector_load %arg6[%swap3A_274] {strides = array<i32>} : memref<16384xf32, #tpu.memory_space<vmem>>, vector<16xf32>,
      tpu.vector_store %arg6[%swap3A_274], %abs3A_271 {strides = array<i32>} : memref<16384xf32, #tpu.memory_space<vmem>>, vector<16xf32>,
      %gt3A_276 = arith.cmpf ogt, %abs3A_271, %select_n3A_259 : vector<16xf32>
      %select_n3A_277 = arith.select %gt3A_276, %abs3A_271, %select_n3A_259 : vector<16xi1>, vector<16xf32>
      %broadcast_in_dim3A_278 = arith.constant 14 : i32
      %broadcast_in_dim3A_279 = vector.broadcast %broadcast_in_dim3A_278 : i32 to vector<16xi32>
      %select_n3A_280 = arith.select %gt3A_276, %broadcast_in_dim3A_279, %select_n3A_262 : vector<16xi1>, vector<16xi32>
      %broadcast_in_dim3A_281 = arith.constant 15 : i32
      %broadcast_in_dim3A_282 = vector.broadcast %broadcast_in_dim3A_281 : i32 to vector<16xi32>
      %gather3A_283 = tpu.vector_load_idx %arg5[%add3A_22, %broadcast_in_dim3A_282] : memref<256x64xf32, #tpu.memory_space<vmem>>[vector<16xi32>, vector<16xi32>], vector<16xf32>,
      %get3A_284 = arith.constant 15 : i32
      %get3A_285 = arith.index_cast %get3A_284 : i32 to index
      %get3A_286 = arith.constant 0 : index
      %get3A_287 = tpu.vector_load %arg7[%get3A_285, %get3A_286] {strides = array<i32>} : memref<64x16xf32, #tpu.memory_space<vmem>>, vector<16xf32>,
      %add3A_288 = arith.addf %gather3A_283, %get3A_287 : vector<16xf32>
      %abs3A_289 = math.absf %add3A_288 : vector<16xf32>
      %add3A_290 = arith.constant 3840 : i32
      %add3A_291 = arith.addi %add3A_290, %mul3A_20 : i32
      %swap3A_292 = arith.index_cast %add3A_291 : i32 to index
      %swap3A_293 = tpu.vector_load %arg6[%swap3A_292] {strides = array<i32>} : memref<16384xf32, #tpu.memory_space<vmem>>, vector<16xf32>,
      tpu.vector_store %arg6[%swap3A_292], %abs3A_289 {strides = array<i32>} : memref<16384xf32, #tpu.memory_space<vmem>>, vector<16xf32>,
      %gt3A_294 = arith.cmpf ogt, %abs3A_289, %select_n3A_277 : vector<16xf32>
      %select_n3A_295 = arith.select %gt3A_294, %abs3A_289, %select_n3A_277 : vector<16xi1>, vector<16xf32>
      %broadcast_in_dim3A_296 = arith.constant 15 : i32
      %broadcast_in_dim3A_297 = vector.broadcast %broadcast_in_dim3A_296 : i32 to vector<16xi32>
      %select_n3A_298 = arith.select %gt3A_294, %broadcast_in_dim3A_297, %select_n3A_280 : vector<16xi1>, vector<16xi32>
      %broadcast_in_dim3A_299 = arith.constant 16 : i32
      %broadcast_in_dim3A_300 = vector.broadcast %broadcast_in_dim3A_299 : i32 to vector<16xi32>
      %gather3A_301 = tpu.vector_load_idx %arg5[%add3A_22, %broadcast_in_dim3A_300] : memref<256x64xf32, #tpu.memory_space<vmem>>[vector<16xi32>, vector<16xi32>], vector<16xf32>,
      %get3A_302 = arith.constant 16 : i32
      %get3A_303 = arith.index_cast %get3A_302 : i32 to index
      %get3A_304 = arith.constant 0 : index
      %get3A_305 = tpu.vector_load %arg7[%get3A_303, %get3A_304] {strides = array<i32>} : memref<64x16xf32, #tpu.memory_space<vmem>>, vector<16xf32>,
      %add3A_306 = arith.addf %gather3A_301, %get3A_305 : vector<16xf32>
      %abs3A_307 = math.absf %add3A_306 : vector<16xf32>
      %add3A_308 = arith.constant 4096 : i32
      %add3A_309 = arith.addi %add3A_308, %mul3A_20 : i32
      %swap3A_310 = arith.index_cast %add3A_309 : i32 to index
      %swap3A_311 = tpu.vector_load %arg6[%swap3A_310] {strides = array<i32>} : memref<16384xf32, #tpu.memory_space<vmem>>, vector<16xf32>,
      tpu.vector_store %arg6[%swap3A_310], %abs3A_307 {strides = array<i32>} : memref<16384xf32, #tpu.memory_space<vmem>>, vector<16xf32>,
      %broadcast_in_dim3A_312 = arith.constant 16 : i32
      %broadcast_in_dim3A_313 = vector.broadcast %broadcast_in_dim3A_312 : i32 to vector<16xi32>
      %broadcast_in_dim3A_314 = arith.constant 17 : i32
      %broadcast_in_dim3A_315 = vector.broadcast %broadcast_in_dim3A_314 : i32 to vector<16xi32>
      %gather3A_316 = tpu.vector_load_idx %arg5[%add3A_22, %broadcast_in_dim3A_315] : memref<256x64xf32, #tpu.memory_space<vmem>>[vector<16xi32>, vector<16xi32>], vector<16xf32>,
      %get3A_317 = arith.constant 17 : i32
      %get3A_318 = arith.index_cast %get3A_317 : i32 to index
      %get3A_319 = arith.constant 0 : index
      %get3A_320 = tpu.vector_load %arg7[%get3A_318, %get3A_319] {strides = array<i32>} : memref<64x16xf32, #tpu.memory_space<vmem>>, vector<16xf32>,
      %add3A_321 = arith.addf %gather3A_316, %get3A_320 : vector<16xf32>
      %abs3A_322 = math.absf %add3A_321 : vector<16xf32>
      %add3A_323 = arith.constant 4352 : i32
      %add3A_324 = arith.addi %add3A_323, %mul3A_20 : i32
      %swap3A_325 = arith.index_cast %add3A_324 : i32 to index
      %swap3A_326 = tpu.vector_load %arg6[%swap3A_325] {strides = array<i32>} : memref<16384xf32, #tpu.memory_space<vmem>>, vector<16xf32>,
      tpu.vector_store %arg6[%swap3A_325], %abs3A_322 {strides = array<i32>} : memref<16384xf32, #tpu.memory_space<vmem>>, vector<16xf32>,
      %gt3A_327 = arith.cmpf ogt, %abs3A_322, %abs3A_307 : vector<16xf32>
      %select_n3A_328 = arith.select %gt3A_327, %abs3A_322, %abs3A_307 : vector<16xi1>, vector<16xf32>
      %broadcast_in_dim3A_329 = arith.constant 17 : i32
      %broadcast_in_dim3A_330 = vector.broadcast %broadcast_in_dim3A_329 : i32 to vector<16xi32>
      %select_n3A_331 = arith.select %gt3A_327, %broadcast_in_dim3A_330, %broadcast_in_dim3A_313 : vector<16xi1>, vector<16xi32>
      %broadcast_in_dim3A_332 = arith.constant 18 : i32
      %broadcast_in_dim3A_333 = vector.broadcast %broadcast_in_dim3A_332 : i32 to vector<16xi32>
      %gather3A_334 = tpu.vector_load_idx %arg5[%add3A_22, %broadcast_in_dim3A_333] : memref<256x64xf32, #tpu.memory_space<vmem>>[vector<16xi32>, vector<16xi32>], vector<16xf32>,
      %get3A_335 = arith.constant 18 : i32
      %get3A_336 = arith.index_cast %get3A_335 : i32 to index
      %get3A_337 = arith.constant 0 : index
      %get3A_338 = tpu.vector_load %arg7[%get3A_336, %get3A_337] {strides = array<i32>} : memref<64x16xf32, #tpu.memory_space<vmem>>, vector<16xf32>,
      %add3A_339 = arith.addf %gather3A_334, %get3A_338 : vector<16xf32>
      %abs3A_340 = math.absf %add3A_339 : vector<16xf32>
      %add3A_341 = arith.constant 4608 : i32
      %add3A_342 = arith.addi %add3A_341, %mul3A_20 : i32
      %swap3A_343 = arith.index_cast %add3A_342 : i32 to index
      %swap3A_344 = tpu.vector_load %arg6[%swap3A_343] {strides = array<i32>} : memref<16384xf32, #tpu.memory_space<vmem>>, vector<16xf32>,
      tpu.vector_store %arg6[%swap3A_343], %abs3A_340 {strides = array<i32>} : memref<16384xf32, #tpu.memory_space<vmem>>, vector<16xf32>,
      %gt3A_345 = arith.cmpf ogt, %abs3A_340, %select_n3A_328 : vector<16xf32>
      %select_n3A_346 = arith.select %gt3A_345, %abs3A_340, %select_n3A_328 : vector<16xi1>, vector<16xf32>
      %broadcast_in_dim3A_347 = arith.constant 18 : i32
      %broadcast_in_dim3A_348 = vector.broadcast %broadcast_in_dim3A_347 : i32 to vector<16xi32>
      %select_n3A_349 = arith.select %gt3A_345, %broadcast_in_dim3A_348, %select_n3A_331 : vector<16xi1>, vector<16xi32>
      %broadcast_in_dim3A_350 = arith.constant 19 : i32
      %broadcast_in_dim3A_351 = vector.broadcast %broadcast_in_dim3A_350 : i32 to vector<16xi32>
      %gather3A_352 = tpu.vector_load_idx %arg5[%add3A_22, %broadcast_in_dim3A_351] : memref<256x64xf32, #tpu.memory_space<vmem>>[vector<16xi32>, vector<16xi32>], vector<16xf32>,
      %get3A_353 = arith.constant 19 : i32
      %get3A_354 = arith.index_cast %get3A_353 : i32 to index
      %get3A_355 = arith.constant 0 : index
      %get3A_356 = tpu.vector_load %arg7[%get3A_354, %get3A_355] {strides = array<i32>} : memref<64x16xf32, #tpu.memory_space<vmem>>, vector<16xf32>,
      %add3A_357 = arith.addf %gather3A_352, %get3A_356 : vector<16xf32>
      %abs3A_358 = math.absf %add3A_357 : vector<16xf32>
      %add3A_359 = arith.constant 4864 : i32
      %add3A_360 = arith.addi %add3A_359, %mul3A_20 : i32
      %swap3A_361 = arith.index_cast %add3A_360 : i32 to index
      %swap3A_362 = tpu.vector_load %arg6[%swap3A_361] {strides = array<i32>} : memref<16384xf32, #tpu.memory_space<vmem>>, vector<16xf32>,
      tpu.vector_store %arg6[%swap3A_361], %abs3A_358 {strides = array<i32>} : memref<16384xf32, #tpu.memory_space<vmem>>, vector<16xf32>,
      %gt3A_363 = arith.cmpf ogt, %abs3A_358, %select_n3A_346 : vector<16xf32>
      %select_n3A_364 = arith.select %gt3A_363, %abs3A_358, %select_n3A_346 : vector<16xi1>, vector<16xf32>
      %broadcast_in_dim3A_365 = arith.constant 19 : i32
      %broadcast_in_dim3A_366 = vector.broadcast %broadcast_in_dim3A_365 : i32 to vector<16xi32>
      %select_n3A_367 = arith.select %gt3A_363, %broadcast_in_dim3A_366, %select_n3A_349 : vector<16xi1>, vector<16xi32>
      %broadcast_in_dim3A_368 = arith.constant 20 : i32
      %broadcast_in_dim3A_369 = vector.broadcast %broadcast_in_dim3A_368 : i32 to vector<16xi32>
      %gather3A_370 = tpu.vector_load_idx %arg5[%add3A_22, %broadcast_in_dim3A_369] : memref<256x64xf32, #tpu.memory_space<vmem>>[vector<16xi32>, vector<16xi32>], vector<16xf32>,
      %get3A_371 = arith.constant 20 : i32
      %get3A_372 = arith.index_cast %get3A_371 : i32 to index
      %get3A_373 = arith.constant 0 : index
      %get3A_374 = tpu.vector_load %arg7[%get3A_372, %get3A_373] {strides = array<i32>} : memref<64x16xf32, #tpu.memory_space<vmem>>, vector<16xf32>,
      %add3A_375 = arith.addf %gather3A_370, %get3A_374 : vector<16xf32>
      %abs3A_376 = math.absf %add3A_375 : vector<16xf32>
      %add3A_377 = arith.constant 5120 : i32
      %add3A_378 = arith.addi %add3A_377, %mul3A_20 : i32
      %swap3A_379 = arith.index_cast %add3A_378 : i32 to index
      %swap3A_380 = tpu.vector_load %arg6[%swap3A_379] {strides = array<i32>} : memref<16384xf32, #tpu.memory_space<vmem>>, vector<16xf32>,
      tpu.vector_store %arg6[%swap3A_379], %abs3A_376 {strides = array<i32>} : memref<16384xf32, #tpu.memory_space<vmem>>, vector<16xf32>,
      %gt3A_381 = arith.cmpf ogt, %abs3A_376, %select_n3A_364 : vector<16xf32>
      %select_n3A_382 = arith.select %gt3A_381, %abs3A_376, %select_n3A_364 : vector<16xi1>, vector<16xf32>
      %broadcast_in_dim3A_383 = arith.constant 20 : i32
      %broadcast_in_dim3A_384 = vector.broadcast %broadcast_in_dim3A_383 : i32 to vector<16xi32>
      %select_n3A_385 = arith.select %gt3A_381, %broadcast_in_dim3A_384, %select_n3A_367 : vector<16xi1>, vector<16xi32>
      %broadcast_in_dim3A_386 = arith.constant 21 : i32
      %broadcast_in_dim3A_387 = vector.broadcast %broadcast_in_dim3A_386 : i32 to vector<16xi32>
      %gather3A_388 = tpu.vector_load_idx %arg5[%add3A_22, %broadcast_in_dim3A_387] : memref<256x64xf32, #tpu.memory_space<vmem>>[vector<16xi32>, vector<16xi32>], vector<16xf32>,
      %get3A_389 = arith.constant 21 : i32
      %get3A_390 = arith.index_cast %get3A_389 : i32 to index
      %get3A_391 = arith.constant 0 : index
      %get3A_392 = tpu.vector_load %arg7[%get3A_390, %get3A_391] {strides = array<i32>} : memref<64x16xf32, #tpu.memory_space<vmem>>, vector<16xf32>,
      %add3A_393 = arith.addf %gather3A_388, %get3A_392 : vector<16xf32>
      %abs3A_394 = math.absf %add3A_393 : vector<16xf32>
      %add3A_395 = arith.constant 5376 : i32
      %add3A_396 = arith.addi %add3A_395, %mul3A_20 : i32
      %swap3A_397 = arith.index_cast %add3A_396 : i32 to index
      %swap3A_398 = tpu.vector_load %arg6[%swap3A_397] {strides = array<i32>} : memref<16384xf32, #tpu.memory_space<vmem>>, vector<16xf32>,
      tpu.vector_store %arg6[%swap3A_397], %abs3A_394 {strides = array<i32>} : memref<16384xf32, #tpu.memory_space<vmem>>, vector<16xf32>,
      %gt3A_399 = arith.cmpf ogt, %abs3A_394, %select_n3A_382 : vector<16xf32>
      %select_n3A_400 = arith.select %gt3A_399, %abs3A_394, %select_n3A_382 : vector<16xi1>, vector<16xf32>
      %broadcast_in_dim3A_401 = arith.constant 21 : i32
      %broadcast_in_dim3A_402 = vector.broadcast %broadcast_in_dim3A_401 : i32 to vector<16xi32>
      %select_n3A_403 = arith.select %gt3A_399, %broadcast_in_dim3A_402, %select_n3A_385 : vector<16xi1>, vector<16xi32>
      %broadcast_in_dim3A_404 = arith.constant 22 : i32
      %broadcast_in_dim3A_405 = vector.broadcast %broadcast_in_dim3A_404 : i32 to vector<16xi32>
      %gather3A_406 = tpu.vector_load_idx %arg5[%add3A_22, %broadcast_in_dim3A_405] : memref<256x64xf32, #tpu.memory_space<vmem>>[vector<16xi32>, vector<16xi32>], vector<16xf32>,
      %get3A_407 = arith.constant 22 : i32
      %get3A_408 = arith.index_cast %get3A_407 : i32 to index
      %get3A_409 = arith.constant 0 : index
      %get3A_410 = tpu.vector_load %arg7[%get3A_408, %get3A_409] {strides = array<i32>} : memref<64x16xf32, #tpu.memory_space<vmem>>, vector<16xf32>,
      %add3A_411 = arith.addf %gather3A_406, %get3A_410 : vector<16xf32>
      %abs3A_412 = math.absf %add3A_411 : vector<16xf32>
      %add3A_413 = arith.constant 5632 : i32
      %add3A_414 = arith.addi %add3A_413, %mul3A_20 : i32
      %swap3A_415 = arith.index_cast %add3A_414 : i32 to index
      %swap3A_416 = tpu.vector_load %arg6[%swap3A_415] {strides = array<i32>} : memref<16384xf32, #tpu.memory_space<vmem>>, vector<16xf32>,
      tpu.vector_store %arg6[%swap3A_415], %abs3A_412 {strides = array<i32>} : memref<16384xf32, #tpu.memory_space<vmem>>, vector<16xf32>,
      %gt3A_417 = arith.cmpf ogt, %abs3A_412, %select_n3A_400 : vector<16xf32>
      %select_n3A_418 = arith.select %gt3A_417, %abs3A_412, %select_n3A_400 : vector<16xi1>, vector<16xf32>
      %broadcast_in_dim3A_419 = arith.constant 22 : i32
      %broadcast_in_dim3A_420 = vector.broadcast %broadcast_in_dim3A_419 : i32 to vector<16xi32>
      %select_n3A_421 = arith.select %gt3A_417, %broadcast_in_dim3A_420, %select_n3A_403 : vector<16xi1>, vector<16xi32>
      %broadcast_in_dim3A_422 = arith.constant 23 : i32
      %broadcast_in_dim3A_423 = vector.broadcast %broadcast_in_dim3A_422 : i32 to vector<16xi32>
      %gather3A_424 = tpu.vector_load_idx %arg5[%add3A_22, %broadcast_in_dim3A_423] : memref<256x64xf32, #tpu.memory_space<vmem>>[vector<16xi32>, vector<16xi32>], vector<16xf32>,
      %get3A_425 = arith.constant 23 : i32
      %get3A_426 = arith.index_cast %get3A_425 : i32 to index
      %get3A_427 = arith.constant 0 : index
      %get3A_428 = tpu.vector_load %arg7[%get3A_426, %get3A_427] {strides = array<i32>} : memref<64x16xf32, #tpu.memory_space<vmem>>, vector<16xf32>,
      %add3A_429 = arith.addf %gather3A_424, %get3A_428 : vector<16xf32>
      %abs3A_430 = math.absf %add3A_429 : vector<16xf32>
      %add3A_431 = arith.constant 5888 : i32
      %add3A_432 = arith.addi %add3A_431, %mul3A_20 : i32
      %swap3A_433 = arith.index_cast %add3A_432 : i32 to index
      %swap3A_434 = tpu.vector_load %arg6[%swap3A_433] {strides = array<i32>} : memref<16384xf32, #tpu.memory_space<vmem>>, vector<16xf32>,
      tpu.vector_store %arg6[%swap3A_433], %abs3A_430 {strides = array<i32>} : memref<16384xf32, #tpu.memory_space<vmem>>, vector<16xf32>,
      %gt3A_435 = arith.cmpf ogt, %abs3A_430, %select_n3A_418 : vector<16xf32>
      %select_n3A_436 = arith.select %gt3A_435, %abs3A_430, %select_n3A_418 : vector<16xi1>, vector<16xf32>
      %broadcast_in_dim3A_437 = arith.constant 23 : i32
      %broadcast_in_dim3A_438 = vector.broadcast %broadcast_in_dim3A_437 : i32 to vector<16xi32>
      %select_n3A_439 = arith.select %gt3A_435, %broadcast_in_dim3A_438, %select_n3A_421 : vector<16xi1>, vector<16xi32>
      %broadcast_in_dim3A_440 = arith.constant 24 : i32
      %broadcast_in_dim3A_441 = vector.broadcast %broadcast_in_dim3A_440 : i32 to vector<16xi32>
      %gather3A_442 = tpu.vector_load_idx %arg5[%add3A_22, %broadcast_in_dim3A_441] : memref<256x64xf32, #tpu.memory_space<vmem>>[vector<16xi32>, vector<16xi32>], vector<16xf32>,
      %get3A_443 = arith.constant 24 : i32
      %get3A_444 = arith.index_cast %get3A_443 : i32 to index
      %get3A_445 = arith.constant 0 : index
      %get3A_446 = tpu.vector_load %arg7[%get3A_444, %get3A_445] {strides = array<i32>} : memref<64x16xf32, #tpu.memory_space<vmem>>, vector<16xf32>,
      %add3A_447 = arith.addf %gather3A_442, %get3A_446 : vector<16xf32>
      %abs3A_448 = math.absf %add3A_447 : vector<16xf32>
      %add3A_449 = arith.constant 6144 : i32
      %add3A_450 = arith.addi %add3A_449, %mul3A_20 : i32
      %swap3A_451 = arith.index_cast %add3A_450 : i32 to index
      %swap3A_452 = tpu.vector_load %arg6[%swap3A_451] {strides = array<i32>} : memref<16384xf32, #tpu.memory_space<vmem>>, vector<16xf32>,
      tpu.vector_store %arg6[%swap3A_451], %abs3A_448 {strides = array<i32>} : memref<16384xf32, #tpu.memory_space<vmem>>, vector<16xf32>,
      %broadcast_in_dim3A_453 = arith.constant 24 : i32
      %broadcast_in_dim3A_454 = vector.broadcast %broadcast_in_dim3A_453 : i32 to vector<16xi32>
      %broadcast_in_dim3A_455 = arith.constant 25 : i32
      %broadcast_in_dim3A_456 = vector.broadcast %broadcast_in_dim3A_455 : i32 to vector<16xi32>
      %gather3A_457 = tpu.vector_load_idx %arg5[%add3A_22, %broadcast_in_dim3A_456] : memref<256x64xf32, #tpu.memory_space<vmem>>[vector<16xi32>, vector<16xi32>], vector<16xf32>,
      %get3A_458 = arith.constant 25 : i32
      %get3A_459 = arith.index_cast %get3A_458 : i32 to index
      %get3A_460 = arith.constant 0 : index
      %get3A_461 = tpu.vector_load %arg7[%get3A_459, %get3A_460] {strides = array<i32>} : memref<64x16xf32, #tpu.memory_space<vmem>>, vector<16xf32>,
      %add3A_462 = arith.addf %gather3A_457, %get3A_461 : vector<16xf32>
      %abs3A_463 = math.absf %add3A_462 : vector<16xf32>
      %add3A_464 = arith.constant 6400 : i32
      %add3A_465 = arith.addi %add3A_464, %mul3A_20 : i32
      %swap3A_466 = arith.index_cast %add3A_465 : i32 to index
      %swap3A_467 = tpu.vector_load %arg6[%swap3A_466] {strides = array<i32>} : memref<16384xf32, #tpu.memory_space<vmem>>, vector<16xf32>,
      tpu.vector_store %arg6[%swap3A_466], %abs3A_463 {strides = array<i32>} : memref<16384xf32, #tpu.memory_space<vmem>>, vector<16xf32>,
      %gt3A_468 = arith.cmpf ogt, %abs3A_463, %abs3A_448 : vector<16xf32>
      %select_n3A_469 = arith.select %gt3A_468, %abs3A_463, %abs3A_448 : vector<16xi1>, vector<16xf32>
      %broadcast_in_dim3A_470 = arith.constant 25 : i32
      %broadcast_in_dim3A_471 = vector.broadcast %broadcast_in_dim3A_470 : i32 to vector<16xi32>
      %select_n3A_472 = arith.select %gt3A_468, %broadcast_in_dim3A_471, %broadcast_in_dim3A_454 : vector<16xi1>, vector<16xi32>
      %broadcast_in_dim3A_473 = arith.constant 26 : i32
      %broadcast_in_dim3A_474 = vector.broadcast %broadcast_in_dim3A_473 : i32 to vector<16xi32>
      %gather3A_475 = tpu.vector_load_idx %arg5[%add3A_22, %broadcast_in_dim3A_474] : memref<256x64xf32, #tpu.memory_space<vmem>>[vector<16xi32>, vector<16xi32>], vector<16xf32>,
      %get3A_476 = arith.constant 26 : i32
      %get3A_477 = arith.index_cast %get3A_476 : i32 to index
      %get3A_478 = arith.constant 0 : index
      %get3A_479 = tpu.vector_load %arg7[%get3A_477, %get3A_478] {strides = array<i32>} : memref<64x16xf32, #tpu.memory_space<vmem>>, vector<16xf32>,
      %add3A_480 = arith.addf %gather3A_475, %get3A_479 : vector<16xf32>
      %abs3A_481 = math.absf %add3A_480 : vector<16xf32>
      %add3A_482 = arith.constant 6656 : i32
      %add3A_483 = arith.addi %add3A_482, %mul3A_20 : i32
      %swap3A_484 = arith.index_cast %add3A_483 : i32 to index
      %swap3A_485 = tpu.vector_load %arg6[%swap3A_484] {strides = array<i32>} : memref<16384xf32, #tpu.memory_space<vmem>>, vector<16xf32>,
      tpu.vector_store %arg6[%swap3A_484], %abs3A_481 {strides = array<i32>} : memref<16384xf32, #tpu.memory_space<vmem>>, vector<16xf32>,
      %gt3A_486 = arith.cmpf ogt, %abs3A_481, %select_n3A_469 : vector<16xf32>
      %select_n3A_487 = arith.select %gt3A_486, %abs3A_481, %select_n3A_469 : vector<16xi1>, vector<16xf32>
      %broadcast_in_dim3A_488 = arith.constant 26 : i32
      %broadcast_in_dim3A_489 = vector.broadcast %broadcast_in_dim3A_488 : i32 to vector<16xi32>
      %select_n3A_490 = arith.select %gt3A_486, %broadcast_in_dim3A_489, %select_n3A_472 : vector<16xi1>, vector<16xi32>
      %broadcast_in_dim3A_491 = arith.constant 27 : i32
      %broadcast_in_dim3A_492 = vector.broadcast %broadcast_in_dim3A_491 : i32 to vector<16xi32>
      %gather3A_493 = tpu.vector_load_idx %arg5[%add3A_22, %broadcast_in_dim3A_492] : memref<256x64xf32, #tpu.memory_space<vmem>>[vector<16xi32>, vector<16xi32>], vector<16xf32>,
      %get3A_494 = arith.constant 27 : i32
      %get3A_495 = arith.index_cast %get3A_494 : i32 to index
      %get3A_496 = arith.constant 0 : index
      %get3A_497 = tpu.vector_load %arg7[%get3A_495, %get3A_496] {strides = array<i32>} : memref<64x16xf32, #tpu.memory_space<vmem>>, vector<16xf32>,
      %add3A_498 = arith.addf %gather3A_493, %get3A_497 : vector<16xf32>
      %abs3A_499 = math.absf %add3A_498 : vector<16xf32>
      %add3A_500 = arith.constant 6912 : i32
      %add3A_501 = arith.addi %add3A_500, %mul3A_20 : i32
      %swap3A_502 = arith.index_cast %add3A_501 : i32 to index
      %swap3A_503 = tpu.vector_load %arg6[%swap3A_502] {strides = array<i32>} : memref<16384xf32, #tpu.memory_space<vmem>>, vector<16xf32>,
      tpu.vector_store %arg6[%swap3A_502], %abs3A_499 {strides = array<i32>} : memref<16384xf32, #tpu.memory_space<vmem>>, vector<16xf32>,
      %gt3A_504 = arith.cmpf ogt, %abs3A_499, %select_n3A_487 : vector<16xf32>
      %select_n3A_505 = arith.select %gt3A_504, %abs3A_499, %select_n3A_487 : vector<16xi1>, vector<16xf32>
      %broadcast_in_dim3A_506 = arith.constant 27 : i32
      %broadcast_in_dim3A_507 = vector.broadcast %broadcast_in_dim3A_506 : i32 to vector<16xi32>
      %select_n3A_508 = arith.select %gt3A_504, %broadcast_in_dim3A_507, %select_n3A_490 : vector<16xi1>, vector<16xi32>
      %broadcast_in_dim3A_509 = arith.constant 28 : i32
      %broadcast_in_dim3A_510 = vector.broadcast %broadcast_in_dim3A_509 : i32 to vector<16xi32>
      %gather3A_511 = tpu.vector_load_idx %arg5[%add3A_22, %broadcast_in_dim3A_510] : memref<256x64xf32, #tpu.memory_space<vmem>>[vector<16xi32>, vector<16xi32>], vector<16xf32>,
      %get3A_512 = arith.constant 28 : i32
      %get3A_513 = arith.index_cast %get3A_512 : i32 to index
      %get3A_514 = arith.constant 0 : index
      %get3A_515 = tpu.vector_load %arg7[%get3A_513, %get3A_514] {strides = array<i32>} : memref<64x16xf32, #tpu.memory_space<vmem>>, vector<16xf32>,
      %add3A_516 = arith.addf %gather3A_511, %get3A_515 : vector<16xf32>
      %abs3A_517 = math.absf %add3A_516 : vector<16xf32>
      %add3A_518 = arith.constant 7168 : i32
      %add3A_519 = arith.addi %add3A_518, %mul3A_20 : i32
      %swap3A_520 = arith.index_cast %add3A_519 : i32 to index
      %swap3A_521 = tpu.vector_load %arg6[%swap3A_520] {strides = array<i32>} : memref<16384xf32, #tpu.memory_space<vmem>>, vector<16xf32>,
      tpu.vector_store %arg6[%swap3A_520], %abs3A_517 {strides = array<i32>} : memref<16384xf32, #tpu.memory_space<vmem>>, vector<16xf32>,
      %gt3A_522 = arith.cmpf ogt, %abs3A_517, %select_n3A_505 : vector<16xf32>
      %select_n3A_523 = arith.select %gt3A_522, %abs3A_517, %select_n3A_505 : vector<16xi1>, vector<16xf32>
      %broadcast_in_dim3A_524 = arith.constant 28 : i32
      %broadcast_in_dim3A_525 = vector.broadcast %broadcast_in_dim3A_524 : i32 to vector<16xi32>
      %select_n3A_526 = arith.select %gt3A_522, %broadcast_in_dim3A_525, %select_n3A_508 : vector<16xi1>, vector<16xi32>
      %broadcast_in_dim3A_527 = arith.constant 29 : i32
      %broadcast_in_dim3A_528 = vector.broadcast %broadcast_in_dim3A_527 : i32 to vector<16xi32>
      %gather3A_529 = tpu.vector_load_idx %arg5[%add3A_22, %broadcast_in_dim3A_528] : memref<256x64xf32, #tpu.memory_space<vmem>>[vector<16xi32>, vector<16xi32>], vector<16xf32>,
      %get3A_530 = arith.constant 29 : i32
      %get3A_531 = arith.index_cast %get3A_530 : i32 to index
      %get3A_532 = arith.constant 0 : index
      %get3A_533 = tpu.vector_load %arg7[%get3A_531, %get3A_532] {strides = array<i32>} : memref<64x16xf32, #tpu.memory_space<vmem>>, vector<16xf32>,
      %add3A_534 = arith.addf %gather3A_529, %get3A_533 : vector<16xf32>
      %abs3A_535 = math.absf %add3A_534 : vector<16xf32>
      %add3A_536 = arith.constant 7424 : i32
      %add3A_537 = arith.addi %add3A_536, %mul3A_20 : i32
      %swap3A_538 = arith.index_cast %add3A_537 : i32 to index
      %swap3A_539 = tpu.vector_load %arg6[%swap3A_538] {strides = array<i32>} : memref<16384xf32, #tpu.memory_space<vmem>>, vector<16xf32>,
      tpu.vector_store %arg6[%swap3A_538], %abs3A_535 {strides = array<i32>} : memref<16384xf32, #tpu.memory_space<vmem>>, vector<16xf32>,
      %gt3A_540 = arith.cmpf ogt, %abs3A_535, %select_n3A_523 : vector<16xf32>
      %select_n3A_541 = arith.select %gt3A_540, %abs3A_535, %select_n3A_523 : vector<16xi1>, vector<16xf32>
      %broadcast_in_dim3A_542 = arith.constant 29 : i32
      %broadcast_in_dim3A_543 = vector.broadcast %broadcast_in_dim3A_542 : i32 to vector<16xi32>
      %select_n3A_544 = arith.select %gt3A_540, %broadcast_in_dim3A_543, %select_n3A_526 : vector<16xi1>, vector<16xi32>
      %broadcast_in_dim3A_545 = arith.constant 30 : i32
      %broadcast_in_dim3A_546 = vector.broadcast %broadcast_in_dim3A_545 : i32 to vector<16xi32>
      %gather3A_547 = tpu.vector_load_idx %arg5[%add3A_22, %broadcast_in_dim3A_546] : memref<256x64xf32, #tpu.memory_space<vmem>>[vector<16xi32>, vector<16xi32>], vector<16xf32>,
      %get3A_548 = arith.constant 30 : i32
      %get3A_549 = arith.index_cast %get3A_548 : i32 to index
      %get3A_550 = arith.constant 0 : index
      %get3A_551 = tpu.vector_load %arg7[%get3A_549, %get3A_550] {strides = array<i32>} : memref<64x16xf32, #tpu.memory_space<vmem>>, vector<16xf32>,
      %add3A_552 = arith.addf %gather3A_547, %get3A_551 : vector<16xf32>
      %abs3A_553 = math.absf %add3A_552 : vector<16xf32>
      %add3A_554 = arith.constant 7680 : i32
      %add3A_555 = arith.addi %add3A_554, %mul3A_20 : i32
      %swap3A_556 = arith.index_cast %add3A_555 : i32 to index
      %swap3A_557 = tpu.vector_load %arg6[%swap3A_556] {strides = array<i32>} : memref<16384xf32, #tpu.memory_space<vmem>>, vector<16xf32>,
      tpu.vector_store %arg6[%swap3A_556], %abs3A_553 {strides = array<i32>} : memref<16384xf32, #tpu.memory_space<vmem>>, vector<16xf32>,
      %gt3A_558 = arith.cmpf ogt, %abs3A_553, %select_n3A_541 : vector<16xf32>
      %select_n3A_559 = arith.select %gt3A_558, %abs3A_553, %select_n3A_541 : vector<16xi1>, vector<16xf32>
      %broadcast_in_dim3A_560 = arith.constant 30 : i32
      %broadcast_in_dim3A_561 = vector.broadcast %broadcast_in_dim3A_560 : i32 to vector<16xi32>
      %select_n3A_562 = arith.select %gt3A_558, %broadcast_in_dim3A_561, %select_n3A_544 : vector<16xi1>, vector<16xi32>
      %broadcast_in_dim3A_563 = arith.constant 31 : i32
      %broadcast_in_dim3A_564 = vector.broadcast %broadcast_in_dim3A_563 : i32 to vector<16xi32>
      %gather3A_565 = tpu.vector_load_idx %arg5[%add3A_22, %broadcast_in_dim3A_564] : memref<256x64xf32, #tpu.memory_space<vmem>>[vector<16xi32>, vector<16xi32>], vector<16xf32>,
      %get3A_566 = arith.constant 31 : i32
      %get3A_567 = arith.index_cast %get3A_566 : i32 to index
      %get3A_568 = arith.constant 0 : index
      %get3A_569 = tpu.vector_load %arg7[%get3A_567, %get3A_568] {strides = array<i32>} : memref<64x16xf32, #tpu.memory_space<vmem>>, vector<16xf32>,
      %add3A_570 = arith.addf %gather3A_565, %get3A_569 : vector<16xf32>
      %abs3A_571 = math.absf %add3A_570 : vector<16xf32>
      %add3A_572 = arith.constant 7936 : i32
      %add3A_573 = arith.addi %add3A_572, %mul3A_20 : i32
      %swap3A_574 = arith.index_cast %add3A_573 : i32 to index
      %swap3A_575 = tpu.vector_load %arg6[%swap3A_574] {strides = array<i32>} : memref<16384xf32, #tpu.memory_space<vmem>>, vector<16xf32>,
      tpu.vector_store %arg6[%swap3A_574], %abs3A_571 {strides = array<i32>} : memref<16384xf32, #tpu.memory_space<vmem>>, vector<16xf32>,
      %gt3A_576 = arith.cmpf ogt, %abs3A_571, %select_n3A_559 : vector<16xf32>
      %select_n3A_577 = arith.select %gt3A_576, %abs3A_571, %select_n3A_559 : vector<16xi1>, vector<16xf32>
      %broadcast_in_dim3A_578 = arith.constant 31 : i32
      %broadcast_in_dim3A_579 = vector.broadcast %broadcast_in_dim3A_578 : i32 to vector<16xi32>
      %select_n3A_580 = arith.select %gt3A_576, %broadcast_in_dim3A_579, %select_n3A_562 : vector<16xi1>, vector<16xi32>
      %broadcast_in_dim3A_581 = arith.constant 32 : i32
      %broadcast_in_dim3A_582 = vector.broadcast %broadcast_in_dim3A_581 : i32 to vector<16xi32>
      %gather3A_583 = tpu.vector_load_idx %arg5[%add3A_22, %broadcast_in_dim3A_582] : memref<256x64xf32, #tpu.memory_space<vmem>>[vector<16xi32>, vector<16xi32>], vector<16xf32>,
      %get3A_584 = arith.constant 32 : i32
      %get3A_585 = arith.index_cast %get3A_584 : i32 to index
      %get3A_586 = arith.constant 0 : index
      %get3A_587 = tpu.vector_load %arg7[%get3A_585, %get3A_586] {strides = array<i32>} : memref<64x16xf32, #tpu.memory_space<vmem>>, vector<16xf32>,
      %add3A_588 = arith.addf %gather3A_583, %get3A_587 : vector<16xf32>
      %abs3A_589 = math.absf %add3A_588 : vector<16xf32>
      %add3A_590 = arith.constant 8192 : i32
      %add3A_591 = arith.addi %add3A_590, %mul3A_20 : i32
      %swap3A_592 = arith.index_cast %add3A_591 : i32 to index
      %swap3A_593 = tpu.vector_load %arg6[%swap3A_592] {strides = array<i32>} : memref<16384xf32, #tpu.memory_space<vmem>>, vector<16xf32>,
      tpu.vector_store %arg6[%swap3A_592], %abs3A_589 {strides = array<i32>} : memref<16384xf32, #tpu.memory_space<vmem>>, vector<16xf32>,
      %broadcast_in_dim3A_594 = arith.constant 32 : i32
      %broadcast_in_dim3A_595 = vector.broadcast %broadcast_in_dim3A_594 : i32 to vector<16xi32>
      %broadcast_in_dim3A_596 = arith.constant 33 : i32
      %broadcast_in_dim3A_597 = vector.broadcast %broadcast_in_dim3A_596 : i32 to vector<16xi32>
      %gather3A_598 = tpu.vector_load_idx %arg5[%add3A_22, %broadcast_in_dim3A_597] : memref<256x64xf32, #tpu.memory_space<vmem>>[vector<16xi32>, vector<16xi32>], vector<16xf32>,
      %get3A_599 = arith.constant 33 : i32
      %get3A_600 = arith.index_cast %get3A_599 : i32 to index
      %get3A_601 = arith.constant 0 : index
      %get3A_602 = tpu.vector_load %arg7[%get3A_600, %get3A_601] {strides = array<i32>} : memref<64x16xf32, #tpu.memory_space<vmem>>, vector<16xf32>,
      %add3A_603 = arith.addf %gather3A_598, %get3A_602 : vector<16xf32>
      %abs3A_604 = math.absf %add3A_603 : vector<16xf32>
      %add3A_605 = arith.constant 8448 : i32
      %add3A_606 = arith.addi %add3A_605, %mul3A_20 : i32
      %swap3A_607 = arith.index_cast %add3A_606 : i32 to index
      %swap3A_608 = tpu.vector_load %arg6[%swap3A_607] {strides = array<i32>} : memref<16384xf32, #tpu.memory_space<vmem>>, vector<16xf32>,
      tpu.vector_store %arg6[%swap3A_607], %abs3A_604 {strides = array<i32>} : memref<16384xf32, #tpu.memory_space<vmem>>, vector<16xf32>,
      %gt3A_609 = arith.cmpf ogt, %abs3A_604, %abs3A_589 : vector<16xf32>
      %select_n3A_610 = arith.select %gt3A_609, %abs3A_604, %abs3A_589 : vector<16xi1>, vector<16xf32>
      %broadcast_in_dim3A_611 = arith.constant 33 : i32
      %broadcast_in_dim3A_612 = vector.broadcast %broadcast_in_dim3A_611 : i32 to vector<16xi32>
      %select_n3A_613 = arith.select %gt3A_609, %broadcast_in_dim3A_612, %broadcast_in_dim3A_595 : vector<16xi1>, vector<16xi32>
      %broadcast_in_dim3A_614 = arith.constant 34 : i32
      %broadcast_in_dim3A_615 = vector.broadcast %broadcast_in_dim3A_614 : i32 to vector<16xi32>
      %gather3A_616 = tpu.vector_load_idx %arg5[%add3A_22, %broadcast_in_dim3A_615] : memref<256x64xf32, #tpu.memory_space<vmem>>[vector<16xi32>, vector<16xi32>], vector<16xf32>,
      %get3A_617 = arith.constant 34 : i32
      %get3A_618 = arith.index_cast %get3A_617 : i32 to index
      %get3A_619 = arith.constant 0 : index
      %get3A_620 = tpu.vector_load %arg7[%get3A_618, %get3A_619] {strides = array<i32>} : memref<64x16xf32, #tpu.memory_space<vmem>>, vector<16xf32>,
      %add3A_621 = arith.addf %gather3A_616, %get3A_620 : vector<16xf32>
      %abs3A_622 = math.absf %add3A_621 : vector<16xf32>
      %add3A_623 = arith.constant 8704 : i32
      %add3A_624 = arith.addi %add3A_623, %mul3A_20 : i32
      %swap3A_625 = arith.index_cast %add3A_624 : i32 to index
      %swap3A_626 = tpu.vector_load %arg6[%swap3A_625] {strides = array<i32>} : memref<16384xf32, #tpu.memory_space<vmem>>, vector<16xf32>,
      tpu.vector_store %arg6[%swap3A_625], %abs3A_622 {strides = array<i32>} : memref<16384xf32, #tpu.memory_space<vmem>>, vector<16xf32>,
      %gt3A_627 = arith.cmpf ogt, %abs3A_622, %select_n3A_610 : vector<16xf32>
      %select_n3A_628 = arith.select %gt3A_627, %abs3A_622, %select_n3A_610 : vector<16xi1>, vector<16xf32>
      %broadcast_in_dim3A_629 = arith.constant 34 : i32
      %broadcast_in_dim3A_630 = vector.broadcast %broadcast_in_dim3A_629 : i32 to vector<16xi32>
      %select_n3A_631 = arith.select %gt3A_627, %broadcast_in_dim3A_630, %select_n3A_613 : vector<16xi1>, vector<16xi32>
      %broadcast_in_dim3A_632 = arith.constant 35 : i32
      %broadcast_in_dim3A_633 = vector.broadcast %broadcast_in_dim3A_632 : i32 to vector<16xi32>
      %gather3A_634 = tpu.vector_load_idx %arg5[%add3A_22, %broadcast_in_dim3A_633] : memref<256x64xf32, #tpu.memory_space<vmem>>[vector<16xi32>, vector<16xi32>], vector<16xf32>,
      %get3A_635 = arith.constant 35 : i32
      %get3A_636 = arith.index_cast %get3A_635 : i32 to index
      %get3A_637 = arith.constant 0 : index
      %get3A_638 = tpu.vector_load %arg7[%get3A_636, %get3A_637] {strides = array<i32>} : memref<64x16xf32, #tpu.memory_space<vmem>>, vector<16xf32>,
      %add3A_639 = arith.addf %gather3A_634, %get3A_638 : vector<16xf32>
      %abs3A_640 = math.absf %add3A_639 : vector<16xf32>
      %add3A_641 = arith.constant 8960 : i32
      %add3A_642 = arith.addi %add3A_641, %mul3A_20 : i32
      %swap3A_643 = arith.index_cast %add3A_642 : i32 to index
      %swap3A_644 = tpu.vector_load %arg6[%swap3A_643] {strides = array<i32>} : memref<16384xf32, #tpu.memory_space<vmem>>, vector<16xf32>,
      tpu.vector_store %arg6[%swap3A_643], %abs3A_640 {strides = array<i32>} : memref<16384xf32, #tpu.memory_space<vmem>>, vector<16xf32>,
      %gt3A_645 = arith.cmpf ogt, %abs3A_640, %select_n3A_628 : vector<16xf32>
      %select_n3A_646 = arith.select %gt3A_645, %abs3A_640, %select_n3A_628 : vector<16xi1>, vector<16xf32>
      %broadcast_in_dim3A_647 = arith.constant 35 : i32
      %broadcast_in_dim3A_648 = vector.broadcast %broadcast_in_dim3A_647 : i32 to vector<16xi32>
      %select_n3A_649 = arith.select %gt3A_645, %broadcast_in_dim3A_648, %select_n3A_631 : vector<16xi1>, vector<16xi32>
      %broadcast_in_dim3A_650 = arith.constant 36 : i32
      %broadcast_in_dim3A_651 = vector.broadcast %broadcast_in_dim3A_650 : i32 to vector<16xi32>
      %gather3A_652 = tpu.vector_load_idx %arg5[%add3A_22, %broadcast_in_dim3A_651] : memref<256x64xf32, #tpu.memory_space<vmem>>[vector<16xi32>, vector<16xi32>], vector<16xf32>,
      %get3A_653 = arith.constant 36 : i32
      %get3A_654 = arith.index_cast %get3A_653 : i32 to index
      %get3A_655 = arith.constant 0 : index
      %get3A_656 = tpu.vector_load %arg7[%get3A_654, %get3A_655] {strides = array<i32>} : memref<64x16xf32, #tpu.memory_space<vmem>>, vector<16xf32>,
      %add3A_657 = arith.addf %gather3A_652, %get3A_656 : vector<16xf32>
      %abs3A_658 = math.absf %add3A_657 : vector<16xf32>
      %add3A_659 = arith.constant 9216 : i32
      %add3A_660 = arith.addi %add3A_659, %mul3A_20 : i32
      %swap3A_661 = arith.index_cast %add3A_660 : i32 to index
      %swap3A_662 = tpu.vector_load %arg6[%swap3A_661] {strides = array<i32>} : memref<16384xf32, #tpu.memory_space<vmem>>, vector<16xf32>,
      tpu.vector_store %arg6[%swap3A_661], %abs3A_658 {strides = array<i32>} : memref<16384xf32, #tpu.memory_space<vmem>>, vector<16xf32>,
      %gt3A_663 = arith.cmpf ogt, %abs3A_658, %select_n3A_646 : vector<16xf32>
      %select_n3A_664 = arith.select %gt3A_663, %abs3A_658, %select_n3A_646 : vector<16xi1>, vector<16xf32>
      %broadcast_in_dim3A_665 = arith.constant 36 : i32
      %broadcast_in_dim3A_666 = vector.broadcast %broadcast_in_dim3A_665 : i32 to vector<16xi32>
      %select_n3A_667 = arith.select %gt3A_663, %broadcast_in_dim3A_666, %select_n3A_649 : vector<16xi1>, vector<16xi32>
      %broadcast_in_dim3A_668 = arith.constant 37 : i32
      %broadcast_in_dim3A_669 = vector.broadcast %broadcast_in_dim3A_668 : i32 to vector<16xi32>
      %gather3A_670 = tpu.vector_load_idx %arg5[%add3A_22, %broadcast_in_dim3A_669] : memref<256x64xf32, #tpu.memory_space<vmem>>[vector<16xi32>, vector<16xi32>], vector<16xf32>,
      %get3A_671 = arith.constant 37 : i32
      %get3A_672 = arith.index_cast %get3A_671 : i32 to index
      %get3A_673 = arith.constant 0 : index
      %get3A_674 = tpu.vector_load %arg7[%get3A_672, %get3A_673] {strides = array<i32>} : memref<64x16xf32, #tpu.memory_space<vmem>>, vector<16xf32>,
      %add3A_675 = arith.addf %gather3A_670, %get3A_674 : vector<16xf32>
      %abs3A_676 = math.absf %add3A_675 : vector<16xf32>
      %add3A_677 = arith.constant 9472 : i32
      %add3A_678 = arith.addi %add3A_677, %mul3A_20 : i32
      %swap3A_679 = arith.index_cast %add3A_678 : i32 to index
      %swap3A_680 = tpu.vector_load %arg6[%swap3A_679] {strides = array<i32>} : memref<16384xf32, #tpu.memory_space<vmem>>, vector<16xf32>,
      tpu.vector_store %arg6[%swap3A_679], %abs3A_676 {strides = array<i32>} : memref<16384xf32, #tpu.memory_space<vmem>>, vector<16xf32>,
      %gt3A_681 = arith.cmpf ogt, %abs3A_676, %select_n3A_664 : vector<16xf32>
      %select_n3A_682 = arith.select %gt3A_681, %abs3A_676, %select_n3A_664 : vector<16xi1>, vector<16xf32>
      %broadcast_in_dim3A_683 = arith.constant 37 : i32
      %broadcast_in_dim3A_684 = vector.broadcast %broadcast_in_dim3A_683 : i32 to vector<16xi32>
      %select_n3A_685 = arith.select %gt3A_681, %broadcast_in_dim3A_684, %select_n3A_667 : vector<16xi1>, vector<16xi32>
      %broadcast_in_dim3A_686 = arith.constant 38 : i32
      %broadcast_in_dim3A_687 = vector.broadcast %broadcast_in_dim3A_686 : i32 to vector<16xi32>
      %gather3A_688 = tpu.vector_load_idx %arg5[%add3A_22, %broadcast_in_dim3A_687] : memref<256x64xf32, #tpu.memory_space<vmem>>[vector<16xi32>, vector<16xi32>], vector<16xf32>,
      %get3A_689 = arith.constant 38 : i32
      %get3A_690 = arith.index_cast %get3A_689 : i32 to index
      %get3A_691 = arith.constant 0 : index
      %get3A_692 = tpu.vector_load %arg7[%get3A_690, %get3A_691] {strides = array<i32>} : memref<64x16xf32, #tpu.memory_space<vmem>>, vector<16xf32>,
      %add3A_693 = arith.addf %gather3A_688, %get3A_692 : vector<16xf32>
      %abs3A_694 = math.absf %add3A_693 : vector<16xf32>
      %add3A_695 = arith.constant 9728 : i32
      %add3A_696 = arith.addi %add3A_695, %mul3A_20 : i32
      %swap3A_697 = arith.index_cast %add3A_696 : i32 to index
      %swap3A_698 = tpu.vector_load %arg6[%swap3A_697] {strides = array<i32>} : memref<16384xf32, #tpu.memory_space<vmem>>, vector<16xf32>,
      tpu.vector_store %arg6[%swap3A_697], %abs3A_694 {strides = array<i32>} : memref<16384xf32, #tpu.memory_space<vmem>>, vector<16xf32>,
      %gt3A_699 = arith.cmpf ogt, %abs3A_694, %select_n3A_682 : vector<16xf32>
      %select_n3A_700 = arith.select %gt3A_699, %abs3A_694, %select_n3A_682 : vector<16xi1>, vector<16xf32>
      %broadcast_in_dim3A_701 = arith.constant 38 : i32
      %broadcast_in_dim3A_702 = vector.broadcast %broadcast_in_dim3A_701 : i32 to vector<16xi32>
      %select_n3A_703 = arith.select %gt3A_699, %broadcast_in_dim3A_702, %select_n3A_685 : vector<16xi1>, vector<16xi32>
      %broadcast_in_dim3A_704 = arith.constant 39 : i32
      %broadcast_in_dim3A_705 = vector.broadcast %broadcast_in_dim3A_704 : i32 to vector<16xi32>
      %gather3A_706 = tpu.vector_load_idx %arg5[%add3A_22, %broadcast_in_dim3A_705] : memref<256x64xf32, #tpu.memory_space<vmem>>[vector<16xi32>, vector<16xi32>], vector<16xf32>,
      %get3A_707 = arith.constant 39 : i32
      %get3A_708 = arith.index_cast %get3A_707 : i32 to index
      %get3A_709 = arith.constant 0 : index
      %get3A_710 = tpu.vector_load %arg7[%get3A_708, %get3A_709] {strides = array<i32>} : memref<64x16xf32, #tpu.memory_space<vmem>>, vector<16xf32>,
      %add3A_711 = arith.addf %gather3A_706, %get3A_710 : vector<16xf32>
      %abs3A_712 = math.absf %add3A_711 : vector<16xf32>
      %add3A_713 = arith.constant 9984 : i32
      %add3A_714 = arith.addi %add3A_713, %mul3A_20 : i32
      %swap3A_715 = arith.index_cast %add3A_714 : i32 to index
      %swap3A_716 = tpu.vector_load %arg6[%swap3A_715] {strides = array<i32>} : memref<16384xf32, #tpu.memory_space<vmem>>, vector<16xf32>,
      tpu.vector_store %arg6[%swap3A_715], %abs3A_712 {strides = array<i32>} : memref<16384xf32, #tpu.memory_space<vmem>>, vector<16xf32>,
      %gt3A_717 = arith.cmpf ogt, %abs3A_712, %select_n3A_700 : vector<16xf32>
      %select_n3A_718 = arith.select %gt3A_717, %abs3A_712, %select_n3A_700 : vector<16xi1>, vector<16xf32>
      %broadcast_in_dim3A_719 = arith.constant 39 : i32
      %broadcast_in_dim3A_720 = vector.broadcast %broadcast_in_dim3A_719 : i32 to vector<16xi32>
      %select_n3A_721 = arith.select %gt3A_717, %broadcast_in_dim3A_720, %select_n3A_703 : vector<16xi1>, vector<16xi32>
      %broadcast_in_dim3A_722 = arith.constant 40 : i32
      %broadcast_in_dim3A_723 = vector.broadcast %broadcast_in_dim3A_722 : i32 to vector<16xi32>
      %gather3A_724 = tpu.vector_load_idx %arg5[%add3A_22, %broadcast_in_dim3A_723] : memref<256x64xf32, #tpu.memory_space<vmem>>[vector<16xi32>, vector<16xi32>], vector<16xf32>,
      %get3A_725 = arith.constant 40 : i32
      %get3A_726 = arith.index_cast %get3A_725 : i32 to index
      %get3A_727 = arith.constant 0 : index
      %get3A_728 = tpu.vector_load %arg7[%get3A_726, %get3A_727] {strides = array<i32>} : memref<64x16xf32, #tpu.memory_space<vmem>>, vector<16xf32>,
      %add3A_729 = arith.addf %gather3A_724, %get3A_728 : vector<16xf32>
      %abs3A_730 = math.absf %add3A_729 : vector<16xf32>
      %add3A_731 = arith.constant 10240 : i32
      %add3A_732 = arith.addi %add3A_731, %mul3A_20 : i32
      %swap3A_733 = arith.index_cast %add3A_732 : i32 to index
      %swap3A_734 = tpu.vector_load %arg6[%swap3A_733] {strides = array<i32>} : memref<16384xf32, #tpu.memory_space<vmem>>, vector<16xf32>,
      tpu.vector_store %arg6[%swap3A_733], %abs3A_730 {strides = array<i32>} : memref<16384xf32, #tpu.memory_space<vmem>>, vector<16xf32>,
      %broadcast_in_dim3A_735 = arith.constant 40 : i32
      %broadcast_in_dim3A_736 = vector.broadcast %broadcast_in_dim3A_735 : i32 to vector<16xi32>
      %broadcast_in_dim3A_737 = arith.constant 41 : i32
      %broadcast_in_dim3A_738 = vector.broadcast %broadcast_in_dim3A_737 : i32 to vector<16xi32>
      %gather3A_739 = tpu.vector_load_idx %arg5[%add3A_22, %broadcast_in_dim3A_738] : memref<256x64xf32, #tpu.memory_space<vmem>>[vector<16xi32>, vector<16xi32>], vector<16xf32>,
      %get3A_740 = arith.constant 41 : i32
      %get3A_741 = arith.index_cast %get3A_740 : i32 to index
      %get3A_742 = arith.constant 0 : index
      %get3A_743 = tpu.vector_load %arg7[%get3A_741, %get3A_742] {strides = array<i32>} : memref<64x16xf32, #tpu.memory_space<vmem>>, vector<16xf32>,
      %add3A_744 = arith.addf %gather3A_739, %get3A_743 : vector<16xf32>
      %abs3A_745 = math.absf %add3A_744 : vector<16xf32>
      %add3A_746 = arith.constant 10496 : i32
      %add3A_747 = arith.addi %add3A_746, %mul3A_20 : i32
      %swap3A_748 = arith.index_cast %add3A_747 : i32 to index
      %swap3A_749 = tpu.vector_load %arg6[%swap3A_748] {strides = array<i32>} : memref<16384xf32, #tpu.memory_space<vmem>>, vector<16xf32>,
      tpu.vector_store %arg6[%swap3A_748], %abs3A_745 {strides = array<i32>} : memref<16384xf32, #tpu.memory_space<vmem>>, vector<16xf32>,
      %gt3A_750 = arith.cmpf ogt, %abs3A_745, %abs3A_730 : vector<16xf32>
      %select_n3A_751 = arith.select %gt3A_750, %abs3A_745, %abs3A_730 : vector<16xi1>, vector<16xf32>
      %broadcast_in_dim3A_752 = arith.constant 41 : i32
      %broadcast_in_dim3A_753 = vector.broadcast %broadcast_in_dim3A_752 : i32 to vector<16xi32>
      %select_n3A_754 = arith.select %gt3A_750, %broadcast_in_dim3A_753, %broadcast_in_dim3A_736 : vector<16xi1>, vector<16xi32>
      %broadcast_in_dim3A_755 = arith.constant 42 : i32
      %broadcast_in_dim3A_756 = vector.broadcast %broadcast_in_dim3A_755 : i32 to vector<16xi32>
      %gather3A_757 = tpu.vector_load_idx %arg5[%add3A_22, %broadcast_in_dim3A_756] : memref<256x64xf32, #tpu.memory_space<vmem>>[vector<16xi32>, vector<16xi32>], vector<16xf32>,
      %get3A_758 = arith.constant 42 : i32
      %get3A_759 = arith.index_cast %get3A_758 : i32 to index
      %get3A_760 = arith.constant 0 : index
      %get3A_761 = tpu.vector_load %arg7[%get3A_759, %get3A_760] {strides = array<i32>} : memref<64x16xf32, #tpu.memory_space<vmem>>, vector<16xf32>,
      %add3A_762 = arith.addf %gather3A_757, %get3A_761 : vector<16xf32>
      %abs3A_763 = math.absf %add3A_762 : vector<16xf32>
      %add3A_764 = arith.constant 10752 : i32
      %add3A_765 = arith.addi %add3A_764, %mul3A_20 : i32
      %swap3A_766 = arith.index_cast %add3A_765 : i32 to index
      %swap3A_767 = tpu.vector_load %arg6[%swap3A_766] {strides = array<i32>} : memref<16384xf32, #tpu.memory_space<vmem>>, vector<16xf32>,
      tpu.vector_store %arg6[%swap3A_766], %abs3A_763 {strides = array<i32>} : memref<16384xf32, #tpu.memory_space<vmem>>, vector<16xf32>,
      %gt3A_768 = arith.cmpf ogt, %abs3A_763, %select_n3A_751 : vector<16xf32>
      %select_n3A_769 = arith.select %gt3A_768, %abs3A_763, %select_n3A_751 : vector<16xi1>, vector<16xf32>
      %broadcast_in_dim3A_770 = arith.constant 42 : i32
      %broadcast_in_dim3A_771 = vector.broadcast %broadcast_in_dim3A_770 : i32 to vector<16xi32>
      %select_n3A_772 = arith.select %gt3A_768, %broadcast_in_dim3A_771, %select_n3A_754 : vector<16xi1>, vector<16xi32>
      %broadcast_in_dim3A_773 = arith.constant 43 : i32
      %broadcast_in_dim3A_774 = vector.broadcast %broadcast_in_dim3A_773 : i32 to vector<16xi32>
      %gather3A_775 = tpu.vector_load_idx %arg5[%add3A_22, %broadcast_in_dim3A_774] : memref<256x64xf32, #tpu.memory_space<vmem>>[vector<16xi32>, vector<16xi32>], vector<16xf32>,
      %get3A_776 = arith.constant 43 : i32
      %get3A_777 = arith.index_cast %get3A_776 : i32 to index
      %get3A_778 = arith.constant 0 : index
      %get3A_779 = tpu.vector_load %arg7[%get3A_777, %get3A_778] {strides = array<i32>} : memref<64x16xf32, #tpu.memory_space<vmem>>, vector<16xf32>,
      %add3A_780 = arith.addf %gather3A_775, %get3A_779 : vector<16xf32>
      %abs3A_781 = math.absf %add3A_780 : vector<16xf32>
      %add3A_782 = arith.constant 11008 : i32
      %add3A_783 = arith.addi %add3A_782, %mul3A_20 : i32
      %swap3A_784 = arith.index_cast %add3A_783 : i32 to index
      %swap3A_785 = tpu.vector_load %arg6[%swap3A_784] {strides = array<i32>} : memref<16384xf32, #tpu.memory_space<vmem>>, vector<16xf32>,
      tpu.vector_store %arg6[%swap3A_784], %abs3A_781 {strides = array<i32>} : memref<16384xf32, #tpu.memory_space<vmem>>, vector<16xf32>,
      %gt3A_786 = arith.cmpf ogt, %abs3A_781, %select_n3A_769 : vector<16xf32>
      %select_n3A_787 = arith.select %gt3A_786, %abs3A_781, %select_n3A_769 : vector<16xi1>, vector<16xf32>
      %broadcast_in_dim3A_788 = arith.constant 43 : i32
      %broadcast_in_dim3A_789 = vector.broadcast %broadcast_in_dim3A_788 : i32 to vector<16xi32>
      %select_n3A_790 = arith.select %gt3A_786, %broadcast_in_dim3A_789, %select_n3A_772 : vector<16xi1>, vector<16xi32>
      %broadcast_in_dim3A_791 = arith.constant 44 : i32
      %broadcast_in_dim3A_792 = vector.broadcast %broadcast_in_dim3A_791 : i32 to vector<16xi32>
      %gather3A_793 = tpu.vector_load_idx %arg5[%add3A_22, %broadcast_in_dim3A_792] : memref<256x64xf32, #tpu.memory_space<vmem>>[vector<16xi32>, vector<16xi32>], vector<16xf32>,
      %get3A_794 = arith.constant 44 : i32
      %get3A_795 = arith.index_cast %get3A_794 : i32 to index
      %get3A_796 = arith.constant 0 : index
      %get3A_797 = tpu.vector_load %arg7[%get3A_795, %get3A_796] {strides = array<i32>} : memref<64x16xf32, #tpu.memory_space<vmem>>, vector<16xf32>,
      %add3A_798 = arith.addf %gather3A_793, %get3A_797 : vector<16xf32>
      %abs3A_799 = math.absf %add3A_798 : vector<16xf32>
      %add3A_800 = arith.constant 11264 : i32
      %add3A_801 = arith.addi %add3A_800, %mul3A_20 : i32
      %swap3A_802 = arith.index_cast %add3A_801 : i32 to index
      %swap3A_803 = tpu.vector_load %arg6[%swap3A_802] {strides = array<i32>} : memref<16384xf32, #tpu.memory_space<vmem>>, vector<16xf32>,
      tpu.vector_store %arg6[%swap3A_802], %abs3A_799 {strides = array<i32>} : memref<16384xf32, #tpu.memory_space<vmem>>, vector<16xf32>,
      %gt3A_804 = arith.cmpf ogt, %abs3A_799, %select_n3A_787 : vector<16xf32>
      %select_n3A_805 = arith.select %gt3A_804, %abs3A_799, %select_n3A_787 : vector<16xi1>, vector<16xf32>
      %broadcast_in_dim3A_806 = arith.constant 44 : i32
      %broadcast_in_dim3A_807 = vector.broadcast %broadcast_in_dim3A_806 : i32 to vector<16xi32>
      %select_n3A_808 = arith.select %gt3A_804, %broadcast_in_dim3A_807, %select_n3A_790 : vector<16xi1>, vector<16xi32>
      %broadcast_in_dim3A_809 = arith.constant 45 : i32
      %broadcast_in_dim3A_810 = vector.broadcast %broadcast_in_dim3A_809 : i32 to vector<16xi32>
      %gather3A_811 = tpu.vector_load_idx %arg5[%add3A_22, %broadcast_in_dim3A_810] : memref<256x64xf32, #tpu.memory_space<vmem>>[vector<16xi32>, vector<16xi32>], vector<16xf32>,
      %get3A_812 = arith.constant 45 : i32
      %get3A_813 = arith.index_cast %get3A_812 : i32 to index
      %get3A_814 = arith.constant 0 : index
      %get3A_815 = tpu.vector_load %arg7[%get3A_813, %get3A_814] {strides = array<i32>} : memref<64x16xf32, #tpu.memory_space<vmem>>, vector<16xf32>,
      %add3A_816 = arith.addf %gather3A_811, %get3A_815 : vector<16xf32>
      %abs3A_817 = math.absf %add3A_816 : vector<16xf32>
      %add3A_818 = arith.constant 11520 : i32
      %add3A_819 = arith.addi %add3A_818, %mul3A_20 : i32
      %swap3A_820 = arith.index_cast %add3A_819 : i32 to index
      %swap3A_821 = tpu.vector_load %arg6[%swap3A_820] {strides = array<i32>} : memref<16384xf32, #tpu.memory_space<vmem>>, vector<16xf32>,
      tpu.vector_store %arg6[%swap3A_820], %abs3A_817 {strides = array<i32>} : memref<16384xf32, #tpu.memory_space<vmem>>, vector<16xf32>,
      %gt3A_822 = arith.cmpf ogt, %abs3A_817, %select_n3A_805 : vector<16xf32>
      %select_n3A_823 = arith.select %gt3A_822, %abs3A_817, %select_n3A_805 : vector<16xi1>, vector<16xf32>
      %broadcast_in_dim3A_824 = arith.constant 45 : i32
      %broadcast_in_dim3A_825 = vector.broadcast %broadcast_in_dim3A_824 : i32 to vector<16xi32>
      %select_n3A_826 = arith.select %gt3A_822, %broadcast_in_dim3A_825, %select_n3A_808 : vector<16xi1>, vector<16xi32>
      %broadcast_in_dim3A_827 = arith.constant 46 : i32
      %broadcast_in_dim3A_828 = vector.broadcast %broadcast_in_dim3A_827 : i32 to vector<16xi32>
      %gather3A_829 = tpu.vector_load_idx %arg5[%add3A_22, %broadcast_in_dim3A_828] : memref<256x64xf32, #tpu.memory_space<vmem>>[vector<16xi32>, vector<16xi32>], vector<16xf32>,
      %get3A_830 = arith.constant 46 : i32
      %get3A_831 = arith.index_cast %get3A_830 : i32 to index
      %get3A_832 = arith.constant 0 : index
      %get3A_833 = tpu.vector_load %arg7[%get3A_831, %get3A_832] {strides = array<i32>} : memref<64x16xf32, #tpu.memory_space<vmem>>, vector<16xf32>,
      %add3A_834 = arith.addf %gather3A_829, %get3A_833 : vector<16xf32>
      %abs3A_835 = math.absf %add3A_834 : vector<16xf32>
      %add3A_836 = arith.constant 11776 : i32
      %add3A_837 = arith.addi %add3A_836, %mul3A_20 : i32
      %swap3A_838 = arith.index_cast %add3A_837 : i32 to index
      %swap3A_839 = tpu.vector_load %arg6[%swap3A_838] {strides = array<i32>} : memref<16384xf32, #tpu.memory_space<vmem>>, vector<16xf32>,
      tpu.vector_store %arg6[%swap3A_838], %abs3A_835 {strides = array<i32>} : memref<16384xf32, #tpu.memory_space<vmem>>, vector<16xf32>,
      %gt3A_840 = arith.cmpf ogt, %abs3A_835, %select_n3A_823 : vector<16xf32>
      %select_n3A_841 = arith.select %gt3A_840, %abs3A_835, %select_n3A_823 : vector<16xi1>, vector<16xf32>
      %broadcast_in_dim3A_842 = arith.constant 46 : i32
      %broadcast_in_dim3A_843 = vector.broadcast %broadcast_in_dim3A_842 : i32 to vector<16xi32>
      %select_n3A_844 = arith.select %gt3A_840, %broadcast_in_dim3A_843, %select_n3A_826 : vector<16xi1>, vector<16xi32>
      %broadcast_in_dim3A_845 = arith.constant 47 : i32
      %broadcast_in_dim3A_846 = vector.broadcast %broadcast_in_dim3A_845 : i32 to vector<16xi32>
      %gather3A_847 = tpu.vector_load_idx %arg5[%add3A_22, %broadcast_in_dim3A_846] : memref<256x64xf32, #tpu.memory_space<vmem>>[vector<16xi32>, vector<16xi32>], vector<16xf32>,
      %get3A_848 = arith.constant 47 : i32
      %get3A_849 = arith.index_cast %get3A_848 : i32 to index
      %get3A_850 = arith.constant 0 : index
      %get3A_851 = tpu.vector_load %arg7[%get3A_849, %get3A_850] {strides = array<i32>} : memref<64x16xf32, #tpu.memory_space<vmem>>, vector<16xf32>,
      %add3A_852 = arith.addf %gather3A_847, %get3A_851 : vector<16xf32>
      %abs3A_853 = math.absf %add3A_852 : vector<16xf32>
      %add3A_854 = arith.constant 12032 : i32
      %add3A_855 = arith.addi %add3A_854, %mul3A_20 : i32
      %swap3A_856 = arith.index_cast %add3A_855 : i32 to index
      %swap3A_857 = tpu.vector_load %arg6[%swap3A_856] {strides = array<i32>} : memref<16384xf32, #tpu.memory_space<vmem>>, vector<16xf32>,
      tpu.vector_store %arg6[%swap3A_856], %abs3A_853 {strides = array<i32>} : memref<16384xf32, #tpu.memory_space<vmem>>, vector<16xf32>,
      %gt3A_858 = arith.cmpf ogt, %abs3A_853, %select_n3A_841 : vector<16xf32>
      %select_n3A_859 = arith.select %gt3A_858, %abs3A_853, %select_n3A_841 : vector<16xi1>, vector<16xf32>
      %broadcast_in_dim3A_860 = arith.constant 47 : i32
      %broadcast_in_dim3A_861 = vector.broadcast %broadcast_in_dim3A_860 : i32 to vector<16xi32>
      %select_n3A_862 = arith.select %gt3A_858, %broadcast_in_dim3A_861, %select_n3A_844 : vector<16xi1>, vector<16xi32>
      %broadcast_in_dim3A_863 = arith.constant 48 : i32
      %broadcast_in_dim3A_864 = vector.broadcast %broadcast_in_dim3A_863 : i32 to vector<16xi32>
      %gather3A_865 = tpu.vector_load_idx %arg5[%add3A_22, %broadcast_in_dim3A_864] : memref<256x64xf32, #tpu.memory_space<vmem>>[vector<16xi32>, vector<16xi32>], vector<16xf32>,
      %get3A_866 = arith.constant 48 : i32
      %get3A_867 = arith.index_cast %get3A_866 : i32 to index
      %get3A_868 = arith.constant 0 : index
      %get3A_869 = tpu.vector_load %arg7[%get3A_867, %get3A_868] {strides = array<i32>} : memref<64x16xf32, #tpu.memory_space<vmem>>, vector<16xf32>,
      %add3A_870 = arith.addf %gather3A_865, %get3A_869 : vector<16xf32>
      %abs3A_871 = math.absf %add3A_870 : vector<16xf32>
      %add3A_872 = arith.constant 12288 : i32
      %add3A_873 = arith.addi %add3A_872, %mul3A_20 : i32
      %swap3A_874 = arith.index_cast %add3A_873 : i32 to index
      %swap3A_875 = tpu.vector_load %arg6[%swap3A_874] {strides = array<i32>} : memref<16384xf32, #tpu.memory_space<vmem>>, vector<16xf32>,
      tpu.vector_store %arg6[%swap3A_874], %abs3A_871 {strides = array<i32>} : memref<16384xf32, #tpu.memory_space<vmem>>, vector<16xf32>,
      %broadcast_in_dim3A_876 = arith.constant 48 : i32
      %broadcast_in_dim3A_877 = vector.broadcast %broadcast_in_dim3A_876 : i32 to vector<16xi32>
      %broadcast_in_dim3A_878 = arith.constant 49 : i32
      %broadcast_in_dim3A_879 = vector.broadcast %broadcast_in_dim3A_878 : i32 to vector<16xi32>
      %gather3A_880 = tpu.vector_load_idx %arg5[%add3A_22, %broadcast_in_dim3A_879] : memref<256x64xf32, #tpu.memory_space<vmem>>[vector<16xi32>, vector<16xi32>], vector<16xf32>,
      %get3A_881 = arith.constant 49 : i32
      %get3A_882 = arith.index_cast %get3A_881 : i32 to index
      %get3A_883 = arith.constant 0 : index
      %get3A_884 = tpu.vector_load %arg7[%get3A_882, %get3A_883] {strides = array<i32>} : memref<64x16xf32, #tpu.memory_space<vmem>>, vector<16xf32>,
      %add3A_885 = arith.addf %gather3A_880, %get3A_884 : vector<16xf32>
      %abs3A_886 = math.absf %add3A_885 : vector<16xf32>
      %add3A_887 = arith.constant 12544 : i32
      %add3A_888 = arith.addi %add3A_887, %mul3A_20 : i32
      %swap3A_889 = arith.index_cast %add3A_888 : i32 to index
      %swap3A_890 = tpu.vector_load %arg6[%swap3A_889] {strides = array<i32>} : memref<16384xf32, #tpu.memory_space<vmem>>, vector<16xf32>,
      tpu.vector_store %arg6[%swap3A_889], %abs3A_886 {strides = array<i32>} : memref<16384xf32, #tpu.memory_space<vmem>>, vector<16xf32>,
      %gt3A_891 = arith.cmpf ogt, %abs3A_886, %abs3A_871 : vector<16xf32>
      %select_n3A_892 = arith.select %gt3A_891, %abs3A_886, %abs3A_871 : vector<16xi1>, vector<16xf32>
      %broadcast_in_dim3A_893 = arith.constant 49 : i32
      %broadcast_in_dim3A_894 = vector.broadcast %broadcast_in_dim3A_893 : i32 to vector<16xi32>
      %select_n3A_895 = arith.select %gt3A_891, %broadcast_in_dim3A_894, %broadcast_in_dim3A_877 : vector<16xi1>, vector<16xi32>
      %broadcast_in_dim3A_896 = arith.constant 50 : i32
      %broadcast_in_dim3A_897 = vector.broadcast %broadcast_in_dim3A_896 : i32 to vector<16xi32>
      %gather3A_898 = tpu.vector_load_idx %arg5[%add3A_22, %broadcast_in_dim3A_897] : memref<256x64xf32, #tpu.memory_space<vmem>>[vector<16xi32>, vector<16xi32>], vector<16xf32>,
      %get3A_899 = arith.constant 50 : i32
      %get3A_900 = arith.index_cast %get3A_899 : i32 to index
      %get3A_901 = arith.constant 0 : index
      %get3A_902 = tpu.vector_load %arg7[%get3A_900, %get3A_901] {strides = array<i32>} : memref<64x16xf32, #tpu.memory_space<vmem>>, vector<16xf32>,
      %add3A_903 = arith.addf %gather3A_898, %get3A_902 : vector<16xf32>
      %abs3A_904 = math.absf %add3A_903 : vector<16xf32>
      %add3A_905 = arith.constant 12800 : i32
      %add3A_906 = arith.addi %add3A_905, %mul3A_20 : i32
      %swap3A_907 = arith.index_cast %add3A_906 : i32 to index
      %swap3A_908 = tpu.vector_load %arg6[%swap3A_907] {strides = array<i32>} : memref<16384xf32, #tpu.memory_space<vmem>>, vector<16xf32>,
      tpu.vector_store %arg6[%swap3A_907], %abs3A_904 {strides = array<i32>} : memref<16384xf32, #tpu.memory_space<vmem>>, vector<16xf32>,
      %gt3A_909 = arith.cmpf ogt, %abs3A_904, %select_n3A_892 : vector<16xf32>
      %select_n3A_910 = arith.select %gt3A_909, %abs3A_904, %select_n3A_892 : vector<16xi1>, vector<16xf32>
      %broadcast_in_dim3A_911 = arith.constant 50 : i32
      %broadcast_in_dim3A_912 = vector.broadcast %broadcast_in_dim3A_911 : i32 to vector<16xi32>
      %select_n3A_913 = arith.select %gt3A_909, %broadcast_in_dim3A_912, %select_n3A_895 : vector<16xi1>, vector<16xi32>
      %broadcast_in_dim3A_914 = arith.constant 51 : i32
      %broadcast_in_dim3A_915 = vector.broadcast %broadcast_in_dim3A_914 : i32 to vector<16xi32>
      %gather3A_916 = tpu.vector_load_idx %arg5[%add3A_22, %broadcast_in_dim3A_915] : memref<256x64xf32, #tpu.memory_space<vmem>>[vector<16xi32>, vector<16xi32>], vector<16xf32>,
      %get3A_917 = arith.constant 51 : i32
      %get3A_918 = arith.index_cast %get3A_917 : i32 to index
      %get3A_919 = arith.constant 0 : index
      %get3A_920 = tpu.vector_load %arg7[%get3A_918, %get3A_919] {strides = array<i32>} : memref<64x16xf32, #tpu.memory_space<vmem>>, vector<16xf32>,
      %add3A_921 = arith.addf %gather3A_916, %get3A_920 : vector<16xf32>
      %abs3A_922 = math.absf %add3A_921 : vector<16xf32>
      %add3A_923 = arith.constant 13056 : i32
      %add3A_924 = arith.addi %add3A_923, %mul3A_20 : i32
      %swap3A_925 = arith.index_cast %add3A_924 : i32 to index
      %swap3A_926 = tpu.vector_load %arg6[%swap3A_925] {strides = array<i32>} : memref<16384xf32, #tpu.memory_space<vmem>>, vector<16xf32>,
      tpu.vector_store %arg6[%swap3A_925], %abs3A_922 {strides = array<i32>} : memref<16384xf32, #tpu.memory_space<vmem>>, vector<16xf32>,
      %gt3A_927 = arith.cmpf ogt, %abs3A_922, %select_n3A_910 : vector<16xf32>
      %select_n3A_928 = arith.select %gt3A_927, %abs3A_922, %select_n3A_910 : vector<16xi1>, vector<16xf32>
      %broadcast_in_dim3A_929 = arith.constant 51 : i32
      %broadcast_in_dim3A_930 = vector.broadcast %broadcast_in_dim3A_929 : i32 to vector<16xi32>
      %select_n3A_931 = arith.select %gt3A_927, %broadcast_in_dim3A_930, %select_n3A_913 : vector<16xi1>, vector<16xi32>
      %broadcast_in_dim3A_932 = arith.constant 52 : i32
      %broadcast_in_dim3A_933 = vector.broadcast %broadcast_in_dim3A_932 : i32 to vector<16xi32>
      %gather3A_934 = tpu.vector_load_idx %arg5[%add3A_22, %broadcast_in_dim3A_933] : memref<256x64xf32, #tpu.memory_space<vmem>>[vector<16xi32>, vector<16xi32>], vector<16xf32>,
      %get3A_935 = arith.constant 52 : i32
      %get3A_936 = arith.index_cast %get3A_935 : i32 to index
      %get3A_937 = arith.constant 0 : index
      %get3A_938 = tpu.vector_load %arg7[%get3A_936, %get3A_937] {strides = array<i32>} : memref<64x16xf32, #tpu.memory_space<vmem>>, vector<16xf32>,
      %add3A_939 = arith.addf %gather3A_934, %get3A_938 : vector<16xf32>
      %abs3A_940 = math.absf %add3A_939 : vector<16xf32>
      %add3A_941 = arith.constant 13312 : i32
      %add3A_942 = arith.addi %add3A_941, %mul3A_20 : i32
      %swap3A_943 = arith.index_cast %add3A_942 : i32 to index
      %swap3A_944 = tpu.vector_load %arg6[%swap3A_943] {strides = array<i32>} : memref<16384xf32, #tpu.memory_space<vmem>>, vector<16xf32>,
      tpu.vector_store %arg6[%swap3A_943], %abs3A_940 {strides = array<i32>} : memref<16384xf32, #tpu.memory_space<vmem>>, vector<16xf32>,
      %gt3A_945 = arith.cmpf ogt, %abs3A_940, %select_n3A_928 : vector<16xf32>
      %select_n3A_946 = arith.select %gt3A_945, %abs3A_940, %select_n3A_928 : vector<16xi1>, vector<16xf32>
      %broadcast_in_dim3A_947 = arith.constant 52 : i32
      %broadcast_in_dim3A_948 = vector.broadcast %broadcast_in_dim3A_947 : i32 to vector<16xi32>
      %select_n3A_949 = arith.select %gt3A_945, %broadcast_in_dim3A_948, %select_n3A_931 : vector<16xi1>, vector<16xi32>
      %broadcast_in_dim3A_950 = arith.constant 53 : i32
      %broadcast_in_dim3A_951 = vector.broadcast %broadcast_in_dim3A_950 : i32 to vector<16xi32>
      %gather3A_952 = tpu.vector_load_idx %arg5[%add3A_22, %broadcast_in_dim3A_951] : memref<256x64xf32, #tpu.memory_space<vmem>>[vector<16xi32>, vector<16xi32>], vector<16xf32>,
      %get3A_953 = arith.constant 53 : i32
      %get3A_954 = arith.index_cast %get3A_953 : i32 to index
      %get3A_955 = arith.constant 0 : index
      %get3A_956 = tpu.vector_load %arg7[%get3A_954, %get3A_955] {strides = array<i32>} : memref<64x16xf32, #tpu.memory_space<vmem>>, vector<16xf32>,
      %add3A_957 = arith.addf %gather3A_952, %get3A_956 : vector<16xf32>
      %abs3A_958 = math.absf %add3A_957 : vector<16xf32>
      %add3A_959 = arith.constant 13568 : i32
      %add3A_960 = arith.addi %add3A_959, %mul3A_20 : i32
      %swap3A_961 = arith.index_cast %add3A_960 : i32 to index
      %swap3A_962 = tpu.vector_load %arg6[%swap3A_961] {strides = array<i32>} : memref<16384xf32, #tpu.memory_space<vmem>>, vector<16xf32>,
      tpu.vector_store %arg6[%swap3A_961], %abs3A_958 {strides = array<i32>} : memref<16384xf32, #tpu.memory_space<vmem>>, vector<16xf32>,
      %gt3A_963 = arith.cmpf ogt, %abs3A_958, %select_n3A_946 : vector<16xf32>
      %select_n3A_964 = arith.select %gt3A_963, %abs3A_958, %select_n3A_946 : vector<16xi1>, vector<16xf32>
      %broadcast_in_dim3A_965 = arith.constant 53 : i32
      %broadcast_in_dim3A_966 = vector.broadcast %broadcast_in_dim3A_965 : i32 to vector<16xi32>
      %select_n3A_967 = arith.select %gt3A_963, %broadcast_in_dim3A_966, %select_n3A_949 : vector<16xi1>, vector<16xi32>
      %broadcast_in_dim3A_968 = arith.constant 54 : i32
      %broadcast_in_dim3A_969 = vector.broadcast %broadcast_in_dim3A_968 : i32 to vector<16xi32>
      %gather3A_970 = tpu.vector_load_idx %arg5[%add3A_22, %broadcast_in_dim3A_969] : memref<256x64xf32, #tpu.memory_space<vmem>>[vector<16xi32>, vector<16xi32>], vector<16xf32>,
      %get3A_971 = arith.constant 54 : i32
      %get3A_972 = arith.index_cast %get3A_971 : i32 to index
      %get3A_973 = arith.constant 0 : index
      %get3A_974 = tpu.vector_load %arg7[%get3A_972, %get3A_973] {strides = array<i32>} : memref<64x16xf32, #tpu.memory_space<vmem>>, vector<16xf32>,
      %add3A_975 = arith.addf %gather3A_970, %get3A_974 : vector<16xf32>
      %abs3A_976 = math.absf %add3A_975 : vector<16xf32>
      %add3A_977 = arith.constant 13824 : i32
      %add3A_978 = arith.addi %add3A_977, %mul3A_20 : i32
      %swap3A_979 = arith.index_cast %add3A_978 : i32 to index
      %swap3A_980 = tpu.vector_load %arg6[%swap3A_979] {strides = array<i32>} : memref<16384xf32, #tpu.memory_space<vmem>>, vector<16xf32>,
      tpu.vector_store %arg6[%swap3A_979], %abs3A_976 {strides = array<i32>} : memref<16384xf32, #tpu.memory_space<vmem>>, vector<16xf32>,
      %gt3A_981 = arith.cmpf ogt, %abs3A_976, %select_n3A_964 : vector<16xf32>
      %select_n3A_982 = arith.select %gt3A_981, %abs3A_976, %select_n3A_964 : vector<16xi1>, vector<16xf32>
      %broadcast_in_dim3A_983 = arith.constant 54 : i32
      %broadcast_in_dim3A_984 = vector.broadcast %broadcast_in_dim3A_983 : i32 to vector<16xi32>
      %select_n3A_985 = arith.select %gt3A_981, %broadcast_in_dim3A_984, %select_n3A_967 : vector<16xi1>, vector<16xi32>
      %broadcast_in_dim3A_986 = arith.constant 55 : i32
      %broadcast_in_dim3A_987 = vector.broadcast %broadcast_in_dim3A_986 : i32 to vector<16xi32>
      %gather3A_988 = tpu.vector_load_idx %arg5[%add3A_22, %broadcast_in_dim3A_987] : memref<256x64xf32, #tpu.memory_space<vmem>>[vector<16xi32>, vector<16xi32>], vector<16xf32>,
      %get3A_989 = arith.constant 55 : i32
      %get3A_990 = arith.index_cast %get3A_989 : i32 to index
      %get3A_991 = arith.constant 0 : index
      %get3A_992 = tpu.vector_load %arg7[%get3A_990, %get3A_991] {strides = array<i32>} : memref<64x16xf32, #tpu.memory_space<vmem>>, vector<16xf32>,
      %add3A_993 = arith.addf %gather3A_988, %get3A_992 : vector<16xf32>
      %abs3A_994 = math.absf %add3A_993 : vector<16xf32>
      %add3A_995 = arith.constant 14080 : i32
      %add3A_996 = arith.addi %add3A_995, %mul3A_20 : i32
      %swap3A_997 = arith.index_cast %add3A_996 : i32 to index
      %swap3A_998 = tpu.vector_load %arg6[%swap3A_997] {strides = array<i32>} : memref<16384xf32, #tpu.memory_space<vmem>>, vector<16xf32>,
      tpu.vector_store %arg6[%swap3A_997], %abs3A_994 {strides = array<i32>} : memref<16384xf32, #tpu.memory_space<vmem>>, vector<16xf32>,
      %gt3A_999 = arith.cmpf ogt, %abs3A_994, %select_n3A_982 : vector<16xf32>
      %select_n3A_1000 = arith.select %gt3A_999, %abs3A_994, %select_n3A_982 : vector<16xi1>, vector<16xf32>
      %broadcast_in_dim3A_1001 = arith.constant 55 : i32
      %broadcast_in_dim3A_1002 = vector.broadcast %broadcast_in_dim3A_1001 : i32 to vector<16xi32>
      %select_n3A_1003 = arith.select %gt3A_999, %broadcast_in_dim3A_1002, %select_n3A_985 : vector<16xi1>, vector<16xi32>
      %broadcast_in_dim3A_1004 = arith.constant 56 : i32
      %broadcast_in_dim3A_1005 = vector.broadcast %broadcast_in_dim3A_1004 : i32 to vector<16xi32>
      %gather3A_1006 = tpu.vector_load_idx %arg5[%add3A_22, %broadcast_in_dim3A_1005] : memref<256x64xf32, #tpu.memory_space<vmem>>[vector<16xi32>, vector<16xi32>], vector<16xf32>,
      %get3A_1007 = arith.constant 56 : i32
      %get3A_1008 = arith.index_cast %get3A_1007 : i32 to index
      %get3A_1009 = arith.constant 0 : index
      %get3A_1010 = tpu.vector_load %arg7[%get3A_1008, %get3A_1009] {strides = array<i32>} : memref<64x16xf32, #tpu.memory_space<vmem>>, vector<16xf32>,
      %add3A_1011 = arith.addf %gather3A_1006, %get3A_1010 : vector<16xf32>
      %abs3A_1012 = math.absf %add3A_1011 : vector<16xf32>
      %add3A_1013 = arith.constant 14336 : i32
      %add3A_1014 = arith.addi %add3A_1013, %mul3A_20 : i32
      %swap3A_1015 = arith.index_cast %add3A_1014 : i32 to index
      %swap3A_1016 = tpu.vector_load %arg6[%swap3A_1015] {strides = array<i32>} : memref<16384xf32, #tpu.memory_space<vmem>>, vector<16xf32>,
      tpu.vector_store %arg6[%swap3A_1015], %abs3A_1012 {strides = array<i32>} : memref<16384xf32, #tpu.memory_space<vmem>>, vector<16xf32>,
      %broadcast_in_dim3A_1017 = arith.constant 56 : i32
      %broadcast_in_dim3A_1018 = vector.broadcast %broadcast_in_dim3A_1017 : i32 to vector<16xi32>
      %broadcast_in_dim3A_1019 = arith.constant 57 : i32
      %broadcast_in_dim3A_1020 = vector.broadcast %broadcast_in_dim3A_1019 : i32 to vector<16xi32>
      %gather3A_1021 = tpu.vector_load_idx %arg5[%add3A_22, %broadcast_in_dim3A_1020] : memref<256x64xf32, #tpu.memory_space<vmem>>[vector<16xi32>, vector<16xi32>], vector<16xf32>,
      %get3A_1022 = arith.constant 57 : i32
      %get3A_1023 = arith.index_cast %get3A_1022 : i32 to index
      %get3A_1024 = arith.constant 0 : index
      %get3A_1025 = tpu.vector_load %arg7[%get3A_1023, %get3A_1024] {strides = array<i32>} : memref<64x16xf32, #tpu.memory_space<vmem>>, vector<16xf32>,
      %add3A_1026 = arith.addf %gather3A_1021, %get3A_1025 : vector<16xf32>
      %abs3A_1027 = math.absf %add3A_1026 : vector<16xf32>
      %add3A_1028 = arith.constant 14592 : i32
      %add3A_1029 = arith.addi %add3A_1028, %mul3A_20 : i32
      %swap3A_1030 = arith.index_cast %add3A_1029 : i32 to index
      %swap3A_1031 = tpu.vector_load %arg6[%swap3A_1030] {strides = array<i32>} : memref<16384xf32, #tpu.memory_space<vmem>>, vector<16xf32>,
      tpu.vector_store %arg6[%swap3A_1030], %abs3A_1027 {strides = array<i32>} : memref<16384xf32, #tpu.memory_space<vmem>>, vector<16xf32>,
      %gt3A_1032 = arith.cmpf ogt, %abs3A_1027, %abs3A_1012 : vector<16xf32>
      %select_n3A_1033 = arith.select %gt3A_1032, %abs3A_1027, %abs3A_1012 : vector<16xi1>, vector<16xf32>
      %broadcast_in_dim3A_1034 = arith.constant 57 : i32
      %broadcast_in_dim3A_1035 = vector.broadcast %broadcast_in_dim3A_1034 : i32 to vector<16xi32>
      %select_n3A_1036 = arith.select %gt3A_1032, %broadcast_in_dim3A_1035, %broadcast_in_dim3A_1018 : vector<16xi1>, vector<16xi32>
      %broadcast_in_dim3A_1037 = arith.constant 58 : i32
      %broadcast_in_dim3A_1038 = vector.broadcast %broadcast_in_dim3A_1037 : i32 to vector<16xi32>
      %gather3A_1039 = tpu.vector_load_idx %arg5[%add3A_22, %broadcast_in_dim3A_1038] : memref<256x64xf32, #tpu.memory_space<vmem>>[vector<16xi32>, vector<16xi32>], vector<16xf32>,
      %get3A_1040 = arith.constant 58 : i32
      %get3A_1041 = arith.index_cast %get3A_1040 : i32 to index
      %get3A_1042 = arith.constant 0 : index
      %get3A_1043 = tpu.vector_load %arg7[%get3A_1041, %get3A_1042] {strides = array<i32>} : memref<64x16xf32, #tpu.memory_space<vmem>>, vector<16xf32>,
      %add3A_1044 = arith.addf %gather3A_1039, %get3A_1043 : vector<16xf32>
      %abs3A_1045 = math.absf %add3A_1044 : vector<16xf32>
      %add3A_1046 = arith.constant 14848 : i32
      %add3A_1047 = arith.addi %add3A_1046, %mul3A_20 : i32
      %swap3A_1048 = arith.index_cast %add3A_1047 : i32 to index
      %swap3A_1049 = tpu.vector_load %arg6[%swap3A_1048] {strides = array<i32>} : memref<16384xf32, #tpu.memory_space<vmem>>, vector<16xf32>,
      tpu.vector_store %arg6[%swap3A_1048], %abs3A_1045 {strides = array<i32>} : memref<16384xf32, #tpu.memory_space<vmem>>, vector<16xf32>,
      %gt3A_1050 = arith.cmpf ogt, %abs3A_1045, %select_n3A_1033 : vector<16xf32>
      %select_n3A_1051 = arith.select %gt3A_1050, %abs3A_1045, %select_n3A_1033 : vector<16xi1>, vector<16xf32>
      %broadcast_in_dim3A_1052 = arith.constant 58 : i32
      %broadcast_in_dim3A_1053 = vector.broadcast %broadcast_in_dim3A_1052 : i32 to vector<16xi32>
      %select_n3A_1054 = arith.select %gt3A_1050, %broadcast_in_dim3A_1053, %select_n3A_1036 : vector<16xi1>, vector<16xi32>
      %broadcast_in_dim3A_1055 = arith.constant 59 : i32
      %broadcast_in_dim3A_1056 = vector.broadcast %broadcast_in_dim3A_1055 : i32 to vector<16xi32>
      %gather3A_1057 = tpu.vector_load_idx %arg5[%add3A_22, %broadcast_in_dim3A_1056] : memref<256x64xf32, #tpu.memory_space<vmem>>[vector<16xi32>, vector<16xi32>], vector<16xf32>,
      %get3A_1058 = arith.constant 59 : i32
      %get3A_1059 = arith.index_cast %get3A_1058 : i32 to index
      %get3A_1060 = arith.constant 0 : index
      %get3A_1061 = tpu.vector_load %arg7[%get3A_1059, %get3A_1060] {strides = array<i32>} : memref<64x16xf32, #tpu.memory_space<vmem>>, vector<16xf32>,
      %add3A_1062 = arith.addf %gather3A_1057, %get3A_1061 : vector<16xf32>
      %abs3A_1063 = math.absf %add3A_1062 : vector<16xf32>
      %add3A_1064 = arith.constant 15104 : i32
      %add3A_1065 = arith.addi %add3A_1064, %mul3A_20 : i32
      %swap3A_1066 = arith.index_cast %add3A_1065 : i32 to index
      %swap3A_1067 = tpu.vector_load %arg6[%swap3A_1066] {strides = array<i32>} : memref<16384xf32, #tpu.memory_space<vmem>>, vector<16xf32>,
      tpu.vector_store %arg6[%swap3A_1066], %abs3A_1063 {strides = array<i32>} : memref<16384xf32, #tpu.memory_space<vmem>>, vector<16xf32>,
      %gt3A_1068 = arith.cmpf ogt, %abs3A_1063, %select_n3A_1051 : vector<16xf32>
      %select_n3A_1069 = arith.select %gt3A_1068, %abs3A_1063, %select_n3A_1051 : vector<16xi1>, vector<16xf32>
      %broadcast_in_dim3A_1070 = arith.constant 59 : i32
      %broadcast_in_dim3A_1071 = vector.broadcast %broadcast_in_dim3A_1070 : i32 to vector<16xi32>
      %select_n3A_1072 = arith.select %gt3A_1068, %broadcast_in_dim3A_1071, %select_n3A_1054 : vector<16xi1>, vector<16xi32>
      %broadcast_in_dim3A_1073 = arith.constant 60 : i32
      %broadcast_in_dim3A_1074 = vector.broadcast %broadcast_in_dim3A_1073 : i32 to vector<16xi32>
      %gather3A_1075 = tpu.vector_load_idx %arg5[%add3A_22, %broadcast_in_dim3A_1074] : memref<256x64xf32, #tpu.memory_space<vmem>>[vector<16xi32>, vector<16xi32>], vector<16xf32>,
      %get3A_1076 = arith.constant 60 : i32
      %get3A_1077 = arith.index_cast %get3A_1076 : i32 to index
      %get3A_1078 = arith.constant 0 : index
      %get3A_1079 = tpu.vector_load %arg7[%get3A_1077, %get3A_1078] {strides = array<i32>} : memref<64x16xf32, #tpu.memory_space<vmem>>, vector<16xf32>,
      %add3A_1080 = arith.addf %gather3A_1075, %get3A_1079 : vector<16xf32>
      %abs3A_1081 = math.absf %add3A_1080 : vector<16xf32>
      %add3A_1082 = arith.constant 15360 : i32
      %add3A_1083 = arith.addi %add3A_1082, %mul3A_20 : i32
      %swap3A_1084 = arith.index_cast %add3A_1083 : i32 to index
      %swap3A_1085 = tpu.vector_load %arg6[%swap3A_1084] {strides = array<i32>} : memref<16384xf32, #tpu.memory_space<vmem>>, vector<16xf32>,
      tpu.vector_store %arg6[%swap3A_1084], %abs3A_1081 {strides = array<i32>} : memref<16384xf32, #tpu.memory_space<vmem>>, vector<16xf32>,
      %gt3A_1086 = arith.cmpf ogt, %abs3A_1081, %select_n3A_1069 : vector<16xf32>
      %select_n3A_1087 = arith.select %gt3A_1086, %abs3A_1081, %select_n3A_1069 : vector<16xi1>, vector<16xf32>
      %broadcast_in_dim3A_1088 = arith.constant 60 : i32
      %broadcast_in_dim3A_1089 = vector.broadcast %broadcast_in_dim3A_1088 : i32 to vector<16xi32>
      %select_n3A_1090 = arith.select %gt3A_1086, %broadcast_in_dim3A_1089, %select_n3A_1072 : vector<16xi1>, vector<16xi32>
      %broadcast_in_dim3A_1091 = arith.constant 61 : i32
      %broadcast_in_dim3A_1092 = vector.broadcast %broadcast_in_dim3A_1091 : i32 to vector<16xi32>
      %gather3A_1093 = tpu.vector_load_idx %arg5[%add3A_22, %broadcast_in_dim3A_1092] : memref<256x64xf32, #tpu.memory_space<vmem>>[vector<16xi32>, vector<16xi32>], vector<16xf32>,
      %get3A_1094 = arith.constant 61 : i32
      %get3A_1095 = arith.index_cast %get3A_1094 : i32 to index
      %get3A_1096 = arith.constant 0 : index
      %get3A_1097 = tpu.vector_load %arg7[%get3A_1095, %get3A_1096] {strides = array<i32>} : memref<64x16xf32, #tpu.memory_space<vmem>>, vector<16xf32>,
      %add3A_1098 = arith.addf %gather3A_1093, %get3A_1097 : vector<16xf32>
      %abs3A_1099 = math.absf %add3A_1098 : vector<16xf32>
      %add3A_1100 = arith.constant 15616 : i32
      %add3A_1101 = arith.addi %add3A_1100, %mul3A_20 : i32
      %swap3A_1102 = arith.index_cast %add3A_1101 : i32 to index
      %swap3A_1103 = tpu.vector_load %arg6[%swap3A_1102] {strides = array<i32>} : memref<16384xf32, #tpu.memory_space<vmem>>, vector<16xf32>,
      tpu.vector_store %arg6[%swap3A_1102], %abs3A_1099 {strides = array<i32>} : memref<16384xf32, #tpu.memory_space<vmem>>, vector<16xf32>,
      %gt3A_1104 = arith.cmpf ogt, %abs3A_1099, %select_n3A_1087 : vector<16xf32>
      %select_n3A_1105 = arith.select %gt3A_1104, %abs3A_1099, %select_n3A_1087 : vector<16xi1>, vector<16xf32>
      %broadcast_in_dim3A_1106 = arith.constant 61 : i32
      %broadcast_in_dim3A_1107 = vector.broadcast %broadcast_in_dim3A_1106 : i32 to vector<16xi32>
      %select_n3A_1108 = arith.select %gt3A_1104, %broadcast_in_dim3A_1107, %select_n3A_1090 : vector<16xi1>, vector<16xi32>
      %broadcast_in_dim3A_1109 = arith.constant 62 : i32
      %broadcast_in_dim3A_1110 = vector.broadcast %broadcast_in_dim3A_1109 : i32 to vector<16xi32>
      %gather3A_1111 = tpu.vector_load_idx %arg5[%add3A_22, %broadcast_in_dim3A_1110] : memref<256x64xf32, #tpu.memory_space<vmem>>[vector<16xi32>, vector<16xi32>], vector<16xf32>,
      %get3A_1112 = arith.constant 62 : i32
      %get3A_1113 = arith.index_cast %get3A_1112 : i32 to index
      %get3A_1114 = arith.constant 0 : index
      %get3A_1115 = tpu.vector_load %arg7[%get3A_1113, %get3A_1114] {strides = array<i32>} : memref<64x16xf32, #tpu.memory_space<vmem>>, vector<16xf32>,
      %add3A_1116 = arith.addf %gather3A_1111, %get3A_1115 : vector<16xf32>
      %abs3A_1117 = math.absf %add3A_1116 : vector<16xf32>
      %add3A_1118 = arith.constant 15872 : i32
      %add3A_1119 = arith.addi %add3A_1118, %mul3A_20 : i32
      %swap3A_1120 = arith.index_cast %add3A_1119 : i32 to index
      %swap3A_1121 = tpu.vector_load %arg6[%swap3A_1120] {strides = array<i32>} : memref<16384xf32, #tpu.memory_space<vmem>>, vector<16xf32>,
      tpu.vector_store %arg6[%swap3A_1120], %abs3A_1117 {strides = array<i32>} : memref<16384xf32, #tpu.memory_space<vmem>>, vector<16xf32>,
      %gt3A_1122 = arith.cmpf ogt, %abs3A_1117, %select_n3A_1105 : vector<16xf32>
      %select_n3A_1123 = arith.select %gt3A_1122, %abs3A_1117, %select_n3A_1105 : vector<16xi1>, vector<16xf32>
      %broadcast_in_dim3A_1124 = arith.constant 62 : i32
      %broadcast_in_dim3A_1125 = vector.broadcast %broadcast_in_dim3A_1124 : i32 to vector<16xi32>
      %select_n3A_1126 = arith.select %gt3A_1122, %broadcast_in_dim3A_1125, %select_n3A_1108 : vector<16xi1>, vector<16xi32>
      %broadcast_in_dim3A_1127 = arith.constant 63 : i32
      %broadcast_in_dim3A_1128 = vector.broadcast %broadcast_in_dim3A_1127 : i32 to vector<16xi32>
      %gather3A_1129 = tpu.vector_load_idx %arg5[%add3A_22, %broadcast_in_dim3A_1128] : memref<256x64xf32, #tpu.memory_space<vmem>>[vector<16xi32>, vector<16xi32>], vector<16xf32>,
      %get3A_1130 = arith.constant 63 : i32
      %get3A_1131 = arith.index_cast %get3A_1130 : i32 to index
      %get3A_1132 = arith.constant 0 : index
      %get3A_1133 = tpu.vector_load %arg7[%get3A_1131, %get3A_1132] {strides = array<i32>} : memref<64x16xf32, #tpu.memory_space<vmem>>, vector<16xf32>,
      %add3A_1134 = arith.addf %gather3A_1129, %get3A_1133 : vector<16xf32>
      %abs3A_1135 = math.absf %add3A_1134 : vector<16xf32>
      %add3A_1136 = arith.constant 16128 : i32
      %add3A_1137 = arith.addi %add3A_1136, %mul3A_20 : i32
      %swap3A_1138 = arith.index_cast %add3A_1137 : i32 to index
      %swap3A_1139 = tpu.vector_load %arg6[%swap3A_1138] {strides = array<i32>} : memref<16384xf32, #tpu.memory_space<vmem>>, vector<16xf32>,
      tpu.vector_store %arg6[%swap3A_1138], %abs3A_1135 {strides = array<i32>} : memref<16384xf32, #tpu.memory_space<vmem>>, vector<16xf32>,
      %gt3A_1140 = arith.cmpf ogt, %abs3A_1135, %select_n3A_1123 : vector<16xf32>
      %select_n3A_1141 = arith.select %gt3A_1140, %abs3A_1135, %select_n3A_1123 : vector<16xi1>, vector<16xf32>
      %broadcast_in_dim3A_1142 = arith.constant 63 : i32
      %broadcast_in_dim3A_1143 = vector.broadcast %broadcast_in_dim3A_1142 : i32 to vector<16xi32>
      %select_n3A_1144 = arith.select %gt3A_1140, %broadcast_in_dim3A_1143, %select_n3A_1126 : vector<16xi1>, vector<16xi32>
      %gt3A_1145 = arith.cmpf ogt, %select_n3A_295, %select_n3A_154 : vector<16xf32>
      %select_n3A_1146 = arith.select %gt3A_1145, %select_n3A_295, %select_n3A_154 : vector<16xi1>, vector<16xf32>
      %select_n3A_1147 = arith.select %gt3A_1145, %select_n3A_298, %select_n3A_157 : vector<16xi1>, vector<16xi32>
      %gt3A_1148 = arith.cmpf ogt, %select_n3A_436, %select_n3A_1146 : vector<16xf32>
      %select_n3A_1149 = arith.select %gt3A_1148, %select_n3A_436, %select_n3A_1146 : vector<16xi1>, vector<16xf32>
      %select_n3A_1150 = arith.select %gt3A_1148, %select_n3A_439, %select_n3A_1147 : vector<16xi1>, vector<16xi32>
      %gt3A_1151 = arith.cmpf ogt, %select_n3A_577, %select_n3A_1149 : vector<16xf32>
      %select_n3A_1152 = arith.select %gt3A_1151, %select_n3A_577, %select_n3A_1149 : vector<16xi1>, vector<16xf32>
      %select_n3A_1153 = arith.select %gt3A_1151, %select_n3A_580, %select_n3A_1150 : vector<16xi1>, vector<16xi32>
      %gt3A_1154 = arith.cmpf ogt, %select_n3A_718, %select_n3A_1152 : vector<16xf32>
      %select_n3A_1155 = arith.select %gt3A_1154, %select_n3A_718, %select_n3A_1152 : vector<16xi1>, vector<16xf32>
      %select_n3A_1156 = arith.select %gt3A_1154, %select_n3A_721, %select_n3A_1153 : vector<16xi1>, vector<16xi32>
      %gt3A_1157 = arith.cmpf ogt, %select_n3A_859, %select_n3A_1155 : vector<16xf32>
      %select_n3A_1158 = arith.select %gt3A_1157, %select_n3A_859, %select_n3A_1155 : vector<16xi1>, vector<16xf32>
      %select_n3A_1159 = arith.select %gt3A_1157, %select_n3A_862, %select_n3A_1156 : vector<16xi1>, vector<16xi32>
      %gt3A_1160 = arith.cmpf ogt, %select_n3A_1000, %select_n3A_1158 : vector<16xf32>
      %select_n3A_1161 = arith.select %gt3A_1160, %select_n3A_1000, %select_n3A_1158 : vector<16xi1>, vector<16xf32>
      %select_n3A_1162 = arith.select %gt3A_1160, %select_n3A_1003, %select_n3A_1159 : vector<16xi1>, vector<16xi32>
      %gt3A_1163 = arith.cmpf ogt, %select_n3A_1141, %select_n3A_1161 : vector<16xf32>
      %select_n3A_1164 = arith.select %gt3A_1163, %select_n3A_1141, %select_n3A_1161 : vector<16xi1>, vector<16xf32>
      %select_n3A_1165 = arith.select %gt3A_1163, %select_n3A_1144, %select_n3A_1162 : vector<16xi1>, vector<16xi32>
      %mul3A_1166 = arith.constant 256 : i32
      %mul3A_1167 = vector.broadcast %mul3A_1166 : i32 to vector<16xi32>
      %mul3A_1168 = arith.muli %select_n3A_1165, %mul3A_1167 : vector<16xi32>
      %add3A_1169 = arith.addi %mul3A_1168, %add3A_22 : vector<16xi32>
      tpu.vector_store_idx %arg6[%add3A_1169], %broadcast_in_dim3A_9 : memref<16384xf32, #tpu.memory_space<vmem>>[vector<16xi32>], vector<16xf32>,
      %and3A = arith.constant -8 : i32
      %and3A_1170 = vector.broadcast %and3A : i32 to vector<16xi32>
      %and3A_1171 = arith.andi %select_n3A_1165, %and3A_1170 : vector<16xi32>
      %mul3A_1172 = arith.constant 256 : i32
      %mul3A_1173 = vector.broadcast %mul3A_1172 : i32 to vector<16xi32>
      %mul3A_1174 = arith.muli %and3A_1171, %mul3A_1173 : vector<16xi32>
      %add3A_1175 = arith.addi %mul3A_1174, %add3A_22 : vector<16xi32>
      %gather3A_1176 = tpu.vector_load_idx %arg6[%add3A_1175] : memref<16384xf32, #tpu.memory_space<vmem>>[vector<16xi32>], vector<16xf32>,
      %add3A_1177 = arith.constant 256 : i32
      %add3A_1178 = vector.broadcast %add3A_1177 : i32 to vector<16xi32>
      %add3A_1179 = arith.addi %add3A_1175, %add3A_1178 : vector<16xi32>
      %gather3A_1180 = tpu.vector_load_idx %arg6[%add3A_1179] : memref<16384xf32, #tpu.memory_space<vmem>>[vector<16xi32>], vector<16xf32>,
      %gt3A_1181 = arith.cmpf ogt, %gather3A_1180, %gather3A_1176 : vector<16xf32>
      %select_n3A_1182 = arith.select %gt3A_1181, %gather3A_1180, %gather3A_1176 : vector<16xi1>, vector<16xf32>
      %add3A_1183 = arith.constant 1 : i32
      %add3A_1184 = vector.broadcast %add3A_1183 : i32 to vector<16xi32>
      %add3A_1185 = arith.addi %and3A_1171, %add3A_1184 : vector<16xi32>
      %select_n3A_1186 = arith.select %gt3A_1181, %add3A_1185, %and3A_1171 : vector<16xi1>, vector<16xi32>
      %add3A_1187 = arith.constant 512 : i32
      %add3A_1188 = vector.broadcast %add3A_1187 : i32 to vector<16xi32>
      %add3A_1189 = arith.addi %add3A_1175, %add3A_1188 : vector<16xi32>
      %gather3A_1190 = tpu.vector_load_idx %arg6[%add3A_1189] : memref<16384xf32, #tpu.memory_space<vmem>>[vector<16xi32>], vector<16xf32>,
      %gt3A_1191 = arith.cmpf ogt, %gather3A_1190, %select_n3A_1182 : vector<16xf32>
      %select_n3A_1192 = arith.select %gt3A_1191, %gather3A_1190, %select_n3A_1182 : vector<16xi1>, vector<16xf32>
      %add3A_1193 = arith.constant 2 : i32
      %add3A_1194 = vector.broadcast %add3A_1193 : i32 to vector<16xi32>
      %add3A_1195 = arith.addi %and3A_1171, %add3A_1194 : vector<16xi32>
      %select_n3A_1196 = arith.select %gt3A_1191, %add3A_1195, %select_n3A_1186 : vector<16xi1>, vector<16xi32>
      %add3A_1197 = arith.constant 768 : i32
      %add3A_1198 = vector.broadcast %add3A_1197 : i32 to vector<16xi32>
      %add3A_1199 = arith.addi %add3A_1175, %add3A_1198 : vector<16xi32>
      %gather3A_1200 = tpu.vector_load_idx %arg6[%add3A_1199] : memref<16384xf32, #tpu.memory_space<vmem>>[vector<16xi32>], vector<16xf32>,
      %gt3A_1201 = arith.cmpf ogt, %gather3A_1200, %select_n3A_1192 : vector<16xf32>
      %select_n3A_1202 = arith.select %gt3A_1201, %gather3A_1200, %select_n3A_1192 : vector<16xi1>, vector<16xf32>
      %add3A_1203 = arith.constant 3 : i32
      %add3A_1204 = vector.broadcast %add3A_1203 : i32 to vector<16xi32>
      %add3A_1205 = arith.addi %and3A_1171, %add3A_1204 : vector<16xi32>
      %select_n3A_1206 = arith.select %gt3A_1201, %add3A_1205, %select_n3A_1196 : vector<16xi1>, vector<16xi32>
      %add3A_1207 = arith.constant 1024 : i32
      %add3A_1208 = vector.broadcast %add3A_1207 : i32 to vector<16xi32>
      %add3A_1209 = arith.addi %add3A_1175, %add3A_1208 : vector<16xi32>
      %gather3A_1210 = tpu.vector_load_idx %arg6[%add3A_1209] : memref<16384xf32, #tpu.memory_space<vmem>>[vector<16xi32>], vector<16xf32>,
      %gt3A_1211 = arith.cmpf ogt, %gather3A_1210, %select_n3A_1202 : vector<16xf32>
      %select_n3A_1212 = arith.select %gt3A_1211, %gather3A_1210, %select_n3A_1202 : vector<16xi1>, vector<16xf32>
      %add3A_1213 = arith.constant 4 : i32
      %add3A_1214 = vector.broadcast %add3A_1213 : i32 to vector<16xi32>
      %add3A_1215 = arith.addi %and3A_1171, %add3A_1214 : vector<16xi32>
      %select_n3A_1216 = arith.select %gt3A_1211, %add3A_1215, %select_n3A_1206 : vector<16xi1>, vector<16xi32>
      %add3A_1217 = arith.constant 1280 : i32
      %add3A_1218 = vector.broadcast %add3A_1217 : i32 to vector<16xi32>
      %add3A_1219 = arith.addi %add3A_1175, %add3A_1218 : vector<16xi32>
      %gather3A_1220 = tpu.vector_load_idx %arg6[%add3A_1219] : memref<16384xf32, #tpu.memory_space<vmem>>[vector<16xi32>], vector<16xf32>,
      %gt3A_1221 = arith.cmpf ogt, %gather3A_1220, %select_n3A_1212 : vector<16xf32>
      %select_n3A_1222 = arith.select %gt3A_1221, %gather3A_1220, %select_n3A_1212 : vector<16xi1>, vector<16xf32>
      %add3A_1223 = arith.constant 5 : i32
      %add3A_1224 = vector.broadcast %add3A_1223 : i32 to vector<16xi32>
      %add3A_1225 = arith.addi %and3A_1171, %add3A_1224 : vector<16xi32>
      %select_n3A_1226 = arith.select %gt3A_1221, %add3A_1225, %select_n3A_1216 : vector<16xi1>, vector<16xi32>
      %add3A_1227 = arith.constant 1536 : i32
      %add3A_1228 = vector.broadcast %add3A_1227 : i32 to vector<16xi32>
      %add3A_1229 = arith.addi %add3A_1175, %add3A_1228 : vector<16xi32>
      %gather3A_1230 = tpu.vector_load_idx %arg6[%add3A_1229] : memref<16384xf32, #tpu.memory_space<vmem>>[vector<16xi32>], vector<16xf32>,
      %gt3A_1231 = arith.cmpf ogt, %gather3A_1230, %select_n3A_1222 : vector<16xf32>
      %select_n3A_1232 = arith.select %gt3A_1231, %gather3A_1230, %select_n3A_1222 : vector<16xi1>, vector<16xf32>
      %add3A_1233 = arith.constant 6 : i32
      %add3A_1234 = vector.broadcast %add3A_1233 : i32 to vector<16xi32>
      %add3A_1235 = arith.addi %and3A_1171, %add3A_1234 : vector<16xi32>
      %select_n3A_1236 = arith.select %gt3A_1231, %add3A_1235, %select_n3A_1226 : vector<16xi1>, vector<16xi32>
      %add3A_1237 = arith.constant 1792 : i32
      %add3A_1238 = vector.broadcast %add3A_1237 : i32 to vector<16xi32>
      %add3A_1239 = arith.addi %add3A_1175, %add3A_1238 : vector<16xi32>
      %gather3A_1240 = tpu.vector_load_idx %arg6[%add3A_1239] : memref<16384xf32, #tpu.memory_space<vmem>>[vector<16xi32>], vector<16xf32>,
      %gt3A_1241 = arith.cmpf ogt, %gather3A_1240, %select_n3A_1232 : vector<16xf32>
      %select_n3A_1242 = arith.select %gt3A_1241, %gather3A_1240, %select_n3A_1232 : vector<16xi1>, vector<16xf32>
      %add3A_1243 = arith.constant 7 : i32
      %add3A_1244 = vector.broadcast %add3A_1243 : i32 to vector<16xi32>
      %add3A_1245 = arith.addi %and3A_1171, %add3A_1244 : vector<16xi32>
      %select_n3A_1246 = arith.select %gt3A_1241, %add3A_1245, %select_n3A_1236 : vector<16xi1>, vector<16xi32>
      %eq3A = arith.constant 0 : i32
      %eq3A_1247 = vector.broadcast %eq3A : i32 to vector<16xi32>
      %eq3A_1248 = arith.cmpi eq, %and3A_1171, %eq3A_1247 : vector<16xi32>
      %select_n3A_1249 = arith.select %eq3A_1248, %select_n3A_1242, %select_n3A_154 : vector<16xi1>, vector<16xf32>
      %select_n3A_1250 = arith.select %eq3A_1248, %select_n3A_1246, %select_n3A_157 : vector<16xi1>, vector<16xi32>
      %eq3A_1251 = arith.constant 8 : i32
      %eq3A_1252 = vector.broadcast %eq3A_1251 : i32 to vector<16xi32>
      %eq3A_1253 = arith.cmpi eq, %and3A_1171, %eq3A_1252 : vector<16xi32>
      %select_n3A_1254 = arith.select %eq3A_1253, %select_n3A_1242, %select_n3A_295 : vector<16xi1>, vector<16xf32>
      %select_n3A_1255 = arith.select %eq3A_1253, %select_n3A_1246, %select_n3A_298 : vector<16xi1>, vector<16xi32>
      %eq3A_1256 = arith.constant 16 : i32
      %eq3A_1257 = vector.broadcast %eq3A_1256 : i32 to vector<16xi32>
      %eq3A_1258 = arith.cmpi eq, %and3A_1171, %eq3A_1257 : vector<16xi32>
      %select_n3A_1259 = arith.select %eq3A_1258, %select_n3A_1242, %select_n3A_436 : vector<16xi1>, vector<16xf32>
      %select_n3A_1260 = arith.select %eq3A_1258, %select_n3A_1246, %select_n3A_439 : vector<16xi1>, vector<16xi32>
      %eq3A_1261 = arith.constant 24 : i32
      %eq3A_1262 = vector.broadcast %eq3A_1261 : i32 to vector<16xi32>
      %eq3A_1263 = arith.cmpi eq, %and3A_1171, %eq3A_1262 : vector<16xi32>
      %select_n3A_1264 = arith.select %eq3A_1263, %select_n3A_1242, %select_n3A_577 : vector<16xi1>, vector<16xf32>
      %select_n3A_1265 = arith.select %eq3A_1263, %select_n3A_1246, %select_n3A_580 : vector<16xi1>, vector<16xi32>
      %eq3A_1266 = arith.constant 32 : i32
      %eq3A_1267 = vector.broadcast %eq3A_1266 : i32 to vector<16xi32>
      %eq3A_1268 = arith.cmpi eq, %and3A_1171, %eq3A_1267 : vector<16xi32>
      %select_n3A_1269 = arith.select %eq3A_1268, %select_n3A_1242, %select_n3A_718 : vector<16xi1>, vector<16xf32>
      %select_n3A_1270 = arith.select %eq3A_1268, %select_n3A_1246, %select_n3A_721 : vector<16xi1>, vector<16xi32>
      %eq3A_1271 = arith.constant 40 : i32
      %eq3A_1272 = vector.broadcast %eq3A_1271 : i32 to vector<16xi32>
      %eq3A_1273 = arith.cmpi eq, %and3A_1171, %eq3A_1272 : vector<16xi32>
      %select_n3A_1274 = arith.select %eq3A_1273, %select_n3A_1242, %select_n3A_859 : vector<16xi1>, vector<16xf32>
      %select_n3A_1275 = arith.select %eq3A_1273, %select_n3A_1246, %select_n3A_862 : vector<16xi1>, vector<16xi32>
      %eq3A_1276 = arith.constant 48 : i32
      %eq3A_1277 = vector.broadcast %eq3A_1276 : i32 to vector<16xi32>
      %eq3A_1278 = arith.cmpi eq, %and3A_1171, %eq3A_1277 : vector<16xi32>
      %select_n3A_1279 = arith.select %eq3A_1278, %select_n3A_1242, %select_n3A_1000 : vector<16xi1>, vector<16xf32>
      %select_n3A_1280 = arith.select %eq3A_1278, %select_n3A_1246, %select_n3A_1003 : vector<16xi1>, vector<16xi32>
      %eq3A_1281 = arith.constant 56 : i32
      %eq3A_1282 = vector.broadcast %eq3A_1281 : i32 to vector<16xi32>
      %eq3A_1283 = arith.cmpi eq, %and3A_1171, %eq3A_1282 : vector<16xi32>
      %select_n3A_1284 = arith.select %eq3A_1283, %select_n3A_1242, %select_n3A_1141 : vector<16xi1>, vector<16xf32>
      %select_n3A_1285 = arith.select %eq3A_1283, %select_n3A_1246, %select_n3A_1144 : vector<16xi1>, vector<16xi32>
      %gt3A_1286 = arith.cmpf ogt, %select_n3A_1254, %select_n3A_1249 : vector<16xf32>
      %select_n3A_1287 = arith.select %gt3A_1286, %select_n3A_1254, %select_n3A_1249 : vector<16xi1>, vector<16xf32>
      %select_n3A_1288 = arith.select %gt3A_1286, %select_n3A_1255, %select_n3A_1250 : vector<16xi1>, vector<16xi32>
      %gt3A_1289 = arith.cmpf ogt, %select_n3A_1259, %select_n3A_1287 : vector<16xf32>
      %select_n3A_1290 = arith.select %gt3A_1289, %select_n3A_1259, %select_n3A_1287 : vector<16xi1>, vector<16xf32>
      %select_n3A_1291 = arith.select %gt3A_1289, %select_n3A_1260, %select_n3A_1288 : vector<16xi1>, vector<16xi32>
      %gt3A_1292 = arith.cmpf ogt, %select_n3A_1264, %select_n3A_1290 : vector<16xf32>
      %select_n3A_1293 = arith.select %gt3A_1292, %select_n3A_1264, %select_n3A_1290 : vector<16xi1>, vector<16xf32>
      %select_n3A_1294 = arith.select %gt3A_1292, %select_n3A_1265, %select_n3A_1291 : vector<16xi1>, vector<16xi32>
      %gt3A_1295 = arith.cmpf ogt, %select_n3A_1269, %select_n3A_1293 : vector<16xf32>
      %select_n3A_1296 = arith.select %gt3A_1295, %select_n3A_1269, %select_n3A_1293 : vector<16xi1>, vector<16xf32>
      %select_n3A_1297 = arith.select %gt3A_1295, %select_n3A_1270, %select_n3A_1294 : vector<16xi1>, vector<16xi32>
      %gt3A_1298 = arith.cmpf ogt, %select_n3A_1274, %select_n3A_1296 : vector<16xf32>
      %select_n3A_1299 = arith.select %gt3A_1298, %select_n3A_1274, %select_n3A_1296 : vector<16xi1>, vector<16xf32>
      %select_n3A_1300 = arith.select %gt3A_1298, %select_n3A_1275, %select_n3A_1297 : vector<16xi1>, vector<16xi32>
      %gt3A_1301 = arith.cmpf ogt, %select_n3A_1279, %select_n3A_1299 : vector<16xf32>
      %select_n3A_1302 = arith.select %gt3A_1301, %select_n3A_1279, %select_n3A_1299 : vector<16xi1>, vector<16xf32>
      %select_n3A_1303 = arith.select %gt3A_1301, %select_n3A_1280, %select_n3A_1300 : vector<16xi1>, vector<16xi32>
      %gt3A_1304 = arith.cmpf ogt, %select_n3A_1284, %select_n3A_1302 : vector<16xf32>
      %select_n3A_1305 = arith.select %gt3A_1304, %select_n3A_1284, %select_n3A_1302 : vector<16xi1>, vector<16xf32>
      %select_n3A_1306 = arith.select %gt3A_1304, %select_n3A_1285, %select_n3A_1303 : vector<16xi1>, vector<16xi32>
      %mul3A_1307 = arith.constant 256 : i32
      %mul3A_1308 = vector.broadcast %mul3A_1307 : i32 to vector<16xi32>
      %mul3A_1309 = arith.muli %select_n3A_1306, %mul3A_1308 : vector<16xi32>
      %add3A_1310 = arith.addi %mul3A_1309, %add3A_22 : vector<16xi32>
      tpu.vector_store_idx %arg6[%add3A_1310], %broadcast_in_dim3A_9 : memref<16384xf32, #tpu.memory_space<vmem>>[vector<16xi32>], vector<16xf32>,
      %and3A_1311 = arith.constant -8 : i32
      %and3A_1312 = vector.broadcast %and3A_1311 : i32 to vector<16xi32>
      %and3A_1313 = arith.andi %select_n3A_1306, %and3A_1312 : vector<16xi32>
      %mul3A_1314 = arith.constant 256 : i32
      %mul3A_1315 = vector.broadcast %mul3A_1314 : i32 to vector<16xi32>
      %mul3A_1316 = arith.muli %and3A_1313, %mul3A_1315 : vector<16xi32>
      %add3A_1317 = arith.addi %mul3A_1316, %add3A_22 : vector<16xi32>
      %gather3A_1318 = tpu.vector_load_idx %arg6[%add3A_1317] : memref<16384xf32, #tpu.memory_space<vmem>>[vector<16xi32>], vector<16xf32>,
      %add3A_1319 = arith.constant 256 : i32
      %add3A_1320 = vector.broadcast %add3A_1319 : i32 to vector<16xi32>
      %add3A_1321 = arith.addi %add3A_1317, %add3A_1320 : vector<16xi32>
      %gather3A_1322 = tpu.vector_load_idx %arg6[%add3A_1321] : memref<16384xf32, #tpu.memory_space<vmem>>[vector<16xi32>], vector<16xf32>,
      %gt3A_1323 = arith.cmpf ogt, %gather3A_1322, %gather3A_1318 : vector<16xf32>
      %select_n3A_1324 = arith.select %gt3A_1323, %gather3A_1322, %gather3A_1318 : vector<16xi1>, vector<16xf32>
      %add3A_1325 = arith.constant 1 : i32
      %add3A_1326 = vector.broadcast %add3A_1325 : i32 to vector<16xi32>
      %add3A_1327 = arith.addi %and3A_1313, %add3A_1326 : vector<16xi32>
      %select_n3A_1328 = arith.select %gt3A_1323, %add3A_1327, %and3A_1313 : vector<16xi1>, vector<16xi32>
      %add3A_1329 = arith.constant 512 : i32
      %add3A_1330 = vector.broadcast %add3A_1329 : i32 to vector<16xi32>
      %add3A_1331 = arith.addi %add3A_1317, %add3A_1330 : vector<16xi32>
      %gather3A_1332 = tpu.vector_load_idx %arg6[%add3A_1331] : memref<16384xf32, #tpu.memory_space<vmem>>[vector<16xi32>], vector<16xf32>,
      %gt3A_1333 = arith.cmpf ogt, %gather3A_1332, %select_n3A_1324 : vector<16xf32>
      %select_n3A_1334 = arith.select %gt3A_1333, %gather3A_1332, %select_n3A_1324 : vector<16xi1>, vector<16xf32>
      %add3A_1335 = arith.constant 2 : i32
      %add3A_1336 = vector.broadcast %add3A_1335 : i32 to vector<16xi32>
      %add3A_1337 = arith.addi %and3A_1313, %add3A_1336 : vector<16xi32>
      %select_n3A_1338 = arith.select %gt3A_1333, %add3A_1337, %select_n3A_1328 : vector<16xi1>, vector<16xi32>
      %add3A_1339 = arith.constant 768 : i32
      %add3A_1340 = vector.broadcast %add3A_1339 : i32 to vector<16xi32>
      %add3A_1341 = arith.addi %add3A_1317, %add3A_1340 : vector<16xi32>
      %gather3A_1342 = tpu.vector_load_idx %arg6[%add3A_1341] : memref<16384xf32, #tpu.memory_space<vmem>>[vector<16xi32>], vector<16xf32>,
      %gt3A_1343 = arith.cmpf ogt, %gather3A_1342, %select_n3A_1334 : vector<16xf32>
      %select_n3A_1344 = arith.select %gt3A_1343, %gather3A_1342, %select_n3A_1334 : vector<16xi1>, vector<16xf32>
      %add3A_1345 = arith.constant 3 : i32
      %add3A_1346 = vector.broadcast %add3A_1345 : i32 to vector<16xi32>
      %add3A_1347 = arith.addi %and3A_1313, %add3A_1346 : vector<16xi32>
      %select_n3A_1348 = arith.select %gt3A_1343, %add3A_1347, %select_n3A_1338 : vector<16xi1>, vector<16xi32>
      %add3A_1349 = arith.constant 1024 : i32
      %add3A_1350 = vector.broadcast %add3A_1349 : i32 to vector<16xi32>
      %add3A_1351 = arith.addi %add3A_1317, %add3A_1350 : vector<16xi32>
      %gather3A_1352 = tpu.vector_load_idx %arg6[%add3A_1351] : memref<16384xf32, #tpu.memory_space<vmem>>[vector<16xi32>], vector<16xf32>,
      %gt3A_1353 = arith.cmpf ogt, %gather3A_1352, %select_n3A_1344 : vector<16xf32>
      %select_n3A_1354 = arith.select %gt3A_1353, %gather3A_1352, %select_n3A_1344 : vector<16xi1>, vector<16xf32>
      %add3A_1355 = arith.constant 4 : i32
      %add3A_1356 = vector.broadcast %add3A_1355 : i32 to vector<16xi32>
      %add3A_1357 = arith.addi %and3A_1313, %add3A_1356 : vector<16xi32>
      %select_n3A_1358 = arith.select %gt3A_1353, %add3A_1357, %select_n3A_1348 : vector<16xi1>, vector<16xi32>
      %add3A_1359 = arith.constant 1280 : i32
      %add3A_1360 = vector.broadcast %add3A_1359 : i32 to vector<16xi32>
      %add3A_1361 = arith.addi %add3A_1317, %add3A_1360 : vector<16xi32>
      %gather3A_1362 = tpu.vector_load_idx %arg6[%add3A_1361] : memref<16384xf32, #tpu.memory_space<vmem>>[vector<16xi32>], vector<16xf32>,
      %gt3A_1363 = arith.cmpf ogt, %gather3A_1362, %select_n3A_1354 : vector<16xf32>
      %select_n3A_1364 = arith.select %gt3A_1363, %gather3A_1362, %select_n3A_1354 : vector<16xi1>, vector<16xf32>
      %add3A_1365 = arith.constant 5 : i32
      %add3A_1366 = vector.broadcast %add3A_1365 : i32 to vector<16xi32>
      %add3A_1367 = arith.addi %and3A_1313, %add3A_1366 : vector<16xi32>
      %select_n3A_1368 = arith.select %gt3A_1363, %add3A_1367, %select_n3A_1358 : vector<16xi1>, vector<16xi32>
      %add3A_1369 = arith.constant 1536 : i32
      %add3A_1370 = vector.broadcast %add3A_1369 : i32 to vector<16xi32>
      %add3A_1371 = arith.addi %add3A_1317, %add3A_1370 : vector<16xi32>
      %gather3A_1372 = tpu.vector_load_idx %arg6[%add3A_1371] : memref<16384xf32, #tpu.memory_space<vmem>>[vector<16xi32>], vector<16xf32>,
      %gt3A_1373 = arith.cmpf ogt, %gather3A_1372, %select_n3A_1364 : vector<16xf32>
      %select_n3A_1374 = arith.select %gt3A_1373, %gather3A_1372, %select_n3A_1364 : vector<16xi1>, vector<16xf32>
      %add3A_1375 = arith.constant 6 : i32
      %add3A_1376 = vector.broadcast %add3A_1375 : i32 to vector<16xi32>
      %add3A_1377 = arith.addi %and3A_1313, %add3A_1376 : vector<16xi32>
      %select_n3A_1378 = arith.select %gt3A_1373, %add3A_1377, %select_n3A_1368 : vector<16xi1>, vector<16xi32>
      %add3A_1379 = arith.constant 1792 : i32
      %add3A_1380 = vector.broadcast %add3A_1379 : i32 to vector<16xi32>
      %add3A_1381 = arith.addi %add3A_1317, %add3A_1380 : vector<16xi32>
      %gather3A_1382 = tpu.vector_load_idx %arg6[%add3A_1381] : memref<16384xf32, #tpu.memory_space<vmem>>[vector<16xi32>], vector<16xf32>,
      %gt3A_1383 = arith.cmpf ogt, %gather3A_1382, %select_n3A_1374 : vector<16xf32>
      %select_n3A_1384 = arith.select %gt3A_1383, %gather3A_1382, %select_n3A_1374 : vector<16xi1>, vector<16xf32>
      %add3A_1385 = arith.constant 7 : i32
      %add3A_1386 = vector.broadcast %add3A_1385 : i32 to vector<16xi32>
      %add3A_1387 = arith.addi %and3A_1313, %add3A_1386 : vector<16xi32>
      %select_n3A_1388 = arith.select %gt3A_1383, %add3A_1387, %select_n3A_1378 : vector<16xi1>, vector<16xi32>
      %eq3A_1389 = arith.constant 0 : i32
      %eq3A_1390 = vector.broadcast %eq3A_1389 : i32 to vector<16xi32>
      %eq3A_1391 = arith.cmpi eq, %and3A_1313, %eq3A_1390 : vector<16xi32>
      %select_n3A_1392 = arith.select %eq3A_1391, %select_n3A_1384, %select_n3A_1249 : vector<16xi1>, vector<16xf32>
      %select_n3A_1393 = arith.select %eq3A_1391, %select_n3A_1388, %select_n3A_1250 : vector<16xi1>, vector<16xi32>
      %eq3A_1394 = arith.constant 8 : i32
      %eq3A_1395 = vector.broadcast %eq3A_1394 : i32 to vector<16xi32>
      %eq3A_1396 = arith.cmpi eq, %and3A_1313, %eq3A_1395 : vector<16xi32>
      %select_n3A_1397 = arith.select %eq3A_1396, %select_n3A_1384, %select_n3A_1254 : vector<16xi1>, vector<16xf32>
      %select_n3A_1398 = arith.select %eq3A_1396, %select_n3A_1388, %select_n3A_1255 : vector<16xi1>, vector<16xi32>
      %eq3A_1399 = arith.constant 16 : i32
      %eq3A_1400 = vector.broadcast %eq3A_1399 : i32 to vector<16xi32>
      %eq3A_1401 = arith.cmpi eq, %and3A_1313, %eq3A_1400 : vector<16xi32>
      %select_n3A_1402 = arith.select %eq3A_1401, %select_n3A_1384, %select_n3A_1259 : vector<16xi1>, vector<16xf32>
      %select_n3A_1403 = arith.select %eq3A_1401, %select_n3A_1388, %select_n3A_1260 : vector<16xi1>, vector<16xi32>
      %eq3A_1404 = arith.constant 24 : i32
      %eq3A_1405 = vector.broadcast %eq3A_1404 : i32 to vector<16xi32>
      %eq3A_1406 = arith.cmpi eq, %and3A_1313, %eq3A_1405 : vector<16xi32>
      %select_n3A_1407 = arith.select %eq3A_1406, %select_n3A_1384, %select_n3A_1264 : vector<16xi1>, vector<16xf32>
      %select_n3A_1408 = arith.select %eq3A_1406, %select_n3A_1388, %select_n3A_1265 : vector<16xi1>, vector<16xi32>
      %eq3A_1409 = arith.constant 32 : i32
      %eq3A_1410 = vector.broadcast %eq3A_1409 : i32 to vector<16xi32>
      %eq3A_1411 = arith.cmpi eq, %and3A_1313, %eq3A_1410 : vector<16xi32>
      %select_n3A_1412 = arith.select %eq3A_1411, %select_n3A_1384, %select_n3A_1269 : vector<16xi1>, vector<16xf32>
      %select_n3A_1413 = arith.select %eq3A_1411, %select_n3A_1388, %select_n3A_1270 : vector<16xi1>, vector<16xi32>
      %eq3A_1414 = arith.constant 40 : i32
      %eq3A_1415 = vector.broadcast %eq3A_1414 : i32 to vector<16xi32>
      %eq3A_1416 = arith.cmpi eq, %and3A_1313, %eq3A_1415 : vector<16xi32>
      %select_n3A_1417 = arith.select %eq3A_1416, %select_n3A_1384, %select_n3A_1274 : vector<16xi1>, vector<16xf32>
      %select_n3A_1418 = arith.select %eq3A_1416, %select_n3A_1388, %select_n3A_1275 : vector<16xi1>, vector<16xi32>
      %eq3A_1419 = arith.constant 48 : i32
      %eq3A_1420 = vector.broadcast %eq3A_1419 : i32 to vector<16xi32>
      %eq3A_1421 = arith.cmpi eq, %and3A_1313, %eq3A_1420 : vector<16xi32>
      %select_n3A_1422 = arith.select %eq3A_1421, %select_n3A_1384, %select_n3A_1279 : vector<16xi1>, vector<16xf32>
      %select_n3A_1423 = arith.select %eq3A_1421, %select_n3A_1388, %select_n3A_1280 : vector<16xi1>, vector<16xi32>
      %eq3A_1424 = arith.constant 56 : i32
      %eq3A_1425 = vector.broadcast %eq3A_1424 : i32 to vector<16xi32>
      %eq3A_1426 = arith.cmpi eq, %and3A_1313, %eq3A_1425 : vector<16xi32>
      %select_n3A_1427 = arith.select %eq3A_1426, %select_n3A_1384, %select_n3A_1284 : vector<16xi1>, vector<16xf32>
      %select_n3A_1428 = arith.select %eq3A_1426, %select_n3A_1388, %select_n3A_1285 : vector<16xi1>, vector<16xi32>
      %gt3A_1429 = arith.cmpf ogt, %select_n3A_1397, %select_n3A_1392 : vector<16xf32>
      %select_n3A_1430 = arith.select %gt3A_1429, %select_n3A_1397, %select_n3A_1392 : vector<16xi1>, vector<16xf32>
      %select_n3A_1431 = arith.select %gt3A_1429, %select_n3A_1398, %select_n3A_1393 : vector<16xi1>, vector<16xi32>
      %gt3A_1432 = arith.cmpf ogt, %select_n3A_1402, %select_n3A_1430 : vector<16xf32>
      %select_n3A_1433 = arith.select %gt3A_1432, %select_n3A_1402, %select_n3A_1430 : vector<16xi1>, vector<16xf32>
      %select_n3A_1434 = arith.select %gt3A_1432, %select_n3A_1403, %select_n3A_1431 : vector<16xi1>, vector<16xi32>
      %gt3A_1435 = arith.cmpf ogt, %select_n3A_1407, %select_n3A_1433 : vector<16xf32>
      %select_n3A_1436 = arith.select %gt3A_1435, %select_n3A_1407, %select_n3A_1433 : vector<16xi1>, vector<16xf32>
      %select_n3A_1437 = arith.select %gt3A_1435, %select_n3A_1408, %select_n3A_1434 : vector<16xi1>, vector<16xi32>
      %gt3A_1438 = arith.cmpf ogt, %select_n3A_1412, %select_n3A_1436 : vector<16xf32>
      %select_n3A_1439 = arith.select %gt3A_1438, %select_n3A_1412, %select_n3A_1436 : vector<16xi1>, vector<16xf32>
      %select_n3A_1440 = arith.select %gt3A_1438, %select_n3A_1413, %select_n3A_1437 : vector<16xi1>, vector<16xi32>
      %gt3A_1441 = arith.cmpf ogt, %select_n3A_1417, %select_n3A_1439 : vector<16xf32>
      %select_n3A_1442 = arith.select %gt3A_1441, %select_n3A_1417, %select_n3A_1439 : vector<16xi1>, vector<16xf32>
      %select_n3A_1443 = arith.select %gt3A_1441, %select_n3A_1418, %select_n3A_1440 : vector<16xi1>, vector<16xi32>
      %gt3A_1444 = arith.cmpf ogt, %select_n3A_1422, %select_n3A_1442 : vector<16xf32>
      %select_n3A_1445 = arith.select %gt3A_1444, %select_n3A_1422, %select_n3A_1442 : vector<16xi1>, vector<16xf32>
      %select_n3A_1446 = arith.select %gt3A_1444, %select_n3A_1423, %select_n3A_1443 : vector<16xi1>, vector<16xi32>
      %gt3A_1447 = arith.cmpf ogt, %select_n3A_1427, %select_n3A_1445 : vector<16xf32>
      %select_n3A_1448 = arith.select %gt3A_1447, %select_n3A_1427, %select_n3A_1445 : vector<16xi1>, vector<16xf32>
      %select_n3A_1449 = arith.select %gt3A_1447, %select_n3A_1428, %select_n3A_1446 : vector<16xi1>, vector<16xi32>
      %mul3A_1450 = arith.constant 256 : i32
      %mul3A_1451 = vector.broadcast %mul3A_1450 : i32 to vector<16xi32>
      %mul3A_1452 = arith.muli %select_n3A_1449, %mul3A_1451 : vector<16xi32>
      %add3A_1453 = arith.addi %mul3A_1452, %add3A_22 : vector<16xi32>
      tpu.vector_store_idx %arg6[%add3A_1453], %broadcast_in_dim3A_9 : memref<16384xf32, #tpu.memory_space<vmem>>[vector<16xi32>], vector<16xf32>,
      %and3A_1454 = arith.constant -8 : i32
      %and3A_1455 = vector.broadcast %and3A_1454 : i32 to vector<16xi32>
      %and3A_1456 = arith.andi %select_n3A_1449, %and3A_1455 : vector<16xi32>
      %mul3A_1457 = arith.constant 256 : i32
      %mul3A_1458 = vector.broadcast %mul3A_1457 : i32 to vector<16xi32>
      %mul3A_1459 = arith.muli %and3A_1456, %mul3A_1458 : vector<16xi32>
      %add3A_1460 = arith.addi %mul3A_1459, %add3A_22 : vector<16xi32>
      %gather3A_1461 = tpu.vector_load_idx %arg6[%add3A_1460] : memref<16384xf32, #tpu.memory_space<vmem>>[vector<16xi32>], vector<16xf32>,
      %add3A_1462 = arith.constant 256 : i32
      %add3A_1463 = vector.broadcast %add3A_1462 : i32 to vector<16xi32>
      %add3A_1464 = arith.addi %add3A_1460, %add3A_1463 : vector<16xi32>
      %gather3A_1465 = tpu.vector_load_idx %arg6[%add3A_1464] : memref<16384xf32, #tpu.memory_space<vmem>>[vector<16xi32>], vector<16xf32>,
      %gt3A_1466 = arith.cmpf ogt, %gather3A_1465, %gather3A_1461 : vector<16xf32>
      %select_n3A_1467 = arith.select %gt3A_1466, %gather3A_1465, %gather3A_1461 : vector<16xi1>, vector<16xf32>
      %add3A_1468 = arith.constant 1 : i32
      %add3A_1469 = vector.broadcast %add3A_1468 : i32 to vector<16xi32>
      %add3A_1470 = arith.addi %and3A_1456, %add3A_1469 : vector<16xi32>
      %select_n3A_1471 = arith.select %gt3A_1466, %add3A_1470, %and3A_1456 : vector<16xi1>, vector<16xi32>
      %add3A_1472 = arith.constant 512 : i32
      %add3A_1473 = vector.broadcast %add3A_1472 : i32 to vector<16xi32>
      %add3A_1474 = arith.addi %add3A_1460, %add3A_1473 : vector<16xi32>
      %gather3A_1475 = tpu.vector_load_idx %arg6[%add3A_1474] : memref<16384xf32, #tpu.memory_space<vmem>>[vector<16xi32>], vector<16xf32>,
      %gt3A_1476 = arith.cmpf ogt, %gather3A_1475, %select_n3A_1467 : vector<16xf32>
      %select_n3A_1477 = arith.select %gt3A_1476, %gather3A_1475, %select_n3A_1467 : vector<16xi1>, vector<16xf32>
      %add3A_1478 = arith.constant 2 : i32
      %add3A_1479 = vector.broadcast %add3A_1478 : i32 to vector<16xi32>
      %add3A_1480 = arith.addi %and3A_1456, %add3A_1479 : vector<16xi32>
      %select_n3A_1481 = arith.select %gt3A_1476, %add3A_1480, %select_n3A_1471 : vector<16xi1>, vector<16xi32>
      %add3A_1482 = arith.constant 768 : i32
      %add3A_1483 = vector.broadcast %add3A_1482 : i32 to vector<16xi32>
      %add3A_1484 = arith.addi %add3A_1460, %add3A_1483 : vector<16xi32>
      %gather3A_1485 = tpu.vector_load_idx %arg6[%add3A_1484] : memref<16384xf32, #tpu.memory_space<vmem>>[vector<16xi32>], vector<16xf32>,
      %gt3A_1486 = arith.cmpf ogt, %gather3A_1485, %select_n3A_1477 : vector<16xf32>
      %select_n3A_1487 = arith.select %gt3A_1486, %gather3A_1485, %select_n3A_1477 : vector<16xi1>, vector<16xf32>
      %add3A_1488 = arith.constant 3 : i32
      %add3A_1489 = vector.broadcast %add3A_1488 : i32 to vector<16xi32>
      %add3A_1490 = arith.addi %and3A_1456, %add3A_1489 : vector<16xi32>
      %select_n3A_1491 = arith.select %gt3A_1486, %add3A_1490, %select_n3A_1481 : vector<16xi1>, vector<16xi32>
      %add3A_1492 = arith.constant 1024 : i32
      %add3A_1493 = vector.broadcast %add3A_1492 : i32 to vector<16xi32>
      %add3A_1494 = arith.addi %add3A_1460, %add3A_1493 : vector<16xi32>
      %gather3A_1495 = tpu.vector_load_idx %arg6[%add3A_1494] : memref<16384xf32, #tpu.memory_space<vmem>>[vector<16xi32>], vector<16xf32>,
      %gt3A_1496 = arith.cmpf ogt, %gather3A_1495, %select_n3A_1487 : vector<16xf32>
      %select_n3A_1497 = arith.select %gt3A_1496, %gather3A_1495, %select_n3A_1487 : vector<16xi1>, vector<16xf32>
      %add3A_1498 = arith.constant 4 : i32
      %add3A_1499 = vector.broadcast %add3A_1498 : i32 to vector<16xi32>
      %add3A_1500 = arith.addi %and3A_1456, %add3A_1499 : vector<16xi32>
      %select_n3A_1501 = arith.select %gt3A_1496, %add3A_1500, %select_n3A_1491 : vector<16xi1>, vector<16xi32>
      %add3A_1502 = arith.constant 1280 : i32
      %add3A_1503 = vector.broadcast %add3A_1502 : i32 to vector<16xi32>
      %add3A_1504 = arith.addi %add3A_1460, %add3A_1503 : vector<16xi32>
      %gather3A_1505 = tpu.vector_load_idx %arg6[%add3A_1504] : memref<16384xf32, #tpu.memory_space<vmem>>[vector<16xi32>], vector<16xf32>,
      %gt3A_1506 = arith.cmpf ogt, %gather3A_1505, %select_n3A_1497 : vector<16xf32>
      %select_n3A_1507 = arith.select %gt3A_1506, %gather3A_1505, %select_n3A_1497 : vector<16xi1>, vector<16xf32>
      %add3A_1508 = arith.constant 5 : i32
      %add3A_1509 = vector.broadcast %add3A_1508 : i32 to vector<16xi32>
      %add3A_1510 = arith.addi %and3A_1456, %add3A_1509 : vector<16xi32>
      %select_n3A_1511 = arith.select %gt3A_1506, %add3A_1510, %select_n3A_1501 : vector<16xi1>, vector<16xi32>
      %add3A_1512 = arith.constant 1536 : i32
      %add3A_1513 = vector.broadcast %add3A_1512 : i32 to vector<16xi32>
      %add3A_1514 = arith.addi %add3A_1460, %add3A_1513 : vector<16xi32>
      %gather3A_1515 = tpu.vector_load_idx %arg6[%add3A_1514] : memref<16384xf32, #tpu.memory_space<vmem>>[vector<16xi32>], vector<16xf32>,
      %gt3A_1516 = arith.cmpf ogt, %gather3A_1515, %select_n3A_1507 : vector<16xf32>
      %select_n3A_1517 = arith.select %gt3A_1516, %gather3A_1515, %select_n3A_1507 : vector<16xi1>, vector<16xf32>
      %add3A_1518 = arith.constant 6 : i32
      %add3A_1519 = vector.broadcast %add3A_1518 : i32 to vector<16xi32>
      %add3A_1520 = arith.addi %and3A_1456, %add3A_1519 : vector<16xi32>
      %select_n3A_1521 = arith.select %gt3A_1516, %add3A_1520, %select_n3A_1511 : vector<16xi1>, vector<16xi32>
      %add3A_1522 = arith.constant 1792 : i32
      %add3A_1523 = vector.broadcast %add3A_1522 : i32 to vector<16xi32>
      %add3A_1524 = arith.addi %add3A_1460, %add3A_1523 : vector<16xi32>
      %gather3A_1525 = tpu.vector_load_idx %arg6[%add3A_1524] : memref<16384xf32, #tpu.memory_space<vmem>>[vector<16xi32>], vector<16xf32>,
      %gt3A_1526 = arith.cmpf ogt, %gather3A_1525, %select_n3A_1517 : vector<16xf32>
      %select_n3A_1527 = arith.select %gt3A_1526, %gather3A_1525, %select_n3A_1517 : vector<16xi1>, vector<16xf32>
      %add3A_1528 = arith.constant 7 : i32
      %add3A_1529 = vector.broadcast %add3A_1528 : i32 to vector<16xi32>
      %add3A_1530 = arith.addi %and3A_1456, %add3A_1529 : vector<16xi32>
      %select_n3A_1531 = arith.select %gt3A_1526, %add3A_1530, %select_n3A_1521 : vector<16xi1>, vector<16xi32>
      %eq3A_1532 = arith.constant 0 : i32
      %eq3A_1533 = vector.broadcast %eq3A_1532 : i32 to vector<16xi32>
      %eq3A_1534 = arith.cmpi eq, %and3A_1456, %eq3A_1533 : vector<16xi32>
      %select_n3A_1535 = arith.select %eq3A_1534, %select_n3A_1527, %select_n3A_1392 : vector<16xi1>, vector<16xf32>
      %select_n3A_1536 = arith.select %eq3A_1534, %select_n3A_1531, %select_n3A_1393 : vector<16xi1>, vector<16xi32>
      %eq3A_1537 = arith.constant 8 : i32
      %eq3A_1538 = vector.broadcast %eq3A_1537 : i32 to vector<16xi32>
      %eq3A_1539 = arith.cmpi eq, %and3A_1456, %eq3A_1538 : vector<16xi32>
      %select_n3A_1540 = arith.select %eq3A_1539, %select_n3A_1527, %select_n3A_1397 : vector<16xi1>, vector<16xf32>
      %select_n3A_1541 = arith.select %eq3A_1539, %select_n3A_1531, %select_n3A_1398 : vector<16xi1>, vector<16xi32>
      %eq3A_1542 = arith.constant 16 : i32
      %eq3A_1543 = vector.broadcast %eq3A_1542 : i32 to vector<16xi32>
      %eq3A_1544 = arith.cmpi eq, %and3A_1456, %eq3A_1543 : vector<16xi32>
      %select_n3A_1545 = arith.select %eq3A_1544, %select_n3A_1527, %select_n3A_1402 : vector<16xi1>, vector<16xf32>
      %select_n3A_1546 = arith.select %eq3A_1544, %select_n3A_1531, %select_n3A_1403 : vector<16xi1>, vector<16xi32>
      %eq3A_1547 = arith.constant 24 : i32
      %eq3A_1548 = vector.broadcast %eq3A_1547 : i32 to vector<16xi32>
      %eq3A_1549 = arith.cmpi eq, %and3A_1456, %eq3A_1548 : vector<16xi32>
      %select_n3A_1550 = arith.select %eq3A_1549, %select_n3A_1527, %select_n3A_1407 : vector<16xi1>, vector<16xf32>
      %select_n3A_1551 = arith.select %eq3A_1549, %select_n3A_1531, %select_n3A_1408 : vector<16xi1>, vector<16xi32>
      %eq3A_1552 = arith.constant 32 : i32
      %eq3A_1553 = vector.broadcast %eq3A_1552 : i32 to vector<16xi32>
      %eq3A_1554 = arith.cmpi eq, %and3A_1456, %eq3A_1553 : vector<16xi32>
      %select_n3A_1555 = arith.select %eq3A_1554, %select_n3A_1527, %select_n3A_1412 : vector<16xi1>, vector<16xf32>
      %select_n3A_1556 = arith.select %eq3A_1554, %select_n3A_1531, %select_n3A_1413 : vector<16xi1>, vector<16xi32>
      %eq3A_1557 = arith.constant 40 : i32
      %eq3A_1558 = vector.broadcast %eq3A_1557 : i32 to vector<16xi32>
      %eq3A_1559 = arith.cmpi eq, %and3A_1456, %eq3A_1558 : vector<16xi32>
      %select_n3A_1560 = arith.select %eq3A_1559, %select_n3A_1527, %select_n3A_1417 : vector<16xi1>, vector<16xf32>
      %select_n3A_1561 = arith.select %eq3A_1559, %select_n3A_1531, %select_n3A_1418 : vector<16xi1>, vector<16xi32>
      %eq3A_1562 = arith.constant 48 : i32
      %eq3A_1563 = vector.broadcast %eq3A_1562 : i32 to vector<16xi32>
      %eq3A_1564 = arith.cmpi eq, %and3A_1456, %eq3A_1563 : vector<16xi32>
      %select_n3A_1565 = arith.select %eq3A_1564, %select_n3A_1527, %select_n3A_1422 : vector<16xi1>, vector<16xf32>
      %select_n3A_1566 = arith.select %eq3A_1564, %select_n3A_1531, %select_n3A_1423 : vector<16xi1>, vector<16xi32>
      %eq3A_1567 = arith.constant 56 : i32
      %eq3A_1568 = vector.broadcast %eq3A_1567 : i32 to vector<16xi32>
      %eq3A_1569 = arith.cmpi eq, %and3A_1456, %eq3A_1568 : vector<16xi32>
      %select_n3A_1570 = arith.select %eq3A_1569, %select_n3A_1527, %select_n3A_1427 : vector<16xi1>, vector<16xf32>
      %select_n3A_1571 = arith.select %eq3A_1569, %select_n3A_1531, %select_n3A_1428 : vector<16xi1>, vector<16xi32>
      %gt3A_1572 = arith.cmpf ogt, %select_n3A_1540, %select_n3A_1535 : vector<16xf32>
      %select_n3A_1573 = arith.select %gt3A_1572, %select_n3A_1540, %select_n3A_1535 : vector<16xi1>, vector<16xf32>
      %select_n3A_1574 = arith.select %gt3A_1572, %select_n3A_1541, %select_n3A_1536 : vector<16xi1>, vector<16xi32>
      %gt3A_1575 = arith.cmpf ogt, %select_n3A_1545, %select_n3A_1573 : vector<16xf32>
      %select_n3A_1576 = arith.select %gt3A_1575, %select_n3A_1545, %select_n3A_1573 : vector<16xi1>, vector<16xf32>
      %select_n3A_1577 = arith.select %gt3A_1575, %select_n3A_1546, %select_n3A_1574 : vector<16xi1>, vector<16xi32>
      %gt3A_1578 = arith.cmpf ogt, %select_n3A_1550, %select_n3A_1576 : vector<16xf32>
      %select_n3A_1579 = arith.select %gt3A_1578, %select_n3A_1550, %select_n3A_1576 : vector<16xi1>, vector<16xf32>
      %select_n3A_1580 = arith.select %gt3A_1578, %select_n3A_1551, %select_n3A_1577 : vector<16xi1>, vector<16xi32>
      %gt3A_1581 = arith.cmpf ogt, %select_n3A_1555, %select_n3A_1579 : vector<16xf32>
      %select_n3A_1582 = arith.select %gt3A_1581, %select_n3A_1555, %select_n3A_1579 : vector<16xi1>, vector<16xf32>
      %select_n3A_1583 = arith.select %gt3A_1581, %select_n3A_1556, %select_n3A_1580 : vector<16xi1>, vector<16xi32>
      %gt3A_1584 = arith.cmpf ogt, %select_n3A_1560, %select_n3A_1582 : vector<16xf32>
      %select_n3A_1585 = arith.select %gt3A_1584, %select_n3A_1560, %select_n3A_1582 : vector<16xi1>, vector<16xf32>
      %select_n3A_1586 = arith.select %gt3A_1584, %select_n3A_1561, %select_n3A_1583 : vector<16xi1>, vector<16xi32>
      %gt3A_1587 = arith.cmpf ogt, %select_n3A_1565, %select_n3A_1585 : vector<16xf32>
      %select_n3A_1588 = arith.select %gt3A_1587, %select_n3A_1565, %select_n3A_1585 : vector<16xi1>, vector<16xf32>
      %select_n3A_1589 = arith.select %gt3A_1587, %select_n3A_1566, %select_n3A_1586 : vector<16xi1>, vector<16xi32>
      %gt3A_1590 = arith.cmpf ogt, %select_n3A_1570, %select_n3A_1588 : vector<16xf32>
      %select_n3A_1591 = arith.select %gt3A_1590, %select_n3A_1570, %select_n3A_1588 : vector<16xi1>, vector<16xf32>
      %select_n3A_1592 = arith.select %gt3A_1590, %select_n3A_1571, %select_n3A_1589 : vector<16xi1>, vector<16xi32>
      %mul3A_1593 = arith.constant 256 : i32
      %mul3A_1594 = vector.broadcast %mul3A_1593 : i32 to vector<16xi32>
      %mul3A_1595 = arith.muli %select_n3A_1592, %mul3A_1594 : vector<16xi32>
      %add3A_1596 = arith.addi %mul3A_1595, %add3A_22 : vector<16xi32>
      tpu.vector_store_idx %arg6[%add3A_1596], %broadcast_in_dim3A_9 : memref<16384xf32, #tpu.memory_space<vmem>>[vector<16xi32>], vector<16xf32>,
      %and3A_1597 = arith.constant -8 : i32
      %and3A_1598 = vector.broadcast %and3A_1597 : i32 to vector<16xi32>
      %and3A_1599 = arith.andi %select_n3A_1592, %and3A_1598 : vector<16xi32>
      %mul3A_1600 = arith.constant 256 : i32
      %mul3A_1601 = vector.broadcast %mul3A_1600 : i32 to vector<16xi32>
      %mul3A_1602 = arith.muli %and3A_1599, %mul3A_1601 : vector<16xi32>
      %add3A_1603 = arith.addi %mul3A_1602, %add3A_22 : vector<16xi32>
      %gather3A_1604 = tpu.vector_load_idx %arg6[%add3A_1603] : memref<16384xf32, #tpu.memory_space<vmem>>[vector<16xi32>], vector<16xf32>,
      %add3A_1605 = arith.constant 256 : i32
      %add3A_1606 = vector.broadcast %add3A_1605 : i32 to vector<16xi32>
      %add3A_1607 = arith.addi %add3A_1603, %add3A_1606 : vector<16xi32>
      %gather3A_1608 = tpu.vector_load_idx %arg6[%add3A_1607] : memref<16384xf32, #tpu.memory_space<vmem>>[vector<16xi32>], vector<16xf32>,
      %gt3A_1609 = arith.cmpf ogt, %gather3A_1608, %gather3A_1604 : vector<16xf32>
      %select_n3A_1610 = arith.select %gt3A_1609, %gather3A_1608, %gather3A_1604 : vector<16xi1>, vector<16xf32>
      %add3A_1611 = arith.constant 1 : i32
      %add3A_1612 = vector.broadcast %add3A_1611 : i32 to vector<16xi32>
      %add3A_1613 = arith.addi %and3A_1599, %add3A_1612 : vector<16xi32>
      %select_n3A_1614 = arith.select %gt3A_1609, %add3A_1613, %and3A_1599 : vector<16xi1>, vector<16xi32>
      %add3A_1615 = arith.constant 512 : i32
      %add3A_1616 = vector.broadcast %add3A_1615 : i32 to vector<16xi32>
      %add3A_1617 = arith.addi %add3A_1603, %add3A_1616 : vector<16xi32>
      %gather3A_1618 = tpu.vector_load_idx %arg6[%add3A_1617] : memref<16384xf32, #tpu.memory_space<vmem>>[vector<16xi32>], vector<16xf32>,
      %gt3A_1619 = arith.cmpf ogt, %gather3A_1618, %select_n3A_1610 : vector<16xf32>
      %select_n3A_1620 = arith.select %gt3A_1619, %gather3A_1618, %select_n3A_1610 : vector<16xi1>, vector<16xf32>
      %add3A_1621 = arith.constant 2 : i32
      %add3A_1622 = vector.broadcast %add3A_1621 : i32 to vector<16xi32>
      %add3A_1623 = arith.addi %and3A_1599, %add3A_1622 : vector<16xi32>
      %select_n3A_1624 = arith.select %gt3A_1619, %add3A_1623, %select_n3A_1614 : vector<16xi1>, vector<16xi32>
      %add3A_1625 = arith.constant 768 : i32
      %add3A_1626 = vector.broadcast %add3A_1625 : i32 to vector<16xi32>
      %add3A_1627 = arith.addi %add3A_1603, %add3A_1626 : vector<16xi32>
      %gather3A_1628 = tpu.vector_load_idx %arg6[%add3A_1627] : memref<16384xf32, #tpu.memory_space<vmem>>[vector<16xi32>], vector<16xf32>,
      %gt3A_1629 = arith.cmpf ogt, %gather3A_1628, %select_n3A_1620 : vector<16xf32>
      %select_n3A_1630 = arith.select %gt3A_1629, %gather3A_1628, %select_n3A_1620 : vector<16xi1>, vector<16xf32>
      %add3A_1631 = arith.constant 3 : i32
      %add3A_1632 = vector.broadcast %add3A_1631 : i32 to vector<16xi32>
      %add3A_1633 = arith.addi %and3A_1599, %add3A_1632 : vector<16xi32>
      %select_n3A_1634 = arith.select %gt3A_1629, %add3A_1633, %select_n3A_1624 : vector<16xi1>, vector<16xi32>
      %add3A_1635 = arith.constant 1024 : i32
      %add3A_1636 = vector.broadcast %add3A_1635 : i32 to vector<16xi32>
      %add3A_1637 = arith.addi %add3A_1603, %add3A_1636 : vector<16xi32>
      %gather3A_1638 = tpu.vector_load_idx %arg6[%add3A_1637] : memref<16384xf32, #tpu.memory_space<vmem>>[vector<16xi32>], vector<16xf32>,
      %gt3A_1639 = arith.cmpf ogt, %gather3A_1638, %select_n3A_1630 : vector<16xf32>
      %select_n3A_1640 = arith.select %gt3A_1639, %gather3A_1638, %select_n3A_1630 : vector<16xi1>, vector<16xf32>
      %add3A_1641 = arith.constant 4 : i32
      %add3A_1642 = vector.broadcast %add3A_1641 : i32 to vector<16xi32>
      %add3A_1643 = arith.addi %and3A_1599, %add3A_1642 : vector<16xi32>
      %select_n3A_1644 = arith.select %gt3A_1639, %add3A_1643, %select_n3A_1634 : vector<16xi1>, vector<16xi32>
      %add3A_1645 = arith.constant 1280 : i32
      %add3A_1646 = vector.broadcast %add3A_1645 : i32 to vector<16xi32>
      %add3A_1647 = arith.addi %add3A_1603, %add3A_1646 : vector<16xi32>
      %gather3A_1648 = tpu.vector_load_idx %arg6[%add3A_1647] : memref<16384xf32, #tpu.memory_space<vmem>>[vector<16xi32>], vector<16xf32>,
      %gt3A_1649 = arith.cmpf ogt, %gather3A_1648, %select_n3A_1640 : vector<16xf32>
      %select_n3A_1650 = arith.select %gt3A_1649, %gather3A_1648, %select_n3A_1640 : vector<16xi1>, vector<16xf32>
      %add3A_1651 = arith.constant 5 : i32
      %add3A_1652 = vector.broadcast %add3A_1651 : i32 to vector<16xi32>
      %add3A_1653 = arith.addi %and3A_1599, %add3A_1652 : vector<16xi32>
      %select_n3A_1654 = arith.select %gt3A_1649, %add3A_1653, %select_n3A_1644 : vector<16xi1>, vector<16xi32>
      %add3A_1655 = arith.constant 1536 : i32
      %add3A_1656 = vector.broadcast %add3A_1655 : i32 to vector<16xi32>
      %add3A_1657 = arith.addi %add3A_1603, %add3A_1656 : vector<16xi32>
      %gather3A_1658 = tpu.vector_load_idx %arg6[%add3A_1657] : memref<16384xf32, #tpu.memory_space<vmem>>[vector<16xi32>], vector<16xf32>,
      %gt3A_1659 = arith.cmpf ogt, %gather3A_1658, %select_n3A_1650 : vector<16xf32>
      %select_n3A_1660 = arith.select %gt3A_1659, %gather3A_1658, %select_n3A_1650 : vector<16xi1>, vector<16xf32>
      %add3A_1661 = arith.constant 6 : i32
      %add3A_1662 = vector.broadcast %add3A_1661 : i32 to vector<16xi32>
      %add3A_1663 = arith.addi %and3A_1599, %add3A_1662 : vector<16xi32>
      %select_n3A_1664 = arith.select %gt3A_1659, %add3A_1663, %select_n3A_1654 : vector<16xi1>, vector<16xi32>
      %add3A_1665 = arith.constant 1792 : i32
      %add3A_1666 = vector.broadcast %add3A_1665 : i32 to vector<16xi32>
      %add3A_1667 = arith.addi %add3A_1603, %add3A_1666 : vector<16xi32>
      %gather3A_1668 = tpu.vector_load_idx %arg6[%add3A_1667] : memref<16384xf32, #tpu.memory_space<vmem>>[vector<16xi32>], vector<16xf32>,
      %gt3A_1669 = arith.cmpf ogt, %gather3A_1668, %select_n3A_1660 : vector<16xf32>
      %select_n3A_1670 = arith.select %gt3A_1669, %gather3A_1668, %select_n3A_1660 : vector<16xi1>, vector<16xf32>
      %add3A_1671 = arith.constant 7 : i32
      %add3A_1672 = vector.broadcast %add3A_1671 : i32 to vector<16xi32>
      %add3A_1673 = arith.addi %and3A_1599, %add3A_1672 : vector<16xi32>
      %select_n3A_1674 = arith.select %gt3A_1669, %add3A_1673, %select_n3A_1664 : vector<16xi1>, vector<16xi32>
      %eq3A_1675 = arith.constant 0 : i32
      %eq3A_1676 = vector.broadcast %eq3A_1675 : i32 to vector<16xi32>
      %eq3A_1677 = arith.cmpi eq, %and3A_1599, %eq3A_1676 : vector<16xi32>
      %select_n3A_1678 = arith.select %eq3A_1677, %select_n3A_1670, %select_n3A_1535 : vector<16xi1>, vector<16xf32>
      %select_n3A_1679 = arith.select %eq3A_1677, %select_n3A_1674, %select_n3A_1536 : vector<16xi1>, vector<16xi32>
      %eq3A_1680 = arith.constant 8 : i32
      %eq3A_1681 = vector.broadcast %eq3A_1680 : i32 to vector<16xi32>
      %eq3A_1682 = arith.cmpi eq, %and3A_1599, %eq3A_1681 : vector<16xi32>
      %select_n3A_1683 = arith.select %eq3A_1682, %select_n3A_1670, %select_n3A_1540 : vector<16xi1>, vector<16xf32>
      %select_n3A_1684 = arith.select %eq3A_1682, %select_n3A_1674, %select_n3A_1541 : vector<16xi1>, vector<16xi32>
      %eq3A_1685 = arith.constant 16 : i32
      %eq3A_1686 = vector.broadcast %eq3A_1685 : i32 to vector<16xi32>
      %eq3A_1687 = arith.cmpi eq, %and3A_1599, %eq3A_1686 : vector<16xi32>
      %select_n3A_1688 = arith.select %eq3A_1687, %select_n3A_1670, %select_n3A_1545 : vector<16xi1>, vector<16xf32>
      %select_n3A_1689 = arith.select %eq3A_1687, %select_n3A_1674, %select_n3A_1546 : vector<16xi1>, vector<16xi32>
      %eq3A_1690 = arith.constant 24 : i32
      %eq3A_1691 = vector.broadcast %eq3A_1690 : i32 to vector<16xi32>
      %eq3A_1692 = arith.cmpi eq, %and3A_1599, %eq3A_1691 : vector<16xi32>
      %select_n3A_1693 = arith.select %eq3A_1692, %select_n3A_1670, %select_n3A_1550 : vector<16xi1>, vector<16xf32>
      %select_n3A_1694 = arith.select %eq3A_1692, %select_n3A_1674, %select_n3A_1551 : vector<16xi1>, vector<16xi32>
      %eq3A_1695 = arith.constant 32 : i32
      %eq3A_1696 = vector.broadcast %eq3A_1695 : i32 to vector<16xi32>
      %eq3A_1697 = arith.cmpi eq, %and3A_1599, %eq3A_1696 : vector<16xi32>
      %select_n3A_1698 = arith.select %eq3A_1697, %select_n3A_1670, %select_n3A_1555 : vector<16xi1>, vector<16xf32>
      %select_n3A_1699 = arith.select %eq3A_1697, %select_n3A_1674, %select_n3A_1556 : vector<16xi1>, vector<16xi32>
      %eq3A_1700 = arith.constant 40 : i32
      %eq3A_1701 = vector.broadcast %eq3A_1700 : i32 to vector<16xi32>
      %eq3A_1702 = arith.cmpi eq, %and3A_1599, %eq3A_1701 : vector<16xi32>
      %select_n3A_1703 = arith.select %eq3A_1702, %select_n3A_1670, %select_n3A_1560 : vector<16xi1>, vector<16xf32>
      %select_n3A_1704 = arith.select %eq3A_1702, %select_n3A_1674, %select_n3A_1561 : vector<16xi1>, vector<16xi32>
      %eq3A_1705 = arith.constant 48 : i32
      %eq3A_1706 = vector.broadcast %eq3A_1705 : i32 to vector<16xi32>
      %eq3A_1707 = arith.cmpi eq, %and3A_1599, %eq3A_1706 : vector<16xi32>
      %select_n3A_1708 = arith.select %eq3A_1707, %select_n3A_1670, %select_n3A_1565 : vector<16xi1>, vector<16xf32>
      %select_n3A_1709 = arith.select %eq3A_1707, %select_n3A_1674, %select_n3A_1566 : vector<16xi1>, vector<16xi32>
      %eq3A_1710 = arith.constant 56 : i32
      %eq3A_1711 = vector.broadcast %eq3A_1710 : i32 to vector<16xi32>
      %eq3A_1712 = arith.cmpi eq, %and3A_1599, %eq3A_1711 : vector<16xi32>
      %select_n3A_1713 = arith.select %eq3A_1712, %select_n3A_1670, %select_n3A_1570 : vector<16xi1>, vector<16xf32>
      %select_n3A_1714 = arith.select %eq3A_1712, %select_n3A_1674, %select_n3A_1571 : vector<16xi1>, vector<16xi32>
      %gt3A_1715 = arith.cmpf ogt, %select_n3A_1683, %select_n3A_1678 : vector<16xf32>
      %select_n3A_1716 = arith.select %gt3A_1715, %select_n3A_1683, %select_n3A_1678 : vector<16xi1>, vector<16xf32>
      %select_n3A_1717 = arith.select %gt3A_1715, %select_n3A_1684, %select_n3A_1679 : vector<16xi1>, vector<16xi32>
      %gt3A_1718 = arith.cmpf ogt, %select_n3A_1688, %select_n3A_1716 : vector<16xf32>
      %select_n3A_1719 = arith.select %gt3A_1718, %select_n3A_1688, %select_n3A_1716 : vector<16xi1>, vector<16xf32>
      %select_n3A_1720 = arith.select %gt3A_1718, %select_n3A_1689, %select_n3A_1717 : vector<16xi1>, vector<16xi32>
      %gt3A_1721 = arith.cmpf ogt, %select_n3A_1693, %select_n3A_1719 : vector<16xf32>
      %select_n3A_1722 = arith.select %gt3A_1721, %select_n3A_1693, %select_n3A_1719 : vector<16xi1>, vector<16xf32>
      %select_n3A_1723 = arith.select %gt3A_1721, %select_n3A_1694, %select_n3A_1720 : vector<16xi1>, vector<16xi32>
      %gt3A_1724 = arith.cmpf ogt, %select_n3A_1698, %select_n3A_1722 : vector<16xf32>
      %select_n3A_1725 = arith.select %gt3A_1724, %select_n3A_1698, %select_n3A_1722 : vector<16xi1>, vector<16xf32>
      %select_n3A_1726 = arith.select %gt3A_1724, %select_n3A_1699, %select_n3A_1723 : vector<16xi1>, vector<16xi32>
      %gt3A_1727 = arith.cmpf ogt, %select_n3A_1703, %select_n3A_1725 : vector<16xf32>
      %select_n3A_1728 = arith.select %gt3A_1727, %select_n3A_1703, %select_n3A_1725 : vector<16xi1>, vector<16xf32>
      %select_n3A_1729 = arith.select %gt3A_1727, %select_n3A_1704, %select_n3A_1726 : vector<16xi1>, vector<16xi32>
      %gt3A_1730 = arith.cmpf ogt, %select_n3A_1708, %select_n3A_1728 : vector<16xf32>
      %select_n3A_1731 = arith.select %gt3A_1730, %select_n3A_1708, %select_n3A_1728 : vector<16xi1>, vector<16xf32>
      %select_n3A_1732 = arith.select %gt3A_1730, %select_n3A_1709, %select_n3A_1729 : vector<16xi1>, vector<16xi32>
      %gt3A_1733 = arith.cmpf ogt, %select_n3A_1713, %select_n3A_1731 : vector<16xf32>
      %select_n3A_1734 = arith.select %gt3A_1733, %select_n3A_1713, %select_n3A_1731 : vector<16xi1>, vector<16xf32>
      %select_n3A_1735 = arith.select %gt3A_1733, %select_n3A_1714, %select_n3A_1732 : vector<16xi1>, vector<16xi32>
      %mul3A_1736 = arith.constant 256 : i32
      %mul3A_1737 = vector.broadcast %mul3A_1736 : i32 to vector<16xi32>
      %mul3A_1738 = arith.muli %select_n3A_1735, %mul3A_1737 : vector<16xi32>
      %add3A_1739 = arith.addi %mul3A_1738, %add3A_22 : vector<16xi32>
      tpu.vector_store_idx %arg6[%add3A_1739], %broadcast_in_dim3A_9 : memref<16384xf32, #tpu.memory_space<vmem>>[vector<16xi32>], vector<16xf32>,
      %and3A_1740 = arith.constant -8 : i32
      %and3A_1741 = vector.broadcast %and3A_1740 : i32 to vector<16xi32>
      %and3A_1742 = arith.andi %select_n3A_1735, %and3A_1741 : vector<16xi32>
      %mul3A_1743 = arith.constant 256 : i32
      %mul3A_1744 = vector.broadcast %mul3A_1743 : i32 to vector<16xi32>
      %mul3A_1745 = arith.muli %and3A_1742, %mul3A_1744 : vector<16xi32>
      %add3A_1746 = arith.addi %mul3A_1745, %add3A_22 : vector<16xi32>
      %gather3A_1747 = tpu.vector_load_idx %arg6[%add3A_1746] : memref<16384xf32, #tpu.memory_space<vmem>>[vector<16xi32>], vector<16xf32>,
      %add3A_1748 = arith.constant 256 : i32
      %add3A_1749 = vector.broadcast %add3A_1748 : i32 to vector<16xi32>
      %add3A_1750 = arith.addi %add3A_1746, %add3A_1749 : vector<16xi32>
      %gather3A_1751 = tpu.vector_load_idx %arg6[%add3A_1750] : memref<16384xf32, #tpu.memory_space<vmem>>[vector<16xi32>], vector<16xf32>,
      %gt3A_1752 = arith.cmpf ogt, %gather3A_1751, %gather3A_1747 : vector<16xf32>
      %select_n3A_1753 = arith.select %gt3A_1752, %gather3A_1751, %gather3A_1747 : vector<16xi1>, vector<16xf32>
      %add3A_1754 = arith.constant 1 : i32
      %add3A_1755 = vector.broadcast %add3A_1754 : i32 to vector<16xi32>
      %add3A_1756 = arith.addi %and3A_1742, %add3A_1755 : vector<16xi32>
      %select_n3A_1757 = arith.select %gt3A_1752, %add3A_1756, %and3A_1742 : vector<16xi1>, vector<16xi32>
      %add3A_1758 = arith.constant 512 : i32
      %add3A_1759 = vector.broadcast %add3A_1758 : i32 to vector<16xi32>
      %add3A_1760 = arith.addi %add3A_1746, %add3A_1759 : vector<16xi32>
      %gather3A_1761 = tpu.vector_load_idx %arg6[%add3A_1760] : memref<16384xf32, #tpu.memory_space<vmem>>[vector<16xi32>], vector<16xf32>,
      %gt3A_1762 = arith.cmpf ogt, %gather3A_1761, %select_n3A_1753 : vector<16xf32>
      %select_n3A_1763 = arith.select %gt3A_1762, %gather3A_1761, %select_n3A_1753 : vector<16xi1>, vector<16xf32>
      %add3A_1764 = arith.constant 2 : i32
      %add3A_1765 = vector.broadcast %add3A_1764 : i32 to vector<16xi32>
      %add3A_1766 = arith.addi %and3A_1742, %add3A_1765 : vector<16xi32>
      %select_n3A_1767 = arith.select %gt3A_1762, %add3A_1766, %select_n3A_1757 : vector<16xi1>, vector<16xi32>
      %add3A_1768 = arith.constant 768 : i32
      %add3A_1769 = vector.broadcast %add3A_1768 : i32 to vector<16xi32>
      %add3A_1770 = arith.addi %add3A_1746, %add3A_1769 : vector<16xi32>
      %gather3A_1771 = tpu.vector_load_idx %arg6[%add3A_1770] : memref<16384xf32, #tpu.memory_space<vmem>>[vector<16xi32>], vector<16xf32>,
      %gt3A_1772 = arith.cmpf ogt, %gather3A_1771, %select_n3A_1763 : vector<16xf32>
      %select_n3A_1773 = arith.select %gt3A_1772, %gather3A_1771, %select_n3A_1763 : vector<16xi1>, vector<16xf32>
      %add3A_1774 = arith.constant 3 : i32
      %add3A_1775 = vector.broadcast %add3A_1774 : i32 to vector<16xi32>
      %add3A_1776 = arith.addi %and3A_1742, %add3A_1775 : vector<16xi32>
      %select_n3A_1777 = arith.select %gt3A_1772, %add3A_1776, %select_n3A_1767 : vector<16xi1>, vector<16xi32>
      %add3A_1778 = arith.constant 1024 : i32
      %add3A_1779 = vector.broadcast %add3A_1778 : i32 to vector<16xi32>
      %add3A_1780 = arith.addi %add3A_1746, %add3A_1779 : vector<16xi32>
      %gather3A_1781 = tpu.vector_load_idx %arg6[%add3A_1780] : memref<16384xf32, #tpu.memory_space<vmem>>[vector<16xi32>], vector<16xf32>,
      %gt3A_1782 = arith.cmpf ogt, %gather3A_1781, %select_n3A_1773 : vector<16xf32>
      %select_n3A_1783 = arith.select %gt3A_1782, %gather3A_1781, %select_n3A_1773 : vector<16xi1>, vector<16xf32>
      %add3A_1784 = arith.constant 4 : i32
      %add3A_1785 = vector.broadcast %add3A_1784 : i32 to vector<16xi32>
      %add3A_1786 = arith.addi %and3A_1742, %add3A_1785 : vector<16xi32>
      %select_n3A_1787 = arith.select %gt3A_1782, %add3A_1786, %select_n3A_1777 : vector<16xi1>, vector<16xi32>
      %add3A_1788 = arith.constant 1280 : i32
      %add3A_1789 = vector.broadcast %add3A_1788 : i32 to vector<16xi32>
      %add3A_1790 = arith.addi %add3A_1746, %add3A_1789 : vector<16xi32>
      %gather3A_1791 = tpu.vector_load_idx %arg6[%add3A_1790] : memref<16384xf32, #tpu.memory_space<vmem>>[vector<16xi32>], vector<16xf32>,
      %gt3A_1792 = arith.cmpf ogt, %gather3A_1791, %select_n3A_1783 : vector<16xf32>
      %select_n3A_1793 = arith.select %gt3A_1792, %gather3A_1791, %select_n3A_1783 : vector<16xi1>, vector<16xf32>
      %add3A_1794 = arith.constant 5 : i32
      %add3A_1795 = vector.broadcast %add3A_1794 : i32 to vector<16xi32>
      %add3A_1796 = arith.addi %and3A_1742, %add3A_1795 : vector<16xi32>
      %select_n3A_1797 = arith.select %gt3A_1792, %add3A_1796, %select_n3A_1787 : vector<16xi1>, vector<16xi32>
      %add3A_1798 = arith.constant 1536 : i32
      %add3A_1799 = vector.broadcast %add3A_1798 : i32 to vector<16xi32>
      %add3A_1800 = arith.addi %add3A_1746, %add3A_1799 : vector<16xi32>
      %gather3A_1801 = tpu.vector_load_idx %arg6[%add3A_1800] : memref<16384xf32, #tpu.memory_space<vmem>>[vector<16xi32>], vector<16xf32>,
      %gt3A_1802 = arith.cmpf ogt, %gather3A_1801, %select_n3A_1793 : vector<16xf32>
      %select_n3A_1803 = arith.select %gt3A_1802, %gather3A_1801, %select_n3A_1793 : vector<16xi1>, vector<16xf32>
      %add3A_1804 = arith.constant 6 : i32
      %add3A_1805 = vector.broadcast %add3A_1804 : i32 to vector<16xi32>
      %add3A_1806 = arith.addi %and3A_1742, %add3A_1805 : vector<16xi32>
      %select_n3A_1807 = arith.select %gt3A_1802, %add3A_1806, %select_n3A_1797 : vector<16xi1>, vector<16xi32>
      %add3A_1808 = arith.constant 1792 : i32
      %add3A_1809 = vector.broadcast %add3A_1808 : i32 to vector<16xi32>
      %add3A_1810 = arith.addi %add3A_1746, %add3A_1809 : vector<16xi32>
      %gather3A_1811 = tpu.vector_load_idx %arg6[%add3A_1810] : memref<16384xf32, #tpu.memory_space<vmem>>[vector<16xi32>], vector<16xf32>,
      %gt3A_1812 = arith.cmpf ogt, %gather3A_1811, %select_n3A_1803 : vector<16xf32>
      %select_n3A_1813 = arith.select %gt3A_1812, %gather3A_1811, %select_n3A_1803 : vector<16xi1>, vector<16xf32>
      %add3A_1814 = arith.constant 7 : i32
      %add3A_1815 = vector.broadcast %add3A_1814 : i32 to vector<16xi32>
      %add3A_1816 = arith.addi %and3A_1742, %add3A_1815 : vector<16xi32>
      %select_n3A_1817 = arith.select %gt3A_1812, %add3A_1816, %select_n3A_1807 : vector<16xi1>, vector<16xi32>
      %eq3A_1818 = arith.constant 0 : i32
      %eq3A_1819 = vector.broadcast %eq3A_1818 : i32 to vector<16xi32>
      %eq3A_1820 = arith.cmpi eq, %and3A_1742, %eq3A_1819 : vector<16xi32>
      %select_n3A_1821 = arith.select %eq3A_1820, %select_n3A_1813, %select_n3A_1678 : vector<16xi1>, vector<16xf32>
      %select_n3A_1822 = arith.select %eq3A_1820, %select_n3A_1817, %select_n3A_1679 : vector<16xi1>, vector<16xi32>
      %eq3A_1823 = arith.constant 8 : i32
      %eq3A_1824 = vector.broadcast %eq3A_1823 : i32 to vector<16xi32>
      %eq3A_1825 = arith.cmpi eq, %and3A_1742, %eq3A_1824 : vector<16xi32>
      %select_n3A_1826 = arith.select %eq3A_1825, %select_n3A_1813, %select_n3A_1683 : vector<16xi1>, vector<16xf32>
      %select_n3A_1827 = arith.select %eq3A_1825, %select_n3A_1817, %select_n3A_1684 : vector<16xi1>, vector<16xi32>
      %eq3A_1828 = arith.constant 16 : i32
      %eq3A_1829 = vector.broadcast %eq3A_1828 : i32 to vector<16xi32>
      %eq3A_1830 = arith.cmpi eq, %and3A_1742, %eq3A_1829 : vector<16xi32>
      %select_n3A_1831 = arith.select %eq3A_1830, %select_n3A_1813, %select_n3A_1688 : vector<16xi1>, vector<16xf32>
      %select_n3A_1832 = arith.select %eq3A_1830, %select_n3A_1817, %select_n3A_1689 : vector<16xi1>, vector<16xi32>
      %eq3A_1833 = arith.constant 24 : i32
      %eq3A_1834 = vector.broadcast %eq3A_1833 : i32 to vector<16xi32>
      %eq3A_1835 = arith.cmpi eq, %and3A_1742, %eq3A_1834 : vector<16xi32>
      %select_n3A_1836 = arith.select %eq3A_1835, %select_n3A_1813, %select_n3A_1693 : vector<16xi1>, vector<16xf32>
      %select_n3A_1837 = arith.select %eq3A_1835, %select_n3A_1817, %select_n3A_1694 : vector<16xi1>, vector<16xi32>
      %eq3A_1838 = arith.constant 32 : i32
      %eq3A_1839 = vector.broadcast %eq3A_1838 : i32 to vector<16xi32>
      %eq3A_1840 = arith.cmpi eq, %and3A_1742, %eq3A_1839 : vector<16xi32>
      %select_n3A_1841 = arith.select %eq3A_1840, %select_n3A_1813, %select_n3A_1698 : vector<16xi1>, vector<16xf32>
      %select_n3A_1842 = arith.select %eq3A_1840, %select_n3A_1817, %select_n3A_1699 : vector<16xi1>, vector<16xi32>
      %eq3A_1843 = arith.constant 40 : i32
      %eq3A_1844 = vector.broadcast %eq3A_1843 : i32 to vector<16xi32>
      %eq3A_1845 = arith.cmpi eq, %and3A_1742, %eq3A_1844 : vector<16xi32>
      %select_n3A_1846 = arith.select %eq3A_1845, %select_n3A_1813, %select_n3A_1703 : vector<16xi1>, vector<16xf32>
      %select_n3A_1847 = arith.select %eq3A_1845, %select_n3A_1817, %select_n3A_1704 : vector<16xi1>, vector<16xi32>
      %eq3A_1848 = arith.constant 48 : i32
      %eq3A_1849 = vector.broadcast %eq3A_1848 : i32 to vector<16xi32>
      %eq3A_1850 = arith.cmpi eq, %and3A_1742, %eq3A_1849 : vector<16xi32>
      %select_n3A_1851 = arith.select %eq3A_1850, %select_n3A_1813, %select_n3A_1708 : vector<16xi1>, vector<16xf32>
      %select_n3A_1852 = arith.select %eq3A_1850, %select_n3A_1817, %select_n3A_1709 : vector<16xi1>, vector<16xi32>
      %eq3A_1853 = arith.constant 56 : i32
      %eq3A_1854 = vector.broadcast %eq3A_1853 : i32 to vector<16xi32>
      %eq3A_1855 = arith.cmpi eq, %and3A_1742, %eq3A_1854 : vector<16xi32>
      %select_n3A_1856 = arith.select %eq3A_1855, %select_n3A_1813, %select_n3A_1713 : vector<16xi1>, vector<16xf32>
      %select_n3A_1857 = arith.select %eq3A_1855, %select_n3A_1817, %select_n3A_1714 : vector<16xi1>, vector<16xi32>
      %gt3A_1858 = arith.cmpf ogt, %select_n3A_1826, %select_n3A_1821 : vector<16xf32>
      %select_n3A_1859 = arith.select %gt3A_1858, %select_n3A_1826, %select_n3A_1821 : vector<16xi1>, vector<16xf32>
      %select_n3A_1860 = arith.select %gt3A_1858, %select_n3A_1827, %select_n3A_1822 : vector<16xi1>, vector<16xi32>
      %gt3A_1861 = arith.cmpf ogt, %select_n3A_1831, %select_n3A_1859 : vector<16xf32>
      %select_n3A_1862 = arith.select %gt3A_1861, %select_n3A_1831, %select_n3A_1859 : vector<16xi1>, vector<16xf32>
      %select_n3A_1863 = arith.select %gt3A_1861, %select_n3A_1832, %select_n3A_1860 : vector<16xi1>, vector<16xi32>
      %gt3A_1864 = arith.cmpf ogt, %select_n3A_1836, %select_n3A_1862 : vector<16xf32>
      %select_n3A_1865 = arith.select %gt3A_1864, %select_n3A_1836, %select_n3A_1862 : vector<16xi1>, vector<16xf32>
      %select_n3A_1866 = arith.select %gt3A_1864, %select_n3A_1837, %select_n3A_1863 : vector<16xi1>, vector<16xi32>
      %gt3A_1867 = arith.cmpf ogt, %select_n3A_1841, %select_n3A_1865 : vector<16xf32>
      %select_n3A_1868 = arith.select %gt3A_1867, %select_n3A_1841, %select_n3A_1865 : vector<16xi1>, vector<16xf32>
      %select_n3A_1869 = arith.select %gt3A_1867, %select_n3A_1842, %select_n3A_1866 : vector<16xi1>, vector<16xi32>
      %gt3A_1870 = arith.cmpf ogt, %select_n3A_1846, %select_n3A_1868 : vector<16xf32>
      %select_n3A_1871 = arith.select %gt3A_1870, %select_n3A_1846, %select_n3A_1868 : vector<16xi1>, vector<16xf32>
      %select_n3A_1872 = arith.select %gt3A_1870, %select_n3A_1847, %select_n3A_1869 : vector<16xi1>, vector<16xi32>
      %gt3A_1873 = arith.cmpf ogt, %select_n3A_1851, %select_n3A_1871 : vector<16xf32>
      %select_n3A_1874 = arith.select %gt3A_1873, %select_n3A_1851, %select_n3A_1871 : vector<16xi1>, vector<16xf32>
      %select_n3A_1875 = arith.select %gt3A_1873, %select_n3A_1852, %select_n3A_1872 : vector<16xi1>, vector<16xi32>
      %gt3A_1876 = arith.cmpf ogt, %select_n3A_1856, %select_n3A_1874 : vector<16xf32>
      %select_n3A_1877 = arith.select %gt3A_1876, %select_n3A_1856, %select_n3A_1874 : vector<16xi1>, vector<16xf32>
      %select_n3A_1878 = arith.select %gt3A_1876, %select_n3A_1857, %select_n3A_1875 : vector<16xi1>, vector<16xi32>
      %mul3A_1879 = arith.constant 256 : i32
      %mul3A_1880 = vector.broadcast %mul3A_1879 : i32 to vector<16xi32>
      %mul3A_1881 = arith.muli %select_n3A_1878, %mul3A_1880 : vector<16xi32>
      %add3A_1882 = arith.addi %mul3A_1881, %add3A_22 : vector<16xi32>
      tpu.vector_store_idx %arg6[%add3A_1882], %broadcast_in_dim3A_9 : memref<16384xf32, #tpu.memory_space<vmem>>[vector<16xi32>], vector<16xf32>,
      %and3A_1883 = arith.constant -8 : i32
      %and3A_1884 = vector.broadcast %and3A_1883 : i32 to vector<16xi32>
      %and3A_1885 = arith.andi %select_n3A_1878, %and3A_1884 : vector<16xi32>
      %mul3A_1886 = arith.constant 256 : i32
      %mul3A_1887 = vector.broadcast %mul3A_1886 : i32 to vector<16xi32>
      %mul3A_1888 = arith.muli %and3A_1885, %mul3A_1887 : vector<16xi32>
      %add3A_1889 = arith.addi %mul3A_1888, %add3A_22 : vector<16xi32>
      %gather3A_1890 = tpu.vector_load_idx %arg6[%add3A_1889] : memref<16384xf32, #tpu.memory_space<vmem>>[vector<16xi32>], vector<16xf32>,
      %add3A_1891 = arith.constant 256 : i32
      %add3A_1892 = vector.broadcast %add3A_1891 : i32 to vector<16xi32>
      %add3A_1893 = arith.addi %add3A_1889, %add3A_1892 : vector<16xi32>
      %gather3A_1894 = tpu.vector_load_idx %arg6[%add3A_1893] : memref<16384xf32, #tpu.memory_space<vmem>>[vector<16xi32>], vector<16xf32>,
      %gt3A_1895 = arith.cmpf ogt, %gather3A_1894, %gather3A_1890 : vector<16xf32>
      %select_n3A_1896 = arith.select %gt3A_1895, %gather3A_1894, %gather3A_1890 : vector<16xi1>, vector<16xf32>
      %add3A_1897 = arith.constant 1 : i32
      %add3A_1898 = vector.broadcast %add3A_1897 : i32 to vector<16xi32>
      %add3A_1899 = arith.addi %and3A_1885, %add3A_1898 : vector<16xi32>
      %select_n3A_1900 = arith.select %gt3A_1895, %add3A_1899, %and3A_1885 : vector<16xi1>, vector<16xi32>
      %add3A_1901 = arith.constant 512 : i32
      %add3A_1902 = vector.broadcast %add3A_1901 : i32 to vector<16xi32>
      %add3A_1903 = arith.addi %add3A_1889, %add3A_1902 : vector<16xi32>
      %gather3A_1904 = tpu.vector_load_idx %arg6[%add3A_1903] : memref<16384xf32, #tpu.memory_space<vmem>>[vector<16xi32>], vector<16xf32>,
      %gt3A_1905 = arith.cmpf ogt, %gather3A_1904, %select_n3A_1896 : vector<16xf32>
      %select_n3A_1906 = arith.select %gt3A_1905, %gather3A_1904, %select_n3A_1896 : vector<16xi1>, vector<16xf32>
      %add3A_1907 = arith.constant 2 : i32
      %add3A_1908 = vector.broadcast %add3A_1907 : i32 to vector<16xi32>
      %add3A_1909 = arith.addi %and3A_1885, %add3A_1908 : vector<16xi32>
      %select_n3A_1910 = arith.select %gt3A_1905, %add3A_1909, %select_n3A_1900 : vector<16xi1>, vector<16xi32>
      %add3A_1911 = arith.constant 768 : i32
      %add3A_1912 = vector.broadcast %add3A_1911 : i32 to vector<16xi32>
      %add3A_1913 = arith.addi %add3A_1889, %add3A_1912 : vector<16xi32>
      %gather3A_1914 = tpu.vector_load_idx %arg6[%add3A_1913] : memref<16384xf32, #tpu.memory_space<vmem>>[vector<16xi32>], vector<16xf32>,
      %gt3A_1915 = arith.cmpf ogt, %gather3A_1914, %select_n3A_1906 : vector<16xf32>
      %select_n3A_1916 = arith.select %gt3A_1915, %gather3A_1914, %select_n3A_1906 : vector<16xi1>, vector<16xf32>
      %add3A_1917 = arith.constant 3 : i32
      %add3A_1918 = vector.broadcast %add3A_1917 : i32 to vector<16xi32>
      %add3A_1919 = arith.addi %and3A_1885, %add3A_1918 : vector<16xi32>
      %select_n3A_1920 = arith.select %gt3A_1915, %add3A_1919, %select_n3A_1910 : vector<16xi1>, vector<16xi32>
      %add3A_1921 = arith.constant 1024 : i32
      %add3A_1922 = vector.broadcast %add3A_1921 : i32 to vector<16xi32>
      %add3A_1923 = arith.addi %add3A_1889, %add3A_1922 : vector<16xi32>
      %gather3A_1924 = tpu.vector_load_idx %arg6[%add3A_1923] : memref<16384xf32, #tpu.memory_space<vmem>>[vector<16xi32>], vector<16xf32>,
      %gt3A_1925 = arith.cmpf ogt, %gather3A_1924, %select_n3A_1916 : vector<16xf32>
      %select_n3A_1926 = arith.select %gt3A_1925, %gather3A_1924, %select_n3A_1916 : vector<16xi1>, vector<16xf32>
      %add3A_1927 = arith.constant 4 : i32
      %add3A_1928 = vector.broadcast %add3A_1927 : i32 to vector<16xi32>
      %add3A_1929 = arith.addi %and3A_1885, %add3A_1928 : vector<16xi32>
      %select_n3A_1930 = arith.select %gt3A_1925, %add3A_1929, %select_n3A_1920 : vector<16xi1>, vector<16xi32>
      %add3A_1931 = arith.constant 1280 : i32
      %add3A_1932 = vector.broadcast %add3A_1931 : i32 to vector<16xi32>
      %add3A_1933 = arith.addi %add3A_1889, %add3A_1932 : vector<16xi32>
      %gather3A_1934 = tpu.vector_load_idx %arg6[%add3A_1933] : memref<16384xf32, #tpu.memory_space<vmem>>[vector<16xi32>], vector<16xf32>,
      %gt3A_1935 = arith.cmpf ogt, %gather3A_1934, %select_n3A_1926 : vector<16xf32>
      %select_n3A_1936 = arith.select %gt3A_1935, %gather3A_1934, %select_n3A_1926 : vector<16xi1>, vector<16xf32>
      %add3A_1937 = arith.constant 5 : i32
      %add3A_1938 = vector.broadcast %add3A_1937 : i32 to vector<16xi32>
      %add3A_1939 = arith.addi %and3A_1885, %add3A_1938 : vector<16xi32>
      %select_n3A_1940 = arith.select %gt3A_1935, %add3A_1939, %select_n3A_1930 : vector<16xi1>, vector<16xi32>
      %add3A_1941 = arith.constant 1536 : i32
      %add3A_1942 = vector.broadcast %add3A_1941 : i32 to vector<16xi32>
      %add3A_1943 = arith.addi %add3A_1889, %add3A_1942 : vector<16xi32>
      %gather3A_1944 = tpu.vector_load_idx %arg6[%add3A_1943] : memref<16384xf32, #tpu.memory_space<vmem>>[vector<16xi32>], vector<16xf32>,
      %gt3A_1945 = arith.cmpf ogt, %gather3A_1944, %select_n3A_1936 : vector<16xf32>
      %select_n3A_1946 = arith.select %gt3A_1945, %gather3A_1944, %select_n3A_1936 : vector<16xi1>, vector<16xf32>
      %add3A_1947 = arith.constant 6 : i32
      %add3A_1948 = vector.broadcast %add3A_1947 : i32 to vector<16xi32>
      %add3A_1949 = arith.addi %and3A_1885, %add3A_1948 : vector<16xi32>
      %select_n3A_1950 = arith.select %gt3A_1945, %add3A_1949, %select_n3A_1940 : vector<16xi1>, vector<16xi32>
      %add3A_1951 = arith.constant 1792 : i32
      %add3A_1952 = vector.broadcast %add3A_1951 : i32 to vector<16xi32>
      %add3A_1953 = arith.addi %add3A_1889, %add3A_1952 : vector<16xi32>
      %gather3A_1954 = tpu.vector_load_idx %arg6[%add3A_1953] : memref<16384xf32, #tpu.memory_space<vmem>>[vector<16xi32>], vector<16xf32>,
      %gt3A_1955 = arith.cmpf ogt, %gather3A_1954, %select_n3A_1946 : vector<16xf32>
      %select_n3A_1956 = arith.select %gt3A_1955, %gather3A_1954, %select_n3A_1946 : vector<16xi1>, vector<16xf32>
      %add3A_1957 = arith.constant 7 : i32
      %add3A_1958 = vector.broadcast %add3A_1957 : i32 to vector<16xi32>
      %add3A_1959 = arith.addi %and3A_1885, %add3A_1958 : vector<16xi32>
      %select_n3A_1960 = arith.select %gt3A_1955, %add3A_1959, %select_n3A_1950 : vector<16xi1>, vector<16xi32>
      %eq3A_1961 = arith.constant 0 : i32
      %eq3A_1962 = vector.broadcast %eq3A_1961 : i32 to vector<16xi32>
      %eq3A_1963 = arith.cmpi eq, %and3A_1885, %eq3A_1962 : vector<16xi32>
      %select_n3A_1964 = arith.select %eq3A_1963, %select_n3A_1956, %select_n3A_1821 : vector<16xi1>, vector<16xf32>
      %select_n3A_1965 = arith.select %eq3A_1963, %select_n3A_1960, %select_n3A_1822 : vector<16xi1>, vector<16xi32>
      %eq3A_1966 = arith.constant 8 : i32
      %eq3A_1967 = vector.broadcast %eq3A_1966 : i32 to vector<16xi32>
      %eq3A_1968 = arith.cmpi eq, %and3A_1885, %eq3A_1967 : vector<16xi32>
      %select_n3A_1969 = arith.select %eq3A_1968, %select_n3A_1956, %select_n3A_1826 : vector<16xi1>, vector<16xf32>
      %select_n3A_1970 = arith.select %eq3A_1968, %select_n3A_1960, %select_n3A_1827 : vector<16xi1>, vector<16xi32>
      %eq3A_1971 = arith.constant 16 : i32
      %eq3A_1972 = vector.broadcast %eq3A_1971 : i32 to vector<16xi32>
      %eq3A_1973 = arith.cmpi eq, %and3A_1885, %eq3A_1972 : vector<16xi32>
      %select_n3A_1974 = arith.select %eq3A_1973, %select_n3A_1956, %select_n3A_1831 : vector<16xi1>, vector<16xf32>
      %select_n3A_1975 = arith.select %eq3A_1973, %select_n3A_1960, %select_n3A_1832 : vector<16xi1>, vector<16xi32>
      %eq3A_1976 = arith.constant 24 : i32
      %eq3A_1977 = vector.broadcast %eq3A_1976 : i32 to vector<16xi32>
      %eq3A_1978 = arith.cmpi eq, %and3A_1885, %eq3A_1977 : vector<16xi32>
      %select_n3A_1979 = arith.select %eq3A_1978, %select_n3A_1956, %select_n3A_1836 : vector<16xi1>, vector<16xf32>
      %select_n3A_1980 = arith.select %eq3A_1978, %select_n3A_1960, %select_n3A_1837 : vector<16xi1>, vector<16xi32>
      %eq3A_1981 = arith.constant 32 : i32
      %eq3A_1982 = vector.broadcast %eq3A_1981 : i32 to vector<16xi32>
      %eq3A_1983 = arith.cmpi eq, %and3A_1885, %eq3A_1982 : vector<16xi32>
      %select_n3A_1984 = arith.select %eq3A_1983, %select_n3A_1956, %select_n3A_1841 : vector<16xi1>, vector<16xf32>
      %select_n3A_1985 = arith.select %eq3A_1983, %select_n3A_1960, %select_n3A_1842 : vector<16xi1>, vector<16xi32>
      %eq3A_1986 = arith.constant 40 : i32
      %eq3A_1987 = vector.broadcast %eq3A_1986 : i32 to vector<16xi32>
      %eq3A_1988 = arith.cmpi eq, %and3A_1885, %eq3A_1987 : vector<16xi32>
      %select_n3A_1989 = arith.select %eq3A_1988, %select_n3A_1956, %select_n3A_1846 : vector<16xi1>, vector<16xf32>
      %select_n3A_1990 = arith.select %eq3A_1988, %select_n3A_1960, %select_n3A_1847 : vector<16xi1>, vector<16xi32>
      %eq3A_1991 = arith.constant 48 : i32
      %eq3A_1992 = vector.broadcast %eq3A_1991 : i32 to vector<16xi32>
      %eq3A_1993 = arith.cmpi eq, %and3A_1885, %eq3A_1992 : vector<16xi32>
      %select_n3A_1994 = arith.select %eq3A_1993, %select_n3A_1956, %select_n3A_1851 : vector<16xi1>, vector<16xf32>
      %select_n3A_1995 = arith.select %eq3A_1993, %select_n3A_1960, %select_n3A_1852 : vector<16xi1>, vector<16xi32>
      %eq3A_1996 = arith.constant 56 : i32
      %eq3A_1997 = vector.broadcast %eq3A_1996 : i32 to vector<16xi32>
      %eq3A_1998 = arith.cmpi eq, %and3A_1885, %eq3A_1997 : vector<16xi32>
      %select_n3A_1999 = arith.select %eq3A_1998, %select_n3A_1956, %select_n3A_1856 : vector<16xi1>, vector<16xf32>
      %select_n3A_2000 = arith.select %eq3A_1998, %select_n3A_1960, %select_n3A_1857 : vector<16xi1>, vector<16xi32>
      %gt3A_2001 = arith.cmpf ogt, %select_n3A_1969, %select_n3A_1964 : vector<16xf32>
      %select_n3A_2002 = arith.select %gt3A_2001, %select_n3A_1969, %select_n3A_1964 : vector<16xi1>, vector<16xf32>
      %select_n3A_2003 = arith.select %gt3A_2001, %select_n3A_1970, %select_n3A_1965 : vector<16xi1>, vector<16xi32>
      %gt3A_2004 = arith.cmpf ogt, %select_n3A_1974, %select_n3A_2002 : vector<16xf32>
      %select_n3A_2005 = arith.select %gt3A_2004, %select_n3A_1974, %select_n3A_2002 : vector<16xi1>, vector<16xf32>
      %select_n3A_2006 = arith.select %gt3A_2004, %select_n3A_1975, %select_n3A_2003 : vector<16xi1>, vector<16xi32>
      %gt3A_2007 = arith.cmpf ogt, %select_n3A_1979, %select_n3A_2005 : vector<16xf32>
      %select_n3A_2008 = arith.select %gt3A_2007, %select_n3A_1979, %select_n3A_2005 : vector<16xi1>, vector<16xf32>
      %select_n3A_2009 = arith.select %gt3A_2007, %select_n3A_1980, %select_n3A_2006 : vector<16xi1>, vector<16xi32>
      %gt3A_2010 = arith.cmpf ogt, %select_n3A_1984, %select_n3A_2008 : vector<16xf32>
      %select_n3A_2011 = arith.select %gt3A_2010, %select_n3A_1984, %select_n3A_2008 : vector<16xi1>, vector<16xf32>
      %select_n3A_2012 = arith.select %gt3A_2010, %select_n3A_1985, %select_n3A_2009 : vector<16xi1>, vector<16xi32>
      %gt3A_2013 = arith.cmpf ogt, %select_n3A_1989, %select_n3A_2011 : vector<16xf32>
      %select_n3A_2014 = arith.select %gt3A_2013, %select_n3A_1989, %select_n3A_2011 : vector<16xi1>, vector<16xf32>
      %select_n3A_2015 = arith.select %gt3A_2013, %select_n3A_1990, %select_n3A_2012 : vector<16xi1>, vector<16xi32>
      %gt3A_2016 = arith.cmpf ogt, %select_n3A_1994, %select_n3A_2014 : vector<16xf32>
      %select_n3A_2017 = arith.select %gt3A_2016, %select_n3A_1994, %select_n3A_2014 : vector<16xi1>, vector<16xf32>
      %select_n3A_2018 = arith.select %gt3A_2016, %select_n3A_1995, %select_n3A_2015 : vector<16xi1>, vector<16xi32>
      %gt3A_2019 = arith.cmpf ogt, %select_n3A_1999, %select_n3A_2017 : vector<16xf32>
      %select_n3A_2020 = arith.select %gt3A_2019, %select_n3A_1999, %select_n3A_2017 : vector<16xi1>, vector<16xf32>
      %select_n3A_2021 = arith.select %gt3A_2019, %select_n3A_2000, %select_n3A_2018 : vector<16xi1>, vector<16xi32>
      %mul3A_2022 = arith.constant 256 : i32
      %mul3A_2023 = vector.broadcast %mul3A_2022 : i32 to vector<16xi32>
      %mul3A_2024 = arith.muli %select_n3A_2021, %mul3A_2023 : vector<16xi32>
      %add3A_2025 = arith.addi %mul3A_2024, %add3A_22 : vector<16xi32>
      tpu.vector_store_idx %arg6[%add3A_2025], %broadcast_in_dim3A_9 : memref<16384xf32, #tpu.memory_space<vmem>>[vector<16xi32>], vector<16xf32>,
      %and3A_2026 = arith.constant -8 : i32
      %and3A_2027 = vector.broadcast %and3A_2026 : i32 to vector<16xi32>
      %and3A_2028 = arith.andi %select_n3A_2021, %and3A_2027 : vector<16xi32>
      %mul3A_2029 = arith.constant 256 : i32
      %mul3A_2030 = vector.broadcast %mul3A_2029 : i32 to vector<16xi32>
      %mul3A_2031 = arith.muli %and3A_2028, %mul3A_2030 : vector<16xi32>
      %add3A_2032 = arith.addi %mul3A_2031, %add3A_22 : vector<16xi32>
      %gather3A_2033 = tpu.vector_load_idx %arg6[%add3A_2032] : memref<16384xf32, #tpu.memory_space<vmem>>[vector<16xi32>], vector<16xf32>,
      %add3A_2034 = arith.constant 256 : i32
      %add3A_2035 = vector.broadcast %add3A_2034 : i32 to vector<16xi32>
      %add3A_2036 = arith.addi %add3A_2032, %add3A_2035 : vector<16xi32>
      %gather3A_2037 = tpu.vector_load_idx %arg6[%add3A_2036] : memref<16384xf32, #tpu.memory_space<vmem>>[vector<16xi32>], vector<16xf32>,
      %gt3A_2038 = arith.cmpf ogt, %gather3A_2037, %gather3A_2033 : vector<16xf32>
      %select_n3A_2039 = arith.select %gt3A_2038, %gather3A_2037, %gather3A_2033 : vector<16xi1>, vector<16xf32>
      %add3A_2040 = arith.constant 1 : i32
      %add3A_2041 = vector.broadcast %add3A_2040 : i32 to vector<16xi32>
      %add3A_2042 = arith.addi %and3A_2028, %add3A_2041 : vector<16xi32>
      %select_n3A_2043 = arith.select %gt3A_2038, %add3A_2042, %and3A_2028 : vector<16xi1>, vector<16xi32>
      %add3A_2044 = arith.constant 512 : i32
      %add3A_2045 = vector.broadcast %add3A_2044 : i32 to vector<16xi32>
      %add3A_2046 = arith.addi %add3A_2032, %add3A_2045 : vector<16xi32>
      %gather3A_2047 = tpu.vector_load_idx %arg6[%add3A_2046] : memref<16384xf32, #tpu.memory_space<vmem>>[vector<16xi32>], vector<16xf32>,
      %gt3A_2048 = arith.cmpf ogt, %gather3A_2047, %select_n3A_2039 : vector<16xf32>
      %select_n3A_2049 = arith.select %gt3A_2048, %gather3A_2047, %select_n3A_2039 : vector<16xi1>, vector<16xf32>
      %add3A_2050 = arith.constant 2 : i32
      %add3A_2051 = vector.broadcast %add3A_2050 : i32 to vector<16xi32>
      %add3A_2052 = arith.addi %and3A_2028, %add3A_2051 : vector<16xi32>
      %select_n3A_2053 = arith.select %gt3A_2048, %add3A_2052, %select_n3A_2043 : vector<16xi1>, vector<16xi32>
      %add3A_2054 = arith.constant 768 : i32
      %add3A_2055 = vector.broadcast %add3A_2054 : i32 to vector<16xi32>
      %add3A_2056 = arith.addi %add3A_2032, %add3A_2055 : vector<16xi32>
      %gather3A_2057 = tpu.vector_load_idx %arg6[%add3A_2056] : memref<16384xf32, #tpu.memory_space<vmem>>[vector<16xi32>], vector<16xf32>,
      %gt3A_2058 = arith.cmpf ogt, %gather3A_2057, %select_n3A_2049 : vector<16xf32>
      %select_n3A_2059 = arith.select %gt3A_2058, %gather3A_2057, %select_n3A_2049 : vector<16xi1>, vector<16xf32>
      %add3A_2060 = arith.constant 3 : i32
      %add3A_2061 = vector.broadcast %add3A_2060 : i32 to vector<16xi32>
      %add3A_2062 = arith.addi %and3A_2028, %add3A_2061 : vector<16xi32>
      %select_n3A_2063 = arith.select %gt3A_2058, %add3A_2062, %select_n3A_2053 : vector<16xi1>, vector<16xi32>
      %add3A_2064 = arith.constant 1024 : i32
      %add3A_2065 = vector.broadcast %add3A_2064 : i32 to vector<16xi32>
      %add3A_2066 = arith.addi %add3A_2032, %add3A_2065 : vector<16xi32>
      %gather3A_2067 = tpu.vector_load_idx %arg6[%add3A_2066] : memref<16384xf32, #tpu.memory_space<vmem>>[vector<16xi32>], vector<16xf32>,
      %gt3A_2068 = arith.cmpf ogt, %gather3A_2067, %select_n3A_2059 : vector<16xf32>
      %select_n3A_2069 = arith.select %gt3A_2068, %gather3A_2067, %select_n3A_2059 : vector<16xi1>, vector<16xf32>
      %add3A_2070 = arith.constant 4 : i32
      %add3A_2071 = vector.broadcast %add3A_2070 : i32 to vector<16xi32>
      %add3A_2072 = arith.addi %and3A_2028, %add3A_2071 : vector<16xi32>
      %select_n3A_2073 = arith.select %gt3A_2068, %add3A_2072, %select_n3A_2063 : vector<16xi1>, vector<16xi32>
      %add3A_2074 = arith.constant 1280 : i32
      %add3A_2075 = vector.broadcast %add3A_2074 : i32 to vector<16xi32>
      %add3A_2076 = arith.addi %add3A_2032, %add3A_2075 : vector<16xi32>
      %gather3A_2077 = tpu.vector_load_idx %arg6[%add3A_2076] : memref<16384xf32, #tpu.memory_space<vmem>>[vector<16xi32>], vector<16xf32>,
      %gt3A_2078 = arith.cmpf ogt, %gather3A_2077, %select_n3A_2069 : vector<16xf32>
      %select_n3A_2079 = arith.select %gt3A_2078, %gather3A_2077, %select_n3A_2069 : vector<16xi1>, vector<16xf32>
      %add3A_2080 = arith.constant 5 : i32
      %add3A_2081 = vector.broadcast %add3A_2080 : i32 to vector<16xi32>
      %add3A_2082 = arith.addi %and3A_2028, %add3A_2081 : vector<16xi32>
      %select_n3A_2083 = arith.select %gt3A_2078, %add3A_2082, %select_n3A_2073 : vector<16xi1>, vector<16xi32>
      %add3A_2084 = arith.constant 1536 : i32
      %add3A_2085 = vector.broadcast %add3A_2084 : i32 to vector<16xi32>
      %add3A_2086 = arith.addi %add3A_2032, %add3A_2085 : vector<16xi32>
      %gather3A_2087 = tpu.vector_load_idx %arg6[%add3A_2086] : memref<16384xf32, #tpu.memory_space<vmem>>[vector<16xi32>], vector<16xf32>,
      %gt3A_2088 = arith.cmpf ogt, %gather3A_2087, %select_n3A_2079 : vector<16xf32>
      %select_n3A_2089 = arith.select %gt3A_2088, %gather3A_2087, %select_n3A_2079 : vector<16xi1>, vector<16xf32>
      %add3A_2090 = arith.constant 6 : i32
      %add3A_2091 = vector.broadcast %add3A_2090 : i32 to vector<16xi32>
      %add3A_2092 = arith.addi %and3A_2028, %add3A_2091 : vector<16xi32>
      %select_n3A_2093 = arith.select %gt3A_2088, %add3A_2092, %select_n3A_2083 : vector<16xi1>, vector<16xi32>
      %add3A_2094 = arith.constant 1792 : i32
      %add3A_2095 = vector.broadcast %add3A_2094 : i32 to vector<16xi32>
      %add3A_2096 = arith.addi %add3A_2032, %add3A_2095 : vector<16xi32>
      %gather3A_2097 = tpu.vector_load_idx %arg6[%add3A_2096] : memref<16384xf32, #tpu.memory_space<vmem>>[vector<16xi32>], vector<16xf32>,
      %gt3A_2098 = arith.cmpf ogt, %gather3A_2097, %select_n3A_2089 : vector<16xf32>
      %select_n3A_2099 = arith.select %gt3A_2098, %gather3A_2097, %select_n3A_2089 : vector<16xi1>, vector<16xf32>
      %add3A_2100 = arith.constant 7 : i32
      %add3A_2101 = vector.broadcast %add3A_2100 : i32 to vector<16xi32>
      %add3A_2102 = arith.addi %and3A_2028, %add3A_2101 : vector<16xi32>
      %select_n3A_2103 = arith.select %gt3A_2098, %add3A_2102, %select_n3A_2093 : vector<16xi1>, vector<16xi32>
      %eq3A_2104 = arith.constant 0 : i32
      %eq3A_2105 = vector.broadcast %eq3A_2104 : i32 to vector<16xi32>
      %eq3A_2106 = arith.cmpi eq, %and3A_2028, %eq3A_2105 : vector<16xi32>
      %select_n3A_2107 = arith.select %eq3A_2106, %select_n3A_2099, %select_n3A_1964 : vector<16xi1>, vector<16xf32>
      %select_n3A_2108 = arith.select %eq3A_2106, %select_n3A_2103, %select_n3A_1965 : vector<16xi1>, vector<16xi32>
      %eq3A_2109 = arith.constant 8 : i32
      %eq3A_2110 = vector.broadcast %eq3A_2109 : i32 to vector<16xi32>
      %eq3A_2111 = arith.cmpi eq, %and3A_2028, %eq3A_2110 : vector<16xi32>
      %select_n3A_2112 = arith.select %eq3A_2111, %select_n3A_2099, %select_n3A_1969 : vector<16xi1>, vector<16xf32>
      %select_n3A_2113 = arith.select %eq3A_2111, %select_n3A_2103, %select_n3A_1970 : vector<16xi1>, vector<16xi32>
      %eq3A_2114 = arith.constant 16 : i32
      %eq3A_2115 = vector.broadcast %eq3A_2114 : i32 to vector<16xi32>
      %eq3A_2116 = arith.cmpi eq, %and3A_2028, %eq3A_2115 : vector<16xi32>
      %select_n3A_2117 = arith.select %eq3A_2116, %select_n3A_2099, %select_n3A_1974 : vector<16xi1>, vector<16xf32>
      %select_n3A_2118 = arith.select %eq3A_2116, %select_n3A_2103, %select_n3A_1975 : vector<16xi1>, vector<16xi32>
      %eq3A_2119 = arith.constant 24 : i32
      %eq3A_2120 = vector.broadcast %eq3A_2119 : i32 to vector<16xi32>
      %eq3A_2121 = arith.cmpi eq, %and3A_2028, %eq3A_2120 : vector<16xi32>
      %select_n3A_2122 = arith.select %eq3A_2121, %select_n3A_2099, %select_n3A_1979 : vector<16xi1>, vector<16xf32>
      %select_n3A_2123 = arith.select %eq3A_2121, %select_n3A_2103, %select_n3A_1980 : vector<16xi1>, vector<16xi32>
      %eq3A_2124 = arith.constant 32 : i32
      %eq3A_2125 = vector.broadcast %eq3A_2124 : i32 to vector<16xi32>
      %eq3A_2126 = arith.cmpi eq, %and3A_2028, %eq3A_2125 : vector<16xi32>
      %select_n3A_2127 = arith.select %eq3A_2126, %select_n3A_2099, %select_n3A_1984 : vector<16xi1>, vector<16xf32>
      %select_n3A_2128 = arith.select %eq3A_2126, %select_n3A_2103, %select_n3A_1985 : vector<16xi1>, vector<16xi32>
      %eq3A_2129 = arith.constant 40 : i32
      %eq3A_2130 = vector.broadcast %eq3A_2129 : i32 to vector<16xi32>
      %eq3A_2131 = arith.cmpi eq, %and3A_2028, %eq3A_2130 : vector<16xi32>
      %select_n3A_2132 = arith.select %eq3A_2131, %select_n3A_2099, %select_n3A_1989 : vector<16xi1>, vector<16xf32>
      %select_n3A_2133 = arith.select %eq3A_2131, %select_n3A_2103, %select_n3A_1990 : vector<16xi1>, vector<16xi32>
      %eq3A_2134 = arith.constant 48 : i32
      %eq3A_2135 = vector.broadcast %eq3A_2134 : i32 to vector<16xi32>
      %eq3A_2136 = arith.cmpi eq, %and3A_2028, %eq3A_2135 : vector<16xi32>
      %select_n3A_2137 = arith.select %eq3A_2136, %select_n3A_2099, %select_n3A_1994 : vector<16xi1>, vector<16xf32>
      %select_n3A_2138 = arith.select %eq3A_2136, %select_n3A_2103, %select_n3A_1995 : vector<16xi1>, vector<16xi32>
      %eq3A_2139 = arith.constant 56 : i32
      %eq3A_2140 = vector.broadcast %eq3A_2139 : i32 to vector<16xi32>
      %eq3A_2141 = arith.cmpi eq, %and3A_2028, %eq3A_2140 : vector<16xi32>
      %select_n3A_2142 = arith.select %eq3A_2141, %select_n3A_2099, %select_n3A_1999 : vector<16xi1>, vector<16xf32>
      %select_n3A_2143 = arith.select %eq3A_2141, %select_n3A_2103, %select_n3A_2000 : vector<16xi1>, vector<16xi32>
      %gt3A_2144 = arith.cmpf ogt, %select_n3A_2112, %select_n3A_2107 : vector<16xf32>
      %select_n3A_2145 = arith.select %gt3A_2144, %select_n3A_2112, %select_n3A_2107 : vector<16xi1>, vector<16xf32>
      %select_n3A_2146 = arith.select %gt3A_2144, %select_n3A_2113, %select_n3A_2108 : vector<16xi1>, vector<16xi32>
      %gt3A_2147 = arith.cmpf ogt, %select_n3A_2117, %select_n3A_2145 : vector<16xf32>
      %select_n3A_2148 = arith.select %gt3A_2147, %select_n3A_2117, %select_n3A_2145 : vector<16xi1>, vector<16xf32>
      %select_n3A_2149 = arith.select %gt3A_2147, %select_n3A_2118, %select_n3A_2146 : vector<16xi1>, vector<16xi32>
      %gt3A_2150 = arith.cmpf ogt, %select_n3A_2122, %select_n3A_2148 : vector<16xf32>
      %select_n3A_2151 = arith.select %gt3A_2150, %select_n3A_2122, %select_n3A_2148 : vector<16xi1>, vector<16xf32>
      %select_n3A_2152 = arith.select %gt3A_2150, %select_n3A_2123, %select_n3A_2149 : vector<16xi1>, vector<16xi32>
      %gt3A_2153 = arith.cmpf ogt, %select_n3A_2127, %select_n3A_2151 : vector<16xf32>
      %select_n3A_2154 = arith.select %gt3A_2153, %select_n3A_2127, %select_n3A_2151 : vector<16xi1>, vector<16xf32>
      %select_n3A_2155 = arith.select %gt3A_2153, %select_n3A_2128, %select_n3A_2152 : vector<16xi1>, vector<16xi32>
      %gt3A_2156 = arith.cmpf ogt, %select_n3A_2132, %select_n3A_2154 : vector<16xf32>
      %select_n3A_2157 = arith.select %gt3A_2156, %select_n3A_2132, %select_n3A_2154 : vector<16xi1>, vector<16xf32>
      %select_n3A_2158 = arith.select %gt3A_2156, %select_n3A_2133, %select_n3A_2155 : vector<16xi1>, vector<16xi32>
      %gt3A_2159 = arith.cmpf ogt, %select_n3A_2137, %select_n3A_2157 : vector<16xf32>
      %select_n3A_2160 = arith.select %gt3A_2159, %select_n3A_2137, %select_n3A_2157 : vector<16xi1>, vector<16xf32>
      %select_n3A_2161 = arith.select %gt3A_2159, %select_n3A_2138, %select_n3A_2158 : vector<16xi1>, vector<16xi32>
      %gt3A_2162 = arith.cmpf ogt, %select_n3A_2142, %select_n3A_2160 : vector<16xf32>
      %select_n3A_2163 = arith.select %gt3A_2162, %select_n3A_2142, %select_n3A_2160 : vector<16xi1>, vector<16xf32>
      %select_n3A_2164 = arith.select %gt3A_2162, %select_n3A_2143, %select_n3A_2161 : vector<16xi1>, vector<16xi32>
      %mul3A_2165 = arith.constant 256 : i32
      %mul3A_2166 = vector.broadcast %mul3A_2165 : i32 to vector<16xi32>
      %mul3A_2167 = arith.muli %select_n3A_2164, %mul3A_2166 : vector<16xi32>
      %add3A_2168 = arith.addi %mul3A_2167, %add3A_22 : vector<16xi32>
      tpu.vector_store_idx %arg6[%add3A_2168], %broadcast_in_dim3A_9 : memref<16384xf32, #tpu.memory_space<vmem>>[vector<16xi32>], vector<16xf32>,
      %broadcast_in_dim3A_2169 = arith.constant 0 : i32
      %broadcast_in_dim3A_2170 = vector.broadcast %broadcast_in_dim3A_2169 : i32 to vector<16xi32>
      %add3A_2171 = arith.constant 0 : i32
      %add3A_2172 = arith.addi %add3A_2171, %mul3A_20 : i32
      %get3A_2173 = arith.index_cast %add3A_2172 : i32 to index
      %get3A_2174 = tpu.vector_load %arg6[%get3A_2173] {strides = array<i32>} : memref<16384xf32, #tpu.memory_space<vmem>>, vector<16xf32>,
      %eq3A_2175 = arith.constant -1.000000e+00 : f32
      %eq3A_2176 = vector.broadcast %eq3A_2175 : f32 to vector<16xf32>
      %eq3A_2177 = arith.cmpf oeq, %get3A_2174, %eq3A_2176 : vector<16xf32>
      %gather3A_2178 = tpu.vector_load_idx %arg5[%add3A_22, %broadcast_in_dim3A_2170] : memref<256x64xf32, #tpu.memory_space<vmem>>[vector<16xi32>, vector<16xi32>], vector<16xf32>,
      %jit3A = arith.constant 0.000000e+00 : f32
      %broadcast_in_dim3A_2179 = vector.broadcast %jit3A : f32 to vector<16xf32>
      %select_n3A_2180 = arith.select %eq3A_2177, %gather3A_2178, %broadcast_in_dim3A_2179 : vector<16xi1>, vector<16xf32>
      tpu.vector_store_idx %arg5[%add3A_22, %broadcast_in_dim3A_2170], %select_n3A_2180 : memref<256x64xf32, #tpu.memory_space<vmem>>[vector<16xi32>, vector<16xi32>], vector<16xf32>,
      %broadcast_in_dim3A_2181 = arith.constant 1 : i32
      %broadcast_in_dim3A_2182 = vector.broadcast %broadcast_in_dim3A_2181 : i32 to vector<16xi32>
      %add3A_2183 = arith.constant 256 : i32
      %add3A_2184 = arith.addi %add3A_2183, %mul3A_20 : i32
      %get3A_2185 = arith.index_cast %add3A_2184 : i32 to index
      %get3A_2186 = tpu.vector_load %arg6[%get3A_2185] {strides = array<i32>} : memref<16384xf32, #tpu.memory_space<vmem>>, vector<16xf32>,
      %eq3A_2187 = arith.constant -1.000000e+00 : f32
      %eq3A_2188 = vector.broadcast %eq3A_2187 : f32 to vector<16xf32>
      %eq3A_2189 = arith.cmpf oeq, %get3A_2186, %eq3A_2188 : vector<16xf32>
      %gather3A_2190 = tpu.vector_load_idx %arg5[%add3A_22, %broadcast_in_dim3A_2182] : memref<256x64xf32, #tpu.memory_space<vmem>>[vector<16xi32>, vector<16xi32>], vector<16xf32>,
      %jit3A_2191 = arith.constant 0.000000e+00 : f32
      %broadcast_in_dim3A_2192 = vector.broadcast %jit3A_2191 : f32 to vector<16xf32>
      %select_n3A_2193 = arith.select %eq3A_2189, %gather3A_2190, %broadcast_in_dim3A_2192 : vector<16xi1>, vector<16xf32>
      tpu.vector_store_idx %arg5[%add3A_22, %broadcast_in_dim3A_2182], %select_n3A_2193 : memref<256x64xf32, #tpu.memory_space<vmem>>[vector<16xi32>, vector<16xi32>], vector<16xf32>,
      %broadcast_in_dim3A_2194 = arith.constant 2 : i32
      %broadcast_in_dim3A_2195 = vector.broadcast %broadcast_in_dim3A_2194 : i32 to vector<16xi32>
      %add3A_2196 = arith.constant 512 : i32
      %add3A_2197 = arith.addi %add3A_2196, %mul3A_20 : i32
      %get3A_2198 = arith.index_cast %add3A_2197 : i32 to index
      %get3A_2199 = tpu.vector_load %arg6[%get3A_2198] {strides = array<i32>} : memref<16384xf32, #tpu.memory_space<vmem>>, vector<16xf32>,
      %eq3A_2200 = arith.constant -1.000000e+00 : f32
      %eq3A_2201 = vector.broadcast %eq3A_2200 : f32 to vector<16xf32>
      %eq3A_2202 = arith.cmpf oeq, %get3A_2199, %eq3A_2201 : vector<16xf32>
      %gather3A_2203 = tpu.vector_load_idx %arg5[%add3A_22, %broadcast_in_dim3A_2195] : memref<256x64xf32, #tpu.memory_space<vmem>>[vector<16xi32>, vector<16xi32>], vector<16xf32>,
      %jit3A_2204 = arith.constant 0.000000e+00 : f32
      %broadcast_in_dim3A_2205 = vector.broadcast %jit3A_2204 : f32 to vector<16xf32>
      %select_n3A_2206 = arith.select %eq3A_2202, %gather3A_2203, %broadcast_in_dim3A_2205 : vector<16xi1>, vector<16xf32>
      tpu.vector_store_idx %arg5[%add3A_22, %broadcast_in_dim3A_2195], %select_n3A_2206 : memref<256x64xf32, #tpu.memory_space<vmem>>[vector<16xi32>, vector<16xi32>], vector<16xf32>,
      %broadcast_in_dim3A_2207 = arith.constant 3 : i32
      %broadcast_in_dim3A_2208 = vector.broadcast %broadcast_in_dim3A_2207 : i32 to vector<16xi32>
      %add3A_2209 = arith.constant 768 : i32
      %add3A_2210 = arith.addi %add3A_2209, %mul3A_20 : i32
      %get3A_2211 = arith.index_cast %add3A_2210 : i32 to index
      %get3A_2212 = tpu.vector_load %arg6[%get3A_2211] {strides = array<i32>} : memref<16384xf32, #tpu.memory_space<vmem>>, vector<16xf32>,
      %eq3A_2213 = arith.constant -1.000000e+00 : f32
      %eq3A_2214 = vector.broadcast %eq3A_2213 : f32 to vector<16xf32>
      %eq3A_2215 = arith.cmpf oeq, %get3A_2212, %eq3A_2214 : vector<16xf32>
      %gather3A_2216 = tpu.vector_load_idx %arg5[%add3A_22, %broadcast_in_dim3A_2208] : memref<256x64xf32, #tpu.memory_space<vmem>>[vector<16xi32>, vector<16xi32>], vector<16xf32>,
      %jit3A_2217 = arith.constant 0.000000e+00 : f32
      %broadcast_in_dim3A_2218 = vector.broadcast %jit3A_2217 : f32 to vector<16xf32>
      %select_n3A_2219 = arith.select %eq3A_2215, %gather3A_2216, %broadcast_in_dim3A_2218 : vector<16xi1>, vector<16xf32>
      tpu.vector_store_idx %arg5[%add3A_22, %broadcast_in_dim3A_2208], %select_n3A_2219 : memref<256x64xf32, #tpu.memory_space<vmem>>[vector<16xi32>, vector<16xi32>], vector<16xf32>,
      %broadcast_in_dim3A_2220 = arith.constant 4 : i32
      %broadcast_in_dim3A_2221 = vector.broadcast %broadcast_in_dim3A_2220 : i32 to vector<16xi32>
      %add3A_2222 = arith.constant 1024 : i32
      %add3A_2223 = arith.addi %add3A_2222, %mul3A_20 : i32
      %get3A_2224 = arith.index_cast %add3A_2223 : i32 to index
      %get3A_2225 = tpu.vector_load %arg6[%get3A_2224] {strides = array<i32>} : memref<16384xf32, #tpu.memory_space<vmem>>, vector<16xf32>,
      %eq3A_2226 = arith.constant -1.000000e+00 : f32
      %eq3A_2227 = vector.broadcast %eq3A_2226 : f32 to vector<16xf32>
      %eq3A_2228 = arith.cmpf oeq, %get3A_2225, %eq3A_2227 : vector<16xf32>
      %gather3A_2229 = tpu.vector_load_idx %arg5[%add3A_22, %broadcast_in_dim3A_2221] : memref<256x64xf32, #tpu.memory_space<vmem>>[vector<16xi32>, vector<16xi32>], vector<16xf32>,
      %jit3A_2230 = arith.constant 0.000000e+00 : f32
      %broadcast_in_dim3A_2231 = vector.broadcast %jit3A_2230 : f32 to vector<16xf32>
      %select_n3A_2232 = arith.select %eq3A_2228, %gather3A_2229, %broadcast_in_dim3A_2231 : vector<16xi1>, vector<16xf32>
      tpu.vector_store_idx %arg5[%add3A_22, %broadcast_in_dim3A_2221], %select_n3A_2232 : memref<256x64xf32, #tpu.memory_space<vmem>>[vector<16xi32>, vector<16xi32>], vector<16xf32>,
      %broadcast_in_dim3A_2233 = arith.constant 5 : i32
      %broadcast_in_dim3A_2234 = vector.broadcast %broadcast_in_dim3A_2233 : i32 to vector<16xi32>
      %add3A_2235 = arith.constant 1280 : i32
      %add3A_2236 = arith.addi %add3A_2235, %mul3A_20 : i32
      %get3A_2237 = arith.index_cast %add3A_2236 : i32 to index
      %get3A_2238 = tpu.vector_load %arg6[%get3A_2237] {strides = array<i32>} : memref<16384xf32, #tpu.memory_space<vmem>>, vector<16xf32>,
      %eq3A_2239 = arith.constant -1.000000e+00 : f32
      %eq3A_2240 = vector.broadcast %eq3A_2239 : f32 to vector<16xf32>
      %eq3A_2241 = arith.cmpf oeq, %get3A_2238, %eq3A_2240 : vector<16xf32>
      %gather3A_2242 = tpu.vector_load_idx %arg5[%add3A_22, %broadcast_in_dim3A_2234] : memref<256x64xf32, #tpu.memory_space<vmem>>[vector<16xi32>, vector<16xi32>], vector<16xf32>,
      %jit3A_2243 = arith.constant 0.000000e+00 : f32
      %broadcast_in_dim3A_2244 = vector.broadcast %jit3A_2243 : f32 to vector<16xf32>
      %select_n3A_2245 = arith.select %eq3A_2241, %gather3A_2242, %broadcast_in_dim3A_2244 : vector<16xi1>, vector<16xf32>
      tpu.vector_store_idx %arg5[%add3A_22, %broadcast_in_dim3A_2234], %select_n3A_2245 : memref<256x64xf32, #tpu.memory_space<vmem>>[vector<16xi32>, vector<16xi32>], vector<16xf32>,
      %broadcast_in_dim3A_2246 = arith.constant 6 : i32
      %broadcast_in_dim3A_2247 = vector.broadcast %broadcast_in_dim3A_2246 : i32 to vector<16xi32>
      %add3A_2248 = arith.constant 1536 : i32
      %add3A_2249 = arith.addi %add3A_2248, %mul3A_20 : i32
      %get3A_2250 = arith.index_cast %add3A_2249 : i32 to index
      %get3A_2251 = tpu.vector_load %arg6[%get3A_2250] {strides = array<i32>} : memref<16384xf32, #tpu.memory_space<vmem>>, vector<16xf32>,
      %eq3A_2252 = arith.constant -1.000000e+00 : f32
      %eq3A_2253 = vector.broadcast %eq3A_2252 : f32 to vector<16xf32>
      %eq3A_2254 = arith.cmpf oeq, %get3A_2251, %eq3A_2253 : vector<16xf32>
      %gather3A_2255 = tpu.vector_load_idx %arg5[%add3A_22, %broadcast_in_dim3A_2247] : memref<256x64xf32, #tpu.memory_space<vmem>>[vector<16xi32>, vector<16xi32>], vector<16xf32>,
      %jit3A_2256 = arith.constant 0.000000e+00 : f32
      %broadcast_in_dim3A_2257 = vector.broadcast %jit3A_2256 : f32 to vector<16xf32>
      %select_n3A_2258 = arith.select %eq3A_2254, %gather3A_2255, %broadcast_in_dim3A_2257 : vector<16xi1>, vector<16xf32>
      tpu.vector_store_idx %arg5[%add3A_22, %broadcast_in_dim3A_2247], %select_n3A_2258 : memref<256x64xf32, #tpu.memory_space<vmem>>[vector<16xi32>, vector<16xi32>], vector<16xf32>,
      %broadcast_in_dim3A_2259 = arith.constant 7 : i32
      %broadcast_in_dim3A_2260 = vector.broadcast %broadcast_in_dim3A_2259 : i32 to vector<16xi32>
      %add3A_2261 = arith.constant 1792 : i32
      %add3A_2262 = arith.addi %add3A_2261, %mul3A_20 : i32
      %get3A_2263 = arith.index_cast %add3A_2262 : i32 to index
      %get3A_2264 = tpu.vector_load %arg6[%get3A_2263] {strides = array<i32>} : memref<16384xf32, #tpu.memory_space<vmem>>, vector<16xf32>,
      %eq3A_2265 = arith.constant -1.000000e+00 : f32
      %eq3A_2266 = vector.broadcast %eq3A_2265 : f32 to vector<16xf32>
      %eq3A_2267 = arith.cmpf oeq, %get3A_2264, %eq3A_2266 : vector<16xf32>
      %gather3A_2268 = tpu.vector_load_idx %arg5[%add3A_22, %broadcast_in_dim3A_2260] : memref<256x64xf32, #tpu.memory_space<vmem>>[vector<16xi32>, vector<16xi32>], vector<16xf32>,
      %jit3A_2269 = arith.constant 0.000000e+00 : f32
      %broadcast_in_dim3A_2270 = vector.broadcast %jit3A_2269 : f32 to vector<16xf32>
      %select_n3A_2271 = arith.select %eq3A_2267, %gather3A_2268, %broadcast_in_dim3A_2270 : vector<16xi1>, vector<16xf32>
      tpu.vector_store_idx %arg5[%add3A_22, %broadcast_in_dim3A_2260], %select_n3A_2271 : memref<256x64xf32, #tpu.memory_space<vmem>>[vector<16xi32>, vector<16xi32>], vector<16xf32>,
      %broadcast_in_dim3A_2272 = arith.constant 8 : i32
      %broadcast_in_dim3A_2273 = vector.broadcast %broadcast_in_dim3A_2272 : i32 to vector<16xi32>
      %add3A_2274 = arith.constant 2048 : i32
      %add3A_2275 = arith.addi %add3A_2274, %mul3A_20 : i32
      %get3A_2276 = arith.index_cast %add3A_2275 : i32 to index
      %get3A_2277 = tpu.vector_load %arg6[%get3A_2276] {strides = array<i32>} : memref<16384xf32, #tpu.memory_space<vmem>>, vector<16xf32>,
      %eq3A_2278 = arith.constant -1.000000e+00 : f32
      %eq3A_2279 = vector.broadcast %eq3A_2278 : f32 to vector<16xf32>
      %eq3A_2280 = arith.cmpf oeq, %get3A_2277, %eq3A_2279 : vector<16xf32>
      %gather3A_2281 = tpu.vector_load_idx %arg5[%add3A_22, %broadcast_in_dim3A_2273] : memref<256x64xf32, #tpu.memory_space<vmem>>[vector<16xi32>, vector<16xi32>], vector<16xf32>,
      %jit3A_2282 = arith.constant 0.000000e+00 : f32
      %broadcast_in_dim3A_2283 = vector.broadcast %jit3A_2282 : f32 to vector<16xf32>
      %select_n3A_2284 = arith.select %eq3A_2280, %gather3A_2281, %broadcast_in_dim3A_2283 : vector<16xi1>, vector<16xf32>
      tpu.vector_store_idx %arg5[%add3A_22, %broadcast_in_dim3A_2273], %select_n3A_2284 : memref<256x64xf32, #tpu.memory_space<vmem>>[vector<16xi32>, vector<16xi32>], vector<16xf32>,
      %broadcast_in_dim3A_2285 = arith.constant 9 : i32
      %broadcast_in_dim3A_2286 = vector.broadcast %broadcast_in_dim3A_2285 : i32 to vector<16xi32>
      %add3A_2287 = arith.constant 2304 : i32
      %add3A_2288 = arith.addi %add3A_2287, %mul3A_20 : i32
      %get3A_2289 = arith.index_cast %add3A_2288 : i32 to index
      %get3A_2290 = tpu.vector_load %arg6[%get3A_2289] {strides = array<i32>} : memref<16384xf32, #tpu.memory_space<vmem>>, vector<16xf32>,
      %eq3A_2291 = arith.constant -1.000000e+00 : f32
      %eq3A_2292 = vector.broadcast %eq3A_2291 : f32 to vector<16xf32>
      %eq3A_2293 = arith.cmpf oeq, %get3A_2290, %eq3A_2292 : vector<16xf32>
      %gather3A_2294 = tpu.vector_load_idx %arg5[%add3A_22, %broadcast_in_dim3A_2286] : memref<256x64xf32, #tpu.memory_space<vmem>>[vector<16xi32>, vector<16xi32>], vector<16xf32>,
      %jit3A_2295 = arith.constant 0.000000e+00 : f32
      %broadcast_in_dim3A_2296 = vector.broadcast %jit3A_2295 : f32 to vector<16xf32>
      %select_n3A_2297 = arith.select %eq3A_2293, %gather3A_2294, %broadcast_in_dim3A_2296 : vector<16xi1>, vector<16xf32>
      tpu.vector_store_idx %arg5[%add3A_22, %broadcast_in_dim3A_2286], %select_n3A_2297 : memref<256x64xf32, #tpu.memory_space<vmem>>[vector<16xi32>, vector<16xi32>], vector<16xf32>,
      %broadcast_in_dim3A_2298 = arith.constant 10 : i32
      %broadcast_in_dim3A_2299 = vector.broadcast %broadcast_in_dim3A_2298 : i32 to vector<16xi32>
      %add3A_2300 = arith.constant 2560 : i32
      %add3A_2301 = arith.addi %add3A_2300, %mul3A_20 : i32
      %get3A_2302 = arith.index_cast %add3A_2301 : i32 to index
      %get3A_2303 = tpu.vector_load %arg6[%get3A_2302] {strides = array<i32>} : memref<16384xf32, #tpu.memory_space<vmem>>, vector<16xf32>,
      %eq3A_2304 = arith.constant -1.000000e+00 : f32
      %eq3A_2305 = vector.broadcast %eq3A_2304 : f32 to vector<16xf32>
      %eq3A_2306 = arith.cmpf oeq, %get3A_2303, %eq3A_2305 : vector<16xf32>
      %gather3A_2307 = tpu.vector_load_idx %arg5[%add3A_22, %broadcast_in_dim3A_2299] : memref<256x64xf32, #tpu.memory_space<vmem>>[vector<16xi32>, vector<16xi32>], vector<16xf32>,
      %jit3A_2308 = arith.constant 0.000000e+00 : f32
      %broadcast_in_dim3A_2309 = vector.broadcast %jit3A_2308 : f32 to vector<16xf32>
      %select_n3A_2310 = arith.select %eq3A_2306, %gather3A_2307, %broadcast_in_dim3A_2309 : vector<16xi1>, vector<16xf32>
      tpu.vector_store_idx %arg5[%add3A_22, %broadcast_in_dim3A_2299], %select_n3A_2310 : memref<256x64xf32, #tpu.memory_space<vmem>>[vector<16xi32>, vector<16xi32>], vector<16xf32>,
      %broadcast_in_dim3A_2311 = arith.constant 11 : i32
      %broadcast_in_dim3A_2312 = vector.broadcast %broadcast_in_dim3A_2311 : i32 to vector<16xi32>
      %add3A_2313 = arith.constant 2816 : i32
      %add3A_2314 = arith.addi %add3A_2313, %mul3A_20 : i32
      %get3A_2315 = arith.index_cast %add3A_2314 : i32 to index
      %get3A_2316 = tpu.vector_load %arg6[%get3A_2315] {strides = array<i32>} : memref<16384xf32, #tpu.memory_space<vmem>>, vector<16xf32>,
      %eq3A_2317 = arith.constant -1.000000e+00 : f32
      %eq3A_2318 = vector.broadcast %eq3A_2317 : f32 to vector<16xf32>
      %eq3A_2319 = arith.cmpf oeq, %get3A_2316, %eq3A_2318 : vector<16xf32>
      %gather3A_2320 = tpu.vector_load_idx %arg5[%add3A_22, %broadcast_in_dim3A_2312] : memref<256x64xf32, #tpu.memory_space<vmem>>[vector<16xi32>, vector<16xi32>], vector<16xf32>,
      %jit3A_2321 = arith.constant 0.000000e+00 : f32
      %broadcast_in_dim3A_2322 = vector.broadcast %jit3A_2321 : f32 to vector<16xf32>
      %select_n3A_2323 = arith.select %eq3A_2319, %gather3A_2320, %broadcast_in_dim3A_2322 : vector<16xi1>, vector<16xf32>
      tpu.vector_store_idx %arg5[%add3A_22, %broadcast_in_dim3A_2312], %select_n3A_2323 : memref<256x64xf32, #tpu.memory_space<vmem>>[vector<16xi32>, vector<16xi32>], vector<16xf32>,
      %broadcast_in_dim3A_2324 = arith.constant 12 : i32
      %broadcast_in_dim3A_2325 = vector.broadcast %broadcast_in_dim3A_2324 : i32 to vector<16xi32>
      %add3A_2326 = arith.constant 3072 : i32
      %add3A_2327 = arith.addi %add3A_2326, %mul3A_20 : i32
      %get3A_2328 = arith.index_cast %add3A_2327 : i32 to index
      %get3A_2329 = tpu.vector_load %arg6[%get3A_2328] {strides = array<i32>} : memref<16384xf32, #tpu.memory_space<vmem>>, vector<16xf32>,
      %eq3A_2330 = arith.constant -1.000000e+00 : f32
      %eq3A_2331 = vector.broadcast %eq3A_2330 : f32 to vector<16xf32>
      %eq3A_2332 = arith.cmpf oeq, %get3A_2329, %eq3A_2331 : vector<16xf32>
      %gather3A_2333 = tpu.vector_load_idx %arg5[%add3A_22, %broadcast_in_dim3A_2325] : memref<256x64xf32, #tpu.memory_space<vmem>>[vector<16xi32>, vector<16xi32>], vector<16xf32>,
      %jit3A_2334 = arith.constant 0.000000e+00 : f32
      %broadcast_in_dim3A_2335 = vector.broadcast %jit3A_2334 : f32 to vector<16xf32>
      %select_n3A_2336 = arith.select %eq3A_2332, %gather3A_2333, %broadcast_in_dim3A_2335 : vector<16xi1>, vector<16xf32>
      tpu.vector_store_idx %arg5[%add3A_22, %broadcast_in_dim3A_2325], %select_n3A_2336 : memref<256x64xf32, #tpu.memory_space<vmem>>[vector<16xi32>, vector<16xi32>], vector<16xf32>,
      %broadcast_in_dim3A_2337 = arith.constant 13 : i32
      %broadcast_in_dim3A_2338 = vector.broadcast %broadcast_in_dim3A_2337 : i32 to vector<16xi32>
      %add3A_2339 = arith.constant 3328 : i32
      %add3A_2340 = arith.addi %add3A_2339, %mul3A_20 : i32
      %get3A_2341 = arith.index_cast %add3A_2340 : i32 to index
      %get3A_2342 = tpu.vector_load %arg6[%get3A_2341] {strides = array<i32>} : memref<16384xf32, #tpu.memory_space<vmem>>, vector<16xf32>,
      %eq3A_2343 = arith.constant -1.000000e+00 : f32
      %eq3A_2344 = vector.broadcast %eq3A_2343 : f32 to vector<16xf32>
      %eq3A_2345 = arith.cmpf oeq, %get3A_2342, %eq3A_2344 : vector<16xf32>
      %gather3A_2346 = tpu.vector_load_idx %arg5[%add3A_22, %broadcast_in_dim3A_2338] : memref<256x64xf32, #tpu.memory_space<vmem>>[vector<16xi32>, vector<16xi32>], vector<16xf32>,
      %jit3A_2347 = arith.constant 0.000000e+00 : f32
      %broadcast_in_dim3A_2348 = vector.broadcast %jit3A_2347 : f32 to vector<16xf32>
      %select_n3A_2349 = arith.select %eq3A_2345, %gather3A_2346, %broadcast_in_dim3A_2348 : vector<16xi1>, vector<16xf32>
      tpu.vector_store_idx %arg5[%add3A_22, %broadcast_in_dim3A_2338], %select_n3A_2349 : memref<256x64xf32, #tpu.memory_space<vmem>>[vector<16xi32>, vector<16xi32>], vector<16xf32>,
      %broadcast_in_dim3A_2350 = arith.constant 14 : i32
      %broadcast_in_dim3A_2351 = vector.broadcast %broadcast_in_dim3A_2350 : i32 to vector<16xi32>
      %add3A_2352 = arith.constant 3584 : i32
      %add3A_2353 = arith.addi %add3A_2352, %mul3A_20 : i32
      %get3A_2354 = arith.index_cast %add3A_2353 : i32 to index
      %get3A_2355 = tpu.vector_load %arg6[%get3A_2354] {strides = array<i32>} : memref<16384xf32, #tpu.memory_space<vmem>>, vector<16xf32>,
      %eq3A_2356 = arith.constant -1.000000e+00 : f32
      %eq3A_2357 = vector.broadcast %eq3A_2356 : f32 to vector<16xf32>
      %eq3A_2358 = arith.cmpf oeq, %get3A_2355, %eq3A_2357 : vector<16xf32>
      %gather3A_2359 = tpu.vector_load_idx %arg5[%add3A_22, %broadcast_in_dim3A_2351] : memref<256x64xf32, #tpu.memory_space<vmem>>[vector<16xi32>, vector<16xi32>], vector<16xf32>,
      %jit3A_2360 = arith.constant 0.000000e+00 : f32
      %broadcast_in_dim3A_2361 = vector.broadcast %jit3A_2360 : f32 to vector<16xf32>
      %select_n3A_2362 = arith.select %eq3A_2358, %gather3A_2359, %broadcast_in_dim3A_2361 : vector<16xi1>, vector<16xf32>
      tpu.vector_store_idx %arg5[%add3A_22, %broadcast_in_dim3A_2351], %select_n3A_2362 : memref<256x64xf32, #tpu.memory_space<vmem>>[vector<16xi32>, vector<16xi32>], vector<16xf32>,
      %broadcast_in_dim3A_2363 = arith.constant 15 : i32
      %broadcast_in_dim3A_2364 = vector.broadcast %broadcast_in_dim3A_2363 : i32 to vector<16xi32>
      %add3A_2365 = arith.constant 3840 : i32
      %add3A_2366 = arith.addi %add3A_2365, %mul3A_20 : i32
      %get3A_2367 = arith.index_cast %add3A_2366 : i32 to index
      %get3A_2368 = tpu.vector_load %arg6[%get3A_2367] {strides = array<i32>} : memref<16384xf32, #tpu.memory_space<vmem>>, vector<16xf32>,
      %eq3A_2369 = arith.constant -1.000000e+00 : f32
      %eq3A_2370 = vector.broadcast %eq3A_2369 : f32 to vector<16xf32>
      %eq3A_2371 = arith.cmpf oeq, %get3A_2368, %eq3A_2370 : vector<16xf32>
      %gather3A_2372 = tpu.vector_load_idx %arg5[%add3A_22, %broadcast_in_dim3A_2364] : memref<256x64xf32, #tpu.memory_space<vmem>>[vector<16xi32>, vector<16xi32>], vector<16xf32>,
      %jit3A_2373 = arith.constant 0.000000e+00 : f32
      %broadcast_in_dim3A_2374 = vector.broadcast %jit3A_2373 : f32 to vector<16xf32>
      %select_n3A_2375 = arith.select %eq3A_2371, %gather3A_2372, %broadcast_in_dim3A_2374 : vector<16xi1>, vector<16xf32>
      tpu.vector_store_idx %arg5[%add3A_22, %broadcast_in_dim3A_2364], %select_n3A_2375 : memref<256x64xf32, #tpu.memory_space<vmem>>[vector<16xi32>, vector<16xi32>], vector<16xf32>,
      %broadcast_in_dim3A_2376 = arith.constant 16 : i32
      %broadcast_in_dim3A_2377 = vector.broadcast %broadcast_in_dim3A_2376 : i32 to vector<16xi32>
      %add3A_2378 = arith.constant 4096 : i32
      %add3A_2379 = arith.addi %add3A_2378, %mul3A_20 : i32
      %get3A_2380 = arith.index_cast %add3A_2379 : i32 to index
      %get3A_2381 = tpu.vector_load %arg6[%get3A_2380] {strides = array<i32>} : memref<16384xf32, #tpu.memory_space<vmem>>, vector<16xf32>,
      %eq3A_2382 = arith.constant -1.000000e+00 : f32
      %eq3A_2383 = vector.broadcast %eq3A_2382 : f32 to vector<16xf32>
      %eq3A_2384 = arith.cmpf oeq, %get3A_2381, %eq3A_2383 : vector<16xf32>
      %gather3A_2385 = tpu.vector_load_idx %arg5[%add3A_22, %broadcast_in_dim3A_2377] : memref<256x64xf32, #tpu.memory_space<vmem>>[vector<16xi32>, vector<16xi32>], vector<16xf32>,
      %jit3A_2386 = arith.constant 0.000000e+00 : f32
      %broadcast_in_dim3A_2387 = vector.broadcast %jit3A_2386 : f32 to vector<16xf32>
      %select_n3A_2388 = arith.select %eq3A_2384, %gather3A_2385, %broadcast_in_dim3A_2387 : vector<16xi1>, vector<16xf32>
      tpu.vector_store_idx %arg5[%add3A_22, %broadcast_in_dim3A_2377], %select_n3A_2388 : memref<256x64xf32, #tpu.memory_space<vmem>>[vector<16xi32>, vector<16xi32>], vector<16xf32>,
      %broadcast_in_dim3A_2389 = arith.constant 17 : i32
      %broadcast_in_dim3A_2390 = vector.broadcast %broadcast_in_dim3A_2389 : i32 to vector<16xi32>
      %add3A_2391 = arith.constant 4352 : i32
      %add3A_2392 = arith.addi %add3A_2391, %mul3A_20 : i32
      %get3A_2393 = arith.index_cast %add3A_2392 : i32 to index
      %get3A_2394 = tpu.vector_load %arg6[%get3A_2393] {strides = array<i32>} : memref<16384xf32, #tpu.memory_space<vmem>>, vector<16xf32>,
      %eq3A_2395 = arith.constant -1.000000e+00 : f32
      %eq3A_2396 = vector.broadcast %eq3A_2395 : f32 to vector<16xf32>
      %eq3A_2397 = arith.cmpf oeq, %get3A_2394, %eq3A_2396 : vector<16xf32>
      %gather3A_2398 = tpu.vector_load_idx %arg5[%add3A_22, %broadcast_in_dim3A_2390] : memref<256x64xf32, #tpu.memory_space<vmem>>[vector<16xi32>, vector<16xi32>], vector<16xf32>,
      %jit3A_2399 = arith.constant 0.000000e+00 : f32
      %broadcast_in_dim3A_2400 = vector.broadcast %jit3A_2399 : f32 to vector<16xf32>
      %select_n3A_2401 = arith.select %eq3A_2397, %gather3A_2398, %broadcast_in_dim3A_2400 : vector<16xi1>, vector<16xf32>
      tpu.vector_store_idx %arg5[%add3A_22, %broadcast_in_dim3A_2390], %select_n3A_2401 : memref<256x64xf32, #tpu.memory_space<vmem>>[vector<16xi32>, vector<16xi32>], vector<16xf32>,
      %broadcast_in_dim3A_2402 = arith.constant 18 : i32
      %broadcast_in_dim3A_2403 = vector.broadcast %broadcast_in_dim3A_2402 : i32 to vector<16xi32>
      %add3A_2404 = arith.constant 4608 : i32
      %add3A_2405 = arith.addi %add3A_2404, %mul3A_20 : i32
      %get3A_2406 = arith.index_cast %add3A_2405 : i32 to index
      %get3A_2407 = tpu.vector_load %arg6[%get3A_2406] {strides = array<i32>} : memref<16384xf32, #tpu.memory_space<vmem>>, vector<16xf32>,
      %eq3A_2408 = arith.constant -1.000000e+00 : f32
      %eq3A_2409 = vector.broadcast %eq3A_2408 : f32 to vector<16xf32>
      %eq3A_2410 = arith.cmpf oeq, %get3A_2407, %eq3A_2409 : vector<16xf32>
      %gather3A_2411 = tpu.vector_load_idx %arg5[%add3A_22, %broadcast_in_dim3A_2403] : memref<256x64xf32, #tpu.memory_space<vmem>>[vector<16xi32>, vector<16xi32>], vector<16xf32>,
      %jit3A_2412 = arith.constant 0.000000e+00 : f32
      %broadcast_in_dim3A_2413 = vector.broadcast %jit3A_2412 : f32 to vector<16xf32>
      %select_n3A_2414 = arith.select %eq3A_2410, %gather3A_2411, %broadcast_in_dim3A_2413 : vector<16xi1>, vector<16xf32>
      tpu.vector_store_idx %arg5[%add3A_22, %broadcast_in_dim3A_2403], %select_n3A_2414 : memref<256x64xf32, #tpu.memory_space<vmem>>[vector<16xi32>, vector<16xi32>], vector<16xf32>,
      %broadcast_in_dim3A_2415 = arith.constant 19 : i32
      %broadcast_in_dim3A_2416 = vector.broadcast %broadcast_in_dim3A_2415 : i32 to vector<16xi32>
      %add3A_2417 = arith.constant 4864 : i32
      %add3A_2418 = arith.addi %add3A_2417, %mul3A_20 : i32
      %get3A_2419 = arith.index_cast %add3A_2418 : i32 to index
      %get3A_2420 = tpu.vector_load %arg6[%get3A_2419] {strides = array<i32>} : memref<16384xf32, #tpu.memory_space<vmem>>, vector<16xf32>,
      %eq3A_2421 = arith.constant -1.000000e+00 : f32
      %eq3A_2422 = vector.broadcast %eq3A_2421 : f32 to vector<16xf32>
      %eq3A_2423 = arith.cmpf oeq, %get3A_2420, %eq3A_2422 : vector<16xf32>
      %gather3A_2424 = tpu.vector_load_idx %arg5[%add3A_22, %broadcast_in_dim3A_2416] : memref<256x64xf32, #tpu.memory_space<vmem>>[vector<16xi32>, vector<16xi32>], vector<16xf32>,
      %jit3A_2425 = arith.constant 0.000000e+00 : f32
      %broadcast_in_dim3A_2426 = vector.broadcast %jit3A_2425 : f32 to vector<16xf32>
      %select_n3A_2427 = arith.select %eq3A_2423, %gather3A_2424, %broadcast_in_dim3A_2426 : vector<16xi1>, vector<16xf32>
      tpu.vector_store_idx %arg5[%add3A_22, %broadcast_in_dim3A_2416], %select_n3A_2427 : memref<256x64xf32, #tpu.memory_space<vmem>>[vector<16xi32>, vector<16xi32>], vector<16xf32>,
      %broadcast_in_dim3A_2428 = arith.constant 20 : i32
      %broadcast_in_dim3A_2429 = vector.broadcast %broadcast_in_dim3A_2428 : i32 to vector<16xi32>
      %add3A_2430 = arith.constant 5120 : i32
      %add3A_2431 = arith.addi %add3A_2430, %mul3A_20 : i32
      %get3A_2432 = arith.index_cast %add3A_2431 : i32 to index
      %get3A_2433 = tpu.vector_load %arg6[%get3A_2432] {strides = array<i32>} : memref<16384xf32, #tpu.memory_space<vmem>>, vector<16xf32>,
      %eq3A_2434 = arith.constant -1.000000e+00 : f32
      %eq3A_2435 = vector.broadcast %eq3A_2434 : f32 to vector<16xf32>
      %eq3A_2436 = arith.cmpf oeq, %get3A_2433, %eq3A_2435 : vector<16xf32>
      %gather3A_2437 = tpu.vector_load_idx %arg5[%add3A_22, %broadcast_in_dim3A_2429] : memref<256x64xf32, #tpu.memory_space<vmem>>[vector<16xi32>, vector<16xi32>], vector<16xf32>,
      %jit3A_2438 = arith.constant 0.000000e+00 : f32
      %broadcast_in_dim3A_2439 = vector.broadcast %jit3A_2438 : f32 to vector<16xf32>
      %select_n3A_2440 = arith.select %eq3A_2436, %gather3A_2437, %broadcast_in_dim3A_2439 : vector<16xi1>, vector<16xf32>
      tpu.vector_store_idx %arg5[%add3A_22, %broadcast_in_dim3A_2429], %select_n3A_2440 : memref<256x64xf32, #tpu.memory_space<vmem>>[vector<16xi32>, vector<16xi32>], vector<16xf32>,
      %broadcast_in_dim3A_2441 = arith.constant 21 : i32
      %broadcast_in_dim3A_2442 = vector.broadcast %broadcast_in_dim3A_2441 : i32 to vector<16xi32>
      %add3A_2443 = arith.constant 5376 : i32
      %add3A_2444 = arith.addi %add3A_2443, %mul3A_20 : i32
      %get3A_2445 = arith.index_cast %add3A_2444 : i32 to index
      %get3A_2446 = tpu.vector_load %arg6[%get3A_2445] {strides = array<i32>} : memref<16384xf32, #tpu.memory_space<vmem>>, vector<16xf32>,
      %eq3A_2447 = arith.constant -1.000000e+00 : f32
      %eq3A_2448 = vector.broadcast %eq3A_2447 : f32 to vector<16xf32>
      %eq3A_2449 = arith.cmpf oeq, %get3A_2446, %eq3A_2448 : vector<16xf32>
      %gather3A_2450 = tpu.vector_load_idx %arg5[%add3A_22, %broadcast_in_dim3A_2442] : memref<256x64xf32, #tpu.memory_space<vmem>>[vector<16xi32>, vector<16xi32>], vector<16xf32>,
      %jit3A_2451 = arith.constant 0.000000e+00 : f32
      %broadcast_in_dim3A_2452 = vector.broadcast %jit3A_2451 : f32 to vector<16xf32>
      %select_n3A_2453 = arith.select %eq3A_2449, %gather3A_2450, %broadcast_in_dim3A_2452 : vector<16xi1>, vector<16xf32>
      tpu.vector_store_idx %arg5[%add3A_22, %broadcast_in_dim3A_2442], %select_n3A_2453 : memref<256x64xf32, #tpu.memory_space<vmem>>[vector<16xi32>, vector<16xi32>], vector<16xf32>,
      %broadcast_in_dim3A_2454 = arith.constant 22 : i32
      %broadcast_in_dim3A_2455 = vector.broadcast %broadcast_in_dim3A_2454 : i32 to vector<16xi32>
      %add3A_2456 = arith.constant 5632 : i32
      %add3A_2457 = arith.addi %add3A_2456, %mul3A_20 : i32
      %get3A_2458 = arith.index_cast %add3A_2457 : i32 to index
      %get3A_2459 = tpu.vector_load %arg6[%get3A_2458] {strides = array<i32>} : memref<16384xf32, #tpu.memory_space<vmem>>, vector<16xf32>,
      %eq3A_2460 = arith.constant -1.000000e+00 : f32
      %eq3A_2461 = vector.broadcast %eq3A_2460 : f32 to vector<16xf32>
      %eq3A_2462 = arith.cmpf oeq, %get3A_2459, %eq3A_2461 : vector<16xf32>
      %gather3A_2463 = tpu.vector_load_idx %arg5[%add3A_22, %broadcast_in_dim3A_2455] : memref<256x64xf32, #tpu.memory_space<vmem>>[vector<16xi32>, vector<16xi32>], vector<16xf32>,
      %jit3A_2464 = arith.constant 0.000000e+00 : f32
      %broadcast_in_dim3A_2465 = vector.broadcast %jit3A_2464 : f32 to vector<16xf32>
      %select_n3A_2466 = arith.select %eq3A_2462, %gather3A_2463, %broadcast_in_dim3A_2465 : vector<16xi1>, vector<16xf32>
      tpu.vector_store_idx %arg5[%add3A_22, %broadcast_in_dim3A_2455], %select_n3A_2466 : memref<256x64xf32, #tpu.memory_space<vmem>>[vector<16xi32>, vector<16xi32>], vector<16xf32>,
      %broadcast_in_dim3A_2467 = arith.constant 23 : i32
      %broadcast_in_dim3A_2468 = vector.broadcast %broadcast_in_dim3A_2467 : i32 to vector<16xi32>
      %add3A_2469 = arith.constant 5888 : i32
      %add3A_2470 = arith.addi %add3A_2469, %mul3A_20 : i32
      %get3A_2471 = arith.index_cast %add3A_2470 : i32 to index
      %get3A_2472 = tpu.vector_load %arg6[%get3A_2471] {strides = array<i32>} : memref<16384xf32, #tpu.memory_space<vmem>>, vector<16xf32>,
      %eq3A_2473 = arith.constant -1.000000e+00 : f32
      %eq3A_2474 = vector.broadcast %eq3A_2473 : f32 to vector<16xf32>
      %eq3A_2475 = arith.cmpf oeq, %get3A_2472, %eq3A_2474 : vector<16xf32>
      %gather3A_2476 = tpu.vector_load_idx %arg5[%add3A_22, %broadcast_in_dim3A_2468] : memref<256x64xf32, #tpu.memory_space<vmem>>[vector<16xi32>, vector<16xi32>], vector<16xf32>,
      %jit3A_2477 = arith.constant 0.000000e+00 : f32
      %broadcast_in_dim3A_2478 = vector.broadcast %jit3A_2477 : f32 to vector<16xf32>
      %select_n3A_2479 = arith.select %eq3A_2475, %gather3A_2476, %broadcast_in_dim3A_2478 : vector<16xi1>, vector<16xf32>
      tpu.vector_store_idx %arg5[%add3A_22, %broadcast_in_dim3A_2468], %select_n3A_2479 : memref<256x64xf32, #tpu.memory_space<vmem>>[vector<16xi32>, vector<16xi32>], vector<16xf32>,
      %broadcast_in_dim3A_2480 = arith.constant 24 : i32
      %broadcast_in_dim3A_2481 = vector.broadcast %broadcast_in_dim3A_2480 : i32 to vector<16xi32>
      %add3A_2482 = arith.constant 6144 : i32
      %add3A_2483 = arith.addi %add3A_2482, %mul3A_20 : i32
      %get3A_2484 = arith.index_cast %add3A_2483 : i32 to index
      %get3A_2485 = tpu.vector_load %arg6[%get3A_2484] {strides = array<i32>} : memref<16384xf32, #tpu.memory_space<vmem>>, vector<16xf32>,
      %eq3A_2486 = arith.constant -1.000000e+00 : f32
      %eq3A_2487 = vector.broadcast %eq3A_2486 : f32 to vector<16xf32>
      %eq3A_2488 = arith.cmpf oeq, %get3A_2485, %eq3A_2487 : vector<16xf32>
      %gather3A_2489 = tpu.vector_load_idx %arg5[%add3A_22, %broadcast_in_dim3A_2481] : memref<256x64xf32, #tpu.memory_space<vmem>>[vector<16xi32>, vector<16xi32>], vector<16xf32>,
      %jit3A_2490 = arith.constant 0.000000e+00 : f32
      %broadcast_in_dim3A_2491 = vector.broadcast %jit3A_2490 : f32 to vector<16xf32>
      %select_n3A_2492 = arith.select %eq3A_2488, %gather3A_2489, %broadcast_in_dim3A_2491 : vector<16xi1>, vector<16xf32>
      tpu.vector_store_idx %arg5[%add3A_22, %broadcast_in_dim3A_2481], %select_n3A_2492 : memref<256x64xf32, #tpu.memory_space<vmem>>[vector<16xi32>, vector<16xi32>], vector<16xf32>,
      %broadcast_in_dim3A_2493 = arith.constant 25 : i32
      %broadcast_in_dim3A_2494 = vector.broadcast %broadcast_in_dim3A_2493 : i32 to vector<16xi32>
      %add3A_2495 = arith.constant 6400 : i32
      %add3A_2496 = arith.addi %add3A_2495, %mul3A_20 : i32
      %get3A_2497 = arith.index_cast %add3A_2496 : i32 to index
      %get3A_2498 = tpu.vector_load %arg6[%get3A_2497] {strides = array<i32>} : memref<16384xf32, #tpu.memory_space<vmem>>, vector<16xf32>,
      %eq3A_2499 = arith.constant -1.000000e+00 : f32
      %eq3A_2500 = vector.broadcast %eq3A_2499 : f32 to vector<16xf32>
      %eq3A_2501 = arith.cmpf oeq, %get3A_2498, %eq3A_2500 : vector<16xf32>
      %gather3A_2502 = tpu.vector_load_idx %arg5[%add3A_22, %broadcast_in_dim3A_2494] : memref<256x64xf32, #tpu.memory_space<vmem>>[vector<16xi32>, vector<16xi32>], vector<16xf32>,
      %jit3A_2503 = arith.constant 0.000000e+00 : f32
      %broadcast_in_dim3A_2504 = vector.broadcast %jit3A_2503 : f32 to vector<16xf32>
      %select_n3A_2505 = arith.select %eq3A_2501, %gather3A_2502, %broadcast_in_dim3A_2504 : vector<16xi1>, vector<16xf32>
      tpu.vector_store_idx %arg5[%add3A_22, %broadcast_in_dim3A_2494], %select_n3A_2505 : memref<256x64xf32, #tpu.memory_space<vmem>>[vector<16xi32>, vector<16xi32>], vector<16xf32>,
      %broadcast_in_dim3A_2506 = arith.constant 26 : i32
      %broadcast_in_dim3A_2507 = vector.broadcast %broadcast_in_dim3A_2506 : i32 to vector<16xi32>
      %add3A_2508 = arith.constant 6656 : i32
      %add3A_2509 = arith.addi %add3A_2508, %mul3A_20 : i32
      %get3A_2510 = arith.index_cast %add3A_2509 : i32 to index
      %get3A_2511 = tpu.vector_load %arg6[%get3A_2510] {strides = array<i32>} : memref<16384xf32, #tpu.memory_space<vmem>>, vector<16xf32>,
      %eq3A_2512 = arith.constant -1.000000e+00 : f32
      %eq3A_2513 = vector.broadcast %eq3A_2512 : f32 to vector<16xf32>
      %eq3A_2514 = arith.cmpf oeq, %get3A_2511, %eq3A_2513 : vector<16xf32>
      %gather3A_2515 = tpu.vector_load_idx %arg5[%add3A_22, %broadcast_in_dim3A_2507] : memref<256x64xf32, #tpu.memory_space<vmem>>[vector<16xi32>, vector<16xi32>], vector<16xf32>,
      %jit3A_2516 = arith.constant 0.000000e+00 : f32
      %broadcast_in_dim3A_2517 = vector.broadcast %jit3A_2516 : f32 to vector<16xf32>
      %select_n3A_2518 = arith.select %eq3A_2514, %gather3A_2515, %broadcast_in_dim3A_2517 : vector<16xi1>, vector<16xf32>
      tpu.vector_store_idx %arg5[%add3A_22, %broadcast_in_dim3A_2507], %select_n3A_2518 : memref<256x64xf32, #tpu.memory_space<vmem>>[vector<16xi32>, vector<16xi32>], vector<16xf32>,
      %broadcast_in_dim3A_2519 = arith.constant 27 : i32
      %broadcast_in_dim3A_2520 = vector.broadcast %broadcast_in_dim3A_2519 : i32 to vector<16xi32>
      %add3A_2521 = arith.constant 6912 : i32
      %add3A_2522 = arith.addi %add3A_2521, %mul3A_20 : i32
      %get3A_2523 = arith.index_cast %add3A_2522 : i32 to index
      %get3A_2524 = tpu.vector_load %arg6[%get3A_2523] {strides = array<i32>} : memref<16384xf32, #tpu.memory_space<vmem>>, vector<16xf32>,
      %eq3A_2525 = arith.constant -1.000000e+00 : f32
      %eq3A_2526 = vector.broadcast %eq3A_2525 : f32 to vector<16xf32>
      %eq3A_2527 = arith.cmpf oeq, %get3A_2524, %eq3A_2526 : vector<16xf32>
      %gather3A_2528 = tpu.vector_load_idx %arg5[%add3A_22, %broadcast_in_dim3A_2520] : memref<256x64xf32, #tpu.memory_space<vmem>>[vector<16xi32>, vector<16xi32>], vector<16xf32>,
      %jit3A_2529 = arith.constant 0.000000e+00 : f32
      %broadcast_in_dim3A_2530 = vector.broadcast %jit3A_2529 : f32 to vector<16xf32>
      %select_n3A_2531 = arith.select %eq3A_2527, %gather3A_2528, %broadcast_in_dim3A_2530 : vector<16xi1>, vector<16xf32>
      tpu.vector_store_idx %arg5[%add3A_22, %broadcast_in_dim3A_2520], %select_n3A_2531 : memref<256x64xf32, #tpu.memory_space<vmem>>[vector<16xi32>, vector<16xi32>], vector<16xf32>,
      %broadcast_in_dim3A_2532 = arith.constant 28 : i32
      %broadcast_in_dim3A_2533 = vector.broadcast %broadcast_in_dim3A_2532 : i32 to vector<16xi32>
      %add3A_2534 = arith.constant 7168 : i32
      %add3A_2535 = arith.addi %add3A_2534, %mul3A_20 : i32
      %get3A_2536 = arith.index_cast %add3A_2535 : i32 to index
      %get3A_2537 = tpu.vector_load %arg6[%get3A_2536] {strides = array<i32>} : memref<16384xf32, #tpu.memory_space<vmem>>, vector<16xf32>,
      %eq3A_2538 = arith.constant -1.000000e+00 : f32
      %eq3A_2539 = vector.broadcast %eq3A_2538 : f32 to vector<16xf32>
      %eq3A_2540 = arith.cmpf oeq, %get3A_2537, %eq3A_2539 : vector<16xf32>
      %gather3A_2541 = tpu.vector_load_idx %arg5[%add3A_22, %broadcast_in_dim3A_2533] : memref<256x64xf32, #tpu.memory_space<vmem>>[vector<16xi32>, vector<16xi32>], vector<16xf32>,
      %jit3A_2542 = arith.constant 0.000000e+00 : f32
      %broadcast_in_dim3A_2543 = vector.broadcast %jit3A_2542 : f32 to vector<16xf32>
      %select_n3A_2544 = arith.select %eq3A_2540, %gather3A_2541, %broadcast_in_dim3A_2543 : vector<16xi1>, vector<16xf32>
      tpu.vector_store_idx %arg5[%add3A_22, %broadcast_in_dim3A_2533], %select_n3A_2544 : memref<256x64xf32, #tpu.memory_space<vmem>>[vector<16xi32>, vector<16xi32>], vector<16xf32>,
      %broadcast_in_dim3A_2545 = arith.constant 29 : i32
      %broadcast_in_dim3A_2546 = vector.broadcast %broadcast_in_dim3A_2545 : i32 to vector<16xi32>
      %add3A_2547 = arith.constant 7424 : i32
      %add3A_2548 = arith.addi %add3A_2547, %mul3A_20 : i32
      %get3A_2549 = arith.index_cast %add3A_2548 : i32 to index
      %get3A_2550 = tpu.vector_load %arg6[%get3A_2549] {strides = array<i32>} : memref<16384xf32, #tpu.memory_space<vmem>>, vector<16xf32>,
      %eq3A_2551 = arith.constant -1.000000e+00 : f32
      %eq3A_2552 = vector.broadcast %eq3A_2551 : f32 to vector<16xf32>
      %eq3A_2553 = arith.cmpf oeq, %get3A_2550, %eq3A_2552 : vector<16xf32>
      %gather3A_2554 = tpu.vector_load_idx %arg5[%add3A_22, %broadcast_in_dim3A_2546] : memref<256x64xf32, #tpu.memory_space<vmem>>[vector<16xi32>, vector<16xi32>], vector<16xf32>,
      %jit3A_2555 = arith.constant 0.000000e+00 : f32
      %broadcast_in_dim3A_2556 = vector.broadcast %jit3A_2555 : f32 to vector<16xf32>
      %select_n3A_2557 = arith.select %eq3A_2553, %gather3A_2554, %broadcast_in_dim3A_2556 : vector<16xi1>, vector<16xf32>
      tpu.vector_store_idx %arg5[%add3A_22, %broadcast_in_dim3A_2546], %select_n3A_2557 : memref<256x64xf32, #tpu.memory_space<vmem>>[vector<16xi32>, vector<16xi32>], vector<16xf32>,
      %broadcast_in_dim3A_2558 = arith.constant 30 : i32
      %broadcast_in_dim3A_2559 = vector.broadcast %broadcast_in_dim3A_2558 : i32 to vector<16xi32>
      %add3A_2560 = arith.constant 7680 : i32
      %add3A_2561 = arith.addi %add3A_2560, %mul3A_20 : i32
      %get3A_2562 = arith.index_cast %add3A_2561 : i32 to index
      %get3A_2563 = tpu.vector_load %arg6[%get3A_2562] {strides = array<i32>} : memref<16384xf32, #tpu.memory_space<vmem>>, vector<16xf32>,
      %eq3A_2564 = arith.constant -1.000000e+00 : f32
      %eq3A_2565 = vector.broadcast %eq3A_2564 : f32 to vector<16xf32>
      %eq3A_2566 = arith.cmpf oeq, %get3A_2563, %eq3A_2565 : vector<16xf32>
      %gather3A_2567 = tpu.vector_load_idx %arg5[%add3A_22, %broadcast_in_dim3A_2559] : memref<256x64xf32, #tpu.memory_space<vmem>>[vector<16xi32>, vector<16xi32>], vector<16xf32>,
      %jit3A_2568 = arith.constant 0.000000e+00 : f32
      %broadcast_in_dim3A_2569 = vector.broadcast %jit3A_2568 : f32 to vector<16xf32>
      %select_n3A_2570 = arith.select %eq3A_2566, %gather3A_2567, %broadcast_in_dim3A_2569 : vector<16xi1>, vector<16xf32>
      tpu.vector_store_idx %arg5[%add3A_22, %broadcast_in_dim3A_2559], %select_n3A_2570 : memref<256x64xf32, #tpu.memory_space<vmem>>[vector<16xi32>, vector<16xi32>], vector<16xf32>,
      %broadcast_in_dim3A_2571 = arith.constant 31 : i32
      %broadcast_in_dim3A_2572 = vector.broadcast %broadcast_in_dim3A_2571 : i32 to vector<16xi32>
      %add3A_2573 = arith.constant 7936 : i32
      %add3A_2574 = arith.addi %add3A_2573, %mul3A_20 : i32
      %get3A_2575 = arith.index_cast %add3A_2574 : i32 to index
      %get3A_2576 = tpu.vector_load %arg6[%get3A_2575] {strides = array<i32>} : memref<16384xf32, #tpu.memory_space<vmem>>, vector<16xf32>,
      %eq3A_2577 = arith.constant -1.000000e+00 : f32
      %eq3A_2578 = vector.broadcast %eq3A_2577 : f32 to vector<16xf32>
      %eq3A_2579 = arith.cmpf oeq, %get3A_2576, %eq3A_2578 : vector<16xf32>
      %gather3A_2580 = tpu.vector_load_idx %arg5[%add3A_22, %broadcast_in_dim3A_2572] : memref<256x64xf32, #tpu.memory_space<vmem>>[vector<16xi32>, vector<16xi32>], vector<16xf32>,
      %jit3A_2581 = arith.constant 0.000000e+00 : f32
      %broadcast_in_dim3A_2582 = vector.broadcast %jit3A_2581 : f32 to vector<16xf32>
      %select_n3A_2583 = arith.select %eq3A_2579, %gather3A_2580, %broadcast_in_dim3A_2582 : vector<16xi1>, vector<16xf32>
      tpu.vector_store_idx %arg5[%add3A_22, %broadcast_in_dim3A_2572], %select_n3A_2583 : memref<256x64xf32, #tpu.memory_space<vmem>>[vector<16xi32>, vector<16xi32>], vector<16xf32>,
      %broadcast_in_dim3A_2584 = arith.constant 32 : i32
      %broadcast_in_dim3A_2585 = vector.broadcast %broadcast_in_dim3A_2584 : i32 to vector<16xi32>
      %add3A_2586 = arith.constant 8192 : i32
      %add3A_2587 = arith.addi %add3A_2586, %mul3A_20 : i32
      %get3A_2588 = arith.index_cast %add3A_2587 : i32 to index
      %get3A_2589 = tpu.vector_load %arg6[%get3A_2588] {strides = array<i32>} : memref<16384xf32, #tpu.memory_space<vmem>>, vector<16xf32>,
      %eq3A_2590 = arith.constant -1.000000e+00 : f32
      %eq3A_2591 = vector.broadcast %eq3A_2590 : f32 to vector<16xf32>
      %eq3A_2592 = arith.cmpf oeq, %get3A_2589, %eq3A_2591 : vector<16xf32>
      %gather3A_2593 = tpu.vector_load_idx %arg5[%add3A_22, %broadcast_in_dim3A_2585] : memref<256x64xf32, #tpu.memory_space<vmem>>[vector<16xi32>, vector<16xi32>], vector<16xf32>,
      %jit3A_2594 = arith.constant 0.000000e+00 : f32
      %broadcast_in_dim3A_2595 = vector.broadcast %jit3A_2594 : f32 to vector<16xf32>
      %select_n3A_2596 = arith.select %eq3A_2592, %gather3A_2593, %broadcast_in_dim3A_2595 : vector<16xi1>, vector<16xf32>
      tpu.vector_store_idx %arg5[%add3A_22, %broadcast_in_dim3A_2585], %select_n3A_2596 : memref<256x64xf32, #tpu.memory_space<vmem>>[vector<16xi32>, vector<16xi32>], vector<16xf32>,
      %broadcast_in_dim3A_2597 = arith.constant 33 : i32
      %broadcast_in_dim3A_2598 = vector.broadcast %broadcast_in_dim3A_2597 : i32 to vector<16xi32>
      %add3A_2599 = arith.constant 8448 : i32
      %add3A_2600 = arith.addi %add3A_2599, %mul3A_20 : i32
      %get3A_2601 = arith.index_cast %add3A_2600 : i32 to index
      %get3A_2602 = tpu.vector_load %arg6[%get3A_2601] {strides = array<i32>} : memref<16384xf32, #tpu.memory_space<vmem>>, vector<16xf32>,
      %eq3A_2603 = arith.constant -1.000000e+00 : f32
      %eq3A_2604 = vector.broadcast %eq3A_2603 : f32 to vector<16xf32>
      %eq3A_2605 = arith.cmpf oeq, %get3A_2602, %eq3A_2604 : vector<16xf32>
      %gather3A_2606 = tpu.vector_load_idx %arg5[%add3A_22, %broadcast_in_dim3A_2598] : memref<256x64xf32, #tpu.memory_space<vmem>>[vector<16xi32>, vector<16xi32>], vector<16xf32>,
      %jit3A_2607 = arith.constant 0.000000e+00 : f32
      %broadcast_in_dim3A_2608 = vector.broadcast %jit3A_2607 : f32 to vector<16xf32>
      %select_n3A_2609 = arith.select %eq3A_2605, %gather3A_2606, %broadcast_in_dim3A_2608 : vector<16xi1>, vector<16xf32>
      tpu.vector_store_idx %arg5[%add3A_22, %broadcast_in_dim3A_2598], %select_n3A_2609 : memref<256x64xf32, #tpu.memory_space<vmem>>[vector<16xi32>, vector<16xi32>], vector<16xf32>,
      %broadcast_in_dim3A_2610 = arith.constant 34 : i32
      %broadcast_in_dim3A_2611 = vector.broadcast %broadcast_in_dim3A_2610 : i32 to vector<16xi32>
      %add3A_2612 = arith.constant 8704 : i32
      %add3A_2613 = arith.addi %add3A_2612, %mul3A_20 : i32
      %get3A_2614 = arith.index_cast %add3A_2613 : i32 to index
      %get3A_2615 = tpu.vector_load %arg6[%get3A_2614] {strides = array<i32>} : memref<16384xf32, #tpu.memory_space<vmem>>, vector<16xf32>,
      %eq3A_2616 = arith.constant -1.000000e+00 : f32
      %eq3A_2617 = vector.broadcast %eq3A_2616 : f32 to vector<16xf32>
      %eq3A_2618 = arith.cmpf oeq, %get3A_2615, %eq3A_2617 : vector<16xf32>
      %gather3A_2619 = tpu.vector_load_idx %arg5[%add3A_22, %broadcast_in_dim3A_2611] : memref<256x64xf32, #tpu.memory_space<vmem>>[vector<16xi32>, vector<16xi32>], vector<16xf32>,
      %jit3A_2620 = arith.constant 0.000000e+00 : f32
      %broadcast_in_dim3A_2621 = vector.broadcast %jit3A_2620 : f32 to vector<16xf32>
      %select_n3A_2622 = arith.select %eq3A_2618, %gather3A_2619, %broadcast_in_dim3A_2621 : vector<16xi1>, vector<16xf32>
      tpu.vector_store_idx %arg5[%add3A_22, %broadcast_in_dim3A_2611], %select_n3A_2622 : memref<256x64xf32, #tpu.memory_space<vmem>>[vector<16xi32>, vector<16xi32>], vector<16xf32>,
      %broadcast_in_dim3A_2623 = arith.constant 35 : i32
      %broadcast_in_dim3A_2624 = vector.broadcast %broadcast_in_dim3A_2623 : i32 to vector<16xi32>
      %add3A_2625 = arith.constant 8960 : i32
      %add3A_2626 = arith.addi %add3A_2625, %mul3A_20 : i32
      %get3A_2627 = arith.index_cast %add3A_2626 : i32 to index
      %get3A_2628 = tpu.vector_load %arg6[%get3A_2627] {strides = array<i32>} : memref<16384xf32, #tpu.memory_space<vmem>>, vector<16xf32>,
      %eq3A_2629 = arith.constant -1.000000e+00 : f32
      %eq3A_2630 = vector.broadcast %eq3A_2629 : f32 to vector<16xf32>
      %eq3A_2631 = arith.cmpf oeq, %get3A_2628, %eq3A_2630 : vector<16xf32>
      %gather3A_2632 = tpu.vector_load_idx %arg5[%add3A_22, %broadcast_in_dim3A_2624] : memref<256x64xf32, #tpu.memory_space<vmem>>[vector<16xi32>, vector<16xi32>], vector<16xf32>,
      %jit3A_2633 = arith.constant 0.000000e+00 : f32
      %broadcast_in_dim3A_2634 = vector.broadcast %jit3A_2633 : f32 to vector<16xf32>
      %select_n3A_2635 = arith.select %eq3A_2631, %gather3A_2632, %broadcast_in_dim3A_2634 : vector<16xi1>, vector<16xf32>
      tpu.vector_store_idx %arg5[%add3A_22, %broadcast_in_dim3A_2624], %select_n3A_2635 : memref<256x64xf32, #tpu.memory_space<vmem>>[vector<16xi32>, vector<16xi32>], vector<16xf32>,
      %broadcast_in_dim3A_2636 = arith.constant 36 : i32
      %broadcast_in_dim3A_2637 = vector.broadcast %broadcast_in_dim3A_2636 : i32 to vector<16xi32>
      %add3A_2638 = arith.constant 9216 : i32
      %add3A_2639 = arith.addi %add3A_2638, %mul3A_20 : i32
      %get3A_2640 = arith.index_cast %add3A_2639 : i32 to index
      %get3A_2641 = tpu.vector_load %arg6[%get3A_2640] {strides = array<i32>} : memref<16384xf32, #tpu.memory_space<vmem>>, vector<16xf32>,
      %eq3A_2642 = arith.constant -1.000000e+00 : f32
      %eq3A_2643 = vector.broadcast %eq3A_2642 : f32 to vector<16xf32>
      %eq3A_2644 = arith.cmpf oeq, %get3A_2641, %eq3A_2643 : vector<16xf32>
      %gather3A_2645 = tpu.vector_load_idx %arg5[%add3A_22, %broadcast_in_dim3A_2637] : memref<256x64xf32, #tpu.memory_space<vmem>>[vector<16xi32>, vector<16xi32>], vector<16xf32>,
      %jit3A_2646 = arith.constant 0.000000e+00 : f32
      %broadcast_in_dim3A_2647 = vector.broadcast %jit3A_2646 : f32 to vector<16xf32>
      %select_n3A_2648 = arith.select %eq3A_2644, %gather3A_2645, %broadcast_in_dim3A_2647 : vector<16xi1>, vector<16xf32>
      tpu.vector_store_idx %arg5[%add3A_22, %broadcast_in_dim3A_2637], %select_n3A_2648 : memref<256x64xf32, #tpu.memory_space<vmem>>[vector<16xi32>, vector<16xi32>], vector<16xf32>,
      %broadcast_in_dim3A_2649 = arith.constant 37 : i32
      %broadcast_in_dim3A_2650 = vector.broadcast %broadcast_in_dim3A_2649 : i32 to vector<16xi32>
      %add3A_2651 = arith.constant 9472 : i32
      %add3A_2652 = arith.addi %add3A_2651, %mul3A_20 : i32
      %get3A_2653 = arith.index_cast %add3A_2652 : i32 to index
      %get3A_2654 = tpu.vector_load %arg6[%get3A_2653] {strides = array<i32>} : memref<16384xf32, #tpu.memory_space<vmem>>, vector<16xf32>,
      %eq3A_2655 = arith.constant -1.000000e+00 : f32
      %eq3A_2656 = vector.broadcast %eq3A_2655 : f32 to vector<16xf32>
      %eq3A_2657 = arith.cmpf oeq, %get3A_2654, %eq3A_2656 : vector<16xf32>
      %gather3A_2658 = tpu.vector_load_idx %arg5[%add3A_22, %broadcast_in_dim3A_2650] : memref<256x64xf32, #tpu.memory_space<vmem>>[vector<16xi32>, vector<16xi32>], vector<16xf32>,
      %jit3A_2659 = arith.constant 0.000000e+00 : f32
      %broadcast_in_dim3A_2660 = vector.broadcast %jit3A_2659 : f32 to vector<16xf32>
      %select_n3A_2661 = arith.select %eq3A_2657, %gather3A_2658, %broadcast_in_dim3A_2660 : vector<16xi1>, vector<16xf32>
      tpu.vector_store_idx %arg5[%add3A_22, %broadcast_in_dim3A_2650], %select_n3A_2661 : memref<256x64xf32, #tpu.memory_space<vmem>>[vector<16xi32>, vector<16xi32>], vector<16xf32>,
      %broadcast_in_dim3A_2662 = arith.constant 38 : i32
      %broadcast_in_dim3A_2663 = vector.broadcast %broadcast_in_dim3A_2662 : i32 to vector<16xi32>
      %add3A_2664 = arith.constant 9728 : i32
      %add3A_2665 = arith.addi %add3A_2664, %mul3A_20 : i32
      %get3A_2666 = arith.index_cast %add3A_2665 : i32 to index
      %get3A_2667 = tpu.vector_load %arg6[%get3A_2666] {strides = array<i32>} : memref<16384xf32, #tpu.memory_space<vmem>>, vector<16xf32>,
      %eq3A_2668 = arith.constant -1.000000e+00 : f32
      %eq3A_2669 = vector.broadcast %eq3A_2668 : f32 to vector<16xf32>
      %eq3A_2670 = arith.cmpf oeq, %get3A_2667, %eq3A_2669 : vector<16xf32>
      %gather3A_2671 = tpu.vector_load_idx %arg5[%add3A_22, %broadcast_in_dim3A_2663] : memref<256x64xf32, #tpu.memory_space<vmem>>[vector<16xi32>, vector<16xi32>], vector<16xf32>,
      %jit3A_2672 = arith.constant 0.000000e+00 : f32
      %broadcast_in_dim3A_2673 = vector.broadcast %jit3A_2672 : f32 to vector<16xf32>
      %select_n3A_2674 = arith.select %eq3A_2670, %gather3A_2671, %broadcast_in_dim3A_2673 : vector<16xi1>, vector<16xf32>
      tpu.vector_store_idx %arg5[%add3A_22, %broadcast_in_dim3A_2663], %select_n3A_2674 : memref<256x64xf32, #tpu.memory_space<vmem>>[vector<16xi32>, vector<16xi32>], vector<16xf32>,
      %broadcast_in_dim3A_2675 = arith.constant 39 : i32
      %broadcast_in_dim3A_2676 = vector.broadcast %broadcast_in_dim3A_2675 : i32 to vector<16xi32>
      %add3A_2677 = arith.constant 9984 : i32
      %add3A_2678 = arith.addi %add3A_2677, %mul3A_20 : i32
      %get3A_2679 = arith.index_cast %add3A_2678 : i32 to index
      %get3A_2680 = tpu.vector_load %arg6[%get3A_2679] {strides = array<i32>} : memref<16384xf32, #tpu.memory_space<vmem>>, vector<16xf32>,
      %eq3A_2681 = arith.constant -1.000000e+00 : f32
      %eq3A_2682 = vector.broadcast %eq3A_2681 : f32 to vector<16xf32>
      %eq3A_2683 = arith.cmpf oeq, %get3A_2680, %eq3A_2682 : vector<16xf32>
      %gather3A_2684 = tpu.vector_load_idx %arg5[%add3A_22, %broadcast_in_dim3A_2676] : memref<256x64xf32, #tpu.memory_space<vmem>>[vector<16xi32>, vector<16xi32>], vector<16xf32>,
      %jit3A_2685 = arith.constant 0.000000e+00 : f32
      %broadcast_in_dim3A_2686 = vector.broadcast %jit3A_2685 : f32 to vector<16xf32>
      %select_n3A_2687 = arith.select %eq3A_2683, %gather3A_2684, %broadcast_in_dim3A_2686 : vector<16xi1>, vector<16xf32>
      tpu.vector_store_idx %arg5[%add3A_22, %broadcast_in_dim3A_2676], %select_n3A_2687 : memref<256x64xf32, #tpu.memory_space<vmem>>[vector<16xi32>, vector<16xi32>], vector<16xf32>,
      %broadcast_in_dim3A_2688 = arith.constant 40 : i32
      %broadcast_in_dim3A_2689 = vector.broadcast %broadcast_in_dim3A_2688 : i32 to vector<16xi32>
      %add3A_2690 = arith.constant 10240 : i32
      %add3A_2691 = arith.addi %add3A_2690, %mul3A_20 : i32
      %get3A_2692 = arith.index_cast %add3A_2691 : i32 to index
      %get3A_2693 = tpu.vector_load %arg6[%get3A_2692] {strides = array<i32>} : memref<16384xf32, #tpu.memory_space<vmem>>, vector<16xf32>,
      %eq3A_2694 = arith.constant -1.000000e+00 : f32
      %eq3A_2695 = vector.broadcast %eq3A_2694 : f32 to vector<16xf32>
      %eq3A_2696 = arith.cmpf oeq, %get3A_2693, %eq3A_2695 : vector<16xf32>
      %gather3A_2697 = tpu.vector_load_idx %arg5[%add3A_22, %broadcast_in_dim3A_2689] : memref<256x64xf32, #tpu.memory_space<vmem>>[vector<16xi32>, vector<16xi32>], vector<16xf32>,
      %jit3A_2698 = arith.constant 0.000000e+00 : f32
      %broadcast_in_dim3A_2699 = vector.broadcast %jit3A_2698 : f32 to vector<16xf32>
      %select_n3A_2700 = arith.select %eq3A_2696, %gather3A_2697, %broadcast_in_dim3A_2699 : vector<16xi1>, vector<16xf32>
      tpu.vector_store_idx %arg5[%add3A_22, %broadcast_in_dim3A_2689], %select_n3A_2700 : memref<256x64xf32, #tpu.memory_space<vmem>>[vector<16xi32>, vector<16xi32>], vector<16xf32>,
      %broadcast_in_dim3A_2701 = arith.constant 41 : i32
      %broadcast_in_dim3A_2702 = vector.broadcast %broadcast_in_dim3A_2701 : i32 to vector<16xi32>
      %add3A_2703 = arith.constant 10496 : i32
      %add3A_2704 = arith.addi %add3A_2703, %mul3A_20 : i32
      %get3A_2705 = arith.index_cast %add3A_2704 : i32 to index
      %get3A_2706 = tpu.vector_load %arg6[%get3A_2705] {strides = array<i32>} : memref<16384xf32, #tpu.memory_space<vmem>>, vector<16xf32>,
      %eq3A_2707 = arith.constant -1.000000e+00 : f32
      %eq3A_2708 = vector.broadcast %eq3A_2707 : f32 to vector<16xf32>
      %eq3A_2709 = arith.cmpf oeq, %get3A_2706, %eq3A_2708 : vector<16xf32>
      %gather3A_2710 = tpu.vector_load_idx %arg5[%add3A_22, %broadcast_in_dim3A_2702] : memref<256x64xf32, #tpu.memory_space<vmem>>[vector<16xi32>, vector<16xi32>], vector<16xf32>,
      %jit3A_2711 = arith.constant 0.000000e+00 : f32
      %broadcast_in_dim3A_2712 = vector.broadcast %jit3A_2711 : f32 to vector<16xf32>
      %select_n3A_2713 = arith.select %eq3A_2709, %gather3A_2710, %broadcast_in_dim3A_2712 : vector<16xi1>, vector<16xf32>
      tpu.vector_store_idx %arg5[%add3A_22, %broadcast_in_dim3A_2702], %select_n3A_2713 : memref<256x64xf32, #tpu.memory_space<vmem>>[vector<16xi32>, vector<16xi32>], vector<16xf32>,
      %broadcast_in_dim3A_2714 = arith.constant 42 : i32
      %broadcast_in_dim3A_2715 = vector.broadcast %broadcast_in_dim3A_2714 : i32 to vector<16xi32>
      %add3A_2716 = arith.constant 10752 : i32
      %add3A_2717 = arith.addi %add3A_2716, %mul3A_20 : i32
      %get3A_2718 = arith.index_cast %add3A_2717 : i32 to index
      %get3A_2719 = tpu.vector_load %arg6[%get3A_2718] {strides = array<i32>} : memref<16384xf32, #tpu.memory_space<vmem>>, vector<16xf32>,
      %eq3A_2720 = arith.constant -1.000000e+00 : f32
      %eq3A_2721 = vector.broadcast %eq3A_2720 : f32 to vector<16xf32>
      %eq3A_2722 = arith.cmpf oeq, %get3A_2719, %eq3A_2721 : vector<16xf32>
      %gather3A_2723 = tpu.vector_load_idx %arg5[%add3A_22, %broadcast_in_dim3A_2715] : memref<256x64xf32, #tpu.memory_space<vmem>>[vector<16xi32>, vector<16xi32>], vector<16xf32>,
      %jit3A_2724 = arith.constant 0.000000e+00 : f32
      %broadcast_in_dim3A_2725 = vector.broadcast %jit3A_2724 : f32 to vector<16xf32>
      %select_n3A_2726 = arith.select %eq3A_2722, %gather3A_2723, %broadcast_in_dim3A_2725 : vector<16xi1>, vector<16xf32>
      tpu.vector_store_idx %arg5[%add3A_22, %broadcast_in_dim3A_2715], %select_n3A_2726 : memref<256x64xf32, #tpu.memory_space<vmem>>[vector<16xi32>, vector<16xi32>], vector<16xf32>,
      %broadcast_in_dim3A_2727 = arith.constant 43 : i32
      %broadcast_in_dim3A_2728 = vector.broadcast %broadcast_in_dim3A_2727 : i32 to vector<16xi32>
      %add3A_2729 = arith.constant 11008 : i32
      %add3A_2730 = arith.addi %add3A_2729, %mul3A_20 : i32
      %get3A_2731 = arith.index_cast %add3A_2730 : i32 to index
      %get3A_2732 = tpu.vector_load %arg6[%get3A_2731] {strides = array<i32>} : memref<16384xf32, #tpu.memory_space<vmem>>, vector<16xf32>,
      %eq3A_2733 = arith.constant -1.000000e+00 : f32
      %eq3A_2734 = vector.broadcast %eq3A_2733 : f32 to vector<16xf32>
      %eq3A_2735 = arith.cmpf oeq, %get3A_2732, %eq3A_2734 : vector<16xf32>
      %gather3A_2736 = tpu.vector_load_idx %arg5[%add3A_22, %broadcast_in_dim3A_2728] : memref<256x64xf32, #tpu.memory_space<vmem>>[vector<16xi32>, vector<16xi32>], vector<16xf32>,
      %jit3A_2737 = arith.constant 0.000000e+00 : f32
      %broadcast_in_dim3A_2738 = vector.broadcast %jit3A_2737 : f32 to vector<16xf32>
      %select_n3A_2739 = arith.select %eq3A_2735, %gather3A_2736, %broadcast_in_dim3A_2738 : vector<16xi1>, vector<16xf32>
      tpu.vector_store_idx %arg5[%add3A_22, %broadcast_in_dim3A_2728], %select_n3A_2739 : memref<256x64xf32, #tpu.memory_space<vmem>>[vector<16xi32>, vector<16xi32>], vector<16xf32>,
      %broadcast_in_dim3A_2740 = arith.constant 44 : i32
      %broadcast_in_dim3A_2741 = vector.broadcast %broadcast_in_dim3A_2740 : i32 to vector<16xi32>
      %add3A_2742 = arith.constant 11264 : i32
      %add3A_2743 = arith.addi %add3A_2742, %mul3A_20 : i32
      %get3A_2744 = arith.index_cast %add3A_2743 : i32 to index
      %get3A_2745 = tpu.vector_load %arg6[%get3A_2744] {strides = array<i32>} : memref<16384xf32, #tpu.memory_space<vmem>>, vector<16xf32>,
      %eq3A_2746 = arith.constant -1.000000e+00 : f32
      %eq3A_2747 = vector.broadcast %eq3A_2746 : f32 to vector<16xf32>
      %eq3A_2748 = arith.cmpf oeq, %get3A_2745, %eq3A_2747 : vector<16xf32>
      %gather3A_2749 = tpu.vector_load_idx %arg5[%add3A_22, %broadcast_in_dim3A_2741] : memref<256x64xf32, #tpu.memory_space<vmem>>[vector<16xi32>, vector<16xi32>], vector<16xf32>,
      %jit3A_2750 = arith.constant 0.000000e+00 : f32
      %broadcast_in_dim3A_2751 = vector.broadcast %jit3A_2750 : f32 to vector<16xf32>
      %select_n3A_2752 = arith.select %eq3A_2748, %gather3A_2749, %broadcast_in_dim3A_2751 : vector<16xi1>, vector<16xf32>
      tpu.vector_store_idx %arg5[%add3A_22, %broadcast_in_dim3A_2741], %select_n3A_2752 : memref<256x64xf32, #tpu.memory_space<vmem>>[vector<16xi32>, vector<16xi32>], vector<16xf32>,
      %broadcast_in_dim3A_2753 = arith.constant 45 : i32
      %broadcast_in_dim3A_2754 = vector.broadcast %broadcast_in_dim3A_2753 : i32 to vector<16xi32>
      %add3A_2755 = arith.constant 11520 : i32
      %add3A_2756 = arith.addi %add3A_2755, %mul3A_20 : i32
      %get3A_2757 = arith.index_cast %add3A_2756 : i32 to index
      %get3A_2758 = tpu.vector_load %arg6[%get3A_2757] {strides = array<i32>} : memref<16384xf32, #tpu.memory_space<vmem>>, vector<16xf32>,
      %eq3A_2759 = arith.constant -1.000000e+00 : f32
      %eq3A_2760 = vector.broadcast %eq3A_2759 : f32 to vector<16xf32>
      %eq3A_2761 = arith.cmpf oeq, %get3A_2758, %eq3A_2760 : vector<16xf32>
      %gather3A_2762 = tpu.vector_load_idx %arg5[%add3A_22, %broadcast_in_dim3A_2754] : memref<256x64xf32, #tpu.memory_space<vmem>>[vector<16xi32>, vector<16xi32>], vector<16xf32>,
      %jit3A_2763 = arith.constant 0.000000e+00 : f32
      %broadcast_in_dim3A_2764 = vector.broadcast %jit3A_2763 : f32 to vector<16xf32>
      %select_n3A_2765 = arith.select %eq3A_2761, %gather3A_2762, %broadcast_in_dim3A_2764 : vector<16xi1>, vector<16xf32>
      tpu.vector_store_idx %arg5[%add3A_22, %broadcast_in_dim3A_2754], %select_n3A_2765 : memref<256x64xf32, #tpu.memory_space<vmem>>[vector<16xi32>, vector<16xi32>], vector<16xf32>,
      %broadcast_in_dim3A_2766 = arith.constant 46 : i32
      %broadcast_in_dim3A_2767 = vector.broadcast %broadcast_in_dim3A_2766 : i32 to vector<16xi32>
      %add3A_2768 = arith.constant 11776 : i32
      %add3A_2769 = arith.addi %add3A_2768, %mul3A_20 : i32
      %get3A_2770 = arith.index_cast %add3A_2769 : i32 to index
      %get3A_2771 = tpu.vector_load %arg6[%get3A_2770] {strides = array<i32>} : memref<16384xf32, #tpu.memory_space<vmem>>, vector<16xf32>,
      %eq3A_2772 = arith.constant -1.000000e+00 : f32
      %eq3A_2773 = vector.broadcast %eq3A_2772 : f32 to vector<16xf32>
      %eq3A_2774 = arith.cmpf oeq, %get3A_2771, %eq3A_2773 : vector<16xf32>
      %gather3A_2775 = tpu.vector_load_idx %arg5[%add3A_22, %broadcast_in_dim3A_2767] : memref<256x64xf32, #tpu.memory_space<vmem>>[vector<16xi32>, vector<16xi32>], vector<16xf32>,
      %jit3A_2776 = arith.constant 0.000000e+00 : f32
      %broadcast_in_dim3A_2777 = vector.broadcast %jit3A_2776 : f32 to vector<16xf32>
      %select_n3A_2778 = arith.select %eq3A_2774, %gather3A_2775, %broadcast_in_dim3A_2777 : vector<16xi1>, vector<16xf32>
      tpu.vector_store_idx %arg5[%add3A_22, %broadcast_in_dim3A_2767], %select_n3A_2778 : memref<256x64xf32, #tpu.memory_space<vmem>>[vector<16xi32>, vector<16xi32>], vector<16xf32>,
      %broadcast_in_dim3A_2779 = arith.constant 47 : i32
      %broadcast_in_dim3A_2780 = vector.broadcast %broadcast_in_dim3A_2779 : i32 to vector<16xi32>
      %add3A_2781 = arith.constant 12032 : i32
      %add3A_2782 = arith.addi %add3A_2781, %mul3A_20 : i32
      %get3A_2783 = arith.index_cast %add3A_2782 : i32 to index
      %get3A_2784 = tpu.vector_load %arg6[%get3A_2783] {strides = array<i32>} : memref<16384xf32, #tpu.memory_space<vmem>>, vector<16xf32>,
      %eq3A_2785 = arith.constant -1.000000e+00 : f32
      %eq3A_2786 = vector.broadcast %eq3A_2785 : f32 to vector<16xf32>
      %eq3A_2787 = arith.cmpf oeq, %get3A_2784, %eq3A_2786 : vector<16xf32>
      %gather3A_2788 = tpu.vector_load_idx %arg5[%add3A_22, %broadcast_in_dim3A_2780] : memref<256x64xf32, #tpu.memory_space<vmem>>[vector<16xi32>, vector<16xi32>], vector<16xf32>,
      %jit3A_2789 = arith.constant 0.000000e+00 : f32
      %broadcast_in_dim3A_2790 = vector.broadcast %jit3A_2789 : f32 to vector<16xf32>
      %select_n3A_2791 = arith.select %eq3A_2787, %gather3A_2788, %broadcast_in_dim3A_2790 : vector<16xi1>, vector<16xf32>
      tpu.vector_store_idx %arg5[%add3A_22, %broadcast_in_dim3A_2780], %select_n3A_2791 : memref<256x64xf32, #tpu.memory_space<vmem>>[vector<16xi32>, vector<16xi32>], vector<16xf32>,
      %broadcast_in_dim3A_2792 = arith.constant 48 : i32
      %broadcast_in_dim3A_2793 = vector.broadcast %broadcast_in_dim3A_2792 : i32 to vector<16xi32>
      %add3A_2794 = arith.constant 12288 : i32
      %add3A_2795 = arith.addi %add3A_2794, %mul3A_20 : i32
      %get3A_2796 = arith.index_cast %add3A_2795 : i32 to index
      %get3A_2797 = tpu.vector_load %arg6[%get3A_2796] {strides = array<i32>} : memref<16384xf32, #tpu.memory_space<vmem>>, vector<16xf32>,
      %eq3A_2798 = arith.constant -1.000000e+00 : f32
      %eq3A_2799 = vector.broadcast %eq3A_2798 : f32 to vector<16xf32>
      %eq3A_2800 = arith.cmpf oeq, %get3A_2797, %eq3A_2799 : vector<16xf32>
      %gather3A_2801 = tpu.vector_load_idx %arg5[%add3A_22, %broadcast_in_dim3A_2793] : memref<256x64xf32, #tpu.memory_space<vmem>>[vector<16xi32>, vector<16xi32>], vector<16xf32>,
      %jit3A_2802 = arith.constant 0.000000e+00 : f32
      %broadcast_in_dim3A_2803 = vector.broadcast %jit3A_2802 : f32 to vector<16xf32>
      %select_n3A_2804 = arith.select %eq3A_2800, %gather3A_2801, %broadcast_in_dim3A_2803 : vector<16xi1>, vector<16xf32>
      tpu.vector_store_idx %arg5[%add3A_22, %broadcast_in_dim3A_2793], %select_n3A_2804 : memref<256x64xf32, #tpu.memory_space<vmem>>[vector<16xi32>, vector<16xi32>], vector<16xf32>,
      %broadcast_in_dim3A_2805 = arith.constant 49 : i32
      %broadcast_in_dim3A_2806 = vector.broadcast %broadcast_in_dim3A_2805 : i32 to vector<16xi32>
      %add3A_2807 = arith.constant 12544 : i32
      %add3A_2808 = arith.addi %add3A_2807, %mul3A_20 : i32
      %get3A_2809 = arith.index_cast %add3A_2808 : i32 to index
      %get3A_2810 = tpu.vector_load %arg6[%get3A_2809] {strides = array<i32>} : memref<16384xf32, #tpu.memory_space<vmem>>, vector<16xf32>,
      %eq3A_2811 = arith.constant -1.000000e+00 : f32
      %eq3A_2812 = vector.broadcast %eq3A_2811 : f32 to vector<16xf32>
      %eq3A_2813 = arith.cmpf oeq, %get3A_2810, %eq3A_2812 : vector<16xf32>
      %gather3A_2814 = tpu.vector_load_idx %arg5[%add3A_22, %broadcast_in_dim3A_2806] : memref<256x64xf32, #tpu.memory_space<vmem>>[vector<16xi32>, vector<16xi32>], vector<16xf32>,
      %jit3A_2815 = arith.constant 0.000000e+00 : f32
      %broadcast_in_dim3A_2816 = vector.broadcast %jit3A_2815 : f32 to vector<16xf32>
      %select_n3A_2817 = arith.select %eq3A_2813, %gather3A_2814, %broadcast_in_dim3A_2816 : vector<16xi1>, vector<16xf32>
      tpu.vector_store_idx %arg5[%add3A_22, %broadcast_in_dim3A_2806], %select_n3A_2817 : memref<256x64xf32, #tpu.memory_space<vmem>>[vector<16xi32>, vector<16xi32>], vector<16xf32>,
      %broadcast_in_dim3A_2818 = arith.constant 50 : i32
      %broadcast_in_dim3A_2819 = vector.broadcast %broadcast_in_dim3A_2818 : i32 to vector<16xi32>
      %add3A_2820 = arith.constant 12800 : i32
      %add3A_2821 = arith.addi %add3A_2820, %mul3A_20 : i32
      %get3A_2822 = arith.index_cast %add3A_2821 : i32 to index
      %get3A_2823 = tpu.vector_load %arg6[%get3A_2822] {strides = array<i32>} : memref<16384xf32, #tpu.memory_space<vmem>>, vector<16xf32>,
      %eq3A_2824 = arith.constant -1.000000e+00 : f32
      %eq3A_2825 = vector.broadcast %eq3A_2824 : f32 to vector<16xf32>
      %eq3A_2826 = arith.cmpf oeq, %get3A_2823, %eq3A_2825 : vector<16xf32>
      %gather3A_2827 = tpu.vector_load_idx %arg5[%add3A_22, %broadcast_in_dim3A_2819] : memref<256x64xf32, #tpu.memory_space<vmem>>[vector<16xi32>, vector<16xi32>], vector<16xf32>,
      %jit3A_2828 = arith.constant 0.000000e+00 : f32
      %broadcast_in_dim3A_2829 = vector.broadcast %jit3A_2828 : f32 to vector<16xf32>
      %select_n3A_2830 = arith.select %eq3A_2826, %gather3A_2827, %broadcast_in_dim3A_2829 : vector<16xi1>, vector<16xf32>
      tpu.vector_store_idx %arg5[%add3A_22, %broadcast_in_dim3A_2819], %select_n3A_2830 : memref<256x64xf32, #tpu.memory_space<vmem>>[vector<16xi32>, vector<16xi32>], vector<16xf32>,
      %broadcast_in_dim3A_2831 = arith.constant 51 : i32
      %broadcast_in_dim3A_2832 = vector.broadcast %broadcast_in_dim3A_2831 : i32 to vector<16xi32>
      %add3A_2833 = arith.constant 13056 : i32
      %add3A_2834 = arith.addi %add3A_2833, %mul3A_20 : i32
      %get3A_2835 = arith.index_cast %add3A_2834 : i32 to index
      %get3A_2836 = tpu.vector_load %arg6[%get3A_2835] {strides = array<i32>} : memref<16384xf32, #tpu.memory_space<vmem>>, vector<16xf32>,
      %eq3A_2837 = arith.constant -1.000000e+00 : f32
      %eq3A_2838 = vector.broadcast %eq3A_2837 : f32 to vector<16xf32>
      %eq3A_2839 = arith.cmpf oeq, %get3A_2836, %eq3A_2838 : vector<16xf32>
      %gather3A_2840 = tpu.vector_load_idx %arg5[%add3A_22, %broadcast_in_dim3A_2832] : memref<256x64xf32, #tpu.memory_space<vmem>>[vector<16xi32>, vector<16xi32>], vector<16xf32>,
      %jit3A_2841 = arith.constant 0.000000e+00 : f32
      %broadcast_in_dim3A_2842 = vector.broadcast %jit3A_2841 : f32 to vector<16xf32>
      %select_n3A_2843 = arith.select %eq3A_2839, %gather3A_2840, %broadcast_in_dim3A_2842 : vector<16xi1>, vector<16xf32>
      tpu.vector_store_idx %arg5[%add3A_22, %broadcast_in_dim3A_2832], %select_n3A_2843 : memref<256x64xf32, #tpu.memory_space<vmem>>[vector<16xi32>, vector<16xi32>], vector<16xf32>,
      %broadcast_in_dim3A_2844 = arith.constant 52 : i32
      %broadcast_in_dim3A_2845 = vector.broadcast %broadcast_in_dim3A_2844 : i32 to vector<16xi32>
      %add3A_2846 = arith.constant 13312 : i32
      %add3A_2847 = arith.addi %add3A_2846, %mul3A_20 : i32
      %get3A_2848 = arith.index_cast %add3A_2847 : i32 to index
      %get3A_2849 = tpu.vector_load %arg6[%get3A_2848] {strides = array<i32>} : memref<16384xf32, #tpu.memory_space<vmem>>, vector<16xf32>,
      %eq3A_2850 = arith.constant -1.000000e+00 : f32
      %eq3A_2851 = vector.broadcast %eq3A_2850 : f32 to vector<16xf32>
      %eq3A_2852 = arith.cmpf oeq, %get3A_2849, %eq3A_2851 : vector<16xf32>
      %gather3A_2853 = tpu.vector_load_idx %arg5[%add3A_22, %broadcast_in_dim3A_2845] : memref<256x64xf32, #tpu.memory_space<vmem>>[vector<16xi32>, vector<16xi32>], vector<16xf32>,
      %jit3A_2854 = arith.constant 0.000000e+00 : f32
      %broadcast_in_dim3A_2855 = vector.broadcast %jit3A_2854 : f32 to vector<16xf32>
      %select_n3A_2856 = arith.select %eq3A_2852, %gather3A_2853, %broadcast_in_dim3A_2855 : vector<16xi1>, vector<16xf32>
      tpu.vector_store_idx %arg5[%add3A_22, %broadcast_in_dim3A_2845], %select_n3A_2856 : memref<256x64xf32, #tpu.memory_space<vmem>>[vector<16xi32>, vector<16xi32>], vector<16xf32>,
      %broadcast_in_dim3A_2857 = arith.constant 53 : i32
      %broadcast_in_dim3A_2858 = vector.broadcast %broadcast_in_dim3A_2857 : i32 to vector<16xi32>
      %add3A_2859 = arith.constant 13568 : i32
      %add3A_2860 = arith.addi %add3A_2859, %mul3A_20 : i32
      %get3A_2861 = arith.index_cast %add3A_2860 : i32 to index
      %get3A_2862 = tpu.vector_load %arg6[%get3A_2861] {strides = array<i32>} : memref<16384xf32, #tpu.memory_space<vmem>>, vector<16xf32>,
      %eq3A_2863 = arith.constant -1.000000e+00 : f32
      %eq3A_2864 = vector.broadcast %eq3A_2863 : f32 to vector<16xf32>
      %eq3A_2865 = arith.cmpf oeq, %get3A_2862, %eq3A_2864 : vector<16xf32>
      %gather3A_2866 = tpu.vector_load_idx %arg5[%add3A_22, %broadcast_in_dim3A_2858] : memref<256x64xf32, #tpu.memory_space<vmem>>[vector<16xi32>, vector<16xi32>], vector<16xf32>,
      %jit3A_2867 = arith.constant 0.000000e+00 : f32
      %broadcast_in_dim3A_2868 = vector.broadcast %jit3A_2867 : f32 to vector<16xf32>
      %select_n3A_2869 = arith.select %eq3A_2865, %gather3A_2866, %broadcast_in_dim3A_2868 : vector<16xi1>, vector<16xf32>
      tpu.vector_store_idx %arg5[%add3A_22, %broadcast_in_dim3A_2858], %select_n3A_2869 : memref<256x64xf32, #tpu.memory_space<vmem>>[vector<16xi32>, vector<16xi32>], vector<16xf32>,
      %broadcast_in_dim3A_2870 = arith.constant 54 : i32
      %broadcast_in_dim3A_2871 = vector.broadcast %broadcast_in_dim3A_2870 : i32 to vector<16xi32>
      %add3A_2872 = arith.constant 13824 : i32
      %add3A_2873 = arith.addi %add3A_2872, %mul3A_20 : i32
      %get3A_2874 = arith.index_cast %add3A_2873 : i32 to index
      %get3A_2875 = tpu.vector_load %arg6[%get3A_2874] {strides = array<i32>} : memref<16384xf32, #tpu.memory_space<vmem>>, vector<16xf32>,
      %eq3A_2876 = arith.constant -1.000000e+00 : f32
      %eq3A_2877 = vector.broadcast %eq3A_2876 : f32 to vector<16xf32>
      %eq3A_2878 = arith.cmpf oeq, %get3A_2875, %eq3A_2877 : vector<16xf32>
      %gather3A_2879 = tpu.vector_load_idx %arg5[%add3A_22, %broadcast_in_dim3A_2871] : memref<256x64xf32, #tpu.memory_space<vmem>>[vector<16xi32>, vector<16xi32>], vector<16xf32>,
      %jit3A_2880 = arith.constant 0.000000e+00 : f32
      %broadcast_in_dim3A_2881 = vector.broadcast %jit3A_2880 : f32 to vector<16xf32>
      %select_n3A_2882 = arith.select %eq3A_2878, %gather3A_2879, %broadcast_in_dim3A_2881 : vector<16xi1>, vector<16xf32>
      tpu.vector_store_idx %arg5[%add3A_22, %broadcast_in_dim3A_2871], %select_n3A_2882 : memref<256x64xf32, #tpu.memory_space<vmem>>[vector<16xi32>, vector<16xi32>], vector<16xf32>,
      %broadcast_in_dim3A_2883 = arith.constant 55 : i32
      %broadcast_in_dim3A_2884 = vector.broadcast %broadcast_in_dim3A_2883 : i32 to vector<16xi32>
      %add3A_2885 = arith.constant 14080 : i32
      %add3A_2886 = arith.addi %add3A_2885, %mul3A_20 : i32
      %get3A_2887 = arith.index_cast %add3A_2886 : i32 to index
      %get3A_2888 = tpu.vector_load %arg6[%get3A_2887] {strides = array<i32>} : memref<16384xf32, #tpu.memory_space<vmem>>, vector<16xf32>,
      %eq3A_2889 = arith.constant -1.000000e+00 : f32
      %eq3A_2890 = vector.broadcast %eq3A_2889 : f32 to vector<16xf32>
      %eq3A_2891 = arith.cmpf oeq, %get3A_2888, %eq3A_2890 : vector<16xf32>
      %gather3A_2892 = tpu.vector_load_idx %arg5[%add3A_22, %broadcast_in_dim3A_2884] : memref<256x64xf32, #tpu.memory_space<vmem>>[vector<16xi32>, vector<16xi32>], vector<16xf32>,
      %jit3A_2893 = arith.constant 0.000000e+00 : f32
      %broadcast_in_dim3A_2894 = vector.broadcast %jit3A_2893 : f32 to vector<16xf32>
      %select_n3A_2895 = arith.select %eq3A_2891, %gather3A_2892, %broadcast_in_dim3A_2894 : vector<16xi1>, vector<16xf32>
      tpu.vector_store_idx %arg5[%add3A_22, %broadcast_in_dim3A_2884], %select_n3A_2895 : memref<256x64xf32, #tpu.memory_space<vmem>>[vector<16xi32>, vector<16xi32>], vector<16xf32>,
      %broadcast_in_dim3A_2896 = arith.constant 56 : i32
      %broadcast_in_dim3A_2897 = vector.broadcast %broadcast_in_dim3A_2896 : i32 to vector<16xi32>
      %add3A_2898 = arith.constant 14336 : i32
      %add3A_2899 = arith.addi %add3A_2898, %mul3A_20 : i32
      %get3A_2900 = arith.index_cast %add3A_2899 : i32 to index
      %get3A_2901 = tpu.vector_load %arg6[%get3A_2900] {strides = array<i32>} : memref<16384xf32, #tpu.memory_space<vmem>>, vector<16xf32>,
      %eq3A_2902 = arith.constant -1.000000e+00 : f32
      %eq3A_2903 = vector.broadcast %eq3A_2902 : f32 to vector<16xf32>
      %eq3A_2904 = arith.cmpf oeq, %get3A_2901, %eq3A_2903 : vector<16xf32>
      %gather3A_2905 = tpu.vector_load_idx %arg5[%add3A_22, %broadcast_in_dim3A_2897] : memref<256x64xf32, #tpu.memory_space<vmem>>[vector<16xi32>, vector<16xi32>], vector<16xf32>,
      %jit3A_2906 = arith.constant 0.000000e+00 : f32
      %broadcast_in_dim3A_2907 = vector.broadcast %jit3A_2906 : f32 to vector<16xf32>
      %select_n3A_2908 = arith.select %eq3A_2904, %gather3A_2905, %broadcast_in_dim3A_2907 : vector<16xi1>, vector<16xf32>
      tpu.vector_store_idx %arg5[%add3A_22, %broadcast_in_dim3A_2897], %select_n3A_2908 : memref<256x64xf32, #tpu.memory_space<vmem>>[vector<16xi32>, vector<16xi32>], vector<16xf32>,
      %broadcast_in_dim3A_2909 = arith.constant 57 : i32
      %broadcast_in_dim3A_2910 = vector.broadcast %broadcast_in_dim3A_2909 : i32 to vector<16xi32>
      %add3A_2911 = arith.constant 14592 : i32
      %add3A_2912 = arith.addi %add3A_2911, %mul3A_20 : i32
      %get3A_2913 = arith.index_cast %add3A_2912 : i32 to index
      %get3A_2914 = tpu.vector_load %arg6[%get3A_2913] {strides = array<i32>} : memref<16384xf32, #tpu.memory_space<vmem>>, vector<16xf32>,
      %eq3A_2915 = arith.constant -1.000000e+00 : f32
      %eq3A_2916 = vector.broadcast %eq3A_2915 : f32 to vector<16xf32>
      %eq3A_2917 = arith.cmpf oeq, %get3A_2914, %eq3A_2916 : vector<16xf32>
      %gather3A_2918 = tpu.vector_load_idx %arg5[%add3A_22, %broadcast_in_dim3A_2910] : memref<256x64xf32, #tpu.memory_space<vmem>>[vector<16xi32>, vector<16xi32>], vector<16xf32>,
      %jit3A_2919 = arith.constant 0.000000e+00 : f32
      %broadcast_in_dim3A_2920 = vector.broadcast %jit3A_2919 : f32 to vector<16xf32>
      %select_n3A_2921 = arith.select %eq3A_2917, %gather3A_2918, %broadcast_in_dim3A_2920 : vector<16xi1>, vector<16xf32>
      tpu.vector_store_idx %arg5[%add3A_22, %broadcast_in_dim3A_2910], %select_n3A_2921 : memref<256x64xf32, #tpu.memory_space<vmem>>[vector<16xi32>, vector<16xi32>], vector<16xf32>,
      %broadcast_in_dim3A_2922 = arith.constant 58 : i32
      %broadcast_in_dim3A_2923 = vector.broadcast %broadcast_in_dim3A_2922 : i32 to vector<16xi32>
      %add3A_2924 = arith.constant 14848 : i32
      %add3A_2925 = arith.addi %add3A_2924, %mul3A_20 : i32
      %get3A_2926 = arith.index_cast %add3A_2925 : i32 to index
      %get3A_2927 = tpu.vector_load %arg6[%get3A_2926] {strides = array<i32>} : memref<16384xf32, #tpu.memory_space<vmem>>, vector<16xf32>,
      %eq3A_2928 = arith.constant -1.000000e+00 : f32
      %eq3A_2929 = vector.broadcast %eq3A_2928 : f32 to vector<16xf32>
      %eq3A_2930 = arith.cmpf oeq, %get3A_2927, %eq3A_2929 : vector<16xf32>
      %gather3A_2931 = tpu.vector_load_idx %arg5[%add3A_22, %broadcast_in_dim3A_2923] : memref<256x64xf32, #tpu.memory_space<vmem>>[vector<16xi32>, vector<16xi32>], vector<16xf32>,
      %jit3A_2932 = arith.constant 0.000000e+00 : f32
      %broadcast_in_dim3A_2933 = vector.broadcast %jit3A_2932 : f32 to vector<16xf32>
      %select_n3A_2934 = arith.select %eq3A_2930, %gather3A_2931, %broadcast_in_dim3A_2933 : vector<16xi1>, vector<16xf32>
      tpu.vector_store_idx %arg5[%add3A_22, %broadcast_in_dim3A_2923], %select_n3A_2934 : memref<256x64xf32, #tpu.memory_space<vmem>>[vector<16xi32>, vector<16xi32>], vector<16xf32>,
      %broadcast_in_dim3A_2935 = arith.constant 59 : i32
      %broadcast_in_dim3A_2936 = vector.broadcast %broadcast_in_dim3A_2935 : i32 to vector<16xi32>
      %add3A_2937 = arith.constant 15104 : i32
      %add3A_2938 = arith.addi %add3A_2937, %mul3A_20 : i32
      %get3A_2939 = arith.index_cast %add3A_2938 : i32 to index
      %get3A_2940 = tpu.vector_load %arg6[%get3A_2939] {strides = array<i32>} : memref<16384xf32, #tpu.memory_space<vmem>>, vector<16xf32>,
      %eq3A_2941 = arith.constant -1.000000e+00 : f32
      %eq3A_2942 = vector.broadcast %eq3A_2941 : f32 to vector<16xf32>
      %eq3A_2943 = arith.cmpf oeq, %get3A_2940, %eq3A_2942 : vector<16xf32>
      %gather3A_2944 = tpu.vector_load_idx %arg5[%add3A_22, %broadcast_in_dim3A_2936] : memref<256x64xf32, #tpu.memory_space<vmem>>[vector<16xi32>, vector<16xi32>], vector<16xf32>,
      %jit3A_2945 = arith.constant 0.000000e+00 : f32
      %broadcast_in_dim3A_2946 = vector.broadcast %jit3A_2945 : f32 to vector<16xf32>
      %select_n3A_2947 = arith.select %eq3A_2943, %gather3A_2944, %broadcast_in_dim3A_2946 : vector<16xi1>, vector<16xf32>
      tpu.vector_store_idx %arg5[%add3A_22, %broadcast_in_dim3A_2936], %select_n3A_2947 : memref<256x64xf32, #tpu.memory_space<vmem>>[vector<16xi32>, vector<16xi32>], vector<16xf32>,
      %broadcast_in_dim3A_2948 = arith.constant 60 : i32
      %broadcast_in_dim3A_2949 = vector.broadcast %broadcast_in_dim3A_2948 : i32 to vector<16xi32>
      %add3A_2950 = arith.constant 15360 : i32
      %add3A_2951 = arith.addi %add3A_2950, %mul3A_20 : i32
      %get3A_2952 = arith.index_cast %add3A_2951 : i32 to index
      %get3A_2953 = tpu.vector_load %arg6[%get3A_2952] {strides = array<i32>} : memref<16384xf32, #tpu.memory_space<vmem>>, vector<16xf32>,
      %eq3A_2954 = arith.constant -1.000000e+00 : f32
      %eq3A_2955 = vector.broadcast %eq3A_2954 : f32 to vector<16xf32>
      %eq3A_2956 = arith.cmpf oeq, %get3A_2953, %eq3A_2955 : vector<16xf32>
      %gather3A_2957 = tpu.vector_load_idx %arg5[%add3A_22, %broadcast_in_dim3A_2949] : memref<256x64xf32, #tpu.memory_space<vmem>>[vector<16xi32>, vector<16xi32>], vector<16xf32>,
      %jit3A_2958 = arith.constant 0.000000e+00 : f32
      %broadcast_in_dim3A_2959 = vector.broadcast %jit3A_2958 : f32 to vector<16xf32>
      %select_n3A_2960 = arith.select %eq3A_2956, %gather3A_2957, %broadcast_in_dim3A_2959 : vector<16xi1>, vector<16xf32>
      tpu.vector_store_idx %arg5[%add3A_22, %broadcast_in_dim3A_2949], %select_n3A_2960 : memref<256x64xf32, #tpu.memory_space<vmem>>[vector<16xi32>, vector<16xi32>], vector<16xf32>,
      %broadcast_in_dim3A_2961 = arith.constant 61 : i32
      %broadcast_in_dim3A_2962 = vector.broadcast %broadcast_in_dim3A_2961 : i32 to vector<16xi32>
      %add3A_2963 = arith.constant 15616 : i32
      %add3A_2964 = arith.addi %add3A_2963, %mul3A_20 : i32
      %get3A_2965 = arith.index_cast %add3A_2964 : i32 to index
      %get3A_2966 = tpu.vector_load %arg6[%get3A_2965] {strides = array<i32>} : memref<16384xf32, #tpu.memory_space<vmem>>, vector<16xf32>,
      %eq3A_2967 = arith.constant -1.000000e+00 : f32
      %eq3A_2968 = vector.broadcast %eq3A_2967 : f32 to vector<16xf32>
      %eq3A_2969 = arith.cmpf oeq, %get3A_2966, %eq3A_2968 : vector<16xf32>
      %gather3A_2970 = tpu.vector_load_idx %arg5[%add3A_22, %broadcast_in_dim3A_2962] : memref<256x64xf32, #tpu.memory_space<vmem>>[vector<16xi32>, vector<16xi32>], vector<16xf32>,
      %jit3A_2971 = arith.constant 0.000000e+00 : f32
      %broadcast_in_dim3A_2972 = vector.broadcast %jit3A_2971 : f32 to vector<16xf32>
      %select_n3A_2973 = arith.select %eq3A_2969, %gather3A_2970, %broadcast_in_dim3A_2972 : vector<16xi1>, vector<16xf32>
      tpu.vector_store_idx %arg5[%add3A_22, %broadcast_in_dim3A_2962], %select_n3A_2973 : memref<256x64xf32, #tpu.memory_space<vmem>>[vector<16xi32>, vector<16xi32>], vector<16xf32>,
      %broadcast_in_dim3A_2974 = arith.constant 62 : i32
      %broadcast_in_dim3A_2975 = vector.broadcast %broadcast_in_dim3A_2974 : i32 to vector<16xi32>
      %add3A_2976 = arith.constant 15872 : i32
      %add3A_2977 = arith.addi %add3A_2976, %mul3A_20 : i32
      %get3A_2978 = arith.index_cast %add3A_2977 : i32 to index
      %get3A_2979 = tpu.vector_load %arg6[%get3A_2978] {strides = array<i32>} : memref<16384xf32, #tpu.memory_space<vmem>>, vector<16xf32>,
      %eq3A_2980 = arith.constant -1.000000e+00 : f32
      %eq3A_2981 = vector.broadcast %eq3A_2980 : f32 to vector<16xf32>
      %eq3A_2982 = arith.cmpf oeq, %get3A_2979, %eq3A_2981 : vector<16xf32>
      %gather3A_2983 = tpu.vector_load_idx %arg5[%add3A_22, %broadcast_in_dim3A_2975] : memref<256x64xf32, #tpu.memory_space<vmem>>[vector<16xi32>, vector<16xi32>], vector<16xf32>,
      %jit3A_2984 = arith.constant 0.000000e+00 : f32
      %broadcast_in_dim3A_2985 = vector.broadcast %jit3A_2984 : f32 to vector<16xf32>
      %select_n3A_2986 = arith.select %eq3A_2982, %gather3A_2983, %broadcast_in_dim3A_2985 : vector<16xi1>, vector<16xf32>
      tpu.vector_store_idx %arg5[%add3A_22, %broadcast_in_dim3A_2975], %select_n3A_2986 : memref<256x64xf32, #tpu.memory_space<vmem>>[vector<16xi32>, vector<16xi32>], vector<16xf32>,
      %broadcast_in_dim3A_2987 = arith.constant 63 : i32
      %broadcast_in_dim3A_2988 = vector.broadcast %broadcast_in_dim3A_2987 : i32 to vector<16xi32>
      %add3A_2989 = arith.constant 16128 : i32
      %add3A_2990 = arith.addi %add3A_2989, %mul3A_20 : i32
      %get3A_2991 = arith.index_cast %add3A_2990 : i32 to index
      %get3A_2992 = tpu.vector_load %arg6[%get3A_2991] {strides = array<i32>} : memref<16384xf32, #tpu.memory_space<vmem>>, vector<16xf32>,
      %eq3A_2993 = arith.constant -1.000000e+00 : f32
      %eq3A_2994 = vector.broadcast %eq3A_2993 : f32 to vector<16xf32>
      %eq3A_2995 = arith.cmpf oeq, %get3A_2992, %eq3A_2994 : vector<16xf32>
      %gather3A_2996 = tpu.vector_load_idx %arg5[%add3A_22, %broadcast_in_dim3A_2988] : memref<256x64xf32, #tpu.memory_space<vmem>>[vector<16xi32>, vector<16xi32>], vector<16xf32>,
      %jit3A_2997 = arith.constant 0.000000e+00 : f32
      %broadcast_in_dim3A_2998 = vector.broadcast %jit3A_2997 : f32 to vector<16xf32>
      %select_n3A_2999 = arith.select %eq3A_2995, %gather3A_2996, %broadcast_in_dim3A_2998 : vector<16xi1>, vector<16xf32>
      tpu.vector_store_idx %arg5[%add3A_22, %broadcast_in_dim3A_2988], %select_n3A_2999 : memref<256x64xf32, #tpu.memory_space<vmem>>[vector<16xi32>, vector<16xi32>], vector<16xf32>,
    }
    %scan3A_13 = arith.constant 16 : i32
    "tpu.region"() ({
      %run_scoped3A = tpu.sem_alloc : memref<!tpu.dma_semaphore, #tpu.memory_space<semaphore_mem>>
      %dma_start3A_14 = arith.constant 0 : i32
      %dma_start3A_15 = tpu.memref_slice %arg4[%mul3A_2, %dma_start3A_14] : memref<8192x64xf32, #tpu.memory_space<hbm>> -> memref<256x64xf32, #tpu.memory_space<hbm>>
      %dma_start3A_16 = arith.constant 0 : i32
      %dma_start3A_17 = tpu.memref_slice %arg4[%mul3A_2, %dma_start3A_16] : memref<8192x64xf32, #tpu.memory_space<hbm>> -> memref<256x64xf32, #tpu.memory_space<hbm>>
      tpu.enqueue_dma source(%arg5 : memref<256x64xf32, #tpu.memory_space<vmem>>) target(%dma_start3A_17 : memref<256x64xf32, #tpu.memory_space<hbm>>) target_semaphore(%run_scoped3A : memref<!tpu.dma_semaphore, #tpu.memory_space<semaphore_mem>>)
      %dma_wait3A_18 = arith.constant 0 : i32
      %dma_wait3A_19 = tpu.memref_slice %arg4[%mul3A_2, %dma_wait3A_18] : memref<8192x64xf32, #tpu.memory_space<hbm>> -> memref<256x64xf32, #tpu.memory_space<hbm>>
      %dma_wait3A_20 = arith.constant 0 : i32
      %dma_wait3A_21 = tpu.memref_slice %arg4[%mul3A_2, %dma_wait3A_20] : memref<8192x64xf32, #tpu.memory_space<hbm>> -> memref<256x64xf32, #tpu.memory_space<hbm>>
      tpu.wait_dma2 semaphore(%run_scoped3A : memref<!tpu.dma_semaphore, #tpu.memory_space<semaphore_mem>>) src(%arg5 : memref<256x64xf32, #tpu.memory_space<vmem>>) dst(%dma_wait3A_21 : memref<256x64xf32, #tpu.memory_space<hbm>>)
      tpu.yield
    }) : () -> ()
    return
  }
}

module attributes {stable_mosaic.version = 14 : i64} {
  func.func @_mm2_body(%arg0: i32, %arg1: memref<256x64xf32, #tpu.memory_space<vmem>>, %arg2: memref<64x4096xf32, #tpu.memory_space<vmem>>, %arg3: memref<256x4096xf32, #tpu.memory_space<vmem>>) attributes {dimension_semantics = [#tpu.dimension_semantics<parallel>], iteration_bounds = array<i64: 32>, scalar_prefetch = 0 : i64, scratch_operands = 0 : i64, tpu.core_type = #tpu.core_type<tc>, window_params = [{transform_indices = @transform_0, window_bounds = array<i64: 256, 64>}, {pipeline_mode = #tpu.pipeline_mode<synchronous>, transform_indices = @transform_1, window_bounds = array<i64: 64, 4096>}, {transform_indices = @transform_2, window_bounds = array<i64: 256, 4096>}]} {
    %get3A = arith.constant 0 : index
    %get3A_0 = arith.constant 0 : index
    %get3A_1 = vector.load %arg1[%get3A, %get3A_0] : memref<256x64xf32, #tpu.memory_space<vmem>>, vector<256x64xf32>
    %convert_element_type3A = arith.truncf %get3A_1 : vector<256x64xf32> to vector<256x64xbf16>
    %get3A_2 = arith.constant 0 : index
    %get3A_3 = arith.constant 0 : index
    %get3A_4 = vector.load %arg2[%get3A_2, %get3A_3] : memref<64x4096xf32, #tpu.memory_space<vmem>>, vector<64x4096xf32>
    %convert_element_type3A_5 = arith.truncf %get3A_4 : vector<64x4096xf32> to vector<64x4096xbf16>
    %dot_general3A = arith.constant dense<0.000000e+00> : vector<256x4096xf32>
    %dot_general3A_6 = tpu.matmul %convert_element_type3A, %convert_element_type3A_5, %dot_general3A {dimension_numbers = #tpu.dot_dimension_numbers<[1], [0], [0], [1], [0, 0, 1, 1], [], []>, transpose_lhs_hint = false} : vector<256x64xbf16>, vector<64x4096xbf16>, vector<256x4096xf32> -> vector<256x4096xf32>
    %mul3A = arith.constant 2.000000e+00 : f32
    %mul3A_7 = vector.broadcast %mul3A : f32 to vector<256x4096xf32>
    %mul3A_8 = arith.mulf %dot_general3A_6, %mul3A_7 : vector<256x4096xf32>
    %swap3A = arith.constant 0 : index
    %swap3A_9 = arith.constant 0 : index
    %swap3A_10 = vector.load %arg3[%swap3A, %swap3A_9] : memref<256x4096xf32, #tpu.memory_space<vmem>>, vector<256x4096xf32>
    tpu.vector_store %arg3[%swap3A, %swap3A_9], %mul3A_8 {strides = array<i32>} : memref<256x4096xf32, #tpu.memory_space<vmem>>, vector<256x4096xf32>,
    return
  }
  func.func @transform_0(%arg0: i32) -> (i32, i32) {
    %c0_i32 = arith.constant 0 : i32
    %c0_i32_0 = arith.constant 0 : i32
    return %arg0, %c0_i32 : i32, i32
  }
  func.func @transform_1(%arg0: i32) -> (i32, i32) {
    %c0_i32 = arith.constant 0 : i32
    %c0_i32_0 = arith.constant 0 : i32
    %c0_i32_1 = arith.constant 0 : i32
    return %c0_i32, %c0_i32_0 : i32, i32
  }
  func.func @transform_2(%arg0: i32) -> (i32, i32) {
    %c0_i32 = arith.constant 0 : i32
    %c0_i32_0 = arith.constant 0 : i32
    return %arg0, %c0_i32 : i32, i32
  }
}

module attributes {stable_mosaic.version = 14 : i64} {
  func.func @_mm1_body(%arg0: i32, %arg1: memref<256x4096xf32, #tpu.memory_space<vmem>>, %arg2: memref<4096x64xf32, #tpu.memory_space<vmem>>, %arg3: memref<256x64xf32, #tpu.memory_space<vmem>>) attributes {dimension_semantics = [#tpu.dimension_semantics<parallel>], iteration_bounds = array<i64: 32>, scalar_prefetch = 0 : i64, scratch_operands = 0 : i64, tpu.core_type = #tpu.core_type<tc>, window_params = [{transform_indices = @transform_0, window_bounds = array<i64: 256, 4096>}, {pipeline_mode = #tpu.pipeline_mode<synchronous>, transform_indices = @transform_1, window_bounds = array<i64: 4096, 64>}, {transform_indices = @transform_2, window_bounds = array<i64: 256, 64>}]} {
    %get3A = arith.constant 0 : index
    %get3A_0 = arith.constant 0 : index
    %get3A_1 = vector.load %arg1[%get3A, %get3A_0] : memref<256x4096xf32, #tpu.memory_space<vmem>>, vector<256x4096xf32>
    %convert_element_type3A = arith.truncf %get3A_1 : vector<256x4096xf32> to vector<256x4096xbf16>
    %get3A_2 = arith.constant 0 : index
    %get3A_3 = arith.constant 0 : index
    %get3A_4 = vector.load %arg2[%get3A_2, %get3A_3] : memref<4096x64xf32, #tpu.memory_space<vmem>>, vector<4096x64xf32>
    %convert_element_type3A_5 = arith.truncf %get3A_4 : vector<4096x64xf32> to vector<4096x64xbf16>
    %dot_general3A = arith.constant dense<0.000000e+00> : vector<256x64xf32>
    %dot_general3A_6 = tpu.matmul %convert_element_type3A, %convert_element_type3A_5, %dot_general3A {dimension_numbers = #tpu.dot_dimension_numbers<[1], [0], [0], [1], [0, 0, 1, 1], [], []>, transpose_lhs_hint = false} : vector<256x4096xbf16>, vector<4096x64xbf16>, vector<256x64xf32> -> vector<256x64xf32>
    %swap3A = arith.constant 0 : index
    %swap3A_7 = arith.constant 0 : index
    %swap3A_8 = vector.load %arg3[%swap3A, %swap3A_7] : memref<256x64xf32, #tpu.memory_space<vmem>>, vector<256x64xf32>
    tpu.vector_store %arg3[%swap3A, %swap3A_7], %dot_general3A_6 {strides = array<i32>} : memref<256x64xf32, #tpu.memory_space<vmem>>, vector<256x64xf32>,
    return
  }
  func.func @transform_0(%arg0: i32) -> (i32, i32) {
    %add3A = arith.constant 0 : i32
    %add3A_0 = arith.addi %add3A, %arg0 : i32
    %c0_i32 = arith.constant 0 : i32
    %c0_i32_1 = arith.constant 0 : i32
    return %add3A_0, %c0_i32 : i32, i32
  }
  func.func @transform_1(%arg0: i32) -> (i32, i32) {
    %c0_i32 = arith.constant 0 : i32
    %c0_i32_0 = arith.constant 0 : i32
    %c0_i32_1 = arith.constant 0 : i32
    return %c0_i32, %c0_i32_0 : i32, i32
  }
  func.func @transform_2(%arg0: i32) -> (i32, i32) {
    %c0_i32 = arith.constant 0 : i32
    %c0_i32_0 = arith.constant 0 : i32
    return %arg0, %c0_i32 : i32, i32
  }
}

</mosaic_0001>

<sc_bundles>
// kernel: kernel.5.cloned.1.call-start
scs
__scs_entry_jumppad:
0x0: {  	(pc) =	sbr.rel $0x88, $3  }
0x1: {  	(tag) =	ssettag $0x0;
	lr =	simm.s32 $0x1  }
0x2: {  	[smem:$0x3F9D] =	sst lr;
	_ =	strace $0xD0000000  }
0x3: {  	_ = 	snop  }
0x4: {  	_ = 	snop  }
0x5: {  	_ = 	snop  }
0x6: {  	_ = 	snop  }
0x7: {  	_ = 	snop  }
__scs_overlays_trampoline_lowered:
0x8: {  	[smem:$0x3FAC] =	sst s0  }
0x9: {  	[smem:$0x3FAD] =	sst s1  }
0xa: {  	[smem:$0x3FAE] =	sst s2  }
0xb: {  	[smem:$0x3FAF] =	sst s3  }
0xc: {  	[smem:$0x3FB0] =	sst s4  }
0xd: {  	[smem:$0x3FB1] =	sst s5  }
0xe: {  	[smem:$0x3FB2] =	sst s6  }
0xf: {  	[smem:$0x3FB3] =	sst s7  }
0x10: {  	[smem:$0x3FB4] =	sst s8  }
0x11: {  	[smem:$0x3FB5] =	sst s9;
	s0 =	simm.s32 @!p0 $0x0  }
0x12: {  	s1 =	sld [smem:$0x3F9B];
	s0 =	simm.s32 @p0 $0x1  }
0x13: {  	[smem:$0x3FB6] =	sst s0;
	s0 =	simm.s32 @!p1 $0x0  }
0x14: {  	s2 =	sld [smem:$0x3F9A];
	s0 =	simm.s32 @p1 $0x1  }
0x15: {  	[smem:$0x3FB7] =	sst s0;
	s0 =	simm.s32 @!p2 $0x0  }
0x16: {  	s3 =	sld [smem:$0x3FDB];
	s0 =	simm.s32 @p2 $0x1  }
0x17: {  	s4 =	simm.s32 $0x1BF5;
	[smem:$0x3FB9] =	sst s0  }
0x18: {  	s0 =	sld [smem:$0x3F9C];
	_ =	swait.ge [sflag:s4], $0x0  }
0x19: {  	s7 =	sld [smem:$0x3F9D]  }
0x1a: {  	s8 =	sadd.s32 $0xFFFFE003, lr  }
0x1b: {  	s9 =	sadd.s32 $0xFFFFFEF7, lr;
	s5 =	simm.s32 $0xFFFFFFFF;
	p2 =	slt.u32 s8, $0xFFFFF086  }
0x1c: {  	p1 =	slt.u32 s9, $0xF7A;
	s5 =	simm.s32 @!p2 $0x0  }
0x1d: {  	s5 =	simm.s32 @p1 $0x1;
	p0 =	seq.s32 s7, s2  }
0x1e: {  	s7 =	smul.u32 @!p0 $0xF7A, s2;
	p2 =	seq.s32 @!p0 s5, $0x0  }
0x1f: {  	s9 =	smul.u32 $0xF7A, s1;
	s8 =	simm.s32 @!p0 $0x1BF5;
	p2 =	por !p2, p0  }
0x20: {  	[sflag:s8] =	ssyncset.s32 @!p0 $0xFFFFF086;
	s6 =	sadd.s32 @!p0 s3, s7;
	s7 =	simm.s32 @!p0 $0x108  }
0x21: {  	s3 =	sadd.s32 s3, s9;
	s6 =	sadd.s32 @!p0 $0x88, s6;
	s7 =	simm.s32 @p2 $0x1082  }
0x22: {  	[simem:s7], [sflag:s8] =	dma.local @!p0 [hbm:s6], $0xF7A  }
0x23: {  	s9 =	sor.u32 $0xD0000000, s2;
	s6 =	simm.s32 $0x108;
	_ =	swait.ge @!p0 [sflag:s8], $0x0  }
0x24: {  	s3 =	sadd.s32 $0x88, s3;
	s6 =	simm.s32 @!p1 $0x1082;
	[sflag:s4] =	ssyncset.s32 $0xFFFFF086  }
0x25: {  	[simem:s6], [sflag:s4] =	dma.local [hbm:s3], $0xF7A  }
0x26: {  	[smem:$0x3F9D] =	sst s1;
	(tag) =	ssettag s2;
	_ =	strace s9  }
0x27: {  	s1 =	sld [smem:$0x3FAD]  }
0x28: {  	s2 =	sld [smem:$0x3FAE]  }
0x29: {  	s4 =	sld [smem:$0x3FB0]  }
0x2a: {  	p0 =	seq.s32 s5, $0x0;
	s5 =	sld [smem:$0x3FB1]  }
0x2b: {  	s6 =	sld [smem:$0x3FB2]  }
0x2c: {  	s7 =	sld [smem:$0x3FB3]  }
0x2d: {  	s3 =	simm.s32 $0x108;
	s8 =	sld [smem:$0x3FB4]  }
0x2e: {  	s3 =	simm.s32 @!p0 $0x1082;
	s9 =	sld [smem:$0x3FB5]  }
0x2f: {  	lr =	sadd.s32 s0, s3;
	s0 =	sld [smem:$0x3FAC]  }
0x30: {  	s3 =	sld [smem:$0x3FAF]  }
0x31: {  	[smem:$0x3FB8] =	sst s10  }
0x32: {  	s10 =	sld [smem:$0x3FB6];
	_ =	sdelay $0x3  }
0x33: {  	p0 =	seq.s32 s10, $0x1;
	s10 =	sld [smem:$0x3FB8];
	_ =	sdelay $0x3  }
0x34: {  	[smem:$0x3FB8] =	sst s10  }
0x35: {  	s10 =	sld [smem:$0x3FB7];
	_ =	sdelay $0x3  }
0x36: {  	p1 =	seq.s32 s10, $0x1;
	s10 =	sld [smem:$0x3FB8];
	_ =	sdelay $0x3  }
0x37: {  	[smem:$0x3FB8] =	sst s10  }
0x38: {  	s10 =	sld [smem:$0x3FB9]  }
0x39: {  	_ = 	snop;
	(pc) =	sbr.ind lr, $3  }
0x3a: {  	_ = 	snop  }
0x3b: {  	_ = 	snop  }
0x3c: {  	p2 =	seq.s32 s10, $0x1;
	s10 =	sld [smem:$0x3FB8]  }
0x3d: {  	_ =	shalt  }
0x3e: {  	_ =	shalt  }
0x3f: {  	_ =	shalt  }
0x40: {  	_ =	shalt  }
0x41: {  	_ =	shalt  }
0x42: {  	_ =	shalt  }
0x43: {  	_ =	shalt  }
0x44: {  	_ =	shalt  }
0x45: {  	_ =	shalt  }
0x46: {  	_ =	shalt  }
0x47: {  	_ =	shalt  }
0x48: {  	_ =	shalt  }
0x49: {  	_ =	shalt  }
0x4a: {  	_ =	shalt  }
0x4b: {  	_ =	shalt  }
0x4c: {  	_ =	shalt  }
0x4d: {  	_ =	shalt  }
0x4e: {  	_ =	shalt  }
0x4f: {  	_ =	shalt  }
0x50: {  	_ =	shalt  }
0x51: {  	_ =	shalt  }
0x52: {  	_ =	shalt  }
0x53: {  	_ =	shalt  }
0x54: {  	_ =	shalt  }
0x55: {  	_ =	shalt  }
0x56: {  	_ =	shalt  }
0x57: {  	_ =	shalt  }
0x58: {  	_ =	shalt  }
0x59: {  	_ =	shalt  }
0x5a: {  	_ =	shalt  }
0x5b: {  	_ =	shalt  }
0x5c: {  	_ =	shalt  }
0x5d: {  	_ =	shalt  }
0x5e: {  	_ =	shalt  }
0x5f: {  	_ =	shalt  }
0x60: {  	_ =	shalt  }
0x61: {  	_ =	shalt  }
0x62: {  	_ =	shalt  }
0x63: {  	_ =	shalt  }
0x64: {  	_ =	shalt  }
0x65: {  	_ =	shalt  }
0x66: {  	_ =	shalt  }
0x67: {  	_ =	shalt  }
0x68: {  	_ =	shalt  }
0x69: {  	_ =	shalt  }
0x6a: {  	_ =	shalt  }
0x6b: {  	_ =	shalt  }
0x6c: {  	_ =	shalt  }
0x6d: {  	_ =	shalt  }
0x6e: {  	_ =	shalt  }
0x6f: {  	_ =	shalt  }
0x70: {  	_ =	shalt  }
0x71: {  	_ =	shalt  }
0x72: {  	_ =	shalt  }
0x73: {  	_ =	shalt  }
0x74: {  	_ =	shalt  }
0x75: {  	_ =	shalt  }
0x76: {  	_ =	shalt  }
0x77: {  	_ =	shalt  }
0x78: {  	_ =	shalt  }
0x79: {  	_ =	shalt  }
0x7a: {  	_ =	shalt  }
0x7b: {  	_ =	shalt  }
0x7c: {  	_ =	shalt  }
0x7d: {  	_ =	shalt  }
0x7e: {  	_ =	shalt  }
0x7f: {  	_ =	shalt  }
0x80: {  	_ =	shalt  }
0x81: {  	_ =	shalt  }
0x82: {  	_ =	shalt  }
0x83: {  	_ =	shalt  }
0x84: {  	_ =	shalt  }
0x85: {  	_ =	shalt  }
0x86: {  	_ =	shalt  }
0x87: {  	_ =	shalt  }
.Lfunc_end0:
.L_simem_size_0:
called_computation_lowered:
.L_overlay_start_0:
0x88: {  	s2 =	sld [smem:$0x3FD9]  }
0x89: {  	s3 =	sld [smem:$0x3FFE];
	_ =	sdelay $0x1  }
0x8a: {  	s1 =	srdreg.scid  }
0x8b: {  	s0 =	sand.u32 $0x1, s1  }
0x8c: {  	s17 =	sshll.u32 s0, $0xA;
	s2 =	sadd.s32 s3, s2  }
0x8d: {  	s2 =	sadd.s32 s2, s17  }
0x8e: {  	[smem:$0x3FC4] =	sst s2  }
0x8f: {  	_ = 	snop  }
0x90: {  	s2 =	sld [smem:$0x3FD0];
	(tm) =	ssettm $0x1  }
0x91: {  	s18 =	sld [smem:$0x3FFB];
	_ =	sdelay $0x3  }
0x92: {  	_ =	strace s18  }
0x93: {  	s3 =	sld [smem:$0x3FFC];
	_ =	sdelay $0x3  }
0x94: {  	_ =	strace s3  }
0x95: {  	s3 =	sld [smem:$0x3FFD];
	_ =	sdelay $0x3  }
0x96: {  	_ =	strace s3  }
0x97: {  	_ =	strace $0x8FFFFFFF  }
0x98: {  	s19 =	sld [smem:$0x3FDB];
	_ =	sdelay $0x1  }
0x99: {  	s4 =	simm.s32 $_scs_section_size  }
0x9a: {  	s5 =	simm.s32 $_size__tile_overlayer_lowered;
	s6 =	simm.s32 $_tile_overlayer_lowered  }
0x9b: {  	s22 =	simm.s32 $0x1BFF;
	s21 =	sshll.u32 s6, $0x1;
	s3 =	sadd.s32 s4, s19  }
0x9c: {  	s7 =	simm.s32 $0x0;
	s20 =	sshll.u32 s5, $0x1;
	s5 =	sadd.s32 s21, s3  }
0x9d: {  	[timem:s7], [sflag:s22] =	dma.local [hbm:s5], s20  }
0x9e: {  	_ =	swait.ge [sflag:s22], s20  }
0x9f: {  	s4 =	ssub.s32 $0x0, s20;
	[sflag:s22] =	ssyncset.done $0x0  }
0xa0: {  	[sflag:s22] =	ssyncadd.s32 s4;
	_ =	sdelay $0x1  }
0xa1: {  	s23 =	simm.s32 $0x1B8B  }
0xa2: {  	_ =	swait.ge [sflag:s23], $0x1  }
0xa3: {  	[sflag:s23] =	ssyncset.done $0x0  }
0xa4: {  	s25 =	simm.s32 $0x1B8E;
	s24 =	sld [smem:$0x3FFE];
	[sflag:s23] =	ssyncadd.s32 $0xFFFFFFFF  }
0xa5: {  	s26 =	simm.s32 $execute0_lowered;
	[smem:$0x3FD2] =	sst s25  }
0xa6: {  	s5 =	sshll.u32 s26, $0x1;
	_ =	strace $0x80000046;
	[dreg:$0x1] =	wrdreg $0xFFFFFFFF  }
0xa7: {  	s28 =	simm.s32 $_size_execute0_lowered;
	s3 =	sadd.s32 s3, s5;
	[dreg:$0x0] =	wrdreg $0x0  }
0xa8: {  	s5 =	sshll.u32 s28, $0x1;
	[dreg:$0x2] =	wrdreg s3  }
0xa9: {  	[dreg:$0x3] =	wrdreg s5  }
0xaa: {  	[dreg:$0x4] =	wrdreg $0xC0  }
0xab: {  	_ =	task [dreg:s7], $0x5FFFF  }
0xac: {  	[dreg:$0x1] =	wrdreg $0xFFFFFFFF  }
0xad: {  	[dreg:$0x0] =	wrdreg $0x60  }
0xae: {  	[dreg:$0x2] =	wrdreg s2  }
0xaf: {  	[dreg:$0x3] =	wrdreg s24  }
0xb0: {  	[dreg:$0x4] =	wrdreg $0x9  }
0xb1: {  	_ =	task.clear_ibuf [dreg:s7], $0x5FFFF;
	_ =	strace $0x90000046  }
0xb2: {  	s29 =	simm.s32 $0x9;
	_ =	strace $0x80000048  }
0xb3: {  	_ =	swait.ge [sflag:s29], $0x1  }
0xb4: {  	[sflag:s29] =	ssyncadd.s32 $0xFFFFFFFF  }
0xb5: {  	_ =	strace $0x90000048  }
0xb6: {  	_ =	sfence  }
0xb7: {  	s30 =	sld [smem:$0x0];
	_ =	sdelay $0x2  }
0xb8: {  	s31 =	sshll.u32 s1, $0xD;
	s1 =	sshrl.u32 s1, $0x2  }
0xb9: {  	s3 =	sand.u32 $0x4000, s31;
	s1 =	sadd.s32 s1, s30  }
0xba: {  	s0 =	sor.u32 s3, s0;
	s1 =	sshll.u32 s1, $0x11  }
0xbb: {  	s0 =	sor.u32 s1, s0  }
0xbc: {  	s0 =	sadd.s32 $0x8F2B, s0  }
0xbd: {  	[sflag:s0] =	ssyncadd.remote.s32 $0x1  }
0xbe: {  	_ =	sfence.sel $0xFFFF  }
0xbf: {  	[dreg:$0x0] =	wrdreg $0xFFFFFFFF;
	(pc) =	sbr.abs _section_cstart, $3  }
0xc0: {  	[dreg:$0x1] =	wrdreg $0xFFFFFFFF  }
0xc1: {  	_ =	task.clear_ibuf [dreg:s7], $0x2FFFF;
	_ =	strace $0x9FFFFFFF  }
0xc2: {  	(tm) =	ssettm $0x7FFFFFFF  }
0xc3: {  	_ =	shalt  }
tec
execute0_lowered:
.L_overlay_start_1:
0x0: {  	(tag) =	ssettag $0x1  }
0x1: {  	s4 =	rddreg [dreg:$0x0]  }
0x2: {  	s5 =	rddreg [dreg:$0x1]  }
0x3: {  	s0 =	rddreg [dreg:$0x2];
	s3 =	srdreg.scid  }
0x4: {  	s2 =	simm.s32 $0x0;
	s1 =	stileid.u32;
	s9 =	simm.s32 $0x8000  }
0x5: {  	s10 =	simm.s32 $0x2;
	s11 =	simm.s32 $0x0;
	s3 =	sand.u32 $0x1, s3  }
0x6: {  	[smem:$0x7FF] =	sst s2;
	s6 =	sshll.u32 s1, $0xD;
	s7 =	sshll.u32 s3, $0xC  }
0x7: {  	_ =	strace $0x80000047;
	s31 =	ssub.s32 $0x2, s3;
	s6 =	sor.u32 s7, s6  }
0x8: {  	s3 =	sadd.s32 $0xC00, s5;
	s8 =	sshrl.u32 s31, $0x1;
	s5 =	sadd.s32 s6, s5  }
0x9: {  	s7 =	ssub.s32 s31, s8;
	s4 =	sadd.s32 s4, s6;
	s8 =	simm.s32 $0xC000  }
0xa: {  	v0 =	vlaneseq.u32;
	s5 =	sadd.s32 $0x1000, s5;
	s6 =	smax.u32 s7, $0x1;
	s7 =	simm.s32 $0x1  }
.LBB2_1:
0xb: {  	[tilespmem:s2], [sflag:$0x1] =	stream.linear.gather [hbm4b:s4+s2], $0x8000, $0x38;
	[tilespmem:$0xE000] =	vst v63  }
0xc: {  	_ =	swait.ge [sflag:s7], $0x8000  }
0xd: {  	[sflag:s7] =	ssyncset.done $0x0  }
0xe: {  	[sflag:s7] =	ssyncadd.s32 $0xFFFF8000  }
0xf: {  	[tilespmem:s8], [sflag:$0x1] =	stream.linear.gather [hbm4b:s3+s2], $0x2000, $0x38;
	[tilespmem:$0xE000] =	vst v63  }
0x10: {  	_ =	swait.ge [sflag:s7], $0x2000  }
0x11: {  	[sflag:s7] =	ssyncset.done $0x0  }
0x12: {  	s12 =	simm.s32 $0x8000;
	s13 =	simm.s32 $0x0;
	[sflag:s7] =	ssyncadd.s32 $0xFFFFE000  }
.LBB2_2:
0x13: {  	v36 =	vor.u32 s13, v0  }
0x14: {  	v12 =	vshll.u32 v36, $0x7;
	_ =	sdelay $0x3  }
0x15: {  	v1 =	vld [tilespmem:$0xC000]  }
0x16: {  	v0 =	vld.idx.msk [tilespmem:v12+s2+$0x0], $0xffff;
	_ =	sdelay $0x3  }
0x17: {  	v2 =	vor.u32 $0x1, v12  }
0x18: {  	v0 =	vadd.f32 v1, v0;
	_ =	sdelay $0x1  }
0x19: {  	v60 =	vand.u32 $0x7FFFFFFF, v0  }
0x1a: {  	[tilespmem:s12+$0x0] =	vst v60  }
0x1b: {  	v0 =	vld.idx.msk [tilespmem:v2+s2+$0x0], $0xffff  }
0x1c: {  	v1 =	vld [tilespmem:$0xC080];
	_ =	sdelay $0x3  }
0x1d: {  	[tilespmem:$0x1FC90] =	vst v2;
	v2 =	vor.u32 $0x2, v12  }
0x1e: {  	v0 =	vadd.f32 v1, v0;
	_ =	sdelay $0x1  }
0x1f: {  	s14 =	sand.u32 $0xF0, s13;
	v59 =	vand.u32 $0x7FFFFFFF, v0  }
0x20: {  	[tilespmem:s14+$0x8100] =	vst v59  }
0x21: {  	v0 =	vld.idx.msk [tilespmem:v2+s2+$0x0], $0xffff  }
0x22: {  	v1 =	vld [tilespmem:$0xC100];
	_ =	sdelay $0x3  }
0x23: {  	[tilespmem:$0x1FCA0] =	vst v2;
	v2 =	vor.u32 $0x3, v12  }
0x24: {  	v0 =	vadd.f32 v1, v0;
	_ =	sdelay $0x1  }
0x25: {  	v58 =	vand.u32 $0x7FFFFFFF, v0  }
0x26: {  	[tilespmem:s14+$0x8200] =	vst v58  }
0x27: {  	v0 =	vld.idx.msk [tilespmem:v2+s2+$0x0], $0xffff  }
0x28: {  	v1 =	vld [tilespmem:$0xC180];
	_ =	sdelay $0x3  }
0x29: {  	[tilespmem:$0x1FCB0] =	vst v2;
	v2 =	vor.u32 $0x4, v12  }
0x2a: {  	v0 =	vadd.f32 v1, v0;
	_ =	sdelay $0x1  }
0x2b: {  	v56 =	vand.u32 $0x7FFFFFFF, v0  }
0x2c: {  	[tilespmem:s14+$0x8300] =	vst v56  }
0x2d: {  	v0 =	vld.idx.msk [tilespmem:v2+s2+$0x0], $0xffff  }
0x2e: {  	v1 =	vld [tilespmem:$0xC200];
	_ =	sdelay $0x3  }
0x2f: {  	[tilespmem:$0x1FCC0] =	vst v2;
	v2 =	vor.u32 $0x5, v12  }
0x30: {  	v0 =	vadd.f32 v1, v0;
	_ =	sdelay $0x1  }
0x31: {  	v57 =	vand.u32 $0x7FFFFFFF, v0  }
0x32: {  	[tilespmem:s14+$0x8400] =	vst v57  }
0x33: {  	v0 =	vld.idx.msk [tilespmem:v2+s2+$0x0], $0xffff  }
0x34: {  	v1 =	vld [tilespmem:$0xC280];
	_ =	sdelay $0x3  }
0x35: {  	[tilespmem:$0x1FCD0] =	vst v2;
	v2 =	vor.u32 $0x6, v12  }
0x36: {  	v0 =	vadd.f32 v1, v0;
	_ =	sdelay $0x1  }
0x37: {  	v53 =	vand.u32 $0x7FFFFFFF, v0  }
0x38: {  	[tilespmem:s14+$0x8500] =	vst v53  }
0x39: {  	v0 =	vld.idx.msk [tilespmem:v2+s2+$0x0], $0xffff  }
0x3a: {  	v1 =	vld [tilespmem:$0xC300];
	_ =	sdelay $0x3  }
0x3b: {  	[tilespmem:$0x1FCE0] =	vst v2;
	v2 =	vor.u32 $0x7, v12  }
0x3c: {  	v0 =	vadd.f32 v1, v0;
	_ =	sdelay $0x1  }
0x3d: {  	v54 =	vand.u32 $0x7FFFFFFF, v0  }
0x3e: {  	[tilespmem:s14+$0x8600] =	vst v54  }
0x3f: {  	v0 =	vld.idx.msk [tilespmem:v2+s2+$0x0], $0xffff  }
0x40: {  	v1 =	vld [tilespmem:$0xC380];
	_ =	sdelay $0x3  }
0x41: {  	[tilespmem:$0x1FCF0] =	vst v2;
	v2 =	vor.u32 $0x8, v12  }
0x42: {  	v0 =	vadd.f32 v1, v0;
	_ =	sdelay $0x1  }
0x43: {  	v55 =	vand.u32 $0x7FFFFFFF, v0  }
0x44: {  	[tilespmem:s14+$0x8700] =	vst v55  }
0x45: {  	v0 =	vld.idx.msk [tilespmem:v2+s2+$0x0], $0xffff  }
0x46: {  	v1 =	vld [tilespmem:$0xC400];
	_ =	sdelay $0x3  }
0x47: {  	[tilespmem:$0x1FD00] =	vst v2;
	v2 =	vor.u32 $0x9, v12  }
0x48: {  	v0 =	vadd.f32 v1, v0;
	_ =	sdelay $0x1  }
0x49: {  	v52 =	vand.u32 $0x7FFFFFFF, v0  }
0x4a: {  	[tilespmem:s14+$0x8800] =	vst v52  }
0x4b: {  	v0 =	vld.idx.msk [tilespmem:v2+s2+$0x0], $0xffff  }
0x4c: {  	v1 =	vld [tilespmem:$0xC480];
	_ =	sdelay $0x3  }
0x4d: {  	[tilespmem:$0x1FD10] =	vst v2;
	v2 =	vor.u32 $0xA, v12  }
0x4e: {  	v0 =	vadd.f32 v1, v0;
	_ =	sdelay $0x1  }
0x4f: {  	v51 =	vand.u32 $0x7FFFFFFF, v0  }
0x50: {  	[tilespmem:s14+$0x8900] =	vst v51  }
0x51: {  	v0 =	vld.idx.msk [tilespmem:v2+s2+$0x0], $0xffff  }
0x52: {  	v1 =	vld [tilespmem:$0xC500];
	_ =	sdelay $0x3  }
0x53: {  	[tilespmem:$0x1FD20] =	vst v2;
	v2 =	vor.u32 $0xB, v12  }
0x54: {  	v0 =	vadd.f32 v1, v0;
	_ =	sdelay $0x1  }
0x55: {  	v50 =	vand.u32 $0x7FFFFFFF, v0  }
0x56: {  	[tilespmem:s14+$0x8A00] =	vst v50  }
0x57: {  	v0 =	vld.idx.msk [tilespmem:v2+s2+$0x0], $0xffff  }
0x58: {  	v1 =	vld [tilespmem:$0xC580];
	_ =	sdelay $0x3  }
0x59: {  	[tilespmem:$0x1FD30] =	vst v2;
	v2 =	vor.u32 $0xC, v12  }
0x5a: {  	v0 =	vadd.f32 v1, v0;
	_ =	sdelay $0x1  }
0x5b: {  	v49 =	vand.u32 $0x7FFFFFFF, v0  }
0x5c: {  	[tilespmem:s14+$0x8B00] =	vst v49  }
0x5d: {  	v0 =	vld.idx.msk [tilespmem:v2+s2+$0x0], $0xffff  }
0x5e: {  	v1 =	vld [tilespmem:$0xC600];
	_ =	sdelay $0x3  }
0x5f: {  	[tilespmem:$0x1FD40] =	vst v2;
	v2 =	vor.u32 $0xD, v12  }
0x60: {  	v0 =	vadd.f32 v1, v0;
	_ =	sdelay $0x1  }
0x61: {  	v48 =	vand.u32 $0x7FFFFFFF, v0  }
0x62: {  	[tilespmem:s14+$0x8C00] =	vst v48  }
0x63: {  	v0 =	vld.idx.msk [tilespmem:v2+s2+$0x0], $0xffff  }
0x64: {  	v1 =	vld [tilespmem:$0xC680];
	_ =	sdelay $0x3  }
0x65: {  	[tilespmem:$0x1FD50] =	vst v2;
	v2 =	vor.u32 $0xE, v12  }
0x66: {  	v0 =	vadd.f32 v1, v0;
	_ =	sdelay $0x1  }
0x67: {  	v47 =	vand.u32 $0x7FFFFFFF, v0  }
0x68: {  	[tilespmem:s14+$0x8D00] =	vst v47  }
0x69: {  	v0 =	vld.idx.msk [tilespmem:v2+s2+$0x0], $0xffff  }
0x6a: {  	v1 =	vld [tilespmem:$0xC700];
	_ =	sdelay $0x3  }
0x6b: {  	[tilespmem:$0x1FD60] =	vst v2;
	v2 =	vor.u32 $0xF, v12  }
0x6c: {  	v0 =	vadd.f32 v1, v0;
	_ =	sdelay $0x1  }
0x6d: {  	v44 =	vand.u32 $0x7FFFFFFF, v0  }
0x6e: {  	[tilespmem:s14+$0x8E00] =	vst v44  }
0x6f: {  	v0 =	vld.idx.msk [tilespmem:v2+s2+$0x0], $0xffff  }
0x70: {  	v1 =	vld [tilespmem:$0xC780];
	_ =	sdelay $0x3  }
0x71: {  	[tilespmem:$0x1FD70] =	vst v2;
	v2 =	vor.u32 $0x10, v12  }
0x72: {  	v0 =	vadd.f32 v1, v0;
	_ =	sdelay $0x1  }
0x73: {  	[tilespmem:$0x1FD80] =	vst v2;
	v42 =	vand.u32 $0x7FFFFFFF, v0  }
0x74: {  	[tilespmem:s14+$0x8F00] =	vst v42  }
0x75: {  	v0 =	vld.idx.msk [tilespmem:v2+s2+$0x0], $0xffff  }
0x76: {  	v1 =	vld [tilespmem:$0xC800];
	_ =	sdelay $0x3  }
0x77: {  	v2 =	vor.u32 $0x11, v12  }
0x78: {  	v0 =	vadd.f32 v1, v0;
	_ =	sdelay $0x1  }
0x79: {  	v46 =	vand.u32 $0x7FFFFFFF, v0  }
0x7a: {  	[tilespmem:s14+$0x9000] =	vst v46  }
0x7b: {  	v0 =	vld.idx.msk [tilespmem:v2+s2+$0x0], $0xffff  }
0x7c: {  	v1 =	vld [tilespmem:$0xC880];
	_ =	sdelay $0x3  }
0x7d: {  	[tilespmem:$0x1FD90] =	vst v2;
	v2 =	vor.u32 $0x12, v12  }
0x7e: {  	v0 =	vadd.f32 v1, v0;
	_ =	sdelay $0x1  }
0x7f: {  	v38 =	vand.u32 $0x7FFFFFFF, v0  }
0x80: {  	[tilespmem:s14+$0x9100] =	vst v38  }
0x81: {  	v0 =	vld.idx.msk [tilespmem:v2+s2+$0x0], $0xffff  }
0x82: {  	v1 =	vld [tilespmem:$0xC900];
	_ =	sdelay $0x3  }
0x83: {  	[tilespmem:$0x1FDA0] =	vst v2;
	v2 =	vor.u32 $0x13, v12  }
0x84: {  	v0 =	vadd.f32 v1, v0;
	_ =	sdelay $0x1  }
0x85: {  	v37 =	vand.u32 $0x7FFFFFFF, v0  }
0x86: {  	[tilespmem:s14+$0x9200] =	vst v37  }
0x87: {  	v0 =	vld.idx.msk [tilespmem:v2+s2+$0x0], $0xffff  }
0x88: {  	v1 =	vld [tilespmem:$0xC980];
	_ =	sdelay $0x3  }
0x89: {  	[tilespmem:$0x1FDB0] =	vst v2;
	v2 =	vor.u32 $0x14, v12  }
0x8a: {  	v0 =	vadd.f32 v1, v0;
	_ =	sdelay $0x1  }
0x8b: {  	v40 =	vand.u32 $0x7FFFFFFF, v0  }
0x8c: {  	[tilespmem:s14+$0x9300] =	vst v40  }
0x8d: {  	v0 =	vld.idx.msk [tilespmem:v2+s2+$0x0], $0xffff  }
0x8e: {  	v1 =	vld [tilespmem:$0xCA00];
	_ =	sdelay $0x3  }
0x8f: {  	[tilespmem:$0x1FDC0] =	vst v2;
	v2 =	vor.u32 $0x15, v12  }
0x90: {  	v0 =	vadd.f32 v1, v0;
	_ =	sdelay $0x1  }
0x91: {  	v39 =	vand.u32 $0x7FFFFFFF, v0  }
0x92: {  	[tilespmem:s14+$0x9400] =	vst v39  }
0x93: {  	v0 =	vld.idx.msk [tilespmem:v2+s2+$0x0], $0xffff  }
0x94: {  	v1 =	vld [tilespmem:$0xCA80];
	_ =	sdelay $0x3  }
0x95: {  	[tilespmem:$0x1FDD0] =	vst v2;
	v2 =	vor.u32 $0x16, v12  }
0x96: {  	v0 =	vadd.f32 v1, v0;
	_ =	sdelay $0x1  }
0x97: {  	v41 =	vand.u32 $0x7FFFFFFF, v0  }
0x98: {  	[tilespmem:s14+$0x9500] =	vst v41  }
0x99: {  	v0 =	vld.idx.msk [tilespmem:v2+s2+$0x0], $0xffff  }
0x9a: {  	v1 =	vld [tilespmem:$0xCB00];
	_ =	sdelay $0x3  }
0x9b: {  	[tilespmem:$0x1FDE0] =	vst v2;
	v2 =	vor.u32 $0x17, v12  }
0x9c: {  	v0 =	vadd.f32 v1, v0;
	_ =	sdelay $0x1  }
0x9d: {  	v43 =	vand.u32 $0x7FFFFFFF, v0  }
0x9e: {  	[tilespmem:s14+$0x9600] =	vst v43  }
0x9f: {  	v0 =	vld.idx.msk [tilespmem:v2+s2+$0x0], $0xffff  }
0xa0: {  	v1 =	vld [tilespmem:$0xCB80];
	_ =	sdelay $0x3  }
0xa1: {  	[tilespmem:$0x1FDF0] =	vst v2;
	v2 =	vor.u32 $0x18, v12  }
0xa2: {  	v0 =	vadd.f32 v1, v0;
	_ =	sdelay $0x1  }
0xa3: {  	v45 =	vand.u32 $0x7FFFFFFF, v0  }
0xa4: {  	[tilespmem:s14+$0x9700] =	vst v45  }
0xa5: {  	v0 =	vld.idx.msk [tilespmem:v2+s2+$0x0], $0xffff  }
0xa6: {  	v1 =	vld [tilespmem:$0xCC00];
	_ =	sdelay $0x3  }
0xa7: {  	[tilespmem:$0x1FE00] =	vst v2;
	v2 =	vor.u32 $0x19, v12  }
0xa8: {  	v0 =	vadd.f32 v1, v0;
	_ =	sdelay $0x1  }
0xa9: {  	v32 =	vand.u32 $0x7FFFFFFF, v0  }
0xaa: {  	[tilespmem:s14+$0x9800] =	vst v32  }
0xab: {  	v0 =	vld.idx.msk [tilespmem:v2+s2+$0x0], $0xffff  }
0xac: {  	v1 =	vld [tilespmem:$0xCC80];
	_ =	sdelay $0x3  }
0xad: {  	[tilespmem:$0x1FE10] =	vst v2;
	v2 =	vor.u32 $0x1A, v12  }
0xae: {  	v0 =	vadd.f32 v1, v0;
	_ =	sdelay $0x1  }
0xaf: {  	v25 =	vand.u32 $0x7FFFFFFF, v0  }
0xb0: {  	[tilespmem:s14+$0x9900] =	vst v25  }
0xb1: {  	v0 =	vld.idx.msk [tilespmem:v2+s2+$0x0], $0xffff  }
0xb2: {  	v1 =	vld [tilespmem:$0xCD00];
	_ =	sdelay $0x3  }
0xb3: {  	[tilespmem:$0x1FE20] =	vst v2;
	v2 =	vor.u32 $0x1B, v12  }
0xb4: {  	v0 =	vadd.f32 v1, v0;
	_ =	sdelay $0x1  }
0xb5: {  	v29 =	vand.u32 $0x7FFFFFFF, v0  }
0xb6: {  	[tilespmem:s14+$0x9A00] =	vst v29  }
0xb7: {  	v0 =	vld.idx.msk [tilespmem:v2+s2+$0x0], $0xffff  }
0xb8: {  	v1 =	vld [tilespmem:$0xCD80];
	_ =	sdelay $0x3  }
0xb9: {  	[tilespmem:$0x1FE30] =	vst v2;
	v2 =	vor.u32 $0x1C, v12  }
0xba: {  	v0 =	vadd.f32 v1, v0;
	_ =	sdelay $0x1  }
0xbb: {  	v28 =	vand.u32 $0x7FFFFFFF, v0  }
0xbc: {  	[tilespmem:s14+$0x9B00] =	vst v28  }
0xbd: {  	v0 =	vld.idx.msk [tilespmem:v2+s2+$0x0], $0xffff  }
0xbe: {  	v1 =	vld [tilespmem:$0xCE00];
	_ =	sdelay $0x3  }
0xbf: {  	[tilespmem:$0x1FE40] =	vst v2;
	v2 =	vor.u32 $0x1D, v12  }
0xc0: {  	v0 =	vadd.f32 v1, v0;
	_ =	sdelay $0x1  }
0xc1: {  	v31 =	vand.u32 $0x7FFFFFFF, v0  }
0xc2: {  	[tilespmem:s14+$0x9C00] =	vst v31  }
0xc3: {  	v0 =	vld.idx.msk [tilespmem:v2+s2+$0x0], $0xffff  }
0xc4: {  	v1 =	vld [tilespmem:$0xCE80];
	_ =	sdelay $0x3  }
0xc5: {  	[tilespmem:$0x1FE50] =	vst v2;
	v2 =	vor.u32 $0x1E, v12  }
0xc6: {  	v0 =	vadd.f32 v1, v0;
	_ =	sdelay $0x1  }
0xc7: {  	v33 =	vand.u32 $0x7FFFFFFF, v0  }
0xc8: {  	[tilespmem:s14+$0x9D00] =	vst v33  }
0xc9: {  	v0 =	vld.idx.msk [tilespmem:v2+s2+$0x0], $0xffff  }
0xca: {  	v1 =	vld [tilespmem:$0xCF00];
	_ =	sdelay $0x3  }
0xcb: {  	[tilespmem:$0x1FE60] =	vst v2;
	v2 =	vor.u32 $0x1F, v12  }
0xcc: {  	v0 =	vadd.f32 v1, v0;
	_ =	sdelay $0x1  }
0xcd: {  	v34 =	vand.u32 $0x7FFFFFFF, v0  }
0xce: {  	[tilespmem:s14+$0x9E00] =	vst v34  }
0xcf: {  	v0 =	vld.idx.msk [tilespmem:v2+s2+$0x0], $0xffff  }
0xd0: {  	v1 =	vld [tilespmem:$0xCF80];
	_ =	sdelay $0x3  }
0xd1: {  	[tilespmem:$0x1FE70] =	vst v2;
	v2 =	vor.u32 $0x20, v12  }
0xd2: {  	v0 =	vadd.f32 v1, v0;
	_ =	sdelay $0x1  }
0xd3: {  	v35 =	vand.u32 $0x7FFFFFFF, v0  }
0xd4: {  	[tilespmem:s14+$0x9F00] =	vst v35  }
0xd5: {  	v0 =	vld.idx.msk [tilespmem:v2+s2+$0x0], $0xffff  }
0xd6: {  	v1 =	vld [tilespmem:$0xD000];
	_ =	sdelay $0x3  }
0xd7: {  	[tilespmem:$0x1FE80] =	vst v2;
	v2 =	vor.u32 $0x21, v12  }
0xd8: {  	v0 =	vadd.f32 v1, v0;
	_ =	sdelay $0x1  }
0xd9: {  	v23 =	vand.u32 $0x7FFFFFFF, v0  }
0xda: {  	[tilespmem:s14+$0xA000] =	vst v23  }
0xdb: {  	v0 =	vld.idx.msk [tilespmem:v2+s2+$0x0], $0xffff  }
0xdc: {  	v1 =	vld [tilespmem:$0xD080];
	_ =	sdelay $0x3  }
0xdd: {  	[tilespmem:$0x1FE90] =	vst v2;
	v2 =	vor.u32 $0x22, v12  }
0xde: {  	v0 =	vadd.f32 v1, v0;
	_ =	sdelay $0x1  }
0xdf: {  	v20 =	vand.u32 $0x7FFFFFFF, v0  }
0xe0: {  	[tilespmem:s14+$0xA100] =	vst v20  }
0xe1: {  	v0 =	vld.idx.msk [tilespmem:v2+s2+$0x0], $0xffff  }
0xe2: {  	v1 =	vld [tilespmem:$0xD100];
	_ =	sdelay $0x3  }
0xe3: {  	[tilespmem:$0x1FEA0] =	vst v2;
	v2 =	vor.u32 $0x23, v12  }
0xe4: {  	v0 =	vadd.f32 v1, v0;
	_ =	sdelay $0x1  }
0xe5: {  	v21 =	vand.u32 $0x7FFFFFFF, v0  }
0xe6: {  	[tilespmem:s14+$0xA200] =	vst v21  }
0xe7: {  	v0 =	vld.idx.msk [tilespmem:v2+s2+$0x0], $0xffff  }
0xe8: {  	v1 =	vld [tilespmem:$0xD180];
	_ =	sdelay $0x3  }
0xe9: {  	[tilespmem:$0x1FEB0] =	vst v2;
	v2 =	vor.u32 $0x24, v12  }
0xea: {  	v0 =	vadd.f32 v1, v0;
	_ =	sdelay $0x1  }
0xeb: {  	v22 =	vand.u32 $0x7FFFFFFF, v0  }
0xec: {  	[tilespmem:s14+$0xA300] =	vst v22  }
0xed: {  	v0 =	vld.idx.msk [tilespmem:v2+s2+$0x0], $0xffff  }
0xee: {  	v1 =	vld [tilespmem:$0xD200];
	_ =	sdelay $0x3  }
0xef: {  	[tilespmem:$0x1FEC0] =	vst v2;
	v2 =	vor.u32 $0x25, v12  }
0xf0: {  	v0 =	vadd.f32 v1, v0;
	_ =	sdelay $0x1  }
0xf1: {  	v24 =	vand.u32 $0x7FFFFFFF, v0  }
0xf2: {  	[tilespmem:s14+$0xA400] =	vst v24  }
0xf3: {  	v0 =	vld.idx.msk [tilespmem:v2+s2+$0x0], $0xffff  }
0xf4: {  	v1 =	vld [tilespmem:$0xD280];
	_ =	sdelay $0x3  }
0xf5: {  	[tilespmem:$0x1FED0] =	vst v2;
	v2 =	vor.u32 $0x26, v12  }
0xf6: {  	v0 =	vadd.f32 v1, v0;
	_ =	sdelay $0x1  }
0xf7: {  	v26 =	vand.u32 $0x7FFFFFFF, v0  }
0xf8: {  	[tilespmem:s14+$0xA500] =	vst v26  }
0xf9: {  	v0 =	vld.idx.msk [tilespmem:v2+s2+$0x0], $0xffff  }
0xfa: {  	v1 =	vld [tilespmem:$0xD300];
	_ =	sdelay $0x3  }
0xfb: {  	[tilespmem:$0x1FEE0] =	vst v2;
	v2 =	vor.u32 $0x27, v12  }
0xfc: {  	v0 =	vadd.f32 v1, v0;
	_ =	sdelay $0x1  }
0xfd: {  	v27 =	vand.u32 $0x7FFFFFFF, v0  }
0xfe: {  	[tilespmem:s14+$0xA600] =	vst v27  }
0xff: {  	v0 =	vld.idx.msk [tilespmem:v2+s2+$0x0], $0xffff  }
0x100: {  	v1 =	vld [tilespmem:$0xD380];
	_ =	sdelay $0x3  }
0x101: {  	[tilespmem:$0x1FEF0] =	vst v2;
	v2 =	vor.u32 $0x28, v12  }
0x102: {  	v0 =	vadd.f32 v1, v0;
	_ =	sdelay $0x1  }
0x103: {  	v30 =	vand.u32 $0x7FFFFFFF, v0  }
0x104: {  	[tilespmem:s14+$0xA700] =	vst v30  }
0x105: {  	v0 =	vld.idx.msk [tilespmem:v2+s2+$0x0], $0xffff  }
0x106: {  	v1 =	vld [tilespmem:$0xD400];
	_ =	sdelay $0x3  }
0x107: {  	[tilespmem:$0x1FF00] =	vst v2;
	v2 =	vor.u32 $0x29, v12  }
0x108: {  	v0 =	vadd.f32 v1, v0;
	_ =	sdelay $0x1  }
0x109: {  	v19 =	vand.u32 $0x7FFFFFFF, v0  }
0x10a: {  	[tilespmem:s14+$0xA800] =	vst v19  }
0x10b: {  	v0 =	vld.idx.msk [tilespmem:v2+s2+$0x0], $0xffff  }
0x10c: {  	v1 =	vld [tilespmem:$0xD480];
	_ =	sdelay $0x3  }
0x10d: {  	[tilespmem:$0x1FF10] =	vst v2;
	v2 =	vor.u32 $0x2A, v12  }
0x10e: {  	v0 =	vadd.f32 v1, v0;
	_ =	sdelay $0x1  }
0x10f: {  	v13 =	vand.u32 $0x7FFFFFFF, v0  }
0x110: {  	[tilespmem:s14+$0xA900] =	vst v13  }
0x111: {  	v0 =	vld.idx.msk [tilespmem:v2+s2+$0x0], $0xffff  }
0x112: {  	v1 =	vld [tilespmem:$0xD500];
	_ =	sdelay $0x3  }
0x113: {  	[tilespmem:$0x1FF20] =	vst v2;
	v2 =	vor.u32 $0x2B, v12  }
0x114: {  	v0 =	vadd.f32 v1, v0;
	_ =	sdelay $0x1  }
0x115: {  	v16 =	vand.u32 $0x7FFFFFFF, v0  }
0x116: {  	[tilespmem:s14+$0xAA00] =	vst v16  }
0x117: {  	v0 =	vld.idx.msk [tilespmem:v2+s2+$0x0], $0xffff  }
0x118: {  	v1 =	vld [tilespmem:$0xD580];
	_ =	sdelay $0x3  }
0x119: {  	[tilespmem:$0x1FF30] =	vst v2;
	v2 =	vor.u32 $0x2C, v12  }
0x11a: {  	v0 =	vadd.f32 v1, v0;
	_ =	sdelay $0x1  }
0x11b: {  	v14 =	vand.u32 $0x7FFFFFFF, v0  }
0x11c: {  	[tilespmem:s14+$0xAB00] =	vst v14  }
0x11d: {  	v0 =	vld.idx.msk [tilespmem:v2+s2+$0x0], $0xffff  }
0x11e: {  	v1 =	vld [tilespmem:$0xD600];
	_ =	sdelay $0x3  }
0x11f: {  	[tilespmem:$0x1FF40] =	vst v2;
	v2 =	vor.u32 $0x2D, v12  }
0x120: {  	v0 =	vadd.f32 v1, v0;
	_ =	sdelay $0x1  }
0x121: {  	v11 =	vand.u32 $0x7FFFFFFF, v0  }
0x122: {  	[tilespmem:s14+$0xAC00] =	vst v11  }
0x123: {  	v0 =	vld.idx.msk [tilespmem:v2+s2+$0x0], $0xffff  }
0x124: {  	v1 =	vld [tilespmem:$0xD680];
	_ =	sdelay $0x3  }
0x125: {  	[tilespmem:$0x1FF50] =	vst v2;
	v2 =	vor.u32 $0x2E, v12  }
0x126: {  	v0 =	vadd.f32 v1, v0;
	_ =	sdelay $0x1  }
0x127: {  	v15 =	vand.u32 $0x7FFFFFFF, v0  }
0x128: {  	[tilespmem:s14+$0xAD00] =	vst v15  }
0x129: {  	v0 =	vld.idx.msk [tilespmem:v2+s2+$0x0], $0xffff  }
0x12a: {  	v1 =	vld [tilespmem:$0xD700];
	_ =	sdelay $0x3  }
0x12b: {  	[tilespmem:$0x1FF60] =	vst v2;
	v2 =	vor.u32 $0x2F, v12  }
0x12c: {  	v0 =	vadd.f32 v1, v0;
	_ =	sdelay $0x1  }
0x12d: {  	v18 =	vand.u32 $0x7FFFFFFF, v0  }
0x12e: {  	[tilespmem:s14+$0xAE00] =	vst v18  }
0x12f: {  	v0 =	vld.idx.msk [tilespmem:v2+s2+$0x0], $0xffff  }
0x130: {  	v1 =	vld [tilespmem:$0xD780];
	_ =	sdelay $0x3  }
0x131: {  	[tilespmem:$0x1FF70] =	vst v2;
	v2 =	vor.u32 $0x30, v12  }
0x132: {  	v0 =	vadd.f32 v1, v0;
	_ =	sdelay $0x1  }
0x133: {  	v17 =	vand.u32 $0x7FFFFFFF, v0  }
0x134: {  	[tilespmem:s14+$0xAF00] =	vst v17  }
0x135: {  	v0 =	vld.idx.msk [tilespmem:v2+s2+$0x0], $0xffff  }
0x136: {  	v1 =	vld [tilespmem:$0xD800];
	_ =	sdelay $0x3  }
0x137: {  	[tilespmem:$0x1FF80] =	vst v2;
	v2 =	vor.u32 $0x31, v12  }
0x138: {  	v0 =	vadd.f32 v1, v0;
	_ =	sdelay $0x1  }
0x139: {  	v10 =	vand.u32 $0x7FFFFFFF, v0  }
0x13a: {  	[tilespmem:s14+$0xB000] =	vst v10  }
0x13b: {  	v0 =	vld.idx.msk [tilespmem:v2+s2+$0x0], $0xffff  }
0x13c: {  	v1 =	vld [tilespmem:$0xD880];
	_ =	sdelay $0x3  }
0x13d: {  	[tilespmem:$0x1FF90] =	vst v2;
	v2 =	vor.u32 $0x32, v12  }
0x13e: {  	v0 =	vadd.f32 v1, v0;
	_ =	sdelay $0x1  }
0x13f: {  	v5 =	vand.u32 $0x7FFFFFFF, v0  }
0x140: {  	[tilespmem:s14+$0xB100] =	vst v5  }
0x141: {  	v0 =	vld.idx.msk [tilespmem:v2+s2+$0x0], $0xffff  }
0x142: {  	v1 =	vld [tilespmem:$0xD900];
	_ =	sdelay $0x3  }
0x143: {  	[tilespmem:$0x1FFA0] =	vst v2;
	v2 =	vor.u32 $0x33, v12  }
0x144: {  	v0 =	vadd.f32 v1, v0;
	_ =	sdelay $0x1  }
0x145: {  	v4 =	vand.u32 $0x7FFFFFFF, v0  }
0x146: {  	[tilespmem:s14+$0xB200] =	vst v4  }
0x147: {  	v0 =	vld.idx.msk [tilespmem:v2+s2+$0x0], $0xffff  }
0x148: {  	v1 =	vld [tilespmem:$0xD980];
	_ =	sdelay $0x3  }
0x149: {  	[tilespmem:$0x1FFB0] =	vst v2;
	v2 =	vor.u32 $0x34, v12  }
0x14a: {  	v0 =	vadd.f32 v1, v0;
	_ =	sdelay $0x1  }
0x14b: {  	v3 =	vand.u32 $0x7FFFFFFF, v0  }
0x14c: {  	[tilespmem:s14+$0xB300] =	vst v3  }
0x14d: {  	v0 =	vld.idx.msk [tilespmem:v2+s2+$0x0], $0xffff  }
0x14e: {  	v1 =	vld [tilespmem:$0xDA00];
	_ =	sdelay $0x3  }
0x14f: {  	[tilespmem:$0x1FFC0] =	vst v2;
	v2 =	vor.u32 $0x35, v12  }
0x150: {  	v0 =	vadd.f32 v1, v0;
	_ =	sdelay $0x1  }
0x151: {  	v6 =	vand.u32 $0x7FFFFFFF, v0  }
0x152: {  	[tilespmem:s14+$0xB400] =	vst v6  }
0x153: {  	v0 =	vld.idx.msk [tilespmem:v2+s2+$0x0], $0xffff  }
0x154: {  	v1 =	vld [tilespmem:$0xDA80];
	_ =	sdelay $0x3  }
0x155: {  	[tilespmem:$0x1FFD0] =	vst v2;
	v2 =	vor.u32 $0x36, v12  }
0x156: {  	v0 =	vadd.f32 v1, v0;
	_ =	sdelay $0x1  }
0x157: {  	v9 =	vand.u32 $0x7FFFFFFF, v0  }
0x158: {  	[tilespmem:s14+$0xB500] =	vst v9  }
0x159: {  	v0 =	vld.idx.msk [tilespmem:v2+s2+$0x0], $0xffff  }
0x15a: {  	v1 =	vld [tilespmem:$0xDB00];
	_ =	sdelay $0x3  }
0x15b: {  	[tilespmem:$0x1FFE0] =	vst v2;
	v2 =	vor.u32 $0x37, v12  }
0x15c: {  	v0 =	vadd.f32 v1, v0;
	_ =	sdelay $0x1  }
0x15d: {  	v7 =	vand.u32 $0x7FFFFFFF, v0  }
0x15e: {  	[tilespmem:s14+$0xB600] =	vst v7  }
0x15f: {  	v0 =	vld.idx.msk [tilespmem:v2+s2+$0x0], $0xffff  }
0x160: {  	v1 =	vld [tilespmem:$0xDB80];
	_ =	sdelay $0x3  }
0x161: {  	v63 =	vor.u32 $0x38, v12  }
0x162: {  	v0 =	vadd.f32 v1, v0;
	_ =	sdelay $0x1  }
0x163: {  	v8 =	vand.u32 $0x7FFFFFFF, v0  }
0x164: {  	[tilespmem:s14+$0xB700] =	vst v8  }
0x165: {  	v0 =	vld.idx.msk [tilespmem:v63+s2+$0x0], $0xffff  }
0x166: {  	v1 =	vld [tilespmem:$0xDC00];
	_ =	sdelay $0x3  }
0x167: {  	v62 =	vor.u32 $0x39, v12  }
0x168: {  	v0 =	vadd.f32 v1, v0;
	_ =	sdelay $0x1  }
0x169: {  	[tilespmem:$0x1FFF0] =	vst v2;
	v2 =	vand.u32 $0x7FFFFFFF, v0  }
0x16a: {  	[tilespmem:s14+$0xB800] =	vst v2  }
0x16b: {  	v1 =	vld.idx.msk [tilespmem:v62+s2+$0x0], $0xffff  }
0x16c: {  	v0 =	vld [tilespmem:$0xDC80];
	_ =	sdelay $0x3  }
0x16d: {  	v61 =	vor.u32 $0x3A, v12  }
0x16e: {  	v0 =	vadd.f32 v0, v1;
	_ =	sdelay $0x1  }
0x16f: {  	v0 =	vand.u32 $0x7FFFFFFF, v0  }
0x170: {  	vm14 =	vgt.f32 v59, v60;
	vm6 =	vgt.f32 v51, v52;
	[tilespmem:s14+$0xB900] =	vst v0  }
0x171: {  	v59 =	vsel vm14, v59, v60;
	v51 =	vsel vm6, v51, v52;
	v1 =	vld.idx.msk [tilespmem:v61+s2+$0x0], $0xffff  }
0x172: {  	vm1 =	vgt.f32 v58, v59;
	vm4 =	vgt.f32 v50, v51;
	v52 =	vld [tilespmem:$0xDD00]  }
0x173: {  	v58 =	vsel vm1, v58, v59;
	v50 =	vsel vm4, v50, v51  }
0x174: {  	vm2 =	vgt.f32 v56, v58;
	vm7 =	vgt.f32 v49, v50  }
0x175: {  	v60 =	vsel vm2, v56, v58;
	v50 =	vsel vm7, v49, v50  }
0x176: {  	vm3 =	vgt.f32 v57, v60;
	v49 =	vor.u32 $0x3B, v12;
	vm8 =	vgt.f32 v48, v50  }
0x177: {  	v51 =	vsel vm3, v57, v60;
	v50 =	vsel vm8, v48, v50;
	v1 =	vadd.f32 v52, v1  }
0x178: {  	vm15 =	vgt.f32 v53, v51;
	vm10 =	vgt.f32 v47, v50  }
0x179: {  	v47 =	vsel vm10, v47, v50;
	v48 =	vand.u32 $0x7FFFFFFF, v1;
	v1 =	vsel vm15, v53, v51  }
0x17a: {  	v59 =	vimm.s32 $0x0;
	vm9 =	vgt.f32 v44, v47;
	[tilespmem:s14+$0xBA00] =	vst v48;
	vm0 =	vgt.f32 v54, v1  }
0x17b: {  	v50 =	vimm.s32 $0x8;
	v47 =	vsel vm9, v44, v47;
	v56 =	vld.idx.msk [tilespmem:v49+s2+$0x0], $0xffff;
	v1 =	vsel vm0, v54, v1  }
0x17c: {  	vm13 =	vgt.f32 v42, v47;
	vm5 =	vgt.f32 v38, v46;
	v57 =	vld [tilespmem:$0xDD80];
	vm12 =	vgt.f32 v55, v1  }
0x17d: {  	v44 =	vsel vm12, v55, v1;
	v1 =	vsel vm5, v38, v46;
	v46 =	vimm.s32 $0x0  }
0x17e: {  	v42 =	vsel vm13, v42, v47;
	v58 =	vsel vm14, $0x1, v46;
	vm14 =	vgt.f32 v25, v32  }
0x17f: {  	v53 =	vsel vm6, $0x9, v50;
	vm11 =	vgt.f32 v37, v1;
	v47 =	vsel vm14, $0xFFFFFFFF, v59  }
0x180: {  	v1 =	vsel vm11, v37, v1;
	v25 =	vsel vm14, v25, v32;
	v60 =	vsel vm1, $0x2, v58  }
0x181: {  	v32 =	vor.u32 $0x3C, v12;
	v59 =	vimm.s32 $0x18;
	[tilespmem:$0x1FC70] =	vst v47;
	v47 =	vadd.f32 v57, v56  }
0x182: {  	v38 =	vsel vm2, $0x3, v60;
	vm14 =	vgt.f32 v40, v1;
	vm2 =	vgt.f32 v29, v25  }
0x183: {  	v60 =	vimm.s32 $0x10;
	v38 =	vsel vm3, $0x4, v38;
	v1 =	vsel vm14, v40, v1  }
0x184: {  	v25 =	vsel vm2, v29, v25;
	v29 =	vsel vm4, $0xA, v53;
	v51 =	vsel vm15, $0x5, v38  }
0x185: {  	v37 =	vand.u32 $0x7FFFFFFF, v47;
	vm15 =	vgt.f32 v39, v1;
	vm3 =	vgt.f32 v28, v25  }
0x186: {  	v29 =	vsel vm7, $0xB, v29;
	v1 =	vsel vm15, v39, v1;
	v25 =	vsel vm3, v28, v25  }
0x187: {  	v52 =	vsel vm0, $0x6, v51;
	v56 =	vsel vm8, $0xC, v29;
	v29 =	vor.u32 $0x3D, v12  }
0x188: {  	[tilespmem:s14+$0xBB00] =	vst v37;
	vm8 =	vgt.f32 v20, v23;
	vm1 =	vgt.f32 v41, v1;
	vm6 =	vgt.f32 v31, v25  }
0x189: {  	v54 =	vld.idx.msk [tilespmem:v32+s2+$0x0], $0xffff;
	v57 =	vsel vm10, $0xD, v56;
	v40 =	vsel vm8, v20, v23;
	v28 =	vsel vm12, $0x7, v52  }
0x18a: {  	v55 =	vld [tilespmem:$0xDE00];
	v56 =	vimm.s32 $0x28;
	v1 =	vsel vm1, v41, v1;
	v25 =	vsel vm6, v31, v25  }
0x18b: {  	v58 =	vsel vm9, $0xE, v57;
	vm9 =	vgt.f32 v21, v40;
	v41 =	vsel vm5, $0x11, v60  }
0x18c: {  	v57 =	vimm.s32 $0x20;
	vm0 =	vgt.f32 v43, v1;
	vm7 =	vgt.f32 v33, v25  }
0x18d: {  	v20 =	vsel vm13, $0xF, v58;
	vm13 =	vgt.f32 v13, v19;
	v1 =	vsel vm0, v43, v1  }
0x18e: {  	v33 =	vsel vm7, v33, v25;
	v43 =	vimm.s32 $0x0;
	v13 =	vsel vm13, v13, v19  }
0x18f: {  	vm4 =	vgt.f32 v45, v1;
	vm10 =	vgt.f32 v34, v33;
	v31 =	vadd.f32 v55, v54  }
0x190: {  	v25 =	vsel vm4, v45, v1;
	v1 =	vsel vm10, v34, v33;
	v33 =	vsel vm13, $0xFFFFFFFF, v43  }
0x191: {  	v54 =	vimm.s32 $0x38;
	vm12 =	vgt.f32 v35, v1;
	v31 =	vand.u32 $0x7FFFFFFF, v31  }
0x192: {  	v53 =	vld [tilespmem:$0x1FC70];
	v23 =	vsel vm12, v35, v1;
	v1 =	vsel vm9, v21, v40;
	v21 =	vsel vm11, $0x12, v41  }
0x193: {  	v55 =	vimm.s32 $0x30;
	[tilespmem:s14+$0xBC00] =	vst v31;
	vm11 =	vgt.f32 v22, v1;
	v47 =	vsel vm14, $0x13, v21  }
0x194: {  	v45 =	vld.idx.msk [tilespmem:v29+s2+$0x0], $0xffff;
	v1 =	vsel vm11, v22, v1;
	v19 =	vsel vm15, $0x14, v47;
	vm15 =	vgt.f32 v16, v13  }
0x195: {  	v35 =	vsel vm8, $0x21, v57;
	v50 =	vld [tilespmem:$0xDE80];
	vm13 =	vgt.f32 v24, v1;
	v13 =	vsel vm15, v16, v13  }
0x196: {  	v51 =	vsel vm1, $0x15, v19;
	v19 =	vor.u32 $0x3E, v12;
	v1 =	vsel vm13, v24, v1  }
0x197: {  	v16 =	vsel vm0, $0x16, v51;
	vm5 =	vgt.f32 v14, v13;
	vm0 =	vnez.u8 v53  }
0x198: {  	vm14 =	vgt.f32 v26, v1;
	v13 =	vsel vm5, v14, v13;
	v21 =	vsel vm0, $0x19, v59  }
0x199: {  	v16 =	vsel vm4, $0x17, v16;
	v1 =	vsel vm14, v26, v1;
	vm0 =	vgt.f32 v11, v13  }
0x19a: {  	v52 =	vadd.f32 v50, v45;
	v11 =	vsel vm0, v11, v13;
	vm4 =	vgt.f32 v27, v1  }
0x19b: {  	v58 =	vsel vm2, $0x1A, v21;
	vm2 =	vgt.f32 v15, v11;
	v1 =	vsel vm4, v27, v1  }
0x19c: {  	v59 =	vand.u32 $0x7FFFFFFF, v52;
	v60 =	vsel vm2, v15, v11;
	v15 =	vsel vm3, $0x1B, v58  }
0x19d: {  	vm1 =	vgt.f32 v30, v1;
	[tilespmem:s14+$0xBD00] =	vst v59;
	v13 =	vsel vm6, $0x1C, v15;
	vm3 =	vgt.f32 v18, v60  }
0x19e: {  	v11 =	vsel vm1, v30, v1;
	v27 =	vld.idx.msk [tilespmem:v19+s2+$0x0], $0xffff;
	v1 =	vsel vm3, v18, v60;
	v13 =	vsel vm7, $0x1D, v13  }
0x19f: {  	v30 =	vld [tilespmem:$0xDF00];
	v34 =	vsel vm10, $0x1E, v13;
	vm6 =	vgt.f32 v17, v1;
	vm10 =	vgt.f32 v5, v10  }
0x1a0: {  	vm7 =	vgt.f32 v0, v2;
	v13 =	vsel vm6, v17, v1;
	v1 =	vsel vm10, v5, v10  }
0x1a1: {  	[tilespmem:$0x1FC80] =	vst v33;
	v0 =	vsel vm7, v0, v2;
	v10 =	vsel vm12, $0x1F, v34;
	vm12 =	vgt.f32 v4, v1  }
0x1a2: {  	v41 =	vld [tilespmem:$0x1FC80];
	v38 =	vsel vm9, $0x22, v35;
	vm8 =	vgt.f32 v48, v0;
	v1 =	vsel vm12, v4, v1  }
0x1a3: {  	v14 =	vor.u32 $0x3F, v12;
	v0 =	vsel vm8, v48, v0;
	vm9 =	vgt.f32 v3, v1  }
0x1a4: {  	v2 =	vadd.f32 v30, v27;
	v1 =	vsel vm9, v3, v1;
	v3 =	vsel vm11, $0x23, v38  }
0x1a5: {  	v45 =	vsel vm7, $0x39, v54;
	vm11 =	vgt.f32 v37, v0;
	v3 =	vsel vm13, $0x24, v3  }
0x1a6: {  	v2 =	vand.u32 $0x7FFFFFFF, v2;
	vm13 =	vgt.f32 v6, v1;
	v0 =	vsel vm11, v37, v0  }
0x1a7: {  	v3 =	vsel vm14, $0x25, v3;
	v1 =	vsel vm13, v6, v1;
	vm14 =	vnez.u8 v41  }
0x1a8: {  	[tilespmem:s14+$0xBE00] =	vst v2;
	v3 =	vsel vm4, $0x26, v3;
	vm4 =	vgt.f32 v9, v1;
	v5 =	vsel vm14, $0x29, v56  }
0x1a9: {  	v40 =	vld.idx.msk [tilespmem:v14+s2+$0x0], $0xffff;
	v15 =	vsel vm1, $0x27, v3;
	vm1 =	vgt.f32 v31, v0;
	v1 =	vsel vm4, v9, v1  }
0x1aa: {  	v3 =	vld [tilespmem:$0xDF80];
	v5 =	vsel vm15, $0x2A, v5;
	v0 =	vsel vm1, v31, v0;
	vm14 =	vgt.f32 v7, v1  }
0x1ab: {  	v5 =	vsel vm5, $0x2B, v5;
	vm15 =	vgt.f32 v59, v0;
	v1 =	vsel vm14, v7, v1  }
0x1ac: {  	v5 =	vsel vm0, $0x2C, v5;
	v0 =	vsel vm15, v59, v0;
	vm0 =	vgt.f32 v8, v1  }
0x1ad: {  	v4 =	vsel vm8, $0x3A, v45;
	vm5 =	vgt.f32 v2, v0;
	v7 =	vsel vm0, v8, v1  }
0x1ae: {  	v0 =	vsel vm5, v2, v0;
	v2 =	vsel vm2, $0x2D, v5;
	vm2 =	vgt.f32 v42, v44  }
0x1af: {  	v1 =	vadd.f32 v3, v40;
	v3 =	vsel vm10, $0x31, v55;
	v43 =	vsel vm2, v42, v44  }
0x1b0: {  	v2 =	vsel vm3, $0x2E, v2;
	v3 =	vsel vm12, $0x32, v3;
	vm12 =	vgt.f32 v25, v43  }
0x1b1: {  	v8 =	vsel vm6, $0x2F, v2;
	v2 =	vsel vm9, $0x33, v3;
	v3 =	vsel vm12, v25, v43  }
0x1b2: {  	v4 =	vsel vm11, $0x3B, v4;
	v2 =	vsel vm13, $0x34, v2;
	vm13 =	vgt.f32 v23, v3  }
0x1b3: {  	v47 =	vsel vm2, v20, v28;
	v2 =	vsel vm4, $0x35, v2;
	v3 =	vsel vm13, v23, v3  }
0x1b4: {  	v1 =	vand.u32 $0x7FFFFFFF, v1;
	v2 =	vsel vm14, $0x36, v2;
	vm14 =	vgt.f32 v11, v3  }
0x1b5: {  	v9 =	vsel vm0, $0x37, v2;
	v2 =	vsel vm1, $0x3C, v4;
	v3 =	vsel vm14, v11, v3  }
0x1b6: {  	v4 =	vsel vm12, v16, v47;
	v2 =	vsel vm15, $0x3D, v2;
	vm15 =	vgt.f32 v13, v3  }
0x1b7: {  	v4 =	vsel vm13, v10, v4;
	v2 =	vsel vm5, $0x3E, v2;
	v3 =	vsel vm15, v13, v3  }
0x1b8: {  	vm5 =	vgt.f32 v1, v0;
	v4 =	vsel vm14, v15, v4;
	vm6 =	vgt.f32 v7, v3  }
0x1b9: {  	v48 =	vsel vm5, v1, v0;
	v0 =	vsel vm15, v8, v4;
	v3 =	vsel vm6, v7, v3  }
0x1ba: {  	v50 =	vsel vm5, $0x3F, v2;
	v0 =	vsel vm6, v9, v0;
	vm7 =	vgt.f32 v48, v3  }
0x1bb: {  	v51 =	vsel vm7, v50, v0  }
0x1bc: {  	v52 =	vand.u32 $0xFFFFFFF8, v51  }
0x1bd: {  	v0 =	vshll.u32 v51, $0x8;
	v2 =	vshll.u32 v52, $0x8  }
0x1be: {  	v53 =	vand.u32 $0x7F, v36;
	v0 =	vadd.s32 v36, v0;
	v2 =	vadd.s32 v36, v2  }
0x1bf: {  	v6 =	vor.u32 $0x100, v53;
	v54 =	vand.u32 $0x7FFFF880, v2  }
0x1c0: {  	v3 =	vor.u32 v54, v6  }
0x1c1: {  	v5 =	vor.u32 $0x200, v53  }
0x1c2: {  	v39 =	vimm.f32 $-1.000000000e+00;
	[tilespmem:s14+$0xBF00] =	vst v1;
	v1 =	vor.u32 v54, v5  }
0x1c3: {  	v4 =	vor.u32 $0x300, v53;
	[tilespmem:v0+s9+$0x0] =	vst.idx.msk $0xffff, v39  }
0x1c4: {  	v55 =	vor.u32 v54, v4;
	v0 =	vld.idx.msk [tilespmem:v2+s9+$0x0], $0xffff  }
0x1c5: {  	v56 =	vld.idx.msk [tilespmem:v3+s9+$0x0], $0xffff;
	v3 =	vor.u32 $0x400, v53  }
0x1c6: {  	v57 =	vor.u32 v54, v3  }
0x1c7: {  	v2 =	vor.u32 $0x500, v53;
	v58 =	vld.idx.msk [tilespmem:v1+s9+$0x0], $0xffff  }
0x1c8: {  	v59 =	vor.u32 v54, v2  }
0x1c9: {  	v27 =	vld.idx.msk [tilespmem:v55+s9+$0x0], $0xffff;
	v1 =	vor.u32 $0x600, v53  }
0x1ca: {  	v60 =	vor.u32 v54, v1;
	vm8 =	vgt.f32 v56, v0  }
0x1cb: {  	v30 =	vsel vm8, v56, v0;
	v31 =	vld.idx.msk [tilespmem:v57+s9+$0x0], $0xffff;
	v0 =	vor.u32 $0x700, v53  }
0x1cc: {  	v24 =	vor.u32 v54, v0;
	vm9 =	vgt.f32 v58, v30  }
0x1cd: {  	v34 =	vld.idx.msk [tilespmem:v59+s9+$0x0], $0xffff;
	v33 =	vsel vm9, v58, v30  }
0x1ce: {  	vm10 =	vgt.f32 v27, v33  }
0x1cf: {  	v37 =	vld.idx.msk [tilespmem:v60+s9+$0x0], $0xffff;
	v26 =	vsel vm10, v27, v33  }
0x1d0: {  	vm11 =	vgt.f32 v31, v26  }
0x1d1: {  	v26 =	vsel vm11, v31, v26;
	v24 =	vld.idx.msk [tilespmem:v24+s9+$0x0], $0xffff  }
0x1d2: {  	v38 =	vsel vm8, $0x1, v46;
	vm12 =	vgt.f32 v34, v26  }
0x1d3: {  	v31 =	vsel vm9, $0x2, v38;
	v26 =	vsel vm12, v34, v26  }
0x1d4: {  	v21 =	vor.u32 $0x7, v51;
	v40 =	vsel vm10, $0x3, v31;
	vm13 =	vgt.f32 v37, v26  }
0x1d5: {  	vm1 =	veq.s32 v52, $0x0;
	v30 =	vsel vm11, $0x4, v40;
	v26 =	vsel vm13, v37, v26  }
0x1d6: {  	vm15 =	veq.s32 v52, $0x8;
	v41 =	vsel vm12, $0x5, v30;
	vm14 =	vgt.f32 v24, v26  }
0x1d7: {  	vm3 =	veq.s32 v52, $0x10;
	v27 =	vsel vm13, $0x6, v41;
	v24 =	vsel vm14, v24, v26  }
0x1d8: {  	v43 =	vor.u32 v52, v27;
	v27 =	vsel vm1, v24, v44;
	v30 =	vsel vm15, v24, v42  }
0x1d9: {  	vm4 =	veq.s32 v52, $0x18;
	vm5 =	veq.s32 v52, $0x20;
	vm0 =	vgt.f32 v30, v27  }
0x1da: {  	vm6 =	veq.s32 v52, $0x28;
	v25 =	vsel vm3, v24, v25;
	v44 =	vsel vm0, v30, v27  }
0x1db: {  	vm7 =	veq.s32 v52, $0x30;
	vm13 =	veq.s32 v52, $0x38;
	vm12 =	vgt.f32 v25, v44  }
0x1dc: {  	v21 =	vsel vm14, v21, v43;
	v22 =	vsel vm4, v24, v23;
	v45 =	vsel vm12, v25, v44  }
0x1dd: {  	v11 =	vsel vm5, v24, v11;
	v13 =	vsel vm6, v24, v13;
	vm14 =	vgt.f32 v22, v45  }
0x1de: {  	v7 =	vsel vm7, v24, v7;
	v17 =	vsel vm13, v24, v48;
	v23 =	vsel vm14, v22, v45  }
0x1df: {  	v24 =	vsel vm1, v21, v28;
	v20 =	vsel vm15, v21, v20;
	vm15 =	vgt.f32 v11, v23  }
0x1e0: {  	v16 =	vsel vm3, v21, v16;
	v47 =	vsel vm0, v20, v24;
	v23 =	vsel vm15, v11, v23  }
0x1e1: {  	v10 =	vsel vm4, v21, v10;
	v26 =	vsel vm12, v16, v47;
	vm4 =	vgt.f32 v13, v23  }
0x1e2: {  	v15 =	vsel vm5, v21, v15;
	v26 =	vsel vm14, v10, v26;
	v23 =	vsel vm4, v13, v23  }
0x1e3: {  	v8 =	vsel vm6, v21, v8;
	v26 =	vsel vm15, v15, v26;
	vm6 =	vgt.f32 v7, v23  }
0x1e4: {  	v9 =	vsel vm7, v21, v9;
	v26 =	vsel vm4, v8, v26;
	v23 =	vsel vm6, v7, v23  }
0x1e5: {  	v18 =	vsel vm13, v21, v50;
	v48 =	vsel vm6, v9, v26;
	vm7 =	vgt.f32 v17, v23  }
0x1e6: {  	v21 =	vsel vm7, v18, v48  }
0x1e7: {  	v50 =	vand.u32 $0xFFFFFFF8, v21  }
0x1e8: {  	v51 =	vshll.u32 v21, $0x8;
	v52 =	vshll.u32 v50, $0x8  }
0x1e9: {  	v26 =	vadd.s32 v36, v51;
	v28 =	vadd.s32 v36, v52  }
0x1ea: {  	v53 =	vand.u32 $0x7FFFF880, v28  }
0x1eb: {  	v54 =	vor.u32 v53, v6;
	_ =	sdelay $0x1  }
0x1ec: {  	v55 =	vor.u32 v53, v5  }
0x1ed: {  	[tilespmem:v26+s9+$0x0] =	vst.idx.msk $0xffff, v39  }
0x1ee: {  	v56 =	vor.u32 v53, v4;
	v26 =	vld.idx.msk [tilespmem:v28+s9+$0x0], $0xffff  }
0x1ef: {  	v33 =	vld.idx.msk [tilespmem:v54+s9+$0x0], $0xffff  }
0x1f0: {  	v57 =	vor.u32 v53, v3  }
0x1f1: {  	v34 =	vld.idx.msk [tilespmem:v55+s9+$0x0], $0xffff  }
0x1f2: {  	v58 =	vor.u32 v53, v2  }
0x1f3: {  	v28 =	vld.idx.msk [tilespmem:v56+s9+$0x0], $0xffff  }
0x1f4: {  	v59 =	vor.u32 v53, v1;
	vm8 =	vgt.f32 v33, v26  }
0x1f5: {  	v60 =	vld.idx.msk [tilespmem:v57+s9+$0x0], $0xffff;
	v26 =	vsel vm8, v33, v26  }
0x1f6: {  	v31 =	vor.u32 v53, v0;
	vm9 =	vgt.f32 v34, v26  }
0x1f7: {  	v40 =	vld.idx.msk [tilespmem:v58+s9+$0x0], $0xffff;
	v26 =	vsel vm9, v34, v26  }
0x1f8: {  	vm10 =	vgt.f32 v28, v26  }
0x1f9: {  	v41 =	vld.idx.msk [tilespmem:v59+s9+$0x0], $0xffff;
	v26 =	vsel vm10, v28, v26  }
0x1fa: {  	vm11 =	vgt.f32 v60, v26  }
0x1fb: {  	v31 =	vld.idx.msk [tilespmem:v31+s9+$0x0], $0xffff;
	v26 =	vsel vm11, v60, v26  }
0x1fc: {  	vm12 =	vgt.f32 v40, v26  }
0x1fd: {  	v21 =	vor.u32 $0x7, v21;
	vm1 =	veq.s32 v50, $0x0;
	v26 =	vsel vm12, v40, v26  }
0x1fe: {  	vm15 =	veq.s32 v50, $0x8;
	vm3 =	veq.s32 v50, $0x10;
	vm13 =	vgt.f32 v41, v26  }
0x1ff: {  	vm4 =	veq.s32 v50, $0x18;
	v42 =	vsel vm8, $0x1, v46;
	v26 =	vsel vm13, v41, v26  }
0x200: {  	vm5 =	veq.s32 v50, $0x20;
	v33 =	vsel vm9, $0x2, v42;
	vm14 =	vgt.f32 v31, v26  }
0x201: {  	vm6 =	veq.s32 v50, $0x28;
	v33 =	vsel vm10, $0x3, v33;
	v26 =	vsel vm14, v31, v26  }
0x202: {  	v33 =	vsel vm11, $0x4, v33;
	v27 =	vsel vm1, v26, v27;
	v30 =	vsel vm15, v26, v30  }
0x203: {  	vm7 =	veq.s32 v50, $0x30;
	v43 =	vsel vm12, $0x5, v33;
	vm0 =	vgt.f32 v30, v27  }
0x204: {  	v28 =	vsel vm13, $0x6, v43;
	v25 =	vsel vm3, v26, v25;
	v44 =	vsel vm0, v30, v27  }
0x205: {  	vm13 =	veq.s32 v50, $0x38;
	v28 =	vor.u32 v28, v50;
	vm12 =	vgt.f32 v25, v44  }
0x206: {  	v21 =	vsel vm14, v21, v28;
	v22 =	vsel vm4, v26, v22;
	v45 =	vsel vm12, v25, v44  }
0x207: {  	v11 =	vsel vm5, v26, v11;
	v13 =	vsel vm6, v26, v13;
	vm14 =	vgt.f32 v22, v45  }
0x208: {  	v7 =	vsel vm7, v26, v7;
	v17 =	vsel vm13, v26, v17;
	v23 =	vsel vm14, v22, v45  }
0x209: {  	v24 =	vsel vm1, v21, v24;
	v20 =	vsel vm15, v21, v20;
	vm15 =	vgt.f32 v11, v23  }
0x20a: {  	v16 =	vsel vm3, v21, v16;
	v47 =	vsel vm0, v20, v24;
	v23 =	vsel vm15, v11, v23  }
0x20b: {  	v10 =	vsel vm4, v21, v10;
	v26 =	vsel vm12, v16, v47;
	vm4 =	vgt.f32 v13, v23  }
0x20c: {  	v15 =	vsel vm5, v21, v15;
	v26 =	vsel vm14, v10, v26;
	v23 =	vsel vm4, v13, v23  }
0x20d: {  	v8 =	vsel vm6, v21, v8;
	v26 =	vsel vm15, v15, v26;
	vm6 =	vgt.f32 v7, v23  }
0x20e: {  	v9 =	vsel vm7, v21, v9;
	v26 =	vsel vm4, v8, v26;
	v23 =	vsel vm6, v7, v23  }
0x20f: {  	v18 =	vsel vm13, v21, v18;
	v48 =	vsel vm6, v9, v26;
	vm7 =	vgt.f32 v17, v23  }
0x210: {  	v21 =	vsel vm7, v18, v48  }
0x211: {  	v50 =	vand.u32 $0xFFFFFFF8, v21  }
0x212: {  	v51 =	vshll.u32 v21, $0x8;
	v52 =	vshll.u32 v50, $0x8  }
0x213: {  	v26 =	vadd.s32 v36, v51;
	v28 =	vadd.s32 v36, v52  }
0x214: {  	v53 =	vand.u32 $0x7FFFF880, v28  }
0x215: {  	v54 =	vor.u32 v53, v6;
	_ =	sdelay $0x1  }
0x216: {  	v55 =	vor.u32 v53, v5  }
0x217: {  	[tilespmem:v26+s9+$0x0] =	vst.idx.msk $0xffff, v39  }
0x218: {  	v56 =	vor.u32 v53, v4;
	v26 =	vld.idx.msk [tilespmem:v28+s9+$0x0], $0xffff  }
0x219: {  	v33 =	vld.idx.msk [tilespmem:v54+s9+$0x0], $0xffff  }
0x21a: {  	v57 =	vor.u32 v53, v3  }
0x21b: {  	v34 =	vld.idx.msk [tilespmem:v55+s9+$0x0], $0xffff  }
0x21c: {  	v58 =	vor.u32 v53, v2  }
0x21d: {  	v28 =	vld.idx.msk [tilespmem:v56+s9+$0x0], $0xffff  }
0x21e: {  	v59 =	vor.u32 v53, v1;
	vm8 =	vgt.f32 v33, v26  }
0x21f: {  	v60 =	vld.idx.msk [tilespmem:v57+s9+$0x0], $0xffff;
	v26 =	vsel vm8, v33, v26  }
0x220: {  	v31 =	vor.u32 v53, v0;
	vm9 =	vgt.f32 v34, v26  }
0x221: {  	v40 =	vld.idx.msk [tilespmem:v58+s9+$0x0], $0xffff;
	v26 =	vsel vm9, v34, v26  }
0x222: {  	vm10 =	vgt.f32 v28, v26  }
0x223: {  	v41 =	vld.idx.msk [tilespmem:v59+s9+$0x0], $0xffff;
	v26 =	vsel vm10, v28, v26  }
0x224: {  	vm11 =	vgt.f32 v60, v26  }
0x225: {  	v31 =	vld.idx.msk [tilespmem:v31+s9+$0x0], $0xffff;
	v26 =	vsel vm11, v60, v26  }
0x226: {  	vm12 =	vgt.f32 v40, v26  }
0x227: {  	v21 =	vor.u32 $0x7, v21;
	vm1 =	veq.s32 v50, $0x0;
	v26 =	vsel vm12, v40, v26  }
0x228: {  	vm15 =	veq.s32 v50, $0x8;
	vm3 =	veq.s32 v50, $0x10;
	vm13 =	vgt.f32 v41, v26  }
0x229: {  	vm4 =	veq.s32 v50, $0x18;
	v42 =	vsel vm8, $0x1, v46;
	v26 =	vsel vm13, v41, v26  }
0x22a: {  	vm5 =	veq.s32 v50, $0x20;
	v33 =	vsel vm9, $0x2, v42;
	vm14 =	vgt.f32 v31, v26  }
0x22b: {  	vm6 =	veq.s32 v50, $0x28;
	v33 =	vsel vm10, $0x3, v33;
	v26 =	vsel vm14, v31, v26  }
0x22c: {  	v33 =	vsel vm11, $0x4, v33;
	v27 =	vsel vm1, v26, v27;
	v30 =	vsel vm15, v26, v30  }
0x22d: {  	vm7 =	veq.s32 v50, $0x30;
	v43 =	vsel vm12, $0x5, v33;
	vm0 =	vgt.f32 v30, v27  }
0x22e: {  	v28 =	vsel vm13, $0x6, v43;
	v25 =	vsel vm3, v26, v25;
	v44 =	vsel vm0, v30, v27  }
0x22f: {  	vm13 =	veq.s32 v50, $0x38;
	v28 =	vor.u32 v28, v50;
	vm12 =	vgt.f32 v25, v44  }
0x230: {  	v21 =	vsel vm14, v21, v28;
	v22 =	vsel vm4, v26, v22;
	v45 =	vsel vm12, v25, v44  }
0x231: {  	v11 =	vsel vm5, v26, v11;
	v13 =	vsel vm6, v26, v13;
	vm14 =	vgt.f32 v22, v45  }
0x232: {  	v7 =	vsel vm7, v26, v7;
	v17 =	vsel vm13, v26, v17;
	v23 =	vsel vm14, v22, v45  }
0x233: {  	v24 =	vsel vm1, v21, v24;
	v20 =	vsel vm15, v21, v20;
	vm15 =	vgt.f32 v11, v23  }
0x234: {  	v16 =	vsel vm3, v21, v16;
	v47 =	vsel vm0, v20, v24;
	v23 =	vsel vm15, v11, v23  }
0x235: {  	v10 =	vsel vm4, v21, v10;
	v26 =	vsel vm12, v16, v47;
	vm4 =	vgt.f32 v13, v23  }
0x236: {  	v15 =	vsel vm5, v21, v15;
	v26 =	vsel vm14, v10, v26;
	v23 =	vsel vm4, v13, v23  }
0x237: {  	v8 =	vsel vm6, v21, v8;
	v26 =	vsel vm15, v15, v26;
	vm6 =	vgt.f32 v7, v23  }
0x238: {  	v9 =	vsel vm7, v21, v9;
	v26 =	vsel vm4, v8, v26;
	v23 =	vsel vm6, v7, v23  }
0x239: {  	v18 =	vsel vm13, v21, v18;
	v48 =	vsel vm6, v9, v26;
	vm7 =	vgt.f32 v17, v23  }
0x23a: {  	v21 =	vsel vm7, v18, v48  }
0x23b: {  	v50 =	vand.u32 $0xFFFFFFF8, v21  }
0x23c: {  	v51 =	vshll.u32 v21, $0x8;
	v52 =	vshll.u32 v50, $0x8  }
0x23d: {  	v26 =	vadd.s32 v36, v51;
	v28 =	vadd.s32 v36, v52  }
0x23e: {  	v53 =	vand.u32 $0x7FFFF880, v28  }
0x23f: {  	v54 =	vor.u32 v53, v6;
	_ =	sdelay $0x1  }
0x240: {  	v55 =	vor.u32 v53, v5  }
0x241: {  	[tilespmem:v26+s9+$0x0] =	vst.idx.msk $0xffff, v39  }
0x242: {  	v56 =	vor.u32 v53, v4;
	v26 =	vld.idx.msk [tilespmem:v28+s9+$0x0], $0xffff  }
0x243: {  	v33 =	vld.idx.msk [tilespmem:v54+s9+$0x0], $0xffff  }
0x244: {  	v57 =	vor.u32 v53, v3  }
0x245: {  	v34 =	vld.idx.msk [tilespmem:v55+s9+$0x0], $0xffff  }
0x246: {  	v58 =	vor.u32 v53, v2  }
0x247: {  	v28 =	vld.idx.msk [tilespmem:v56+s9+$0x0], $0xffff  }
0x248: {  	v59 =	vor.u32 v53, v1;
	vm8 =	vgt.f32 v33, v26  }
0x249: {  	v60 =	vld.idx.msk [tilespmem:v57+s9+$0x0], $0xffff;
	v26 =	vsel vm8, v33, v26  }
0x24a: {  	v31 =	vor.u32 v53, v0;
	vm9 =	vgt.f32 v34, v26  }
0x24b: {  	v40 =	vld.idx.msk [tilespmem:v58+s9+$0x0], $0xffff;
	v26 =	vsel vm9, v34, v26  }
0x24c: {  	vm10 =	vgt.f32 v28, v26  }
0x24d: {  	v41 =	vld.idx.msk [tilespmem:v59+s9+$0x0], $0xffff;
	v26 =	vsel vm10, v28, v26  }
0x24e: {  	vm11 =	vgt.f32 v60, v26  }
0x24f: {  	v31 =	vld.idx.msk [tilespmem:v31+s9+$0x0], $0xffff;
	v26 =	vsel vm11, v60, v26  }
0x250: {  	vm12 =	vgt.f32 v40, v26  }
0x251: {  	v21 =	vor.u32 $0x7, v21;
	vm1 =	veq.s32 v50, $0x0;
	v26 =	vsel vm12, v40, v26  }
0x252: {  	vm15 =	veq.s32 v50, $0x8;
	vm3 =	veq.s32 v50, $0x10;
	vm13 =	vgt.f32 v41, v26  }
0x253: {  	vm4 =	veq.s32 v50, $0x18;
	v42 =	vsel vm8, $0x1, v46;
	v26 =	vsel vm13, v41, v26  }
0x254: {  	vm5 =	veq.s32 v50, $0x20;
	v33 =	vsel vm9, $0x2, v42;
	vm14 =	vgt.f32 v31, v26  }
0x255: {  	vm6 =	veq.s32 v50, $0x28;
	v33 =	vsel vm10, $0x3, v33;
	v26 =	vsel vm14, v31, v26  }
0x256: {  	v33 =	vsel vm11, $0x4, v33;
	v27 =	vsel vm1, v26, v27;
	v30 =	vsel vm15, v26, v30  }
0x257: {  	vm7 =	veq.s32 v50, $0x30;
	v43 =	vsel vm12, $0x5, v33;
	vm0 =	vgt.f32 v30, v27  }
0x258: {  	v28 =	vsel vm13, $0x6, v43;
	v25 =	vsel vm3, v26, v25;
	v44 =	vsel vm0, v30, v27  }
0x259: {  	vm13 =	veq.s32 v50, $0x38;
	v28 =	vor.u32 v28, v50;
	vm12 =	vgt.f32 v25, v44  }
0x25a: {  	v21 =	vsel vm14, v21, v28;
	v22 =	vsel vm4, v26, v22;
	v45 =	vsel vm12, v25, v44  }
0x25b: {  	v11 =	vsel vm5, v26, v11;
	v13 =	vsel vm6, v26, v13;
	vm14 =	vgt.f32 v22, v45  }
0x25c: {  	v7 =	vsel vm7, v26, v7;
	v17 =	vsel vm13, v26, v17;
	v23 =	vsel vm14, v22, v45  }
0x25d: {  	v24 =	vsel vm1, v21, v24;
	v20 =	vsel vm15, v21, v20;
	vm15 =	vgt.f32 v11, v23  }
0x25e: {  	v16 =	vsel vm3, v21, v16;
	v47 =	vsel vm0, v20, v24;
	v23 =	vsel vm15, v11, v23  }
0x25f: {  	v10 =	vsel vm4, v21, v10;
	v26 =	vsel vm12, v16, v47;
	vm4 =	vgt.f32 v13, v23  }
0x260: {  	v15 =	vsel vm5, v21, v15;
	v26 =	vsel vm14, v10, v26;
	v23 =	vsel vm4, v13, v23  }
0x261: {  	v8 =	vsel vm6, v21, v8;
	v26 =	vsel vm15, v15, v26;
	vm6 =	vgt.f32 v7, v23  }
0x262: {  	v9 =	vsel vm7, v21, v9;
	v26 =	vsel vm4, v8, v26;
	v23 =	vsel vm6, v7, v23  }
0x263: {  	v18 =	vsel vm13, v21, v18;
	v48 =	vsel vm6, v9, v26;
	vm7 =	vgt.f32 v17, v23  }
0x264: {  	v21 =	vsel vm7, v18, v48  }
0x265: {  	v50 =	vand.u32 $0xFFFFFFF8, v21  }
0x266: {  	v51 =	vshll.u32 v21, $0x8;
	v52 =	vshll.u32 v50, $0x8  }
0x267: {  	v26 =	vadd.s32 v36, v51;
	v28 =	vadd.s32 v36, v52  }
0x268: {  	v53 =	vand.u32 $0x7FFFF880, v28  }
0x269: {  	v54 =	vor.u32 v53, v6;
	_ =	sdelay $0x1  }
0x26a: {  	v55 =	vor.u32 v53, v5  }
0x26b: {  	[tilespmem:v26+s9+$0x0] =	vst.idx.msk $0xffff, v39  }
0x26c: {  	v56 =	vor.u32 v53, v4;
	v26 =	vld.idx.msk [tilespmem:v28+s9+$0x0], $0xffff  }
0x26d: {  	v33 =	vld.idx.msk [tilespmem:v54+s9+$0x0], $0xffff  }
0x26e: {  	v57 =	vor.u32 v53, v3  }
0x26f: {  	v34 =	vld.idx.msk [tilespmem:v55+s9+$0x0], $0xffff  }
0x270: {  	v58 =	vor.u32 v53, v2  }
0x271: {  	v28 =	vld.idx.msk [tilespmem:v56+s9+$0x0], $0xffff  }
0x272: {  	v59 =	vor.u32 v53, v1;
	vm8 =	vgt.f32 v33, v26  }
0x273: {  	v60 =	vld.idx.msk [tilespmem:v57+s9+$0x0], $0xffff;
	v26 =	vsel vm8, v33, v26  }
0x274: {  	v31 =	vor.u32 v53, v0;
	vm9 =	vgt.f32 v34, v26  }
0x275: {  	v37 =	vld.idx.msk [tilespmem:v58+s9+$0x0], $0xffff;
	v26 =	vsel vm9, v34, v26  }
0x276: {  	vm10 =	vgt.f32 v28, v26  }
0x277: {  	v38 =	vld.idx.msk [tilespmem:v59+s9+$0x0], $0xffff;
	v26 =	vsel vm10, v28, v26  }
0x278: {  	vm11 =	vgt.f32 v60, v26  }
0x279: {  	v31 =	vld.idx.msk [tilespmem:v31+s9+$0x0], $0xffff;
	v26 =	vsel vm11, v60, v26  }
0x27a: {  	vm12 =	vgt.f32 v37, v26  }
0x27b: {  	v21 =	vor.u32 $0x7, v21;
	vm1 =	veq.s32 v50, $0x0;
	v26 =	vsel vm12, v37, v26  }
0x27c: {  	vm15 =	veq.s32 v50, $0x8;
	vm3 =	veq.s32 v50, $0x10;
	vm13 =	vgt.f32 v38, v26  }
0x27d: {  	vm4 =	veq.s32 v50, $0x18;
	v40 =	vsel vm8, $0x1, v46;
	v26 =	vsel vm13, v38, v26  }
0x27e: {  	vm5 =	veq.s32 v50, $0x20;
	v33 =	vsel vm9, $0x2, v40;
	vm14 =	vgt.f32 v31, v26  }
0x27f: {  	vm6 =	veq.s32 v50, $0x28;
	v33 =	vsel vm10, $0x3, v33;
	v26 =	vsel vm14, v31, v26  }
0x280: {  	v33 =	vsel vm11, $0x4, v33;
	v27 =	vsel vm1, v26, v27;
	v30 =	vsel vm15, v26, v30  }
0x281: {  	vm7 =	veq.s32 v50, $0x30;
	v41 =	vsel vm12, $0x5, v33;
	vm0 =	vgt.f32 v30, v27  }
0x282: {  	v28 =	vsel vm13, $0x6, v41;
	v25 =	vsel vm3, v26, v25;
	v42 =	vsel vm0, v30, v27  }
0x283: {  	vm13 =	veq.s32 v50, $0x38;
	v28 =	vor.u32 v28, v50;
	vm12 =	vgt.f32 v25, v42  }
0x284: {  	v21 =	vsel vm14, v21, v28;
	v22 =	vsel vm4, v26, v22;
	v43 =	vsel vm12, v25, v42  }
0x285: {  	v11 =	vsel vm5, v26, v11;
	v13 =	vsel vm6, v26, v13;
	vm14 =	vgt.f32 v22, v43  }
0x286: {  	v7 =	vsel vm7, v26, v7;
	v17 =	vsel vm13, v26, v17;
	v23 =	vsel vm14, v22, v43  }
0x287: {  	v24 =	vsel vm1, v21, v24;
	v20 =	vsel vm15, v21, v20;
	vm15 =	vgt.f32 v11, v23  }
0x288: {  	v16 =	vsel vm3, v21, v16;
	v44 =	vsel vm0, v20, v24;
	v23 =	vsel vm15, v11, v23  }
0x289: {  	v10 =	vsel vm4, v21, v10;
	v26 =	vsel vm12, v16, v44;
	vm4 =	vgt.f32 v13, v23  }
0x28a: {  	v15 =	vsel vm5, v21, v15;
	v26 =	vsel vm14, v10, v26;
	v23 =	vsel vm4, v13, v23  }
0x28b: {  	v8 =	vsel vm6, v21, v8;
	v26 =	vsel vm15, v15, v26;
	vm6 =	vgt.f32 v7, v23  }
0x28c: {  	v9 =	vsel vm7, v21, v9;
	v26 =	vsel vm4, v8, v26;
	v23 =	vsel vm6, v7, v23  }
0x28d: {  	v18 =	vsel vm13, v21, v18;
	v45 =	vsel vm6, v9, v26;
	vm7 =	vgt.f32 v17, v23  }
0x28e: {  	v21 =	vsel vm7, v18, v45  }
0x28f: {  	v47 =	vand.u32 $0xFFFFFFF8, v21  }
0x290: {  	v48 =	vshll.u32 v21, $0x8;
	v50 =	vshll.u32 v47, $0x8  }
0x291: {  	v26 =	vadd.s32 v36, v48;
	v28 =	vadd.s32 v36, v50  }
0x292: {  	v51 =	vand.u32 $0x7FFFF880, v28  }
0x293: {  	v52 =	vor.u32 v51, v6;
	_ =	sdelay $0x1  }
0x294: {  	v53 =	vor.u32 v51, v5  }
0x295: {  	[tilespmem:v26+s9+$0x0] =	vst.idx.msk $0xffff, v39  }
0x296: {  	v54 =	vor.u32 v51, v4;
	v26 =	vld.idx.msk [tilespmem:v28+s9+$0x0], $0xffff  }
0x297: {  	v33 =	vld.idx.msk [tilespmem:v52+s9+$0x0], $0xffff  }
0x298: {  	v55 =	vor.u32 v51, v3  }
0x299: {  	v34 =	vld.idx.msk [tilespmem:v53+s9+$0x0], $0xffff  }
0x29a: {  	v56 =	vor.u32 v51, v2  }
0x29b: {  	v28 =	vld.idx.msk [tilespmem:v54+s9+$0x0], $0xffff  }
0x29c: {  	v57 =	vor.u32 v51, v1;
	vm8 =	vgt.f32 v33, v26  }
0x29d: {  	v58 =	vld.idx.msk [tilespmem:v55+s9+$0x0], $0xffff;
	v26 =	vsel vm8, v33, v26  }
0x29e: {  	v31 =	vor.u32 v51, v0;
	vm9 =	vgt.f32 v34, v26  }
0x29f: {  	v59 =	vld.idx.msk [tilespmem:v56+s9+$0x0], $0xffff;
	v26 =	vsel vm9, v34, v26  }
0x2a0: {  	vm10 =	vgt.f32 v28, v26  }
0x2a1: {  	v60 =	vld.idx.msk [tilespmem:v57+s9+$0x0], $0xffff;
	v26 =	vsel vm10, v28, v26  }
0x2a2: {  	vm11 =	vgt.f32 v58, v26  }
0x2a3: {  	v31 =	vld.idx.msk [tilespmem:v31+s9+$0x0], $0xffff;
	v26 =	vsel vm11, v58, v26  }
0x2a4: {  	vm12 =	vgt.f32 v59, v26  }
0x2a5: {  	v21 =	vor.u32 $0x7, v21;
	vm1 =	veq.s32 v47, $0x0;
	v26 =	vsel vm12, v59, v26  }
0x2a6: {  	vm15 =	veq.s32 v47, $0x8;
	vm3 =	veq.s32 v47, $0x10;
	vm13 =	vgt.f32 v60, v26  }
0x2a7: {  	vm4 =	veq.s32 v47, $0x18;
	v37 =	vsel vm8, $0x1, v46;
	v26 =	vsel vm13, v60, v26  }
0x2a8: {  	vm5 =	veq.s32 v47, $0x20;
	v33 =	vsel vm9, $0x2, v37;
	vm14 =	vgt.f32 v31, v26  }
0x2a9: {  	vm6 =	veq.s32 v47, $0x28;
	v33 =	vsel vm10, $0x3, v33;
	v26 =	vsel vm14, v31, v26  }
0x2aa: {  	v33 =	vsel vm11, $0x4, v33;
	v27 =	vsel vm1, v26, v27;
	v30 =	vsel vm15, v26, v30  }
0x2ab: {  	vm7 =	veq.s32 v47, $0x30;
	v38 =	vsel vm12, $0x5, v33;
	vm0 =	vgt.f32 v30, v27  }
0x2ac: {  	v28 =	vsel vm13, $0x6, v38;
	v25 =	vsel vm3, v26, v25;
	v40 =	vsel vm0, v30, v27  }
0x2ad: {  	vm13 =	veq.s32 v47, $0x38;
	v28 =	vor.u32 v28, v47;
	vm12 =	vgt.f32 v25, v40  }
0x2ae: {  	v21 =	vsel vm14, v21, v28;
	v22 =	vsel vm4, v26, v22;
	v41 =	vsel vm12, v25, v40  }
0x2af: {  	v11 =	vsel vm5, v26, v11;
	v13 =	vsel vm6, v26, v13;
	vm14 =	vgt.f32 v22, v41  }
0x2b0: {  	v7 =	vsel vm7, v26, v7;
	v17 =	vsel vm13, v26, v17;
	v23 =	vsel vm14, v22, v41  }
0x2b1: {  	v24 =	vsel vm1, v21, v24;
	v20 =	vsel vm15, v21, v20;
	vm15 =	vgt.f32 v11, v23  }
0x2b2: {  	v16 =	vsel vm3, v21, v16;
	v42 =	vsel vm0, v20, v24;
	v23 =	vsel vm15, v11, v23  }
0x2b3: {  	v10 =	vsel vm4, v21, v10;
	v26 =	vsel vm12, v16, v42;
	vm4 =	vgt.f32 v13, v23  }
0x2b4: {  	v15 =	vsel vm5, v21, v15;
	v26 =	vsel vm14, v10, v26;
	v23 =	vsel vm4, v13, v23  }
0x2b5: {  	v8 =	vsel vm6, v21, v8;
	v26 =	vsel vm15, v15, v26;
	vm8 =	vgt.f32 v7, v23  }
0x2b6: {  	v9 =	vsel vm7, v21, v9;
	v26 =	vsel vm4, v8, v26;
	v23 =	vsel vm8, v7, v23  }
0x2b7: {  	v18 =	vsel vm13, v21, v18;
	v43 =	vsel vm8, v9, v26;
	vm9 =	vgt.f32 v17, v23  }
0x2b8: {  	v21 =	vsel vm9, v18, v43  }
0x2b9: {  	v44 =	vand.u32 $0xFFFFFFF8, v21  }
0x2ba: {  	v45 =	vshll.u32 v21, $0x8;
	v47 =	vshll.u32 v44, $0x8  }
0x2bb: {  	v26 =	vadd.s32 v36, v45;
	v28 =	vadd.s32 v36, v47  }
0x2bc: {  	v48 =	vand.u32 $0x7FFFF880, v28  }
0x2bd: {  	v6 =	vor.u32 v48, v6;
	_ =	sdelay $0x1  }
0x2be: {  	v5 =	vor.u32 v48, v5  }
0x2bf: {  	[tilespmem:v26+s9+$0x0] =	vst.idx.msk $0xffff, v39  }
0x2c0: {  	v4 =	vor.u32 v48, v4;
	v26 =	vld.idx.msk [tilespmem:v28+s9+$0x0], $0xffff  }
0x2c1: {  	v6 =	vld.idx.msk [tilespmem:v6+s9+$0x0], $0xffff  }
0x2c2: {  	v3 =	vor.u32 v48, v3  }
0x2c3: {  	v5 =	vld.idx.msk [tilespmem:v5+s9+$0x0], $0xffff  }
0x2c4: {  	v2 =	vor.u32 v48, v2  }
0x2c5: {  	v4 =	vld.idx.msk [tilespmem:v4+s9+$0x0], $0xffff  }
0x2c6: {  	v1 =	vor.u32 v48, v1;
	vm10 =	vgt.f32 v6, v26  }
0x2c7: {  	v3 =	vld.idx.msk [tilespmem:v3+s9+$0x0], $0xffff;
	v6 =	vsel vm10, v6, v26  }
0x2c8: {  	v0 =	vor.u32 v48, v0;
	vm11 =	vgt.f32 v5, v6  }
0x2c9: {  	v2 =	vld.idx.msk [tilespmem:v2+s9+$0x0], $0xffff;
	v5 =	vsel vm11, v5, v6  }
0x2ca: {  	vm12 =	vgt.f32 v4, v5  }
0x2cb: {  	v1 =	vld.idx.msk [tilespmem:v1+s9+$0x0], $0xffff;
	v4 =	vsel vm12, v4, v5  }
0x2cc: {  	vm13 =	vgt.f32 v3, v4  }
0x2cd: {  	v0 =	vld.idx.msk [tilespmem:v0+s9+$0x0], $0xffff;
	v3 =	vsel vm13, v3, v4  }
0x2ce: {  	vm14 =	vgt.f32 v2, v3  }
0x2cf: {  	v50 =	vor.u32 $0x7, v21;
	vm9 =	veq.s32 v44, $0x0;
	v2 =	vsel vm14, v2, v3  }
0x2d0: {  	vm5 =	veq.s32 v44, $0x28;
	v3 =	vsel vm10, $0x1, v46;
	vm15 =	vgt.f32 v1, v2  }
0x2d1: {  	vm7 =	veq.s32 v44, $0x30;
	v1 =	vsel vm15, v1, v2;
	v2 =	vsel vm11, $0x2, v3  }
0x2d2: {  	vm10 =	veq.s32 v44, $0x8;
	v2 =	vsel vm12, $0x3, v2;
	vm8 =	vgt.f32 v0, v1  }
0x2d3: {  	vm12 =	veq.s32 v44, $0x10;
	v0 =	vsel vm8, v0, v1;
	v1 =	vsel vm13, $0x4, v2  }
0x2d4: {  	vm13 =	veq.s32 v44, $0x18;
	v2 =	vsel vm9, v0, v27;
	v3 =	vsel vm10, v0, v30  }
0x2d5: {  	v1 =	vsel vm14, $0x5, v1;
	v51 =	vsel vm12, v0, v25;
	vm11 =	vgt.f32 v3, v2  }
0x2d6: {  	v53 =	vsel vm13, v0, v22;
	v57 =	vsel vm5, v0, v13;
	v2 =	vsel vm11, v3, v2  }
0x2d7: {  	v59 =	vsel vm7, v0, v7;
	v1 =	vsel vm15, $0x6, v1;
	vm14 =	vgt.f32 v51, v2  }
0x2d8: {  	vm15 =	veq.s32 v44, $0x20;
	v1 =	vor.u32 v1, v44;
	v2 =	vsel vm14, v51, v2  }
0x2d9: {  	v55 =	vsel vm15, v0, v11;
	v1 =	vsel vm8, v50, v1;
	vm4 =	vgt.f32 v53, v2  }
0x2da: {  	v3 =	vsel vm9, v1, v24;
	v4 =	vsel vm10, v1, v20;
	v2 =	vsel vm4, v53, v2  }
0x2db: {  	v52 =	vsel vm12, v1, v16;
	v54 =	vsel vm13, v1, v10;
	vm6 =	vgt.f32 v55, v2  }
0x2dc: {  	v56 =	vsel vm15, v1, v15;
	v3 =	vsel vm11, v4, v3;
	v2 =	vsel vm6, v55, v2  }
0x2dd: {  	v58 =	vsel vm5, v1, v8;
	v3 =	vsel vm14, v52, v3;
	vm8 =	vgt.f32 v57, v2  }
0x2de: {  	vm9 =	veq.s32 v44, $0x38;
	v3 =	vsel vm4, v54, v3;
	v2 =	vsel vm8, v57, v2  }
0x2df: {  	v60 =	vsel vm7, v1, v9;
	v3 =	vsel vm6, v56, v3;
	vm10 =	vgt.f32 v59, v2  }
0x2e0: {  	v0 =	vsel vm9, v0, v17;
	v3 =	vsel vm8, v58, v3;
	v2 =	vsel vm10, v59, v2  }
0x2e1: {  	vm11 =	vgt.f32 v0, v2;
	v0 =	vsel vm9, v1, v18;
	v1 =	vsel vm10, v60, v3  }
0x2e2: {  	v0 =	vsel vm11, v0, v1  }
0x2e3: {  	v0 =	vshll.u32 v0, $0x8  }
0x2e4: {  	v0 =	vadd.s32 v36, v0;
	_ =	sdelay $0x4  }
0x2e5: {  	v2 =	vld [tilespmem:$0x1FC90];
	[tilespmem:v0+s9+$0x0] =	vst.idx.msk $0xffff, v39  }
0x2e6: {  	v0 =	vld [tilespmem:s12+$0x0]  }
0x2e7: {  	v1 =	vld.idx.msk [tilespmem:v12+s2+$0x0], $0xffff;
	_ =	sdelay $0x3  }
0x2e8: {  	vm12 =	veq.f32 v0, $-1.000000000e+00  }
0x2e9: {  	v0 =	vnsel vm12, $0x0, v1  }
0x2ea: {  	[tilespmem:v12+s2+$0x0] =	vst.idx.msk $0xffff, v0  }
0x2eb: {  	v0 =	vld [tilespmem:s14+$0x8100]  }
0x2ec: {  	v1 =	vld.idx.msk [tilespmem:v2+s2+$0x0], $0xffff;
	_ =	sdelay $0x3  }
0x2ed: {  	vm13 =	veq.f32 v0, $-1.000000000e+00  }
0x2ee: {  	v0 =	vnsel vm13, $0x0, v1  }
0x2ef: {  	[tilespmem:v2+s2+$0x0] =	vst.idx.msk $0xffff, v0;
	v2 =	vld [tilespmem:$0x1FCA0];
	_ =	sdelay $0x6  }
0x2f0: {  	v0 =	vld [tilespmem:s14+$0x8200]  }
0x2f1: {  	v1 =	vld.idx.msk [tilespmem:v2+s2+$0x0], $0xffff;
	_ =	sdelay $0x3  }
0x2f2: {  	vm14 =	veq.f32 v0, $-1.000000000e+00  }
0x2f3: {  	v0 =	vnsel vm14, $0x0, v1  }
0x2f4: {  	[tilespmem:v2+s2+$0x0] =	vst.idx.msk $0xffff, v0;
	v2 =	vld [tilespmem:$0x1FCB0];
	_ =	sdelay $0x6  }
0x2f5: {  	v0 =	vld [tilespmem:s14+$0x8300]  }
0x2f6: {  	v1 =	vld.idx.msk [tilespmem:v2+s2+$0x0], $0xffff;
	_ =	sdelay $0x3  }
0x2f7: {  	vm15 =	veq.f32 v0, $-1.000000000e+00  }
0x2f8: {  	v0 =	vnsel vm15, $0x0, v1  }
0x2f9: {  	[tilespmem:v2+s2+$0x0] =	vst.idx.msk $0xffff, v0;
	v2 =	vld [tilespmem:$0x1FCC0];
	_ =	sdelay $0x6  }
0x2fa: {  	v0 =	vld [tilespmem:s14+$0x8400]  }
0x2fb: {  	v1 =	vld.idx.msk [tilespmem:v2+s2+$0x0], $0xffff;
	_ =	sdelay $0x3  }
0x2fc: {  	vm4 =	veq.f32 v0, $-1.000000000e+00  }
0x2fd: {  	v0 =	vnsel vm4, $0x0, v1  }
0x2fe: {  	[tilespmem:v2+s2+$0x0] =	vst.idx.msk $0xffff, v0;
	v2 =	vld [tilespmem:$0x1FCD0];
	_ =	sdelay $0x6  }
0x2ff: {  	v0 =	vld [tilespmem:s14+$0x8500]  }
0x300: {  	v1 =	vld.idx.msk [tilespmem:v2+s2+$0x0], $0xffff;
	_ =	sdelay $0x3  }
0x301: {  	vm5 =	veq.f32 v0, $-1.000000000e+00  }
0x302: {  	v0 =	vnsel vm5, $0x0, v1  }
0x303: {  	[tilespmem:v2+s2+$0x0] =	vst.idx.msk $0xffff, v0;
	v2 =	vld [tilespmem:$0x1FCE0];
	_ =	sdelay $0x6  }
0x304: {  	v0 =	vld [tilespmem:s14+$0x8600]  }
0x305: {  	v1 =	vld.idx.msk [tilespmem:v2+s2+$0x0], $0xffff;
	_ =	sdelay $0x3  }
0x306: {  	vm6 =	veq.f32 v0, $-1.000000000e+00  }
0x307: {  	v0 =	vnsel vm6, $0x0, v1  }
0x308: {  	[tilespmem:v2+s2+$0x0] =	vst.idx.msk $0xffff, v0;
	v2 =	vld [tilespmem:$0x1FCF0];
	_ =	sdelay $0x6  }
0x309: {  	v0 =	vld [tilespmem:s14+$0x8700]  }
0x30a: {  	v1 =	vld.idx.msk [tilespmem:v2+s2+$0x0], $0xffff;
	_ =	sdelay $0x3  }
0x30b: {  	vm7 =	veq.f32 v0, $-1.000000000e+00  }
0x30c: {  	v0 =	vnsel vm7, $0x0, v1  }
0x30d: {  	[tilespmem:v2+s2+$0x0] =	vst.idx.msk $0xffff, v0;
	v2 =	vld [tilespmem:$0x1FD00];
	_ =	sdelay $0x6  }
0x30e: {  	v0 =	vld [tilespmem:s14+$0x8800]  }
0x30f: {  	v1 =	vld.idx.msk [tilespmem:v2+s2+$0x0], $0xffff;
	_ =	sdelay $0x3  }
0x310: {  	vm8 =	veq.f32 v0, $-1.000000000e+00  }
0x311: {  	v0 =	vnsel vm8, $0x0, v1  }
0x312: {  	[tilespmem:v2+s2+$0x0] =	vst.idx.msk $0xffff, v0;
	v2 =	vld [tilespmem:$0x1FD10];
	_ =	sdelay $0x6  }
0x313: {  	v0 =	vld [tilespmem:s14+$0x8900]  }
0x314: {  	v1 =	vld.idx.msk [tilespmem:v2+s2+$0x0], $0xffff;
	_ =	sdelay $0x3  }
0x315: {  	vm9 =	veq.f32 v0, $-1.000000000e+00  }
0x316: {  	v0 =	vnsel vm9, $0x0, v1  }
0x317: {  	[tilespmem:v2+s2+$0x0] =	vst.idx.msk $0xffff, v0;
	v2 =	vld [tilespmem:$0x1FD20];
	_ =	sdelay $0x6  }
0x318: {  	v0 =	vld [tilespmem:s14+$0x8A00]  }
0x319: {  	v1 =	vld.idx.msk [tilespmem:v2+s2+$0x0], $0xffff;
	_ =	sdelay $0x3  }
0x31a: {  	vm10 =	veq.f32 v0, $-1.000000000e+00  }
0x31b: {  	v0 =	vnsel vm10, $0x0, v1  }
0x31c: {  	[tilespmem:v2+s2+$0x0] =	vst.idx.msk $0xffff, v0;
	v2 =	vld [tilespmem:$0x1FD30];
	_ =	sdelay $0x6  }
0x31d: {  	v0 =	vld [tilespmem:s14+$0x8B00]  }
0x31e: {  	v1 =	vld.idx.msk [tilespmem:v2+s2+$0x0], $0xffff;
	_ =	sdelay $0x3  }
0x31f: {  	vm11 =	veq.f32 v0, $-1.000000000e+00  }
0x320: {  	v0 =	vnsel vm11, $0x0, v1  }
0x321: {  	[tilespmem:v2+s2+$0x0] =	vst.idx.msk $0xffff, v0;
	v2 =	vld [tilespmem:$0x1FD40];
	_ =	sdelay $0x6  }
0x322: {  	v0 =	vld [tilespmem:s14+$0x8C00]  }
0x323: {  	v1 =	vld.idx.msk [tilespmem:v2+s2+$0x0], $0xffff;
	_ =	sdelay $0x3  }
0x324: {  	vm12 =	veq.f32 v0, $-1.000000000e+00  }
0x325: {  	v0 =	vnsel vm12, $0x0, v1  }
0x326: {  	[tilespmem:v2+s2+$0x0] =	vst.idx.msk $0xffff, v0;
	v2 =	vld [tilespmem:$0x1FD50];
	_ =	sdelay $0x6  }
0x327: {  	v0 =	vld [tilespmem:s14+$0x8D00]  }
0x328: {  	v1 =	vld.idx.msk [tilespmem:v2+s2+$0x0], $0xffff;
	_ =	sdelay $0x3  }
0x329: {  	vm13 =	veq.f32 v0, $-1.000000000e+00  }
0x32a: {  	v0 =	vnsel vm13, $0x0, v1  }
0x32b: {  	[tilespmem:v2+s2+$0x0] =	vst.idx.msk $0xffff, v0;
	v2 =	vld [tilespmem:$0x1FD60];
	_ =	sdelay $0x6  }
0x32c: {  	v0 =	vld [tilespmem:s14+$0x8E00]  }
0x32d: {  	v1 =	vld.idx.msk [tilespmem:v2+s2+$0x0], $0xffff;
	_ =	sdelay $0x3  }
0x32e: {  	vm14 =	veq.f32 v0, $-1.000000000e+00  }
0x32f: {  	v0 =	vnsel vm14, $0x0, v1  }
0x330: {  	[tilespmem:v2+s2+$0x0] =	vst.idx.msk $0xffff, v0;
	v2 =	vld [tilespmem:$0x1FD70];
	_ =	sdelay $0x6  }
0x331: {  	v0 =	vld [tilespmem:s14+$0x8F00]  }
0x332: {  	v1 =	vld.idx.msk [tilespmem:v2+s2+$0x0], $0xffff;
	_ =	sdelay $0x3  }
0x333: {  	vm15 =	veq.f32 v0, $-1.000000000e+00  }
0x334: {  	v0 =	vnsel vm15, $0x0, v1  }
0x335: {  	[tilespmem:v2+s2+$0x0] =	vst.idx.msk $0xffff, v0;
	v2 =	vld [tilespmem:$0x1FD80];
	_ =	sdelay $0x6  }
0x336: {  	v0 =	vld [tilespmem:s14+$0x9000]  }
0x337: {  	v1 =	vld.idx.msk [tilespmem:v2+s2+$0x0], $0xffff;
	_ =	sdelay $0x3  }
0x338: {  	vm4 =	veq.f32 v0, $-1.000000000e+00  }
0x339: {  	v0 =	vnsel vm4, $0x0, v1  }
0x33a: {  	[tilespmem:v2+s2+$0x0] =	vst.idx.msk $0xffff, v0;
	v2 =	vld [tilespmem:$0x1FD90];
	_ =	sdelay $0x6  }
0x33b: {  	v0 =	vld [tilespmem:s14+$0x9100]  }
0x33c: {  	v1 =	vld.idx.msk [tilespmem:v2+s2+$0x0], $0xffff;
	_ =	sdelay $0x3  }
0x33d: {  	vm5 =	veq.f32 v0, $-1.000000000e+00  }
0x33e: {  	v0 =	vnsel vm5, $0x0, v1  }
0x33f: {  	[tilespmem:v2+s2+$0x0] =	vst.idx.msk $0xffff, v0;
	v2 =	vld [tilespmem:$0x1FDA0];
	_ =	sdelay $0x6  }
0x340: {  	v0 =	vld [tilespmem:s14+$0x9200]  }
0x341: {  	v1 =	vld.idx.msk [tilespmem:v2+s2+$0x0], $0xffff;
	_ =	sdelay $0x3  }
0x342: {  	vm6 =	veq.f32 v0, $-1.000000000e+00  }
0x343: {  	v0 =	vnsel vm6, $0x0, v1  }
0x344: {  	[tilespmem:v2+s2+$0x0] =	vst.idx.msk $0xffff, v0;
	v2 =	vld [tilespmem:$0x1FDB0];
	_ =	sdelay $0x6  }
0x345: {  	v0 =	vld [tilespmem:s14+$0x9300]  }
0x346: {  	v1 =	vld.idx.msk [tilespmem:v2+s2+$0x0], $0xffff;
	_ =	sdelay $0x3  }
0x347: {  	vm7 =	veq.f32 v0, $-1.000000000e+00  }
0x348: {  	v0 =	vnsel vm7, $0x0, v1  }
0x349: {  	[tilespmem:v2+s2+$0x0] =	vst.idx.msk $0xffff, v0;
	v2 =	vld [tilespmem:$0x1FDC0];
	_ =	sdelay $0x6  }
0x34a: {  	v0 =	vld [tilespmem:s14+$0x9400]  }
0x34b: {  	v1 =	vld.idx.msk [tilespmem:v2+s2+$0x0], $0xffff;
	_ =	sdelay $0x3  }
0x34c: {  	vm8 =	veq.f32 v0, $-1.000000000e+00  }
0x34d: {  	v0 =	vnsel vm8, $0x0, v1  }
0x34e: {  	[tilespmem:v2+s2+$0x0] =	vst.idx.msk $0xffff, v0;
	v2 =	vld [tilespmem:$0x1FDD0];
	_ =	sdelay $0x6  }
0x34f: {  	v0 =	vld [tilespmem:s14+$0x9500]  }
0x350: {  	v1 =	vld.idx.msk [tilespmem:v2+s2+$0x0], $0xffff;
	_ =	sdelay $0x3  }
0x351: {  	vm9 =	veq.f32 v0, $-1.000000000e+00  }
0x352: {  	v0 =	vnsel vm9, $0x0, v1  }
0x353: {  	[tilespmem:v2+s2+$0x0] =	vst.idx.msk $0xffff, v0;
	v2 =	vld [tilespmem:$0x1FDE0];
	_ =	sdelay $0x6  }
0x354: {  	v0 =	vld [tilespmem:s14+$0x9600]  }
0x355: {  	v1 =	vld.idx.msk [tilespmem:v2+s2+$0x0], $0xffff;
	_ =	sdelay $0x3  }
0x356: {  	vm10 =	veq.f32 v0, $-1.000000000e+00  }
0x357: {  	v0 =	vnsel vm10, $0x0, v1  }
0x358: {  	[tilespmem:v2+s2+$0x0] =	vst.idx.msk $0xffff, v0;
	v2 =	vld [tilespmem:$0x1FDF0];
	_ =	sdelay $0x6  }
0x359: {  	v0 =	vld [tilespmem:s14+$0x9700]  }
0x35a: {  	v1 =	vld.idx.msk [tilespmem:v2+s2+$0x0], $0xffff;
	_ =	sdelay $0x3  }
0x35b: {  	vm11 =	veq.f32 v0, $-1.000000000e+00  }
0x35c: {  	v0 =	vnsel vm11, $0x0, v1  }
0x35d: {  	[tilespmem:v2+s2+$0x0] =	vst.idx.msk $0xffff, v0;
	v2 =	vld [tilespmem:$0x1FE00];
	_ =	sdelay $0x6  }
0x35e: {  	v0 =	vld [tilespmem:s14+$0x9800]  }
0x35f: {  	v1 =	vld.idx.msk [tilespmem:v2+s2+$0x0], $0xffff;
	_ =	sdelay $0x3  }
0x360: {  	vm12 =	veq.f32 v0, $-1.000000000e+00  }
0x361: {  	v0 =	vnsel vm12, $0x0, v1  }
0x362: {  	[tilespmem:v2+s2+$0x0] =	vst.idx.msk $0xffff, v0;
	v2 =	vld [tilespmem:$0x1FE10];
	_ =	sdelay $0x6  }
0x363: {  	v0 =	vld [tilespmem:s14+$0x9900]  }
0x364: {  	v1 =	vld.idx.msk [tilespmem:v2+s2+$0x0], $0xffff;
	_ =	sdelay $0x3  }
0x365: {  	vm13 =	veq.f32 v0, $-1.000000000e+00  }
0x366: {  	v0 =	vnsel vm13, $0x0, v1  }
0x367: {  	[tilespmem:v2+s2+$0x0] =	vst.idx.msk $0xffff, v0;
	v2 =	vld [tilespmem:$0x1FE20];
	_ =	sdelay $0x6  }
0x368: {  	v0 =	vld [tilespmem:s14+$0x9A00]  }
0x369: {  	v1 =	vld.idx.msk [tilespmem:v2+s2+$0x0], $0xffff;
	_ =	sdelay $0x3  }
0x36a: {  	vm14 =	veq.f32 v0, $-1.000000000e+00  }
0x36b: {  	v0 =	vnsel vm14, $0x0, v1  }
0x36c: {  	[tilespmem:v2+s2+$0x0] =	vst.idx.msk $0xffff, v0;
	v2 =	vld [tilespmem:$0x1FE30];
	_ =	sdelay $0x6  }
0x36d: {  	v0 =	vld [tilespmem:s14+$0x9B00]  }
0x36e: {  	v1 =	vld.idx.msk [tilespmem:v2+s2+$0x0], $0xffff;
	_ =	sdelay $0x3  }
0x36f: {  	vm15 =	veq.f32 v0, $-1.000000000e+00  }
0x370: {  	v0 =	vnsel vm15, $0x0, v1  }
0x371: {  	[tilespmem:v2+s2+$0x0] =	vst.idx.msk $0xffff, v0;
	v2 =	vld [tilespmem:$0x1FE40];
	_ =	sdelay $0x6  }
0x372: {  	v0 =	vld [tilespmem:s14+$0x9C00]  }
0x373: {  	v1 =	vld.idx.msk [tilespmem:v2+s2+$0x0], $0xffff;
	_ =	sdelay $0x3  }
0x374: {  	vm4 =	veq.f32 v0, $-1.000000000e+00  }
0x375: {  	v0 =	vnsel vm4, $0x0, v1  }
0x376: {  	[tilespmem:v2+s2+$0x0] =	vst.idx.msk $0xffff, v0;
	v2 =	vld [tilespmem:$0x1FE50];
	_ =	sdelay $0x6  }
0x377: {  	v0 =	vld [tilespmem:s14+$0x9D00]  }
0x378: {  	v1 =	vld.idx.msk [tilespmem:v2+s2+$0x0], $0xffff;
	_ =	sdelay $0x3  }
0x379: {  	vm5 =	veq.f32 v0, $-1.000000000e+00  }
0x37a: {  	v0 =	vnsel vm5, $0x0, v1  }
0x37b: {  	[tilespmem:v2+s2+$0x0] =	vst.idx.msk $0xffff, v0;
	v2 =	vld [tilespmem:$0x1FE60];
	_ =	sdelay $0x6  }
0x37c: {  	v0 =	vld [tilespmem:s14+$0x9E00]  }
0x37d: {  	v1 =	vld.idx.msk [tilespmem:v2+s2+$0x0], $0xffff;
	_ =	sdelay $0x3  }
0x37e: {  	vm6 =	veq.f32 v0, $-1.000000000e+00  }
0x37f: {  	v0 =	vnsel vm6, $0x0, v1  }
0x380: {  	[tilespmem:v2+s2+$0x0] =	vst.idx.msk $0xffff, v0;
	v2 =	vld [tilespmem:$0x1FE70];
	_ =	sdelay $0x6  }
0x381: {  	v0 =	vld [tilespmem:s14+$0x9F00]  }
0x382: {  	v1 =	vld.idx.msk [tilespmem:v2+s2+$0x0], $0xffff;
	_ =	sdelay $0x3  }
0x383: {  	vm7 =	veq.f32 v0, $-1.000000000e+00  }
0x384: {  	v0 =	vnsel vm7, $0x0, v1  }
0x385: {  	[tilespmem:v2+s2+$0x0] =	vst.idx.msk $0xffff, v0;
	v2 =	vld [tilespmem:$0x1FE80];
	_ =	sdelay $0x6  }
0x386: {  	v0 =	vld [tilespmem:s14+$0xA000]  }
0x387: {  	v1 =	vld.idx.msk [tilespmem:v2+s2+$0x0], $0xffff;
	_ =	sdelay $0x3  }
0x388: {  	vm8 =	veq.f32 v0, $-1.000000000e+00  }
0x389: {  	v0 =	vnsel vm8, $0x0, v1  }
0x38a: {  	[tilespmem:v2+s2+$0x0] =	vst.idx.msk $0xffff, v0;
	v2 =	vld [tilespmem:$0x1FE90];
	_ =	sdelay $0x6  }
0x38b: {  	v0 =	vld [tilespmem:s14+$0xA100]  }
0x38c: {  	v1 =	vld.idx.msk [tilespmem:v2+s2+$0x0], $0xffff;
	_ =	sdelay $0x3  }
0x38d: {  	vm9 =	veq.f32 v0, $-1.000000000e+00  }
0x38e: {  	v0 =	vnsel vm9, $0x0, v1  }
0x38f: {  	[tilespmem:v2+s2+$0x0] =	vst.idx.msk $0xffff, v0;
	v2 =	vld [tilespmem:$0x1FEA0];
	_ =	sdelay $0x6  }
0x390: {  	v0 =	vld [tilespmem:s14+$0xA200]  }
0x391: {  	v1 =	vld.idx.msk [tilespmem:v2+s2+$0x0], $0xffff;
	_ =	sdelay $0x3  }
0x392: {  	vm10 =	veq.f32 v0, $-1.000000000e+00  }
0x393: {  	v0 =	vnsel vm10, $0x0, v1  }
0x394: {  	[tilespmem:v2+s2+$0x0] =	vst.idx.msk $0xffff, v0;
	v2 =	vld [tilespmem:$0x1FEB0];
	_ =	sdelay $0x6  }
0x395: {  	v0 =	vld [tilespmem:s14+$0xA300]  }
0x396: {  	v1 =	vld.idx.msk [tilespmem:v2+s2+$0x0], $0xffff;
	_ =	sdelay $0x3  }
0x397: {  	vm11 =	veq.f32 v0, $-1.000000000e+00  }
0x398: {  	v0 =	vnsel vm11, $0x0, v1  }
0x399: {  	[tilespmem:v2+s2+$0x0] =	vst.idx.msk $0xffff, v0;
	v2 =	vld [tilespmem:$0x1FEC0];
	_ =	sdelay $0x6  }
0x39a: {  	v0 =	vld [tilespmem:s14+$0xA400]  }
0x39b: {  	v1 =	vld.idx.msk [tilespmem:v2+s2+$0x0], $0xffff;
	_ =	sdelay $0x3  }
0x39c: {  	vm12 =	veq.f32 v0, $-1.000000000e+00  }
0x39d: {  	v0 =	vnsel vm12, $0x0, v1  }
0x39e: {  	[tilespmem:v2+s2+$0x0] =	vst.idx.msk $0xffff, v0;
	v2 =	vld [tilespmem:$0x1FED0];
	_ =	sdelay $0x6  }
0x39f: {  	v0 =	vld [tilespmem:s14+$0xA500]  }
0x3a0: {  	v1 =	vld.idx.msk [tilespmem:v2+s2+$0x0], $0xffff;
	_ =	sdelay $0x3  }
0x3a1: {  	vm13 =	veq.f32 v0, $-1.000000000e+00  }
0x3a2: {  	v0 =	vnsel vm13, $0x0, v1  }
0x3a3: {  	[tilespmem:v2+s2+$0x0] =	vst.idx.msk $0xffff, v0;
	v2 =	vld [tilespmem:$0x1FEE0];
	_ =	sdelay $0x6  }
0x3a4: {  	v0 =	vld [tilespmem:s14+$0xA600]  }
0x3a5: {  	v1 =	vld.idx.msk [tilespmem:v2+s2+$0x0], $0xffff;
	_ =	sdelay $0x3  }
0x3a6: {  	vm14 =	veq.f32 v0, $-1.000000000e+00  }
0x3a7: {  	v0 =	vnsel vm14, $0x0, v1  }
0x3a8: {  	[tilespmem:v2+s2+$0x0] =	vst.idx.msk $0xffff, v0;
	v2 =	vld [tilespmem:$0x1FEF0];
	_ =	sdelay $0x6  }
0x3a9: {  	v0 =	vld [tilespmem:s14+$0xA700]  }
0x3aa: {  	v1 =	vld.idx.msk [tilespmem:v2+s2+$0x0], $0xffff;
	_ =	sdelay $0x3  }
0x3ab: {  	vm15 =	veq.f32 v0, $-1.000000000e+00  }
0x3ac: {  	v0 =	vnsel vm15, $0x0, v1  }
0x3ad: {  	[tilespmem:v2+s2+$0x0] =	vst.idx.msk $0xffff, v0;
	v2 =	vld [tilespmem:$0x1FF00];
	_ =	sdelay $0x6  }
0x3ae: {  	v0 =	vld [tilespmem:s14+$0xA800]  }
0x3af: {  	v1 =	vld.idx.msk [tilespmem:v2+s2+$0x0], $0xffff;
	_ =	sdelay $0x3  }
0x3b0: {  	vm4 =	veq.f32 v0, $-1.000000000e+00  }
0x3b1: {  	v0 =	vnsel vm4, $0x0, v1  }
0x3b2: {  	[tilespmem:v2+s2+$0x0] =	vst.idx.msk $0xffff, v0;
	v2 =	vld [tilespmem:$0x1FF10];
	_ =	sdelay $0x6  }
0x3b3: {  	v0 =	vld [tilespmem:s14+$0xA900]  }
0x3b4: {  	v1 =	vld.idx.msk [tilespmem:v2+s2+$0x0], $0xffff;
	_ =	sdelay $0x3  }
0x3b5: {  	vm5 =	veq.f32 v0, $-1.000000000e+00  }
0x3b6: {  	v0 =	vnsel vm5, $0x0, v1  }
0x3b7: {  	[tilespmem:v2+s2+$0x0] =	vst.idx.msk $0xffff, v0;
	v2 =	vld [tilespmem:$0x1FF20];
	_ =	sdelay $0x6  }
0x3b8: {  	v0 =	vld [tilespmem:s14+$0xAA00]  }
0x3b9: {  	v1 =	vld.idx.msk [tilespmem:v2+s2+$0x0], $0xffff;
	_ =	sdelay $0x3  }
0x3ba: {  	vm6 =	veq.f32 v0, $-1.000000000e+00  }
0x3bb: {  	v0 =	vnsel vm6, $0x0, v1  }
0x3bc: {  	[tilespmem:v2+s2+$0x0] =	vst.idx.msk $0xffff, v0;
	v2 =	vld [tilespmem:$0x1FF30];
	_ =	sdelay $0x6  }
0x3bd: {  	v0 =	vld [tilespmem:s14+$0xAB00]  }
0x3be: {  	v1 =	vld.idx.msk [tilespmem:v2+s2+$0x0], $0xffff;
	_ =	sdelay $0x3  }
0x3bf: {  	vm7 =	veq.f32 v0, $-1.000000000e+00  }
0x3c0: {  	v0 =	vnsel vm7, $0x0, v1  }
0x3c1: {  	[tilespmem:v2+s2+$0x0] =	vst.idx.msk $0xffff, v0;
	v2 =	vld [tilespmem:$0x1FF40];
	_ =	sdelay $0x6  }
0x3c2: {  	v0 =	vld [tilespmem:s14+$0xAC00]  }
0x3c3: {  	v1 =	vld.idx.msk [tilespmem:v2+s2+$0x0], $0xffff;
	_ =	sdelay $0x3  }
0x3c4: {  	vm8 =	veq.f32 v0, $-1.000000000e+00  }
0x3c5: {  	v0 =	vnsel vm8, $0x0, v1  }
0x3c6: {  	[tilespmem:v2+s2+$0x0] =	vst.idx.msk $0xffff, v0;
	v2 =	vld [tilespmem:$0x1FF50];
	_ =	sdelay $0x6  }
0x3c7: {  	v0 =	vld [tilespmem:s14+$0xAD00]  }
0x3c8: {  	v1 =	vld.idx.msk [tilespmem:v2+s2+$0x0], $0xffff;
	_ =	sdelay $0x3  }
0x3c9: {  	vm9 =	veq.f32 v0, $-1.000000000e+00  }
0x3ca: {  	v0 =	vnsel vm9, $0x0, v1  }
0x3cb: {  	[tilespmem:v2+s2+$0x0] =	vst.idx.msk $0xffff, v0;
	v2 =	vld [tilespmem:$0x1FF60];
	_ =	sdelay $0x6  }
0x3cc: {  	v0 =	vld [tilespmem:s14+$0xAE00]  }
0x3cd: {  	v1 =	vld.idx.msk [tilespmem:v2+s2+$0x0], $0xffff;
	_ =	sdelay $0x3  }
0x3ce: {  	vm10 =	veq.f32 v0, $-1.000000000e+00  }
0x3cf: {  	v0 =	vnsel vm10, $0x0, v1  }
0x3d0: {  	[tilespmem:v2+s2+$0x0] =	vst.idx.msk $0xffff, v0;
	v2 =	vld [tilespmem:$0x1FF70];
	_ =	sdelay $0x6  }
0x3d1: {  	v0 =	vld [tilespmem:s14+$0xAF00]  }
0x3d2: {  	v1 =	vld.idx.msk [tilespmem:v2+s2+$0x0], $0xffff;
	_ =	sdelay $0x3  }
0x3d3: {  	vm11 =	veq.f32 v0, $-1.000000000e+00  }
0x3d4: {  	v0 =	vnsel vm11, $0x0, v1  }
0x3d5: {  	[tilespmem:v2+s2+$0x0] =	vst.idx.msk $0xffff, v0;
	v2 =	vld [tilespmem:$0x1FF80];
	_ =	sdelay $0x6  }
0x3d6: {  	v0 =	vld [tilespmem:s14+$0xB000]  }
0x3d7: {  	v1 =	vld.idx.msk [tilespmem:v2+s2+$0x0], $0xffff;
	_ =	sdelay $0x3  }
0x3d8: {  	vm12 =	veq.f32 v0, $-1.000000000e+00  }
0x3d9: {  	v0 =	vnsel vm12, $0x0, v1  }
0x3da: {  	[tilespmem:v2+s2+$0x0] =	vst.idx.msk $0xffff, v0;
	v2 =	vld [tilespmem:$0x1FF90];
	_ =	sdelay $0x6  }
0x3db: {  	v0 =	vld [tilespmem:s14+$0xB100]  }
0x3dc: {  	v1 =	vld.idx.msk [tilespmem:v2+s2+$0x0], $0xffff;
	_ =	sdelay $0x3  }
0x3dd: {  	vm13 =	veq.f32 v0, $-1.000000000e+00  }
0x3de: {  	v0 =	vnsel vm13, $0x0, v1  }
0x3df: {  	[tilespmem:v2+s2+$0x0] =	vst.idx.msk $0xffff, v0;
	v2 =	vld [tilespmem:$0x1FFA0];
	_ =	sdelay $0x6  }
0x3e0: {  	v0 =	vld [tilespmem:s14+$0xB200]  }
0x3e1: {  	v1 =	vld.idx.msk [tilespmem:v2+s2+$0x0], $0xffff;
	_ =	sdelay $0x3  }
0x3e2: {  	vm14 =	veq.f32 v0, $-1.000000000e+00  }
0x3e3: {  	v0 =	vnsel vm14, $0x0, v1  }
0x3e4: {  	[tilespmem:v2+s2+$0x0] =	vst.idx.msk $0xffff, v0;
	v2 =	vld [tilespmem:$0x1FFB0];
	_ =	sdelay $0x6  }
0x3e5: {  	v0 =	vld [tilespmem:s14+$0xB300]  }
0x3e6: {  	v1 =	vld.idx.msk [tilespmem:v2+s2+$0x0], $0xffff;
	_ =	sdelay $0x3  }
0x3e7: {  	vm15 =	veq.f32 v0, $-1.000000000e+00  }
0x3e8: {  	v0 =	vnsel vm15, $0x0, v1  }
0x3e9: {  	[tilespmem:v2+s2+$0x0] =	vst.idx.msk $0xffff, v0;
	v2 =	vld [tilespmem:$0x1FFC0];
	_ =	sdelay $0x6  }
0x3ea: {  	v0 =	vld [tilespmem:s14+$0xB400]  }
0x3eb: {  	v1 =	vld.idx.msk [tilespmem:v2+s2+$0x0], $0xffff;
	_ =	sdelay $0x3  }
0x3ec: {  	vm4 =	veq.f32 v0, $-1.000000000e+00  }
0x3ed: {  	v0 =	vnsel vm4, $0x0, v1  }
0x3ee: {  	[tilespmem:v2+s2+$0x0] =	vst.idx.msk $0xffff, v0;
	v2 =	vld [tilespmem:$0x1FFD0];
	_ =	sdelay $0x6  }
0x3ef: {  	v0 =	vld [tilespmem:s14+$0xB500]  }
0x3f0: {  	v1 =	vld.idx.msk [tilespmem:v2+s2+$0x0], $0xffff;
	_ =	sdelay $0x3  }
0x3f1: {  	vm5 =	veq.f32 v0, $-1.000000000e+00  }
0x3f2: {  	v0 =	vnsel vm5, $0x0, v1  }
0x3f3: {  	[tilespmem:v2+s2+$0x0] =	vst.idx.msk $0xffff, v0;
	v2 =	vld [tilespmem:$0x1FFE0];
	_ =	sdelay $0x6  }
0x3f4: {  	v0 =	vld [tilespmem:s14+$0xB600]  }
0x3f5: {  	v1 =	vld.idx.msk [tilespmem:v2+s2+$0x0], $0xffff;
	_ =	sdelay $0x3  }
0x3f6: {  	vm6 =	veq.f32 v0, $-1.000000000e+00  }
0x3f7: {  	v0 =	vnsel vm6, $0x0, v1  }
0x3f8: {  	[tilespmem:v2+s2+$0x0] =	vst.idx.msk $0xffff, v0;
	v2 =	vld [tilespmem:$0x1FFF0];
	_ =	sdelay $0x6  }
0x3f9: {  	v0 =	vld [tilespmem:s14+$0xB700]  }
0x3fa: {  	v1 =	vld.idx.msk [tilespmem:v2+s2+$0x0], $0xffff;
	_ =	sdelay $0x3  }
0x3fb: {  	vm7 =	veq.f32 v0, $-1.000000000e+00  }
0x3fc: {  	v0 =	vnsel vm7, $0x0, v1  }
0x3fd: {  	[tilespmem:v2+s2+$0x0] =	vst.idx.msk $0xffff, v0  }
0x3fe: {  	v0 =	vld [tilespmem:s14+$0xB800]  }
0x3ff: {  	v1 =	vld.idx.msk [tilespmem:v63+s2+$0x0], $0xffff;
	_ =	sdelay $0x3  }
0x400: {  	vm8 =	veq.f32 v0, $-1.000000000e+00  }
0x401: {  	v0 =	vnsel vm8, $0x0, v1  }
0x402: {  	[tilespmem:v63+s2+$0x0] =	vst.idx.msk $0xffff, v0  }
0x403: {  	v0 =	vld [tilespmem:s14+$0xB900]  }
0x404: {  	v1 =	vld.idx.msk [tilespmem:v62+s2+$0x0], $0xffff;
	_ =	sdelay $0x3  }
0x405: {  	vm9 =	veq.f32 v0, $-1.000000000e+00  }
0x406: {  	v0 =	vnsel vm9, $0x0, v1  }
0x407: {  	[tilespmem:v62+s2+$0x0] =	vst.idx.msk $0xffff, v0  }
0x408: {  	v0 =	vld [tilespmem:s14+$0xBA00]  }
0x409: {  	v1 =	vld.idx.msk [tilespmem:v61+s2+$0x0], $0xffff;
	_ =	sdelay $0x3  }
0x40a: {  	vm10 =	veq.f32 v0, $-1.000000000e+00  }
0x40b: {  	v0 =	vnsel vm10, $0x0, v1  }
0x40c: {  	[tilespmem:v61+s2+$0x0] =	vst.idx.msk $0xffff, v0  }
0x40d: {  	v0 =	vld [tilespmem:s14+$0xBB00]  }
0x40e: {  	v1 =	vld.idx.msk [tilespmem:v49+s2+$0x0], $0xffff;
	_ =	sdelay $0x3  }
0x40f: {  	vm11 =	veq.f32 v0, $-1.000000000e+00  }
0x410: {  	v0 =	vnsel vm11, $0x0, v1  }
0x411: {  	[tilespmem:v49+s2+$0x0] =	vst.idx.msk $0xffff, v0  }
0x412: {  	v0 =	vld [tilespmem:s14+$0xBC00]  }
0x413: {  	v1 =	vld.idx.msk [tilespmem:v32+s2+$0x0], $0xffff;
	_ =	sdelay $0x3  }
0x414: {  	vm12 =	veq.f32 v0, $-1.000000000e+00  }
0x415: {  	v0 =	vnsel vm12, $0x0, v1  }
0x416: {  	[tilespmem:v32+s2+$0x0] =	vst.idx.msk $0xffff, v0  }
0x417: {  	v0 =	vld [tilespmem:s14+$0xBD00]  }
0x418: {  	v1 =	vld.idx.msk [tilespmem:v29+s2+$0x0], $0xffff;
	_ =	sdelay $0x3  }
0x419: {  	vm13 =	veq.f32 v0, $-1.000000000e+00  }
0x41a: {  	v0 =	vnsel vm13, $0x0, v1  }
0x41b: {  	[tilespmem:v29+s2+$0x0] =	vst.idx.msk $0xffff, v0  }
0x41c: {  	v0 =	vld [tilespmem:s14+$0xBE00]  }
0x41d: {  	v1 =	vld.idx.msk [tilespmem:v19+s2+$0x0], $0xffff;
	_ =	sdelay $0x3  }
0x41e: {  	vm14 =	veq.f32 v0, $-1.000000000e+00  }
0x41f: {  	v0 =	vnsel vm14, $0x0, v1  }
0x420: {  	[tilespmem:v19+s2+$0x0] =	vst.idx.msk $0xffff, v0  }
0x421: {  	v0 =	vld [tilespmem:s14+$0xBF00]  }
0x422: {  	v1 =	vld.idx.msk [tilespmem:v14+s2+$0x0], $0xffff  }
0x423: {  	p0 =	sne.s32 s13, $0xF0  }
.Ltmp0:
0x424: {  	_ = 	snop;
	(pc) =	sbr.rel @p0 .LBB2_2-.Ltmp0, $4  }
0x425: {  	_ = 	snop  }
0x426: {  	vm15 =	veq.f32 v0, $-1.000000000e+00  }
0x427: {  	v0 =	vnsel vm15, $0x0, v1  }
0x428: {  	s13 =	sadd.s32 $0x10, s13;
	s12 =	sadd.s32 $0x10, s12;
	[tilespmem:v14+s2+$0x0] =	vst.idx.msk $0xffff, v0;
	v0 =	vlaneseq.u32  }
0x429: {  	s11 =	sadd.s32 $0x1, s11  }
0x42a: {  	p0 =	sne.s32 s11, s6  }
.Ltmp1:
0x42b: {  	_ = 	snop;
	(pc) =	sbr.rel @p0 .LBB2_1-.Ltmp1, $4  }
0x42c: {  	[hbm4b:s5+s2] =	stream.linear.scatter [tilespmem:s2], [sflag:$0x2], $0x8000, $0x38;
	[tilespmem:$0xE000] =	vst v63  }
0x42d: {  	_ =	swait.ge [sflag:s10], $0x8000  }
0x42e: {  	[sflag:s10] =	ssyncset.done $0x0  }
0x42f: {  	[sflag:s10] =	ssyncadd.s32 $0xFFFF8000  }
0x430: {  	_ =	sfence.sel $0x180000  }
0x431: {  	[bflag:$0x0] =	sbarrier.arrive $0xFFFF  }
0x432: {  	p0 =	sne.s32 s1, $0x0;
	_ =	strace $0x90000047  }
0x433: {  	s0 =	sadd.s32 @!p0 $0x100000, s0;
	[bflag:$0x2] =	sbarrier.arrive $0xFFFF  }
0x434: {  	[sflag:s0] =	ssyncadd.tile.s32 @!p0 $0x1;
	_ =	shalt  }
.Lfunc_end2:
_tile_overlayer_lowered:
.L_overlay_start_2:
0x435: {  	(tag) =	ssettag $0x2  }
0x436: {  	s0 =	rddreg [dreg:$0x0];
	s2 =	stileid.u32  }
0x437: {  	s1 =	rddreg [dreg:$0x1];
	p0 =	sne.s32 s2, $0x0  }
0x438: {  	s3 =	rddreg [dreg:$0x2];
	[bflag:$0x3] =	sbarrier.arrive $0xFFFF;
	s2 =	simm.s32 @!p0 $0x1C02  }
0x439: {  	[timem:s3], [sflag:s2] =	dma.local @!p0 [hbm:s0], s1  }
0x43a: {  	s0 =	simm.s32 @!p0 $0x2  }
0x43b: {  	_ =	swait.ge @!p0 [sflag:s0], s1  }
0x43c: {  	s1 =	ssub.s32 @!p0 $0x0, s1;
	[sflag:s0] =	ssyncset.done @!p0 $0x0  }
0x43d: {  	[sflag:s0] =	ssyncadd.s32 @!p0 s1  }
0x43e: {  	[bflag:$0x3] =	sbarrier.arrive $0xFFFF  }
0x43f: {  	_ =	shalt  }

</sc_bundles>
